<compile_context>
chip_gen: v7x
topology: tpu7x:2x2x1
jax: 0.10.2.dev20260603
libtpu: 0.0.44.dev20260713+nightly
codegen_flags: <defaults>
</compile_context>

<pallas_src>
import functools

import jax
import jax.numpy as jnp
from jax import lax
from jax.experimental import pallas as pl
from jax.experimental.pallas import tpu as pltpu
from jax.experimental.pallas import tpu_sc as plsc

B = 16384
HLEN = 200
ITEMS = 1000
VPAD = 1024
CATES = 10
CPAD = 16
EMBED = 64
EPS = 1e-3

NW = 32
LANES = 16
ROWS_PER_W = B // NW
CHUNK = 16
NCHUNK = ROWS_PER_W // CHUNK

BT = 512
NBT = B // BT


NHB = 8
NCB = 2
TUNROLL = 20


def _sc_hist_body(hist_hbm, sl_hbm, out_hbm, *scr):
    hbufs = list(scr[0:NHB])
    sbufs = list(scr[NHB:2 * NHB])
    cbufs = list(scr[2 * NHB:2 * NHB + NCB])
    hsems = list(scr[2 * NHB + NCB:2 * NHB + NCB + NHB])
    csems = list(scr[2 * NHB + NCB + NHB:])

    wid = lax.axis_index("s") * 2 + lax.axis_index("c")
    lane = lax.broadcasted_iota(jnp.int32, (LANES,), 0)
    zeros16 = jnp.zeros((LANES,), jnp.float32)
    row0 = wid * ROWS_PER_W

    def start_fetch(ci, b):
        cb = jnp.minimum(ci, NCHUNK - 1)
        base = row0 + cb * CHUNK
        pltpu.async_copy(hist_hbm.at[pl.ds(base, CHUNK), :], hbufs[b], hsems[b])
        pltpu.async_copy(sl_hbm.at[pl.ds(base, CHUNK)], sbufs[b], hsems[b])

    def wait_fetch(b):
        base = row0
        pltpu.make_async_copy(hist_hbm.at[pl.ds(base, CHUNK), :],
                              hbufs[b], hsems[b]).wait()
        pltpu.make_async_copy(sl_hbm.at[pl.ds(base, CHUNK)],
                              sbufs[b], hsems[b]).wait()

    def scan_pass(hb, sb, cb):
        hv = hbufs[hb]
        cv = cbufs[cb]
        sl_vec = sbufs[sb][...]
        vals = jnp.ones((LANES,), jnp.float32)

        def t_body(t0, _):
            ids = []
            masks = []
            for k in range(TUNROLL):
                t = t0 * TUNROLL + k
                tvec = jnp.full((LANES,), t, jnp.int32)
                ids.append(plsc.load_gather(hv, [lane, tvec]))
                masks.append(tvec < sl_vec)
            for k in range(TUNROLL):
                plsc.addupdate_scatter(cv, [lane, ids[k]], vals, mask=masks[k])
            return 0

        lax.fori_loop(0, HLEN // TUNROLL, t_body, 0)

    def out_dma_start(ci, cb):
        base = row0 + ci * CHUNK
        pltpu.async_copy(
            cbufs[cb], out_hbm.at[pl.ds(base, CHUNK), :], csems[cb])

    def out_dma_wait(cb):
        pltpu.make_async_copy(
            cbufs[cb], out_hbm.at[pl.ds(0, CHUNK), :], csems[cb]).wait()

    def zero_body(j, _):
        for k in range(LANES):
            for cb in range(NCB):
                cbufs[cb][k, pl.ds(j * LANES, LANES)] = zeros16
        return 0

    lax.fori_loop(0, VPAD // LANES, zero_body, 0)

    for b in range(NHB):
        start_fetch(jnp.int32(b), b)

    def group_body(g, _):
        for b in range(NHB):
            ci = g * NHB + b
            cb = b % NCB
            ob = (b - NCB) % NHB

            def reclaim():
                out_dma_wait(cb)
                start_fetch(ci + NHB - NCB, ob)

            if b < NCB:
                pl.when(g > 0)(reclaim)
            else:
                reclaim()

            wait_fetch(b)
            scan_pass(b, b, cb)
            out_dma_start(ci, cb)
        return 0

    lax.fori_loop(0, NCHUNK // NHB, group_body, 0)

    for cb in range(NCB):
        out_dma_wait(cb)
    for b in range(NHB - NCB):
        wait_fetch(b)


def _sc_hist(hist_flat, sl_flat):
    mesh = plsc.VectorSubcoreMesh(core_axis_name="c", subcore_axis_name="s")
    scratch = (
        [pltpu.VMEM((CHUNK, HLEN), jnp.int32) for _ in range(NHB)]
        + [pltpu.VMEM((CHUNK,), jnp.int32) for _ in range(NHB)]
        + [pltpu.VMEM((CHUNK, VPAD), jnp.float32) for _ in range(NCB)]
        + [pltpu.SemaphoreType.DMA for _ in range(NHB + NCB)]
    )
    return pl.kernel(
        _sc_hist_body,
        out_type=jax.ShapeDtypeStruct((B, VPAD), jnp.float32),
        mesh=mesh,
        scratch_types=scratch,
        compiler_params=pltpu.CompilerParams(needs_layout_passes=False),
    )(hist_flat, sl_flat)


def _tc_body(counts_ref, item_ref, itab_ref, ctab_ref, clist_ref,
             ww_ref, bw_ref, w1_ref, b1_ref, w2_ref, b2_ref, w3_ref, b3_ref,
             out_ref):
    s_bn = 1.0 / jnp.sqrt(1.0 + EPS)
    s_pool = s_bn / HLEN

    cl = clist_ref[0, :]
    oh_c = (cl[:, None] == lax.broadcasted_iota(jnp.int32, (1, CPAD), 1)
            ).astype(jnp.float32)
    t_cate = jnp.dot(oh_c, ctab_ref[...],
                     preferred_element_type=jnp.float32)
    table = jnp.concatenate([itab_ref[...], t_cate], axis=1)

    snap = counts_ref[...]
    shift = jnp.concatenate(
        [jnp.zeros((NCB * CHUNK, VPAD), jnp.float32),
         snap[:BT - NCB * CHUNK, :]], axis=0)
    counts = snap - shift
    ue = jnp.dot(counts, table,
                 preferred_element_type=jnp.float32) * s_pool

    itm = item_ref[0, 0, :]
    oh_i = (itm[:, None] == lax.broadcasted_iota(jnp.int32, (1, VPAD), 1)
            ).astype(jnp.float32)
    ie = jnp.dot(oh_i, table, preferred_element_type=jnp.float32)

    ww = ww_ref[...]
    wide = (ue[:, 0:1] * ie[:, 0:1] * ww[0, 0]
            + ue[:, 127:128] * ie[:, 127:128] * ww[1, 0]
            + ue[:, 64:65] * ie[:, 64:65] * ww[2, 0]
            + bw_ref[0, 0])

    x = jnp.concatenate([ue, ie], axis=1) * s_bn
    h = jnp.maximum(jnp.dot(x, w1_ref[...],
                            preferred_element_type=jnp.float32)
                    + b1_ref[0, :], 0.0)
    h = jnp.maximum(jnp.dot(h, w2_ref[...],
                            preferred_element_type=jnp.float32)
                    + b2_ref[0, :], 0.0)
    d = jnp.dot(h, w3_ref[...], preferred_element_type=jnp.float32) + b3_ref[0, :]

    out_ref[...] = jax.nn.sigmoid(0.5 * (wide + d))


def _tc_net(counts, item_r, itab_pad, ctab_pad, clist_pad,
            Ww, bw, W1, b1, W2, b2, W3, b3):
    rep = lambda *shape: pl.BlockSpec(shape, lambda i: (0,) * len(shape))
    return pl.pallas_call(
        _tc_body,
        grid=(NBT,),
        in_specs=[
            pl.BlockSpec((BT, VPAD), lambda i: (i, 0)),
            pl.BlockSpec((1, 1, BT), lambda i: (i, 0, 0)),
            rep(VPAD, EMBED),
            rep(CPAD, EMBED),
            rep(1, VPAD),
            rep(3, 1),
            rep(1, 1),
            rep(2 * 2 * EMBED, 80),
            rep(1, 80),
            rep(80, 40),
            rep(1, 40),
            rep(40, 1),
            rep(1, 1),
        ],
        out_specs=pl.BlockSpec((BT, 1), lambda i: (i, 0)),
        out_shape=jax.ShapeDtypeStruct((B, 1), jnp.float32),
    )(counts, item_r, itab_pad, ctab_pad, clist_pad,
      Ww, bw, W1, b1, W2, b2, W3, b3)


def kernel(item_table, cate_table, Ww, bw, W1, b1, W2, b2, W3, b3,
           user, item, hist, sl, cate_list):
    del user

    counts = _sc_hist(hist, sl.reshape(-1))

    itab_pad = jnp.pad(item_table, ((0, VPAD - ITEMS), (0, 0)))
    ctab_pad = jnp.pad(cate_table, ((0, CPAD - CATES), (0, 0)))
    clist_pad = jnp.pad(cate_list, (0, VPAD - ITEMS),
                        constant_values=CPAD + 1).reshape(1, VPAD)
    item_r = item.reshape(NBT, 1, BT)
    bw_r = bw.reshape(1, 1)
    b1_r = b1.reshape(1, -1)
    b2_r = b2.reshape(1, -1)
    b3_r = b3.reshape(1, 1)

    return _tc_net(counts, item_r, itab_pad, ctab_pad, clist_pad,
                   Ww, bw_r, W1, b1_r, W2, b2_r, W3, b3_r)

# --- scband reference (transcript-rebuilt; emitter-appended) ---
"""Pipeline reference for scband-wide-deep-10213432230339 (READ-ONLY COPY).

The authoritative reference and input builder live on the scoring server;
editing this copy changes nothing except your own understanding.
"""

import jax, jax.numpy as jnp
import numpy as np

BATCH = 16384
HLEN = 200
ITEMS = 1000
CATES = 10
EMBED = 64
EPS = 1e-3


def setup_inputs(seed: int = 0) -> dict:
    key = jax.random.key(seed)
    ks = jax.random.split(key, 12)
    user = jax.random.randint(ks[0], (BATCH, 1), 0, 1000, dtype=jnp.int32)
    item = jax.random.randint(ks[1], (BATCH, 1), 0, ITEMS, dtype=jnp.int32)
    hist = jax.random.randint(ks[2], (BATCH, HLEN), 0, ITEMS, dtype=jnp.int32)
    sl = jax.random.randint(ks[3], (BATCH, 1), 0, HLEN, dtype=jnp.int32)
    cate_list = (jnp.arange(ITEMS) % CATES).astype(jnp.int32)
    item_table = jax.random.uniform(ks[4], (ITEMS, EMBED), minval=-0.05, maxval=0.05, dtype=jnp.float32)
    cate_table = jax.random.uniform(ks[5], (CATES, EMBED), minval=-0.05, maxval=0.05, dtype=jnp.float32)
    Ww = jax.random.normal(ks[6], (3, 1), dtype=jnp.float32) * 0.1
    bw = jnp.zeros((1,), jnp.float32)
    W1 = jax.random.normal(ks[7], (4 * EMBED, 80), dtype=jnp.float32) * 0.05
    b1 = jnp.zeros((80,), jnp.float32)
    W2 = jax.random.normal(ks[8], (80, 40), dtype=jnp.float32) * 0.1
    b2 = jnp.zeros((40,), jnp.float32)
    W3 = jax.random.normal(ks[9], (40, 1), dtype=jnp.float32) * 0.1
    b3 = jnp.zeros((1,), jnp.float32)
    return {"item_table": item_table, "cate_table": cate_table, "Ww": Ww, "bw": bw,
            "W1": W1, "b1": b1, "W2": W2, "b2": b2, "W3": W3, "b3": b3,
            "user": user, "item": item, "hist": hist, "sl": sl, "cate_list": cate_list}


def _bn(x):
    # Keras BatchNormalization at inference with fresh moving stats (mean=0, var=1, gamma=1, beta=0)
    return x / jnp.sqrt(1.0 + EPS)


def reference(item_table, cate_table, Ww, bw, W1, b1, W2, b2, W3, b3, user, item, hist, sl, cate_list):
    item_s = jnp.squeeze(item, axis=1)
    sl_s = jnp.squeeze(sl, axis=1)
    item_cate = jnp.take(cate_list, item_s, axis=0)
    item_embed = jnp.concatenate([jnp.take(item_table, item_s, axis=0), jnp.take(cate_table, item_cate, axis=0)], axis=-1)
    hist_cate = jnp.take(cate_list, hist, axis=0)
    hist_embed = jnp.concatenate([jnp.take(item_table, hist, axis=0), jnp.take(cate_table, hist_cate, axis=0)], axis=-1)
    mask = (jnp.arange(HLEN)[None, :] < sl_s[:, None]).astype(jnp.float32)[:, :, None]
    hist_embed = hist_embed * mask
    pooled = jnp.mean(hist_embed, axis=1)  # GlobalAveragePooling1D divides by HLEN
    user_embed = _bn(pooled)
    embed = jnp.concatenate([user_embed, item_embed], axis=-1)
    wide = jnp.concatenate([
        user_embed[:, 0:1] * item_embed[:, 0:1],
        user_embed[:, 2 * EMBED - 1:2 * EMBED] * item_embed[:, 2 * EMBED - 1:2 * EMBED],
        user_embed[:, EMBED:EMBED + 1] * item_embed[:, EMBED:EMBED + 1]], axis=-1)
    wide_out = wide @ Ww + bw
    deep = _bn(embed)
    deep = jax.nn.relu(deep @ W1 + b1)
    deep = jax.nn.relu(deep @ W2 + b2)
    deep_out = deep @ W3 + b3
    return jax.nn.sigmoid(0.5 * (wide_out + deep_out))

if __name__ == "__main__":
    import jax
    _d = setup_inputs()
    print(jax.jit(kernel)(*tuple(_d.values())))

</pallas_src>

<mosaic_0001>
#map = affine_map<(d0, d1) -> (0, 0)>
#map1 = affine_map<(d0, d1) -> (0)>
module attributes {stable_mosaic.version = 14 : i64} {
  func.func @_sc_hist_body(%arg0: i32, %arg1: i32, %arg2: memref<16384x200xi32, #tpu.memory_space<hbm>>, %arg3: memref<16384xi32, #tpu.memory_space<hbm>>, %arg4: memref<16384x1024xf32, #tpu.memory_space<hbm>>, %arg5: memref<16x200xi32, #tpu.memory_space<vmem>>, %arg6: memref<16x200xi32, #tpu.memory_space<vmem>>, %arg7: memref<16x200xi32, #tpu.memory_space<vmem>>, %arg8: memref<16x200xi32, #tpu.memory_space<vmem>>, %arg9: memref<16x200xi32, #tpu.memory_space<vmem>>, %arg10: memref<16x200xi32, #tpu.memory_space<vmem>>, %arg11: memref<16x200xi32, #tpu.memory_space<vmem>>, %arg12: memref<16x200xi32, #tpu.memory_space<vmem>>, %arg13: memref<16xi32, #tpu.memory_space<vmem>>, %arg14: memref<16xi32, #tpu.memory_space<vmem>>, %arg15: memref<16xi32, #tpu.memory_space<vmem>>, %arg16: memref<16xi32, #tpu.memory_space<vmem>>, %arg17: memref<16xi32, #tpu.memory_space<vmem>>, %arg18: memref<16xi32, #tpu.memory_space<vmem>>, %arg19: memref<16xi32, #tpu.memory_space<vmem>>, %arg20: memref<16xi32, #tpu.memory_space<vmem>>, %arg21: memref<16x1024xf32, #tpu.memory_space<vmem>>, %arg22: memref<16x1024xf32, #tpu.memory_space<vmem>>, %arg23: memref<!tpu.dma_semaphore, #tpu.memory_space<semaphore_mem>>, %arg24: memref<!tpu.dma_semaphore, #tpu.memory_space<semaphore_mem>>, %arg25: memref<!tpu.dma_semaphore, #tpu.memory_space<semaphore_mem>>, %arg26: memref<!tpu.dma_semaphore, #tpu.memory_space<semaphore_mem>>, %arg27: memref<!tpu.dma_semaphore, #tpu.memory_space<semaphore_mem>>, %arg28: memref<!tpu.dma_semaphore, #tpu.memory_space<semaphore_mem>>, %arg29: memref<!tpu.dma_semaphore, #tpu.memory_space<semaphore_mem>>, %arg30: memref<!tpu.dma_semaphore, #tpu.memory_space<semaphore_mem>>, %arg31: memref<!tpu.dma_semaphore, #tpu.memory_space<semaphore_mem>>, %arg32: memref<!tpu.dma_semaphore, #tpu.memory_space<semaphore_mem>>) attributes {dimension_semantics = [#tpu.dimension_semantics<core_parallel>, #tpu.dimension_semantics<subcore_parallel>], iteration_bounds = array<i64: 2, 16>, scalar_prefetch = 0 : i64, scratch_operands = 28 : i64, tpu.core_type = #tpu.core_type<sc_vector_subcore>, window_params = [{transform_indices = #map}, {transform_indices = #map1}, {transform_indices = #map}]} {
    %mul3A = arith.constant 2 : i32
    %mul3A_0 = arith.muli %arg1, %mul3A : i32
    %add3A = arith.addi %mul3A_0, %arg0 : i32
    %iota3A = tpu.iota {dimensions = array<i32: 0>} : vector<16xi32>
    %broadcast_in_dim3A = arith.constant 0.000000e+00 : f32
    %broadcast_in_dim3A_1 = vector.broadcast %broadcast_in_dim3A : f32 to vector<16xf32>
    %mul3A_2 = arith.constant 512 : i32
    %mul3A_3 = arith.muli %add3A, %mul3A_2 : i32
    %scan3A = arith.constant 0 : i32
    %scan3A_4 = arith.constant 0 : i32
    %scan3A_5 = arith.constant 64 : i32
    %scan3A_6 = arith.addi %scan3A_4, %scan3A_5 : i32
    %scan3A_7 = arith.constant 1 : i32
    %scan3A_8 = scf.for %scan3A_158 = %scan3A_4 to %scan3A_6 step %scan3A_7 iter_args(%scan3A_159 = %scan3A) -> (i32)  : i32 {
      %mul3A_160 = arith.constant 16 : i32
      %mul3A_161 = arith.muli %scan3A_158, %mul3A_160 : i32
      %swap3A = arith.constant 0 : i32
      %swap3A_162 = arith.index_cast %swap3A : i32 to index
      %swap3A_163 = arith.index_cast %mul3A_161 : i32 to index
      %swap3A_164 = tpu.vector_load %arg21[%swap3A_162, %swap3A_163] {strides = array<i32>} : memref<16x1024xf32, #tpu.memory_space<vmem>>, vector<16xf32>,
      tpu.vector_store %arg21[%swap3A_162, %swap3A_163], %broadcast_in_dim3A_1 {strides = array<i32>} : memref<16x1024xf32, #tpu.memory_space<vmem>>, vector<16xf32>,
      %mul3A_165 = arith.constant 16 : i32
      %mul3A_166 = arith.muli %scan3A_158, %mul3A_165 : i32
      %swap3A_167 = arith.constant 0 : i32
      %swap3A_168 = arith.index_cast %swap3A_167 : i32 to index
      %swap3A_169 = arith.index_cast %mul3A_166 : i32 to index
      %swap3A_170 = tpu.vector_load %arg22[%swap3A_168, %swap3A_169] {strides = array<i32>} : memref<16x1024xf32, #tpu.memory_space<vmem>>, vector<16xf32>,
      tpu.vector_store %arg22[%swap3A_168, %swap3A_169], %broadcast_in_dim3A_1 {strides = array<i32>} : memref<16x1024xf32, #tpu.memory_space<vmem>>, vector<16xf32>,
      %mul3A_171 = arith.constant 16 : i32
      %mul3A_172 = arith.muli %scan3A_158, %mul3A_171 : i32
      %swap3A_173 = arith.constant 1 : i32
      %swap3A_174 = arith.index_cast %swap3A_173 : i32 to index
      %swap3A_175 = arith.index_cast %mul3A_172 : i32 to index
      %swap3A_176 = tpu.vector_load %arg21[%swap3A_174, %swap3A_175] {strides = array<i32>} : memref<16x1024xf32, #tpu.memory_space<vmem>>, vector<16xf32>,
      tpu.vector_store %arg21[%swap3A_174, %swap3A_175], %broadcast_in_dim3A_1 {strides = array<i32>} : memref<16x1024xf32, #tpu.memory_space<vmem>>, vector<16xf32>,
      %mul3A_177 = arith.constant 16 : i32
      %mul3A_178 = arith.muli %scan3A_158, %mul3A_177 : i32
      %swap3A_179 = arith.constant 1 : i32
      %swap3A_180 = arith.index_cast %swap3A_179 : i32 to index
      %swap3A_181 = arith.index_cast %mul3A_178 : i32 to index
      %swap3A_182 = tpu.vector_load %arg22[%swap3A_180, %swap3A_181] {strides = array<i32>} : memref<16x1024xf32, #tpu.memory_space<vmem>>, vector<16xf32>,
      tpu.vector_store %arg22[%swap3A_180, %swap3A_181], %broadcast_in_dim3A_1 {strides = array<i32>} : memref<16x1024xf32, #tpu.memory_space<vmem>>, vector<16xf32>,
      %mul3A_183 = arith.constant 16 : i32
      %mul3A_184 = arith.muli %scan3A_158, %mul3A_183 : i32
      %swap3A_185 = arith.constant 2 : i32
      %swap3A_186 = arith.index_cast %swap3A_185 : i32 to index
      %swap3A_187 = arith.index_cast %mul3A_184 : i32 to index
      %swap3A_188 = tpu.vector_load %arg21[%swap3A_186, %swap3A_187] {strides = array<i32>} : memref<16x1024xf32, #tpu.memory_space<vmem>>, vector<16xf32>,
      tpu.vector_store %arg21[%swap3A_186, %swap3A_187], %broadcast_in_dim3A_1 {strides = array<i32>} : memref<16x1024xf32, #tpu.memory_space<vmem>>, vector<16xf32>,
      %mul3A_189 = arith.constant 16 : i32
      %mul3A_190 = arith.muli %scan3A_158, %mul3A_189 : i32
      %swap3A_191 = arith.constant 2 : i32
      %swap3A_192 = arith.index_cast %swap3A_191 : i32 to index
      %swap3A_193 = arith.index_cast %mul3A_190 : i32 to index
      %swap3A_194 = tpu.vector_load %arg22[%swap3A_192, %swap3A_193] {strides = array<i32>} : memref<16x1024xf32, #tpu.memory_space<vmem>>, vector<16xf32>,
      tpu.vector_store %arg22[%swap3A_192, %swap3A_193], %broadcast_in_dim3A_1 {strides = array<i32>} : memref<16x1024xf32, #tpu.memory_space<vmem>>, vector<16xf32>,
      %mul3A_195 = arith.constant 16 : i32
      %mul3A_196 = arith.muli %scan3A_158, %mul3A_195 : i32
      %swap3A_197 = arith.constant 3 : i32
      %swap3A_198 = arith.index_cast %swap3A_197 : i32 to index
      %swap3A_199 = arith.index_cast %mul3A_196 : i32 to index
      %swap3A_200 = tpu.vector_load %arg21[%swap3A_198, %swap3A_199] {strides = array<i32>} : memref<16x1024xf32, #tpu.memory_space<vmem>>, vector<16xf32>,
      tpu.vector_store %arg21[%swap3A_198, %swap3A_199], %broadcast_in_dim3A_1 {strides = array<i32>} : memref<16x1024xf32, #tpu.memory_space<vmem>>, vector<16xf32>,
      %mul3A_201 = arith.constant 16 : i32
      %mul3A_202 = arith.muli %scan3A_158, %mul3A_201 : i32
      %swap3A_203 = arith.constant 3 : i32
      %swap3A_204 = arith.index_cast %swap3A_203 : i32 to index
      %swap3A_205 = arith.index_cast %mul3A_202 : i32 to index
      %swap3A_206 = tpu.vector_load %arg22[%swap3A_204, %swap3A_205] {strides = array<i32>} : memref<16x1024xf32, #tpu.memory_space<vmem>>, vector<16xf32>,
      tpu.vector_store %arg22[%swap3A_204, %swap3A_205], %broadcast_in_dim3A_1 {strides = array<i32>} : memref<16x1024xf32, #tpu.memory_space<vmem>>, vector<16xf32>,
      %mul3A_207 = arith.constant 16 : i32
      %mul3A_208 = arith.muli %scan3A_158, %mul3A_207 : i32
      %swap3A_209 = arith.constant 4 : i32
      %swap3A_210 = arith.index_cast %swap3A_209 : i32 to index
      %swap3A_211 = arith.index_cast %mul3A_208 : i32 to index
      %swap3A_212 = tpu.vector_load %arg21[%swap3A_210, %swap3A_211] {strides = array<i32>} : memref<16x1024xf32, #tpu.memory_space<vmem>>, vector<16xf32>,
      tpu.vector_store %arg21[%swap3A_210, %swap3A_211], %broadcast_in_dim3A_1 {strides = array<i32>} : memref<16x1024xf32, #tpu.memory_space<vmem>>, vector<16xf32>,
      %mul3A_213 = arith.constant 16 : i32
      %mul3A_214 = arith.muli %scan3A_158, %mul3A_213 : i32
      %swap3A_215 = arith.constant 4 : i32
      %swap3A_216 = arith.index_cast %swap3A_215 : i32 to index
      %swap3A_217 = arith.index_cast %mul3A_214 : i32 to index
      %swap3A_218 = tpu.vector_load %arg22[%swap3A_216, %swap3A_217] {strides = array<i32>} : memref<16x1024xf32, #tpu.memory_space<vmem>>, vector<16xf32>,
      tpu.vector_store %arg22[%swap3A_216, %swap3A_217], %broadcast_in_dim3A_1 {strides = array<i32>} : memref<16x1024xf32, #tpu.memory_space<vmem>>, vector<16xf32>,
      %mul3A_219 = arith.constant 16 : i32
      %mul3A_220 = arith.muli %scan3A_158, %mul3A_219 : i32
      %swap3A_221 = arith.constant 5 : i32
      %swap3A_222 = arith.index_cast %swap3A_221 : i32 to index
      %swap3A_223 = arith.index_cast %mul3A_220 : i32 to index
      %swap3A_224 = tpu.vector_load %arg21[%swap3A_222, %swap3A_223] {strides = array<i32>} : memref<16x1024xf32, #tpu.memory_space<vmem>>, vector<16xf32>,
      tpu.vector_store %arg21[%swap3A_222, %swap3A_223], %broadcast_in_dim3A_1 {strides = array<i32>} : memref<16x1024xf32, #tpu.memory_space<vmem>>, vector<16xf32>,
      %mul3A_225 = arith.constant 16 : i32
      %mul3A_226 = arith.muli %scan3A_158, %mul3A_225 : i32
      %swap3A_227 = arith.constant 5 : i32
      %swap3A_228 = arith.index_cast %swap3A_227 : i32 to index
      %swap3A_229 = arith.index_cast %mul3A_226 : i32 to index
      %swap3A_230 = tpu.vector_load %arg22[%swap3A_228, %swap3A_229] {strides = array<i32>} : memref<16x1024xf32, #tpu.memory_space<vmem>>, vector<16xf32>,
      tpu.vector_store %arg22[%swap3A_228, %swap3A_229], %broadcast_in_dim3A_1 {strides = array<i32>} : memref<16x1024xf32, #tpu.memory_space<vmem>>, vector<16xf32>,
      %mul3A_231 = arith.constant 16 : i32
      %mul3A_232 = arith.muli %scan3A_158, %mul3A_231 : i32
      %swap3A_233 = arith.constant 6 : i32
      %swap3A_234 = arith.index_cast %swap3A_233 : i32 to index
      %swap3A_235 = arith.index_cast %mul3A_232 : i32 to index
      %swap3A_236 = tpu.vector_load %arg21[%swap3A_234, %swap3A_235] {strides = array<i32>} : memref<16x1024xf32, #tpu.memory_space<vmem>>, vector<16xf32>,
      tpu.vector_store %arg21[%swap3A_234, %swap3A_235], %broadcast_in_dim3A_1 {strides = array<i32>} : memref<16x1024xf32, #tpu.memory_space<vmem>>, vector<16xf32>,
      %mul3A_237 = arith.constant 16 : i32
      %mul3A_238 = arith.muli %scan3A_158, %mul3A_237 : i32
      %swap3A_239 = arith.constant 6 : i32
      %swap3A_240 = arith.index_cast %swap3A_239 : i32 to index
      %swap3A_241 = arith.index_cast %mul3A_238 : i32 to index
      %swap3A_242 = tpu.vector_load %arg22[%swap3A_240, %swap3A_241] {strides = array<i32>} : memref<16x1024xf32, #tpu.memory_space<vmem>>, vector<16xf32>,
      tpu.vector_store %arg22[%swap3A_240, %swap3A_241], %broadcast_in_dim3A_1 {strides = array<i32>} : memref<16x1024xf32, #tpu.memory_space<vmem>>, vector<16xf32>,
      %mul3A_243 = arith.constant 16 : i32
      %mul3A_244 = arith.muli %scan3A_158, %mul3A_243 : i32
      %swap3A_245 = arith.constant 7 : i32
      %swap3A_246 = arith.index_cast %swap3A_245 : i32 to index
      %swap3A_247 = arith.index_cast %mul3A_244 : i32 to index
      %swap3A_248 = tpu.vector_load %arg21[%swap3A_246, %swap3A_247] {strides = array<i32>} : memref<16x1024xf32, #tpu.memory_space<vmem>>, vector<16xf32>,
      tpu.vector_store %arg21[%swap3A_246, %swap3A_247], %broadcast_in_dim3A_1 {strides = array<i32>} : memref<16x1024xf32, #tpu.memory_space<vmem>>, vector<16xf32>,
      %mul3A_249 = arith.constant 16 : i32
      %mul3A_250 = arith.muli %scan3A_158, %mul3A_249 : i32
      %swap3A_251 = arith.constant 7 : i32
      %swap3A_252 = arith.index_cast %swap3A_251 : i32 to index
      %swap3A_253 = arith.index_cast %mul3A_250 : i32 to index
      %swap3A_254 = tpu.vector_load %arg22[%swap3A_252, %swap3A_253] {strides = array<i32>} : memref<16x1024xf32, #tpu.memory_space<vmem>>, vector<16xf32>,
      tpu.vector_store %arg22[%swap3A_252, %swap3A_253], %broadcast_in_dim3A_1 {strides = array<i32>} : memref<16x1024xf32, #tpu.memory_space<vmem>>, vector<16xf32>,
      %mul3A_255 = arith.constant 16 : i32
      %mul3A_256 = arith.muli %scan3A_158, %mul3A_255 : i32
      %swap3A_257 = arith.constant 8 : i32
      %swap3A_258 = arith.index_cast %swap3A_257 : i32 to index
      %swap3A_259 = arith.index_cast %mul3A_256 : i32 to index
      %swap3A_260 = tpu.vector_load %arg21[%swap3A_258, %swap3A_259] {strides = array<i32>} : memref<16x1024xf32, #tpu.memory_space<vmem>>, vector<16xf32>,
      tpu.vector_store %arg21[%swap3A_258, %swap3A_259], %broadcast_in_dim3A_1 {strides = array<i32>} : memref<16x1024xf32, #tpu.memory_space<vmem>>, vector<16xf32>,
      %mul3A_261 = arith.constant 16 : i32
      %mul3A_262 = arith.muli %scan3A_158, %mul3A_261 : i32
      %swap3A_263 = arith.constant 8 : i32
      %swap3A_264 = arith.index_cast %swap3A_263 : i32 to index
      %swap3A_265 = arith.index_cast %mul3A_262 : i32 to index
      %swap3A_266 = tpu.vector_load %arg22[%swap3A_264, %swap3A_265] {strides = array<i32>} : memref<16x1024xf32, #tpu.memory_space<vmem>>, vector<16xf32>,
      tpu.vector_store %arg22[%swap3A_264, %swap3A_265], %broadcast_in_dim3A_1 {strides = array<i32>} : memref<16x1024xf32, #tpu.memory_space<vmem>>, vector<16xf32>,
      %mul3A_267 = arith.constant 16 : i32
      %mul3A_268 = arith.muli %scan3A_158, %mul3A_267 : i32
      %swap3A_269 = arith.constant 9 : i32
      %swap3A_270 = arith.index_cast %swap3A_269 : i32 to index
      %swap3A_271 = arith.index_cast %mul3A_268 : i32 to index
      %swap3A_272 = tpu.vector_load %arg21[%swap3A_270, %swap3A_271] {strides = array<i32>} : memref<16x1024xf32, #tpu.memory_space<vmem>>, vector<16xf32>,
      tpu.vector_store %arg21[%swap3A_270, %swap3A_271], %broadcast_in_dim3A_1 {strides = array<i32>} : memref<16x1024xf32, #tpu.memory_space<vmem>>, vector<16xf32>,
      %mul3A_273 = arith.constant 16 : i32
      %mul3A_274 = arith.muli %scan3A_158, %mul3A_273 : i32
      %swap3A_275 = arith.constant 9 : i32
      %swap3A_276 = arith.index_cast %swap3A_275 : i32 to index
      %swap3A_277 = arith.index_cast %mul3A_274 : i32 to index
      %swap3A_278 = tpu.vector_load %arg22[%swap3A_276, %swap3A_277] {strides = array<i32>} : memref<16x1024xf32, #tpu.memory_space<vmem>>, vector<16xf32>,
      tpu.vector_store %arg22[%swap3A_276, %swap3A_277], %broadcast_in_dim3A_1 {strides = array<i32>} : memref<16x1024xf32, #tpu.memory_space<vmem>>, vector<16xf32>,
      %mul3A_279 = arith.constant 16 : i32
      %mul3A_280 = arith.muli %scan3A_158, %mul3A_279 : i32
      %swap3A_281 = arith.constant 10 : i32
      %swap3A_282 = arith.index_cast %swap3A_281 : i32 to index
      %swap3A_283 = arith.index_cast %mul3A_280 : i32 to index
      %swap3A_284 = tpu.vector_load %arg21[%swap3A_282, %swap3A_283] {strides = array<i32>} : memref<16x1024xf32, #tpu.memory_space<vmem>>, vector<16xf32>,
      tpu.vector_store %arg21[%swap3A_282, %swap3A_283], %broadcast_in_dim3A_1 {strides = array<i32>} : memref<16x1024xf32, #tpu.memory_space<vmem>>, vector<16xf32>,
      %mul3A_285 = arith.constant 16 : i32
      %mul3A_286 = arith.muli %scan3A_158, %mul3A_285 : i32
      %swap3A_287 = arith.constant 10 : i32
      %swap3A_288 = arith.index_cast %swap3A_287 : i32 to index
      %swap3A_289 = arith.index_cast %mul3A_286 : i32 to index
      %swap3A_290 = tpu.vector_load %arg22[%swap3A_288, %swap3A_289] {strides = array<i32>} : memref<16x1024xf32, #tpu.memory_space<vmem>>, vector<16xf32>,
      tpu.vector_store %arg22[%swap3A_288, %swap3A_289], %broadcast_in_dim3A_1 {strides = array<i32>} : memref<16x1024xf32, #tpu.memory_space<vmem>>, vector<16xf32>,
      %mul3A_291 = arith.constant 16 : i32
      %mul3A_292 = arith.muli %scan3A_158, %mul3A_291 : i32
      %swap3A_293 = arith.constant 11 : i32
      %swap3A_294 = arith.index_cast %swap3A_293 : i32 to index
      %swap3A_295 = arith.index_cast %mul3A_292 : i32 to index
      %swap3A_296 = tpu.vector_load %arg21[%swap3A_294, %swap3A_295] {strides = array<i32>} : memref<16x1024xf32, #tpu.memory_space<vmem>>, vector<16xf32>,
      tpu.vector_store %arg21[%swap3A_294, %swap3A_295], %broadcast_in_dim3A_1 {strides = array<i32>} : memref<16x1024xf32, #tpu.memory_space<vmem>>, vector<16xf32>,
      %mul3A_297 = arith.constant 16 : i32
      %mul3A_298 = arith.muli %scan3A_158, %mul3A_297 : i32
      %swap3A_299 = arith.constant 11 : i32
      %swap3A_300 = arith.index_cast %swap3A_299 : i32 to index
      %swap3A_301 = arith.index_cast %mul3A_298 : i32 to index
      %swap3A_302 = tpu.vector_load %arg22[%swap3A_300, %swap3A_301] {strides = array<i32>} : memref<16x1024xf32, #tpu.memory_space<vmem>>, vector<16xf32>,
      tpu.vector_store %arg22[%swap3A_300, %swap3A_301], %broadcast_in_dim3A_1 {strides = array<i32>} : memref<16x1024xf32, #tpu.memory_space<vmem>>, vector<16xf32>,
      %mul3A_303 = arith.constant 16 : i32
      %mul3A_304 = arith.muli %scan3A_158, %mul3A_303 : i32
      %swap3A_305 = arith.constant 12 : i32
      %swap3A_306 = arith.index_cast %swap3A_305 : i32 to index
      %swap3A_307 = arith.index_cast %mul3A_304 : i32 to index
      %swap3A_308 = tpu.vector_load %arg21[%swap3A_306, %swap3A_307] {strides = array<i32>} : memref<16x1024xf32, #tpu.memory_space<vmem>>, vector<16xf32>,
      tpu.vector_store %arg21[%swap3A_306, %swap3A_307], %broadcast_in_dim3A_1 {strides = array<i32>} : memref<16x1024xf32, #tpu.memory_space<vmem>>, vector<16xf32>,
      %mul3A_309 = arith.constant 16 : i32
      %mul3A_310 = arith.muli %scan3A_158, %mul3A_309 : i32
      %swap3A_311 = arith.constant 12 : i32
      %swap3A_312 = arith.index_cast %swap3A_311 : i32 to index
      %swap3A_313 = arith.index_cast %mul3A_310 : i32 to index
      %swap3A_314 = tpu.vector_load %arg22[%swap3A_312, %swap3A_313] {strides = array<i32>} : memref<16x1024xf32, #tpu.memory_space<vmem>>, vector<16xf32>,
      tpu.vector_store %arg22[%swap3A_312, %swap3A_313], %broadcast_in_dim3A_1 {strides = array<i32>} : memref<16x1024xf32, #tpu.memory_space<vmem>>, vector<16xf32>,
      %mul3A_315 = arith.constant 16 : i32
      %mul3A_316 = arith.muli %scan3A_158, %mul3A_315 : i32
      %swap3A_317 = arith.constant 13 : i32
      %swap3A_318 = arith.index_cast %swap3A_317 : i32 to index
      %swap3A_319 = arith.index_cast %mul3A_316 : i32 to index
      %swap3A_320 = tpu.vector_load %arg21[%swap3A_318, %swap3A_319] {strides = array<i32>} : memref<16x1024xf32, #tpu.memory_space<vmem>>, vector<16xf32>,
      tpu.vector_store %arg21[%swap3A_318, %swap3A_319], %broadcast_in_dim3A_1 {strides = array<i32>} : memref<16x1024xf32, #tpu.memory_space<vmem>>, vector<16xf32>,
      %mul3A_321 = arith.constant 16 : i32
      %mul3A_322 = arith.muli %scan3A_158, %mul3A_321 : i32
      %swap3A_323 = arith.constant 13 : i32
      %swap3A_324 = arith.index_cast %swap3A_323 : i32 to index
      %swap3A_325 = arith.index_cast %mul3A_322 : i32 to index
      %swap3A_326 = tpu.vector_load %arg22[%swap3A_324, %swap3A_325] {strides = array<i32>} : memref<16x1024xf32, #tpu.memory_space<vmem>>, vector<16xf32>,
      tpu.vector_store %arg22[%swap3A_324, %swap3A_325], %broadcast_in_dim3A_1 {strides = array<i32>} : memref<16x1024xf32, #tpu.memory_space<vmem>>, vector<16xf32>,
      %mul3A_327 = arith.constant 16 : i32
      %mul3A_328 = arith.muli %scan3A_158, %mul3A_327 : i32
      %swap3A_329 = arith.constant 14 : i32
      %swap3A_330 = arith.index_cast %swap3A_329 : i32 to index
      %swap3A_331 = arith.index_cast %mul3A_328 : i32 to index
      %swap3A_332 = tpu.vector_load %arg21[%swap3A_330, %swap3A_331] {strides = array<i32>} : memref<16x1024xf32, #tpu.memory_space<vmem>>, vector<16xf32>,
      tpu.vector_store %arg21[%swap3A_330, %swap3A_331], %broadcast_in_dim3A_1 {strides = array<i32>} : memref<16x1024xf32, #tpu.memory_space<vmem>>, vector<16xf32>,
      %mul3A_333 = arith.constant 16 : i32
      %mul3A_334 = arith.muli %scan3A_158, %mul3A_333 : i32
      %swap3A_335 = arith.constant 14 : i32
      %swap3A_336 = arith.index_cast %swap3A_335 : i32 to index
      %swap3A_337 = arith.index_cast %mul3A_334 : i32 to index
      %swap3A_338 = tpu.vector_load %arg22[%swap3A_336, %swap3A_337] {strides = array<i32>} : memref<16x1024xf32, #tpu.memory_space<vmem>>, vector<16xf32>,
      tpu.vector_store %arg22[%swap3A_336, %swap3A_337], %broadcast_in_dim3A_1 {strides = array<i32>} : memref<16x1024xf32, #tpu.memory_space<vmem>>, vector<16xf32>,
      %mul3A_339 = arith.constant 16 : i32
      %mul3A_340 = arith.muli %scan3A_158, %mul3A_339 : i32
      %swap3A_341 = arith.constant 15 : i32
      %swap3A_342 = arith.index_cast %swap3A_341 : i32 to index
      %swap3A_343 = arith.index_cast %mul3A_340 : i32 to index
      %swap3A_344 = tpu.vector_load %arg21[%swap3A_342, %swap3A_343] {strides = array<i32>} : memref<16x1024xf32, #tpu.memory_space<vmem>>, vector<16xf32>,
      tpu.vector_store %arg21[%swap3A_342, %swap3A_343], %broadcast_in_dim3A_1 {strides = array<i32>} : memref<16x1024xf32, #tpu.memory_space<vmem>>, vector<16xf32>,
      %mul3A_345 = arith.constant 16 : i32
      %mul3A_346 = arith.muli %scan3A_158, %mul3A_345 : i32
      %swap3A_347 = arith.constant 15 : i32
      %swap3A_348 = arith.index_cast %swap3A_347 : i32 to index
      %swap3A_349 = arith.index_cast %mul3A_346 : i32 to index
      %swap3A_350 = tpu.vector_load %arg22[%swap3A_348, %swap3A_349] {strides = array<i32>} : memref<16x1024xf32, #tpu.memory_space<vmem>>, vector<16xf32>,
      tpu.vector_store %arg22[%swap3A_348, %swap3A_349], %broadcast_in_dim3A_1 {strides = array<i32>} : memref<16x1024xf32, #tpu.memory_space<vmem>>, vector<16xf32>,
      %scan3A_351 = arith.constant 0 : i32
      scf.yield %scan3A_351 : i32
    }
    %scan3A_9 = arith.constant 64 : i32
    %min3A = arith.constant 0 : i32
    %min3A_10 = arith.constant 31 : i32
    %min3A_11 = arith.minsi %min3A, %min3A_10 : i32
    %mul3A_12 = arith.constant 16 : i32
    %mul3A_13 = arith.muli %min3A_11, %mul3A_12 : i32
    %add3A_14 = arith.addi %mul3A_3, %mul3A_13 : i32
    %dma_start3A = arith.constant 0 : i32
    %dma_start3A_15 = tpu.memref_slice %arg2[%add3A_14, %dma_start3A] : memref<16384x200xi32, #tpu.memory_space<hbm>> -> memref<16x200xi32, #tpu.memory_space<hbm>>
    %dma_start3A_16 = arith.constant 0 : i32
    %dma_start3A_17 = tpu.memref_slice %arg2[%add3A_14, %dma_start3A_16] : memref<16384x200xi32, #tpu.memory_space<hbm>> -> memref<16x200xi32, #tpu.memory_space<hbm>>
    tpu.enqueue_dma source(%dma_start3A_17 : memref<16x200xi32, #tpu.memory_space<hbm>>) target(%arg5 : memref<16x200xi32, #tpu.memory_space<vmem>>) target_semaphore(%arg23 : memref<!tpu.dma_semaphore, #tpu.memory_space<semaphore_mem>>)
    %dma_start3A_18 = tpu.memref_slice %arg3[%add3A_14] : memref<16384xi32, #tpu.memory_space<hbm>> -> memref<16xi32, #tpu.memory_space<hbm>>
    %dma_start3A_19 = tpu.memref_slice %arg3[%add3A_14] : memref<16384xi32, #tpu.memory_space<hbm>> -> memref<16xi32, #tpu.memory_space<hbm>>
    tpu.enqueue_dma source(%dma_start3A_19 : memref<16xi32, #tpu.memory_space<hbm>>) target(%arg13 : memref<16xi32, #tpu.memory_space<vmem>>) target_semaphore(%arg23 : memref<!tpu.dma_semaphore, #tpu.memory_space<semaphore_mem>>)
    %min3A_20 = arith.constant 1 : i32
    %min3A_21 = arith.constant 31 : i32
    %min3A_22 = arith.minsi %min3A_20, %min3A_21 : i32
    %mul3A_23 = arith.constant 16 : i32
    %mul3A_24 = arith.muli %min3A_22, %mul3A_23 : i32
    %add3A_25 = arith.addi %mul3A_3, %mul3A_24 : i32
    %dma_start3A_26 = arith.constant 0 : i32
    %dma_start3A_27 = tpu.memref_slice %arg2[%add3A_25, %dma_start3A_26] : memref<16384x200xi32, #tpu.memory_space<hbm>> -> memref<16x200xi32, #tpu.memory_space<hbm>>
    %dma_start3A_28 = arith.constant 0 : i32
    %dma_start3A_29 = tpu.memref_slice %arg2[%add3A_25, %dma_start3A_28] : memref<16384x200xi32, #tpu.memory_space<hbm>> -> memref<16x200xi32, #tpu.memory_space<hbm>>
    tpu.enqueue_dma source(%dma_start3A_29 : memref<16x200xi32, #tpu.memory_space<hbm>>) target(%arg6 : memref<16x200xi32, #tpu.memory_space<vmem>>) target_semaphore(%arg24 : memref<!tpu.dma_semaphore, #tpu.memory_space<semaphore_mem>>)
    %dma_start3A_30 = tpu.memref_slice %arg3[%add3A_25] : memref<16384xi32, #tpu.memory_space<hbm>> -> memref<16xi32, #tpu.memory_space<hbm>>
    %dma_start3A_31 = tpu.memref_slice %arg3[%add3A_25] : memref<16384xi32, #tpu.memory_space<hbm>> -> memref<16xi32, #tpu.memory_space<hbm>>
    tpu.enqueue_dma source(%dma_start3A_31 : memref<16xi32, #tpu.memory_space<hbm>>) target(%arg14 : memref<16xi32, #tpu.memory_space<vmem>>) target_semaphore(%arg24 : memref<!tpu.dma_semaphore, #tpu.memory_space<semaphore_mem>>)
    %min3A_32 = arith.constant 2 : i32
    %min3A_33 = arith.constant 31 : i32
    %min3A_34 = arith.minsi %min3A_32, %min3A_33 : i32
    %mul3A_35 = arith.constant 16 : i32
    %mul3A_36 = arith.muli %min3A_34, %mul3A_35 : i32
    %add3A_37 = arith.addi %mul3A_3, %mul3A_36 : i32
    %dma_start3A_38 = arith.constant 0 : i32
    %dma_start3A_39 = tpu.memref_slice %arg2[%add3A_37, %dma_start3A_38] : memref<16384x200xi32, #tpu.memory_space<hbm>> -> memref<16x200xi32, #tpu.memory_space<hbm>>
    %dma_start3A_40 = arith.constant 0 : i32
    %dma_start3A_41 = tpu.memref_slice %arg2[%add3A_37, %dma_start3A_40] : memref<16384x200xi32, #tpu.memory_space<hbm>> -> memref<16x200xi32, #tpu.memory_space<hbm>>
    tpu.enqueue_dma source(%dma_start3A_41 : memref<16x200xi32, #tpu.memory_space<hbm>>) target(%arg7 : memref<16x200xi32, #tpu.memory_space<vmem>>) target_semaphore(%arg25 : memref<!tpu.dma_semaphore, #tpu.memory_space<semaphore_mem>>)
    %dma_start3A_42 = tpu.memref_slice %arg3[%add3A_37] : memref<16384xi32, #tpu.memory_space<hbm>> -> memref<16xi32, #tpu.memory_space<hbm>>
    %dma_start3A_43 = tpu.memref_slice %arg3[%add3A_37] : memref<16384xi32, #tpu.memory_space<hbm>> -> memref<16xi32, #tpu.memory_space<hbm>>
    tpu.enqueue_dma source(%dma_start3A_43 : memref<16xi32, #tpu.memory_space<hbm>>) target(%arg15 : memref<16xi32, #tpu.memory_space<vmem>>) target_semaphore(%arg25 : memref<!tpu.dma_semaphore, #tpu.memory_space<semaphore_mem>>)
    %min3A_44 = arith.constant 3 : i32
    %min3A_45 = arith.constant 31 : i32
    %min3A_46 = arith.minsi %min3A_44, %min3A_45 : i32
    %mul3A_47 = arith.constant 16 : i32
    %mul3A_48 = arith.muli %min3A_46, %mul3A_47 : i32
    %add3A_49 = arith.addi %mul3A_3, %mul3A_48 : i32
    %dma_start3A_50 = arith.constant 0 : i32
    %dma_start3A_51 = tpu.memref_slice %arg2[%add3A_49, %dma_start3A_50] : memref<16384x200xi32, #tpu.memory_space<hbm>> -> memref<16x200xi32, #tpu.memory_space<hbm>>
    %dma_start3A_52 = arith.constant 0 : i32
    %dma_start3A_53 = tpu.memref_slice %arg2[%add3A_49, %dma_start3A_52] : memref<16384x200xi32, #tpu.memory_space<hbm>> -> memref<16x200xi32, #tpu.memory_space<hbm>>
    tpu.enqueue_dma source(%dma_start3A_53 : memref<16x200xi32, #tpu.memory_space<hbm>>) target(%arg8 : memref<16x200xi32, #tpu.memory_space<vmem>>) target_semaphore(%arg26 : memref<!tpu.dma_semaphore, #tpu.memory_space<semaphore_mem>>)
    %dma_start3A_54 = tpu.memref_slice %arg3[%add3A_49] : memref<16384xi32, #tpu.memory_space<hbm>> -> memref<16xi32, #tpu.memory_space<hbm>>
    %dma_start3A_55 = tpu.memref_slice %arg3[%add3A_49] : memref<16384xi32, #tpu.memory_space<hbm>> -> memref<16xi32, #tpu.memory_space<hbm>>
    tpu.enqueue_dma source(%dma_start3A_55 : memref<16xi32, #tpu.memory_space<hbm>>) target(%arg16 : memref<16xi32, #tpu.memory_space<vmem>>) target_semaphore(%arg26 : memref<!tpu.dma_semaphore, #tpu.memory_space<semaphore_mem>>)
    %min3A_56 = arith.constant 4 : i32
    %min3A_57 = arith.constant 31 : i32
    %min3A_58 = arith.minsi %min3A_56, %min3A_57 : i32
    %mul3A_59 = arith.constant 16 : i32
    %mul3A_60 = arith.muli %min3A_58, %mul3A_59 : i32
    %add3A_61 = arith.addi %mul3A_3, %mul3A_60 : i32
    %dma_start3A_62 = arith.constant 0 : i32
    %dma_start3A_63 = tpu.memref_slice %arg2[%add3A_61, %dma_start3A_62] : memref<16384x200xi32, #tpu.memory_space<hbm>> -> memref<16x200xi32, #tpu.memory_space<hbm>>
    %dma_start3A_64 = arith.constant 0 : i32
    %dma_start3A_65 = tpu.memref_slice %arg2[%add3A_61, %dma_start3A_64] : memref<16384x200xi32, #tpu.memory_space<hbm>> -> memref<16x200xi32, #tpu.memory_space<hbm>>
    tpu.enqueue_dma source(%dma_start3A_65 : memref<16x200xi32, #tpu.memory_space<hbm>>) target(%arg9 : memref<16x200xi32, #tpu.memory_space<vmem>>) target_semaphore(%arg27 : memref<!tpu.dma_semaphore, #tpu.memory_space<semaphore_mem>>)
    %dma_start3A_66 = tpu.memref_slice %arg3[%add3A_61] : memref<16384xi32, #tpu.memory_space<hbm>> -> memref<16xi32, #tpu.memory_space<hbm>>
    %dma_start3A_67 = tpu.memref_slice %arg3[%add3A_61] : memref<16384xi32, #tpu.memory_space<hbm>> -> memref<16xi32, #tpu.memory_space<hbm>>
    tpu.enqueue_dma source(%dma_start3A_67 : memref<16xi32, #tpu.memory_space<hbm>>) target(%arg17 : memref<16xi32, #tpu.memory_space<vmem>>) target_semaphore(%arg27 : memref<!tpu.dma_semaphore, #tpu.memory_space<semaphore_mem>>)
    %min3A_68 = arith.constant 5 : i32
    %min3A_69 = arith.constant 31 : i32
    %min3A_70 = arith.minsi %min3A_68, %min3A_69 : i32
    %mul3A_71 = arith.constant 16 : i32
    %mul3A_72 = arith.muli %min3A_70, %mul3A_71 : i32
    %add3A_73 = arith.addi %mul3A_3, %mul3A_72 : i32
    %dma_start3A_74 = arith.constant 0 : i32
    %dma_start3A_75 = tpu.memref_slice %arg2[%add3A_73, %dma_start3A_74] : memref<16384x200xi32, #tpu.memory_space<hbm>> -> memref<16x200xi32, #tpu.memory_space<hbm>>
    %dma_start3A_76 = arith.constant 0 : i32
    %dma_start3A_77 = tpu.memref_slice %arg2[%add3A_73, %dma_start3A_76] : memref<16384x200xi32, #tpu.memory_space<hbm>> -> memref<16x200xi32, #tpu.memory_space<hbm>>
    tpu.enqueue_dma source(%dma_start3A_77 : memref<16x200xi32, #tpu.memory_space<hbm>>) target(%arg10 : memref<16x200xi32, #tpu.memory_space<vmem>>) target_semaphore(%arg28 : memref<!tpu.dma_semaphore, #tpu.memory_space<semaphore_mem>>)
    %dma_start3A_78 = tpu.memref_slice %arg3[%add3A_73] : memref<16384xi32, #tpu.memory_space<hbm>> -> memref<16xi32, #tpu.memory_space<hbm>>
    %dma_start3A_79 = tpu.memref_slice %arg3[%add3A_73] : memref<16384xi32, #tpu.memory_space<hbm>> -> memref<16xi32, #tpu.memory_space<hbm>>
    tpu.enqueue_dma source(%dma_start3A_79 : memref<16xi32, #tpu.memory_space<hbm>>) target(%arg18 : memref<16xi32, #tpu.memory_space<vmem>>) target_semaphore(%arg28 : memref<!tpu.dma_semaphore, #tpu.memory_space<semaphore_mem>>)
    %min3A_80 = arith.constant 6 : i32
    %min3A_81 = arith.constant 31 : i32
    %min3A_82 = arith.minsi %min3A_80, %min3A_81 : i32
    %mul3A_83 = arith.constant 16 : i32
    %mul3A_84 = arith.muli %min3A_82, %mul3A_83 : i32
    %add3A_85 = arith.addi %mul3A_3, %mul3A_84 : i32
    %dma_start3A_86 = arith.constant 0 : i32
    %dma_start3A_87 = tpu.memref_slice %arg2[%add3A_85, %dma_start3A_86] : memref<16384x200xi32, #tpu.memory_space<hbm>> -> memref<16x200xi32, #tpu.memory_space<hbm>>
    %dma_start3A_88 = arith.constant 0 : i32
    %dma_start3A_89 = tpu.memref_slice %arg2[%add3A_85, %dma_start3A_88] : memref<16384x200xi32, #tpu.memory_space<hbm>> -> memref<16x200xi32, #tpu.memory_space<hbm>>
    tpu.enqueue_dma source(%dma_start3A_89 : memref<16x200xi32, #tpu.memory_space<hbm>>) target(%arg11 : memref<16x200xi32, #tpu.memory_space<vmem>>) target_semaphore(%arg29 : memref<!tpu.dma_semaphore, #tpu.memory_space<semaphore_mem>>)
    %dma_start3A_90 = tpu.memref_slice %arg3[%add3A_85] : memref<16384xi32, #tpu.memory_space<hbm>> -> memref<16xi32, #tpu.memory_space<hbm>>
    %dma_start3A_91 = tpu.memref_slice %arg3[%add3A_85] : memref<16384xi32, #tpu.memory_space<hbm>> -> memref<16xi32, #tpu.memory_space<hbm>>
    tpu.enqueue_dma source(%dma_start3A_91 : memref<16xi32, #tpu.memory_space<hbm>>) target(%arg19 : memref<16xi32, #tpu.memory_space<vmem>>) target_semaphore(%arg29 : memref<!tpu.dma_semaphore, #tpu.memory_space<semaphore_mem>>)
    %min3A_92 = arith.constant 7 : i32
    %min3A_93 = arith.constant 31 : i32
    %min3A_94 = arith.minsi %min3A_92, %min3A_93 : i32
    %mul3A_95 = arith.constant 16 : i32
    %mul3A_96 = arith.muli %min3A_94, %mul3A_95 : i32
    %add3A_97 = arith.addi %mul3A_3, %mul3A_96 : i32
    %dma_start3A_98 = arith.constant 0 : i32
    %dma_start3A_99 = tpu.memref_slice %arg2[%add3A_97, %dma_start3A_98] : memref<16384x200xi32, #tpu.memory_space<hbm>> -> memref<16x200xi32, #tpu.memory_space<hbm>>
    %dma_start3A_100 = arith.constant 0 : i32
    %dma_start3A_101 = tpu.memref_slice %arg2[%add3A_97, %dma_start3A_100] : memref<16384x200xi32, #tpu.memory_space<hbm>> -> memref<16x200xi32, #tpu.memory_space<hbm>>
    tpu.enqueue_dma source(%dma_start3A_101 : memref<16x200xi32, #tpu.memory_space<hbm>>) target(%arg12 : memref<16x200xi32, #tpu.memory_space<vmem>>) target_semaphore(%arg30 : memref<!tpu.dma_semaphore, #tpu.memory_space<semaphore_mem>>)
    %dma_start3A_102 = tpu.memref_slice %arg3[%add3A_97] : memref<16384xi32, #tpu.memory_space<hbm>> -> memref<16xi32, #tpu.memory_space<hbm>>
    %dma_start3A_103 = tpu.memref_slice %arg3[%add3A_97] : memref<16384xi32, #tpu.memory_space<hbm>> -> memref<16xi32, #tpu.memory_space<hbm>>
    tpu.enqueue_dma source(%dma_start3A_103 : memref<16xi32, #tpu.memory_space<hbm>>) target(%arg20 : memref<16xi32, #tpu.memory_space<vmem>>) target_semaphore(%arg30 : memref<!tpu.dma_semaphore, #tpu.memory_space<semaphore_mem>>)
    %scan3A_104 = arith.constant 0 : i32
    %scan3A_105 = arith.constant 0 : i32
    %scan3A_106 = arith.constant 4 : i32
    %scan3A_107 = arith.addi %scan3A_105, %scan3A_106 : i32
    %scan3A_108 = arith.constant 1 : i32
    %scan3A_109 = scf.for %scan3A_158 = %scan3A_105 to %scan3A_107 step %scan3A_108 iter_args(%scan3A_159 = %scan3A_104) -> (i32)  : i32 {
      %mul3A_160 = arith.constant 8 : i32
      %mul3A_161 = arith.muli %scan3A_158, %mul3A_160 : i32
      %add3A_162 = arith.constant 0 : i32
      %add3A_163 = arith.addi %mul3A_161, %add3A_162 : i32
      %gt3A = arith.constant 0 : i32
      %gt3A_164 = arith.cmpi sgt, %scan3A_158, %gt3A : i32
      %convert_element_type3A = arith.extui %gt3A_164 : i1 to i32
      %cond3A = arith.constant 0 : i32
      %cond3A_165 = arith.cmpi ne, %convert_element_type3A, %cond3A : i32
      scf.if %cond3A_165 {
        %dma_wait3A_516 = arith.constant 0 : i32
        %dma_wait3A_517 = arith.constant 0 : i32
        %dma_wait3A_518 = tpu.memref_slice %arg4[%dma_wait3A_516, %dma_wait3A_517] : memref<16384x1024xf32, #tpu.memory_space<hbm>> -> memref<16x1024xf32, #tpu.memory_space<hbm>>
        %dma_wait3A_519 = arith.constant 0 : i32
        %dma_wait3A_520 = arith.constant 0 : i32
        %dma_wait3A_521 = tpu.memref_slice %arg4[%dma_wait3A_519, %dma_wait3A_520] : memref<16384x1024xf32, #tpu.memory_space<hbm>> -> memref<16x1024xf32, #tpu.memory_space<hbm>>
        tpu.wait_dma2 semaphore(%arg31 : memref<!tpu.dma_semaphore, #tpu.memory_space<semaphore_mem>>) src(%arg21 : memref<16x1024xf32, #tpu.memory_space<vmem>>) dst(%dma_wait3A_521 : memref<16x1024xf32, #tpu.memory_space<hbm>>)
        %add3A_522 = arith.constant 8 : i32
        %add3A_523 = arith.addi %add3A_163, %add3A_522 : i32
        %sub3A_524 = arith.constant 2 : i32
        %sub3A_525 = arith.subi %add3A_523, %sub3A_524 : i32
        %min3A_526 = arith.constant 31 : i32
        %min3A_527 = arith.minsi %sub3A_525, %min3A_526 : i32
        %mul3A_528 = arith.constant 16 : i32
        %mul3A_529 = arith.muli %min3A_527, %mul3A_528 : i32
        %add3A_530 = arith.addi %mul3A_3, %mul3A_529 : i32
        %dma_start3A_531 = arith.constant 0 : i32
        %dma_start3A_532 = tpu.memref_slice %arg2[%add3A_530, %dma_start3A_531] : memref<16384x200xi32, #tpu.memory_space<hbm>> -> memref<16x200xi32, #tpu.memory_space<hbm>>
        %dma_start3A_533 = arith.constant 0 : i32
        %dma_start3A_534 = tpu.memref_slice %arg2[%add3A_530, %dma_start3A_533] : memref<16384x200xi32, #tpu.memory_space<hbm>> -> memref<16x200xi32, #tpu.memory_space<hbm>>
        tpu.enqueue_dma source(%dma_start3A_534 : memref<16x200xi32, #tpu.memory_space<hbm>>) target(%arg11 : memref<16x200xi32, #tpu.memory_space<vmem>>) target_semaphore(%arg29 : memref<!tpu.dma_semaphore, #tpu.memory_space<semaphore_mem>>)
        %dma_start3A_535 = tpu.memref_slice %arg3[%add3A_530] : memref<16384xi32, #tpu.memory_space<hbm>> -> memref<16xi32, #tpu.memory_space<hbm>>
        %dma_start3A_536 = tpu.memref_slice %arg3[%add3A_530] : memref<16384xi32, #tpu.memory_space<hbm>> -> memref<16xi32, #tpu.memory_space<hbm>>
        tpu.enqueue_dma source(%dma_start3A_536 : memref<16xi32, #tpu.memory_space<hbm>>) target(%arg19 : memref<16xi32, #tpu.memory_space<vmem>>) target_semaphore(%arg29 : memref<!tpu.dma_semaphore, #tpu.memory_space<semaphore_mem>>)
      } else {
      }
      %dma_wait3A_166 = arith.constant 0 : i32
      %dma_wait3A_167 = tpu.memref_slice %arg2[%mul3A_3, %dma_wait3A_166] : memref<16384x200xi32, #tpu.memory_space<hbm>> -> memref<16x200xi32, #tpu.memory_space<hbm>>
      %dma_wait3A_168 = arith.constant 0 : i32
      %dma_wait3A_169 = tpu.memref_slice %arg2[%mul3A_3, %dma_wait3A_168] : memref<16384x200xi32, #tpu.memory_space<hbm>> -> memref<16x200xi32, #tpu.memory_space<hbm>>
      tpu.wait_dma2 semaphore(%arg23 : memref<!tpu.dma_semaphore, #tpu.memory_space<semaphore_mem>>) src(%dma_wait3A_169 : memref<16x200xi32, #tpu.memory_space<hbm>>) dst(%arg5 : memref<16x200xi32, #tpu.memory_space<vmem>>)
      %dma_wait3A_170 = tpu.memref_slice %arg3[%mul3A_3] : memref<16384xi32, #tpu.memory_space<hbm>> -> memref<16xi32, #tpu.memory_space<hbm>>
      %dma_wait3A_171 = tpu.memref_slice %arg3[%mul3A_3] : memref<16384xi32, #tpu.memory_space<hbm>> -> memref<16xi32, #tpu.memory_space<hbm>>
      tpu.wait_dma2 semaphore(%arg23 : memref<!tpu.dma_semaphore, #tpu.memory_space<semaphore_mem>>) src(%dma_wait3A_171 : memref<16xi32, #tpu.memory_space<hbm>>) dst(%arg13 : memref<16xi32, #tpu.memory_space<vmem>>)
      %get3A = arith.constant 0 : index
      %get3A_172 = tpu.vector_load %arg13[%get3A] {strides = array<i32>} : memref<16xi32, #tpu.memory_space<vmem>>, vector<16xi32>,
      %broadcast_in_dim3A_173 = arith.constant 1.000000e+00 : f32
      %broadcast_in_dim3A_174 = vector.broadcast %broadcast_in_dim3A_173 : f32 to vector<16xf32>
      %scan3A_175 = arith.constant 0 : i32
      %scan3A_176 = arith.constant 0 : i32
      %scan3A_177 = arith.constant 10 : i32
      %scan3A_178 = arith.addi %scan3A_176, %scan3A_177 : i32
      %scan3A_179 = arith.constant 1 : i32
      %scan3A_180 = scf.for %scan3A_516 = %scan3A_176 to %scan3A_178 step %scan3A_179 iter_args(%scan3A_517 = %scan3A_175) -> (i32)  : i32 {
        %mul3A_518 = arith.constant 20 : i32
        %mul3A_519 = arith.muli %scan3A_516, %mul3A_518 : i32
        %add3A_520 = arith.constant 0 : i32
        %add3A_521 = arith.addi %mul3A_519, %add3A_520 : i32
        %broadcast_in_dim3A_522 = vector.broadcast %add3A_521 : i32 to vector<16xi32>
        %gather3A = tpu.vector_load_idx %arg5[%iota3A, %broadcast_in_dim3A_522] : memref<16x200xi32, #tpu.memory_space<vmem>>[vector<16xi32>, vector<16xi32>], vector<16xi32>,
        %lt3A = arith.cmpi slt, %broadcast_in_dim3A_522, %get3A_172 : vector<16xi32>
        %mul3A_523 = arith.constant 20 : i32
        %mul3A_524 = arith.muli %scan3A_516, %mul3A_523 : i32
        %add3A_525 = arith.constant 1 : i32
        %add3A_526 = arith.addi %mul3A_524, %add3A_525 : i32
        %broadcast_in_dim3A_527 = vector.broadcast %add3A_526 : i32 to vector<16xi32>
        %gather3A_528 = tpu.vector_load_idx %arg5[%iota3A, %broadcast_in_dim3A_527] : memref<16x200xi32, #tpu.memory_space<vmem>>[vector<16xi32>, vector<16xi32>], vector<16xi32>,
        %lt3A_529 = arith.cmpi slt, %broadcast_in_dim3A_527, %get3A_172 : vector<16xi32>
        %mul3A_530 = arith.constant 20 : i32
        %mul3A_531 = arith.muli %scan3A_516, %mul3A_530 : i32
        %add3A_532 = arith.constant 2 : i32
        %add3A_533 = arith.addi %mul3A_531, %add3A_532 : i32
        %broadcast_in_dim3A_534 = vector.broadcast %add3A_533 : i32 to vector<16xi32>
        %gather3A_535 = tpu.vector_load_idx %arg5[%iota3A, %broadcast_in_dim3A_534] : memref<16x200xi32, #tpu.memory_space<vmem>>[vector<16xi32>, vector<16xi32>], vector<16xi32>,
        %lt3A_536 = arith.cmpi slt, %broadcast_in_dim3A_534, %get3A_172 : vector<16xi32>
        %mul3A_537 = arith.constant 20 : i32
        %mul3A_538 = arith.muli %scan3A_516, %mul3A_537 : i32
        %add3A_539 = arith.constant 3 : i32
        %add3A_540 = arith.addi %mul3A_538, %add3A_539 : i32
        %broadcast_in_dim3A_541 = vector.broadcast %add3A_540 : i32 to vector<16xi32>
        %gather3A_542 = tpu.vector_load_idx %arg5[%iota3A, %broadcast_in_dim3A_541] : memref<16x200xi32, #tpu.memory_space<vmem>>[vector<16xi32>, vector<16xi32>], vector<16xi32>,
        %lt3A_543 = arith.cmpi slt, %broadcast_in_dim3A_541, %get3A_172 : vector<16xi32>
        %mul3A_544 = arith.constant 20 : i32
        %mul3A_545 = arith.muli %scan3A_516, %mul3A_544 : i32
        %add3A_546 = arith.constant 4 : i32
        %add3A_547 = arith.addi %mul3A_545, %add3A_546 : i32
        %broadcast_in_dim3A_548 = vector.broadcast %add3A_547 : i32 to vector<16xi32>
        %gather3A_549 = tpu.vector_load_idx %arg5[%iota3A, %broadcast_in_dim3A_548] : memref<16x200xi32, #tpu.memory_space<vmem>>[vector<16xi32>, vector<16xi32>], vector<16xi32>,
        %lt3A_550 = arith.cmpi slt, %broadcast_in_dim3A_548, %get3A_172 : vector<16xi32>
        %mul3A_551 = arith.constant 20 : i32
        %mul3A_552 = arith.muli %scan3A_516, %mul3A_551 : i32
        %add3A_553 = arith.constant 5 : i32
        %add3A_554 = arith.addi %mul3A_552, %add3A_553 : i32
        %broadcast_in_dim3A_555 = vector.broadcast %add3A_554 : i32 to vector<16xi32>
        %gather3A_556 = tpu.vector_load_idx %arg5[%iota3A, %broadcast_in_dim3A_555] : memref<16x200xi32, #tpu.memory_space<vmem>>[vector<16xi32>, vector<16xi32>], vector<16xi32>,
        %lt3A_557 = arith.cmpi slt, %broadcast_in_dim3A_555, %get3A_172 : vector<16xi32>
        %mul3A_558 = arith.constant 20 : i32
        %mul3A_559 = arith.muli %scan3A_516, %mul3A_558 : i32
        %add3A_560 = arith.constant 6 : i32
        %add3A_561 = arith.addi %mul3A_559, %add3A_560 : i32
        %broadcast_in_dim3A_562 = vector.broadcast %add3A_561 : i32 to vector<16xi32>
        %gather3A_563 = tpu.vector_load_idx %arg5[%iota3A, %broadcast_in_dim3A_562] : memref<16x200xi32, #tpu.memory_space<vmem>>[vector<16xi32>, vector<16xi32>], vector<16xi32>,
        %lt3A_564 = arith.cmpi slt, %broadcast_in_dim3A_562, %get3A_172 : vector<16xi32>
        %mul3A_565 = arith.constant 20 : i32
        %mul3A_566 = arith.muli %scan3A_516, %mul3A_565 : i32
        %add3A_567 = arith.constant 7 : i32
        %add3A_568 = arith.addi %mul3A_566, %add3A_567 : i32
        %broadcast_in_dim3A_569 = vector.broadcast %add3A_568 : i32 to vector<16xi32>
        %gather3A_570 = tpu.vector_load_idx %arg5[%iota3A, %broadcast_in_dim3A_569] : memref<16x200xi32, #tpu.memory_space<vmem>>[vector<16xi32>, vector<16xi32>], vector<16xi32>,
        %lt3A_571 = arith.cmpi slt, %broadcast_in_dim3A_569, %get3A_172 : vector<16xi32>
        %mul3A_572 = arith.constant 20 : i32
        %mul3A_573 = arith.muli %scan3A_516, %mul3A_572 : i32
        %add3A_574 = arith.constant 8 : i32
        %add3A_575 = arith.addi %mul3A_573, %add3A_574 : i32
        %broadcast_in_dim3A_576 = vector.broadcast %add3A_575 : i32 to vector<16xi32>
        %gather3A_577 = tpu.vector_load_idx %arg5[%iota3A, %broadcast_in_dim3A_576] : memref<16x200xi32, #tpu.memory_space<vmem>>[vector<16xi32>, vector<16xi32>], vector<16xi32>,
        %lt3A_578 = arith.cmpi slt, %broadcast_in_dim3A_576, %get3A_172 : vector<16xi32>
        %mul3A_579 = arith.constant 20 : i32
        %mul3A_580 = arith.muli %scan3A_516, %mul3A_579 : i32
        %add3A_581 = arith.constant 9 : i32
        %add3A_582 = arith.addi %mul3A_580, %add3A_581 : i32
        %broadcast_in_dim3A_583 = vector.broadcast %add3A_582 : i32 to vector<16xi32>
        %gather3A_584 = tpu.vector_load_idx %arg5[%iota3A, %broadcast_in_dim3A_583] : memref<16x200xi32, #tpu.memory_space<vmem>>[vector<16xi32>, vector<16xi32>], vector<16xi32>,
        %lt3A_585 = arith.cmpi slt, %broadcast_in_dim3A_583, %get3A_172 : vector<16xi32>
        %mul3A_586 = arith.constant 20 : i32
        %mul3A_587 = arith.muli %scan3A_516, %mul3A_586 : i32
        %add3A_588 = arith.constant 10 : i32
        %add3A_589 = arith.addi %mul3A_587, %add3A_588 : i32
        %broadcast_in_dim3A_590 = vector.broadcast %add3A_589 : i32 to vector<16xi32>
        %gather3A_591 = tpu.vector_load_idx %arg5[%iota3A, %broadcast_in_dim3A_590] : memref<16x200xi32, #tpu.memory_space<vmem>>[vector<16xi32>, vector<16xi32>], vector<16xi32>,
        %lt3A_592 = arith.cmpi slt, %broadcast_in_dim3A_590, %get3A_172 : vector<16xi32>
        %mul3A_593 = arith.constant 20 : i32
        %mul3A_594 = arith.muli %scan3A_516, %mul3A_593 : i32
        %add3A_595 = arith.constant 11 : i32
        %add3A_596 = arith.addi %mul3A_594, %add3A_595 : i32
        %broadcast_in_dim3A_597 = vector.broadcast %add3A_596 : i32 to vector<16xi32>
        %gather3A_598 = tpu.vector_load_idx %arg5[%iota3A, %broadcast_in_dim3A_597] : memref<16x200xi32, #tpu.memory_space<vmem>>[vector<16xi32>, vector<16xi32>], vector<16xi32>,
        %lt3A_599 = arith.cmpi slt, %broadcast_in_dim3A_597, %get3A_172 : vector<16xi32>
        %mul3A_600 = arith.constant 20 : i32
        %mul3A_601 = arith.muli %scan3A_516, %mul3A_600 : i32
        %add3A_602 = arith.constant 12 : i32
        %add3A_603 = arith.addi %mul3A_601, %add3A_602 : i32
        %broadcast_in_dim3A_604 = vector.broadcast %add3A_603 : i32 to vector<16xi32>
        %gather3A_605 = tpu.vector_load_idx %arg5[%iota3A, %broadcast_in_dim3A_604] : memref<16x200xi32, #tpu.memory_space<vmem>>[vector<16xi32>, vector<16xi32>], vector<16xi32>,
        %lt3A_606 = arith.cmpi slt, %broadcast_in_dim3A_604, %get3A_172 : vector<16xi32>
        %mul3A_607 = arith.constant 20 : i32
        %mul3A_608 = arith.muli %scan3A_516, %mul3A_607 : i32
        %add3A_609 = arith.constant 13 : i32
        %add3A_610 = arith.addi %mul3A_608, %add3A_609 : i32
        %broadcast_in_dim3A_611 = vector.broadcast %add3A_610 : i32 to vector<16xi32>
        %gather3A_612 = tpu.vector_load_idx %arg5[%iota3A, %broadcast_in_dim3A_611] : memref<16x200xi32, #tpu.memory_space<vmem>>[vector<16xi32>, vector<16xi32>], vector<16xi32>,
        %lt3A_613 = arith.cmpi slt, %broadcast_in_dim3A_611, %get3A_172 : vector<16xi32>
        %mul3A_614 = arith.constant 20 : i32
        %mul3A_615 = arith.muli %scan3A_516, %mul3A_614 : i32
        %add3A_616 = arith.constant 14 : i32
        %add3A_617 = arith.addi %mul3A_615, %add3A_616 : i32
        %broadcast_in_dim3A_618 = vector.broadcast %add3A_617 : i32 to vector<16xi32>
        %gather3A_619 = tpu.vector_load_idx %arg5[%iota3A, %broadcast_in_dim3A_618] : memref<16x200xi32, #tpu.memory_space<vmem>>[vector<16xi32>, vector<16xi32>], vector<16xi32>,
        %lt3A_620 = arith.cmpi slt, %broadcast_in_dim3A_618, %get3A_172 : vector<16xi32>
        %mul3A_621 = arith.constant 20 : i32
        %mul3A_622 = arith.muli %scan3A_516, %mul3A_621 : i32
        %add3A_623 = arith.constant 15 : i32
        %add3A_624 = arith.addi %mul3A_622, %add3A_623 : i32
        %broadcast_in_dim3A_625 = vector.broadcast %add3A_624 : i32 to vector<16xi32>
        %gather3A_626 = tpu.vector_load_idx %arg5[%iota3A, %broadcast_in_dim3A_625] : memref<16x200xi32, #tpu.memory_space<vmem>>[vector<16xi32>, vector<16xi32>], vector<16xi32>,
        %lt3A_627 = arith.cmpi slt, %broadcast_in_dim3A_625, %get3A_172 : vector<16xi32>
        %mul3A_628 = arith.constant 20 : i32
        %mul3A_629 = arith.muli %scan3A_516, %mul3A_628 : i32
        %add3A_630 = arith.constant 16 : i32
        %add3A_631 = arith.addi %mul3A_629, %add3A_630 : i32
        %broadcast_in_dim3A_632 = vector.broadcast %add3A_631 : i32 to vector<16xi32>
        %gather3A_633 = tpu.vector_load_idx %arg5[%iota3A, %broadcast_in_dim3A_632] : memref<16x200xi32, #tpu.memory_space<vmem>>[vector<16xi32>, vector<16xi32>], vector<16xi32>,
        %lt3A_634 = arith.cmpi slt, %broadcast_in_dim3A_632, %get3A_172 : vector<16xi32>
        %mul3A_635 = arith.constant 20 : i32
        %mul3A_636 = arith.muli %scan3A_516, %mul3A_635 : i32
        %add3A_637 = arith.constant 17 : i32
        %add3A_638 = arith.addi %mul3A_636, %add3A_637 : i32
        %broadcast_in_dim3A_639 = vector.broadcast %add3A_638 : i32 to vector<16xi32>
        %gather3A_640 = tpu.vector_load_idx %arg5[%iota3A, %broadcast_in_dim3A_639] : memref<16x200xi32, #tpu.memory_space<vmem>>[vector<16xi32>, vector<16xi32>], vector<16xi32>,
        %lt3A_641 = arith.cmpi slt, %broadcast_in_dim3A_639, %get3A_172 : vector<16xi32>
        %mul3A_642 = arith.constant 20 : i32
        %mul3A_643 = arith.muli %scan3A_516, %mul3A_642 : i32
        %add3A_644 = arith.constant 18 : i32
        %add3A_645 = arith.addi %mul3A_643, %add3A_644 : i32
        %broadcast_in_dim3A_646 = vector.broadcast %add3A_645 : i32 to vector<16xi32>
        %gather3A_647 = tpu.vector_load_idx %arg5[%iota3A, %broadcast_in_dim3A_646] : memref<16x200xi32, #tpu.memory_space<vmem>>[vector<16xi32>, vector<16xi32>], vector<16xi32>,
        %lt3A_648 = arith.cmpi slt, %broadcast_in_dim3A_646, %get3A_172 : vector<16xi32>
        %mul3A_649 = arith.constant 20 : i32
        %mul3A_650 = arith.muli %scan3A_516, %mul3A_649 : i32
        %add3A_651 = arith.constant 19 : i32
        %add3A_652 = arith.addi %mul3A_650, %add3A_651 : i32
        %broadcast_in_dim3A_653 = vector.broadcast %add3A_652 : i32 to vector<16xi32>
        %gather3A_654 = tpu.vector_load_idx %arg5[%iota3A, %broadcast_in_dim3A_653] : memref<16x200xi32, #tpu.memory_space<vmem>>[vector<16xi32>, vector<16xi32>], vector<16xi32>,
        %lt3A_655 = arith.cmpi slt, %broadcast_in_dim3A_653, %get3A_172 : vector<16xi32>
        tpu.vector_store_idx %arg21[%iota3A, %gather3A], %broadcast_in_dim3A_174 masked %lt3A {add = true} : memref<16x1024xf32, #tpu.memory_space<vmem>>[vector<16xi32>, vector<16xi32>], vector<16xf32>, vector<16xi1>
        tpu.vector_store_idx %arg21[%iota3A, %gather3A_528], %broadcast_in_dim3A_174 masked %lt3A_529 {add = true} : memref<16x1024xf32, #tpu.memory_space<vmem>>[vector<16xi32>, vector<16xi32>], vector<16xf32>, vector<16xi1>
        tpu.vector_store_idx %arg21[%iota3A, %gather3A_535], %broadcast_in_dim3A_174 masked %lt3A_536 {add = true} : memref<16x1024xf32, #tpu.memory_space<vmem>>[vector<16xi32>, vector<16xi32>], vector<16xf32>, vector<16xi1>
        tpu.vector_store_idx %arg21[%iota3A, %gather3A_542], %broadcast_in_dim3A_174 masked %lt3A_543 {add = true} : memref<16x1024xf32, #tpu.memory_space<vmem>>[vector<16xi32>, vector<16xi32>], vector<16xf32>, vector<16xi1>
        tpu.vector_store_idx %arg21[%iota3A, %gather3A_549], %broadcast_in_dim3A_174 masked %lt3A_550 {add = true} : memref<16x1024xf32, #tpu.memory_space<vmem>>[vector<16xi32>, vector<16xi32>], vector<16xf32>, vector<16xi1>
        tpu.vector_store_idx %arg21[%iota3A, %gather3A_556], %broadcast_in_dim3A_174 masked %lt3A_557 {add = true} : memref<16x1024xf32, #tpu.memory_space<vmem>>[vector<16xi32>, vector<16xi32>], vector<16xf32>, vector<16xi1>
        tpu.vector_store_idx %arg21[%iota3A, %gather3A_563], %broadcast_in_dim3A_174 masked %lt3A_564 {add = true} : memref<16x1024xf32, #tpu.memory_space<vmem>>[vector<16xi32>, vector<16xi32>], vector<16xf32>, vector<16xi1>
        tpu.vector_store_idx %arg21[%iota3A, %gather3A_570], %broadcast_in_dim3A_174 masked %lt3A_571 {add = true} : memref<16x1024xf32, #tpu.memory_space<vmem>>[vector<16xi32>, vector<16xi32>], vector<16xf32>, vector<16xi1>
        tpu.vector_store_idx %arg21[%iota3A, %gather3A_577], %broadcast_in_dim3A_174 masked %lt3A_578 {add = true} : memref<16x1024xf32, #tpu.memory_space<vmem>>[vector<16xi32>, vector<16xi32>], vector<16xf32>, vector<16xi1>
        tpu.vector_store_idx %arg21[%iota3A, %gather3A_584], %broadcast_in_dim3A_174 masked %lt3A_585 {add = true} : memref<16x1024xf32, #tpu.memory_space<vmem>>[vector<16xi32>, vector<16xi32>], vector<16xf32>, vector<16xi1>
        tpu.vector_store_idx %arg21[%iota3A, %gather3A_591], %broadcast_in_dim3A_174 masked %lt3A_592 {add = true} : memref<16x1024xf32, #tpu.memory_space<vmem>>[vector<16xi32>, vector<16xi32>], vector<16xf32>, vector<16xi1>
        tpu.vector_store_idx %arg21[%iota3A, %gather3A_598], %broadcast_in_dim3A_174 masked %lt3A_599 {add = true} : memref<16x1024xf32, #tpu.memory_space<vmem>>[vector<16xi32>, vector<16xi32>], vector<16xf32>, vector<16xi1>
        tpu.vector_store_idx %arg21[%iota3A, %gather3A_605], %broadcast_in_dim3A_174 masked %lt3A_606 {add = true} : memref<16x1024xf32, #tpu.memory_space<vmem>>[vector<16xi32>, vector<16xi32>], vector<16xf32>, vector<16xi1>
        tpu.vector_store_idx %arg21[%iota3A, %gather3A_612], %broadcast_in_dim3A_174 masked %lt3A_613 {add = true} : memref<16x1024xf32, #tpu.memory_space<vmem>>[vector<16xi32>, vector<16xi32>], vector<16xf32>, vector<16xi1>
        tpu.vector_store_idx %arg21[%iota3A, %gather3A_619], %broadcast_in_dim3A_174 masked %lt3A_620 {add = true} : memref<16x1024xf32, #tpu.memory_space<vmem>>[vector<16xi32>, vector<16xi32>], vector<16xf32>, vector<16xi1>
        tpu.vector_store_idx %arg21[%iota3A, %gather3A_626], %broadcast_in_dim3A_174 masked %lt3A_627 {add = true} : memref<16x1024xf32, #tpu.memory_space<vmem>>[vector<16xi32>, vector<16xi32>], vector<16xf32>, vector<16xi1>
        tpu.vector_store_idx %arg21[%iota3A, %gather3A_633], %broadcast_in_dim3A_174 masked %lt3A_634 {add = true} : memref<16x1024xf32, #tpu.memory_space<vmem>>[vector<16xi32>, vector<16xi32>], vector<16xf32>, vector<16xi1>
        tpu.vector_store_idx %arg21[%iota3A, %gather3A_640], %broadcast_in_dim3A_174 masked %lt3A_641 {add = true} : memref<16x1024xf32, #tpu.memory_space<vmem>>[vector<16xi32>, vector<16xi32>], vector<16xf32>, vector<16xi1>
        tpu.vector_store_idx %arg21[%iota3A, %gather3A_647], %broadcast_in_dim3A_174 masked %lt3A_648 {add = true} : memref<16x1024xf32, #tpu.memory_space<vmem>>[vector<16xi32>, vector<16xi32>], vector<16xf32>, vector<16xi1>
        tpu.vector_store_idx %arg21[%iota3A, %gather3A_654], %broadcast_in_dim3A_174 masked %lt3A_655 {add = true} : memref<16x1024xf32, #tpu.memory_space<vmem>>[vector<16xi32>, vector<16xi32>], vector<16xf32>, vector<16xi1>
        %scan3A_656 = arith.constant 0 : i32
        scf.yield %scan3A_656 : i32
      }
      %scan3A_181 = arith.constant 10 : i32
      %mul3A_182 = arith.constant 16 : i32
      %mul3A_183 = arith.muli %add3A_163, %mul3A_182 : i32
      %add3A_184 = arith.addi %mul3A_3, %mul3A_183 : i32
      %dma_start3A_185 = arith.constant 0 : i32
      %dma_start3A_186 = tpu.memref_slice %arg4[%add3A_184, %dma_start3A_185] : memref<16384x1024xf32, #tpu.memory_space<hbm>> -> memref<16x1024xf32, #tpu.memory_space<hbm>>
      %dma_start3A_187 = arith.constant 0 : i32
      %dma_start3A_188 = tpu.memref_slice %arg4[%add3A_184, %dma_start3A_187] : memref<16384x1024xf32, #tpu.memory_space<hbm>> -> memref<16x1024xf32, #tpu.memory_space<hbm>>
      tpu.enqueue_dma source(%arg21 : memref<16x1024xf32, #tpu.memory_space<vmem>>) target(%dma_start3A_188 : memref<16x1024xf32, #tpu.memory_space<hbm>>) target_semaphore(%arg31 : memref<!tpu.dma_semaphore, #tpu.memory_space<semaphore_mem>>)
      %mul3A_189 = arith.constant 8 : i32
      %mul3A_190 = arith.muli %scan3A_158, %mul3A_189 : i32
      %add3A_191 = arith.constant 1 : i32
      %add3A_192 = arith.addi %mul3A_190, %add3A_191 : i32
      %gt3A_193 = arith.constant 0 : i32
      %gt3A_194 = arith.cmpi sgt, %scan3A_158, %gt3A_193 : i32
      %convert_element_type3A_195 = arith.extui %gt3A_194 : i1 to i32
      %cond3A_196 = arith.constant 0 : i32
      %cond3A_197 = arith.cmpi ne, %convert_element_type3A_195, %cond3A_196 : i32
      scf.if %cond3A_197 {
        %dma_wait3A_516 = arith.constant 0 : i32
        %dma_wait3A_517 = arith.constant 0 : i32
        %dma_wait3A_518 = tpu.memref_slice %arg4[%dma_wait3A_516, %dma_wait3A_517] : memref<16384x1024xf32, #tpu.memory_space<hbm>> -> memref<16x1024xf32, #tpu.memory_space<hbm>>
        %dma_wait3A_519 = arith.constant 0 : i32
        %dma_wait3A_520 = arith.constant 0 : i32
        %dma_wait3A_521 = tpu.memref_slice %arg4[%dma_wait3A_519, %dma_wait3A_520] : memref<16384x1024xf32, #tpu.memory_space<hbm>> -> memref<16x1024xf32, #tpu.memory_space<hbm>>
        tpu.wait_dma2 semaphore(%arg32 : memref<!tpu.dma_semaphore, #tpu.memory_space<semaphore_mem>>) src(%arg22 : memref<16x1024xf32, #tpu.memory_space<vmem>>) dst(%dma_wait3A_521 : memref<16x1024xf32, #tpu.memory_space<hbm>>)
        %add3A_522 = arith.constant 8 : i32
        %add3A_523 = arith.addi %add3A_192, %add3A_522 : i32
        %sub3A_524 = arith.constant 2 : i32
        %sub3A_525 = arith.subi %add3A_523, %sub3A_524 : i32
        %min3A_526 = arith.constant 31 : i32
        %min3A_527 = arith.minsi %sub3A_525, %min3A_526 : i32
        %mul3A_528 = arith.constant 16 : i32
        %mul3A_529 = arith.muli %min3A_527, %mul3A_528 : i32
        %add3A_530 = arith.addi %mul3A_3, %mul3A_529 : i32
        %dma_start3A_531 = arith.constant 0 : i32
        %dma_start3A_532 = tpu.memref_slice %arg2[%add3A_530, %dma_start3A_531] : memref<16384x200xi32, #tpu.memory_space<hbm>> -> memref<16x200xi32, #tpu.memory_space<hbm>>
        %dma_start3A_533 = arith.constant 0 : i32
        %dma_start3A_534 = tpu.memref_slice %arg2[%add3A_530, %dma_start3A_533] : memref<16384x200xi32, #tpu.memory_space<hbm>> -> memref<16x200xi32, #tpu.memory_space<hbm>>
        tpu.enqueue_dma source(%dma_start3A_534 : memref<16x200xi32, #tpu.memory_space<hbm>>) target(%arg12 : memref<16x200xi32, #tpu.memory_space<vmem>>) target_semaphore(%arg30 : memref<!tpu.dma_semaphore, #tpu.memory_space<semaphore_mem>>)
        %dma_start3A_535 = tpu.memref_slice %arg3[%add3A_530] : memref<16384xi32, #tpu.memory_space<hbm>> -> memref<16xi32, #tpu.memory_space<hbm>>
        %dma_start3A_536 = tpu.memref_slice %arg3[%add3A_530] : memref<16384xi32, #tpu.memory_space<hbm>> -> memref<16xi32, #tpu.memory_space<hbm>>
        tpu.enqueue_dma source(%dma_start3A_536 : memref<16xi32, #tpu.memory_space<hbm>>) target(%arg20 : memref<16xi32, #tpu.memory_space<vmem>>) target_semaphore(%arg30 : memref<!tpu.dma_semaphore, #tpu.memory_space<semaphore_mem>>)
      } else {
      }
      %dma_wait3A_198 = arith.constant 0 : i32
      %dma_wait3A_199 = tpu.memref_slice %arg2[%mul3A_3, %dma_wait3A_198] : memref<16384x200xi32, #tpu.memory_space<hbm>> -> memref<16x200xi32, #tpu.memory_space<hbm>>
      %dma_wait3A_200 = arith.constant 0 : i32
      %dma_wait3A_201 = tpu.memref_slice %arg2[%mul3A_3, %dma_wait3A_200] : memref<16384x200xi32, #tpu.memory_space<hbm>> -> memref<16x200xi32, #tpu.memory_space<hbm>>
      tpu.wait_dma2 semaphore(%arg24 : memref<!tpu.dma_semaphore, #tpu.memory_space<semaphore_mem>>) src(%dma_wait3A_201 : memref<16x200xi32, #tpu.memory_space<hbm>>) dst(%arg6 : memref<16x200xi32, #tpu.memory_space<vmem>>)
      %dma_wait3A_202 = tpu.memref_slice %arg3[%mul3A_3] : memref<16384xi32, #tpu.memory_space<hbm>> -> memref<16xi32, #tpu.memory_space<hbm>>
      %dma_wait3A_203 = tpu.memref_slice %arg3[%mul3A_3] : memref<16384xi32, #tpu.memory_space<hbm>> -> memref<16xi32, #tpu.memory_space<hbm>>
      tpu.wait_dma2 semaphore(%arg24 : memref<!tpu.dma_semaphore, #tpu.memory_space<semaphore_mem>>) src(%dma_wait3A_203 : memref<16xi32, #tpu.memory_space<hbm>>) dst(%arg14 : memref<16xi32, #tpu.memory_space<vmem>>)
      %get3A_204 = arith.constant 0 : index
      %get3A_205 = tpu.vector_load %arg14[%get3A_204] {strides = array<i32>} : memref<16xi32, #tpu.memory_space<vmem>>, vector<16xi32>,
      %broadcast_in_dim3A_206 = arith.constant 1.000000e+00 : f32
      %broadcast_in_dim3A_207 = vector.broadcast %broadcast_in_dim3A_206 : f32 to vector<16xf32>
      %scan3A_208 = arith.constant 0 : i32
      %scan3A_209 = arith.constant 0 : i32
      %scan3A_210 = arith.constant 10 : i32
      %scan3A_211 = arith.addi %scan3A_209, %scan3A_210 : i32
      %scan3A_212 = arith.constant 1 : i32
      %scan3A_213 = scf.for %scan3A_516 = %scan3A_209 to %scan3A_211 step %scan3A_212 iter_args(%scan3A_517 = %scan3A_208) -> (i32)  : i32 {
        %mul3A_518 = arith.constant 20 : i32
        %mul3A_519 = arith.muli %scan3A_516, %mul3A_518 : i32
        %add3A_520 = arith.constant 0 : i32
        %add3A_521 = arith.addi %mul3A_519, %add3A_520 : i32
        %broadcast_in_dim3A_522 = vector.broadcast %add3A_521 : i32 to vector<16xi32>
        %gather3A = tpu.vector_load_idx %arg6[%iota3A, %broadcast_in_dim3A_522] : memref<16x200xi32, #tpu.memory_space<vmem>>[vector<16xi32>, vector<16xi32>], vector<16xi32>,
        %lt3A = arith.cmpi slt, %broadcast_in_dim3A_522, %get3A_205 : vector<16xi32>
        %mul3A_523 = arith.constant 20 : i32
        %mul3A_524 = arith.muli %scan3A_516, %mul3A_523 : i32
        %add3A_525 = arith.constant 1 : i32
        %add3A_526 = arith.addi %mul3A_524, %add3A_525 : i32
        %broadcast_in_dim3A_527 = vector.broadcast %add3A_526 : i32 to vector<16xi32>
        %gather3A_528 = tpu.vector_load_idx %arg6[%iota3A, %broadcast_in_dim3A_527] : memref<16x200xi32, #tpu.memory_space<vmem>>[vector<16xi32>, vector<16xi32>], vector<16xi32>,
        %lt3A_529 = arith.cmpi slt, %broadcast_in_dim3A_527, %get3A_205 : vector<16xi32>
        %mul3A_530 = arith.constant 20 : i32
        %mul3A_531 = arith.muli %scan3A_516, %mul3A_530 : i32
        %add3A_532 = arith.constant 2 : i32
        %add3A_533 = arith.addi %mul3A_531, %add3A_532 : i32
        %broadcast_in_dim3A_534 = vector.broadcast %add3A_533 : i32 to vector<16xi32>
        %gather3A_535 = tpu.vector_load_idx %arg6[%iota3A, %broadcast_in_dim3A_534] : memref<16x200xi32, #tpu.memory_space<vmem>>[vector<16xi32>, vector<16xi32>], vector<16xi32>,
        %lt3A_536 = arith.cmpi slt, %broadcast_in_dim3A_534, %get3A_205 : vector<16xi32>
        %mul3A_537 = arith.constant 20 : i32
        %mul3A_538 = arith.muli %scan3A_516, %mul3A_537 : i32
        %add3A_539 = arith.constant 3 : i32
        %add3A_540 = arith.addi %mul3A_538, %add3A_539 : i32
        %broadcast_in_dim3A_541 = vector.broadcast %add3A_540 : i32 to vector<16xi32>
        %gather3A_542 = tpu.vector_load_idx %arg6[%iota3A, %broadcast_in_dim3A_541] : memref<16x200xi32, #tpu.memory_space<vmem>>[vector<16xi32>, vector<16xi32>], vector<16xi32>,
        %lt3A_543 = arith.cmpi slt, %broadcast_in_dim3A_541, %get3A_205 : vector<16xi32>
        %mul3A_544 = arith.constant 20 : i32
        %mul3A_545 = arith.muli %scan3A_516, %mul3A_544 : i32
        %add3A_546 = arith.constant 4 : i32
        %add3A_547 = arith.addi %mul3A_545, %add3A_546 : i32
        %broadcast_in_dim3A_548 = vector.broadcast %add3A_547 : i32 to vector<16xi32>
        %gather3A_549 = tpu.vector_load_idx %arg6[%iota3A, %broadcast_in_dim3A_548] : memref<16x200xi32, #tpu.memory_space<vmem>>[vector<16xi32>, vector<16xi32>], vector<16xi32>,
        %lt3A_550 = arith.cmpi slt, %broadcast_in_dim3A_548, %get3A_205 : vector<16xi32>
        %mul3A_551 = arith.constant 20 : i32
        %mul3A_552 = arith.muli %scan3A_516, %mul3A_551 : i32
        %add3A_553 = arith.constant 5 : i32
        %add3A_554 = arith.addi %mul3A_552, %add3A_553 : i32
        %broadcast_in_dim3A_555 = vector.broadcast %add3A_554 : i32 to vector<16xi32>
        %gather3A_556 = tpu.vector_load_idx %arg6[%iota3A, %broadcast_in_dim3A_555] : memref<16x200xi32, #tpu.memory_space<vmem>>[vector<16xi32>, vector<16xi32>], vector<16xi32>,
        %lt3A_557 = arith.cmpi slt, %broadcast_in_dim3A_555, %get3A_205 : vector<16xi32>
        %mul3A_558 = arith.constant 20 : i32
        %mul3A_559 = arith.muli %scan3A_516, %mul3A_558 : i32
        %add3A_560 = arith.constant 6 : i32
        %add3A_561 = arith.addi %mul3A_559, %add3A_560 : i32
        %broadcast_in_dim3A_562 = vector.broadcast %add3A_561 : i32 to vector<16xi32>
        %gather3A_563 = tpu.vector_load_idx %arg6[%iota3A, %broadcast_in_dim3A_562] : memref<16x200xi32, #tpu.memory_space<vmem>>[vector<16xi32>, vector<16xi32>], vector<16xi32>,
        %lt3A_564 = arith.cmpi slt, %broadcast_in_dim3A_562, %get3A_205 : vector<16xi32>
        %mul3A_565 = arith.constant 20 : i32
        %mul3A_566 = arith.muli %scan3A_516, %mul3A_565 : i32
        %add3A_567 = arith.constant 7 : i32
        %add3A_568 = arith.addi %mul3A_566, %add3A_567 : i32
        %broadcast_in_dim3A_569 = vector.broadcast %add3A_568 : i32 to vector<16xi32>
        %gather3A_570 = tpu.vector_load_idx %arg6[%iota3A, %broadcast_in_dim3A_569] : memref<16x200xi32, #tpu.memory_space<vmem>>[vector<16xi32>, vector<16xi32>], vector<16xi32>,
        %lt3A_571 = arith.cmpi slt, %broadcast_in_dim3A_569, %get3A_205 : vector<16xi32>
        %mul3A_572 = arith.constant 20 : i32
        %mul3A_573 = arith.muli %scan3A_516, %mul3A_572 : i32
        %add3A_574 = arith.constant 8 : i32
        %add3A_575 = arith.addi %mul3A_573, %add3A_574 : i32
        %broadcast_in_dim3A_576 = vector.broadcast %add3A_575 : i32 to vector<16xi32>
        %gather3A_577 = tpu.vector_load_idx %arg6[%iota3A, %broadcast_in_dim3A_576] : memref<16x200xi32, #tpu.memory_space<vmem>>[vector<16xi32>, vector<16xi32>], vector<16xi32>,
        %lt3A_578 = arith.cmpi slt, %broadcast_in_dim3A_576, %get3A_205 : vector<16xi32>
        %mul3A_579 = arith.constant 20 : i32
        %mul3A_580 = arith.muli %scan3A_516, %mul3A_579 : i32
        %add3A_581 = arith.constant 9 : i32
        %add3A_582 = arith.addi %mul3A_580, %add3A_581 : i32
        %broadcast_in_dim3A_583 = vector.broadcast %add3A_582 : i32 to vector<16xi32>
        %gather3A_584 = tpu.vector_load_idx %arg6[%iota3A, %broadcast_in_dim3A_583] : memref<16x200xi32, #tpu.memory_space<vmem>>[vector<16xi32>, vector<16xi32>], vector<16xi32>,
        %lt3A_585 = arith.cmpi slt, %broadcast_in_dim3A_583, %get3A_205 : vector<16xi32>
        %mul3A_586 = arith.constant 20 : i32
        %mul3A_587 = arith.muli %scan3A_516, %mul3A_586 : i32
        %add3A_588 = arith.constant 10 : i32
        %add3A_589 = arith.addi %mul3A_587, %add3A_588 : i32
        %broadcast_in_dim3A_590 = vector.broadcast %add3A_589 : i32 to vector<16xi32>
        %gather3A_591 = tpu.vector_load_idx %arg6[%iota3A, %broadcast_in_dim3A_590] : memref<16x200xi32, #tpu.memory_space<vmem>>[vector<16xi32>, vector<16xi32>], vector<16xi32>,
        %lt3A_592 = arith.cmpi slt, %broadcast_in_dim3A_590, %get3A_205 : vector<16xi32>
        %mul3A_593 = arith.constant 20 : i32
        %mul3A_594 = arith.muli %scan3A_516, %mul3A_593 : i32
        %add3A_595 = arith.constant 11 : i32
        %add3A_596 = arith.addi %mul3A_594, %add3A_595 : i32
        %broadcast_in_dim3A_597 = vector.broadcast %add3A_596 : i32 to vector<16xi32>
        %gather3A_598 = tpu.vector_load_idx %arg6[%iota3A, %broadcast_in_dim3A_597] : memref<16x200xi32, #tpu.memory_space<vmem>>[vector<16xi32>, vector<16xi32>], vector<16xi32>,
        %lt3A_599 = arith.cmpi slt, %broadcast_in_dim3A_597, %get3A_205 : vector<16xi32>
        %mul3A_600 = arith.constant 20 : i32
        %mul3A_601 = arith.muli %scan3A_516, %mul3A_600 : i32
        %add3A_602 = arith.constant 12 : i32
        %add3A_603 = arith.addi %mul3A_601, %add3A_602 : i32
        %broadcast_in_dim3A_604 = vector.broadcast %add3A_603 : i32 to vector<16xi32>
        %gather3A_605 = tpu.vector_load_idx %arg6[%iota3A, %broadcast_in_dim3A_604] : memref<16x200xi32, #tpu.memory_space<vmem>>[vector<16xi32>, vector<16xi32>], vector<16xi32>,
        %lt3A_606 = arith.cmpi slt, %broadcast_in_dim3A_604, %get3A_205 : vector<16xi32>
        %mul3A_607 = arith.constant 20 : i32
        %mul3A_608 = arith.muli %scan3A_516, %mul3A_607 : i32
        %add3A_609 = arith.constant 13 : i32
        %add3A_610 = arith.addi %mul3A_608, %add3A_609 : i32
        %broadcast_in_dim3A_611 = vector.broadcast %add3A_610 : i32 to vector<16xi32>
        %gather3A_612 = tpu.vector_load_idx %arg6[%iota3A, %broadcast_in_dim3A_611] : memref<16x200xi32, #tpu.memory_space<vmem>>[vector<16xi32>, vector<16xi32>], vector<16xi32>,
        %lt3A_613 = arith.cmpi slt, %broadcast_in_dim3A_611, %get3A_205 : vector<16xi32>
        %mul3A_614 = arith.constant 20 : i32
        %mul3A_615 = arith.muli %scan3A_516, %mul3A_614 : i32
        %add3A_616 = arith.constant 14 : i32
        %add3A_617 = arith.addi %mul3A_615, %add3A_616 : i32
        %broadcast_in_dim3A_618 = vector.broadcast %add3A_617 : i32 to vector<16xi32>
        %gather3A_619 = tpu.vector_load_idx %arg6[%iota3A, %broadcast_in_dim3A_618] : memref<16x200xi32, #tpu.memory_space<vmem>>[vector<16xi32>, vector<16xi32>], vector<16xi32>,
        %lt3A_620 = arith.cmpi slt, %broadcast_in_dim3A_618, %get3A_205 : vector<16xi32>
        %mul3A_621 = arith.constant 20 : i32
        %mul3A_622 = arith.muli %scan3A_516, %mul3A_621 : i32
        %add3A_623 = arith.constant 15 : i32
        %add3A_624 = arith.addi %mul3A_622, %add3A_623 : i32
        %broadcast_in_dim3A_625 = vector.broadcast %add3A_624 : i32 to vector<16xi32>
        %gather3A_626 = tpu.vector_load_idx %arg6[%iota3A, %broadcast_in_dim3A_625] : memref<16x200xi32, #tpu.memory_space<vmem>>[vector<16xi32>, vector<16xi32>], vector<16xi32>,
        %lt3A_627 = arith.cmpi slt, %broadcast_in_dim3A_625, %get3A_205 : vector<16xi32>
        %mul3A_628 = arith.constant 20 : i32
        %mul3A_629 = arith.muli %scan3A_516, %mul3A_628 : i32
        %add3A_630 = arith.constant 16 : i32
        %add3A_631 = arith.addi %mul3A_629, %add3A_630 : i32
        %broadcast_in_dim3A_632 = vector.broadcast %add3A_631 : i32 to vector<16xi32>
        %gather3A_633 = tpu.vector_load_idx %arg6[%iota3A, %broadcast_in_dim3A_632] : memref<16x200xi32, #tpu.memory_space<vmem>>[vector<16xi32>, vector<16xi32>], vector<16xi32>,
        %lt3A_634 = arith.cmpi slt, %broadcast_in_dim3A_632, %get3A_205 : vector<16xi32>
        %mul3A_635 = arith.constant 20 : i32
        %mul3A_636 = arith.muli %scan3A_516, %mul3A_635 : i32
        %add3A_637 = arith.constant 17 : i32
        %add3A_638 = arith.addi %mul3A_636, %add3A_637 : i32
        %broadcast_in_dim3A_639 = vector.broadcast %add3A_638 : i32 to vector<16xi32>
        %gather3A_640 = tpu.vector_load_idx %arg6[%iota3A, %broadcast_in_dim3A_639] : memref<16x200xi32, #tpu.memory_space<vmem>>[vector<16xi32>, vector<16xi32>], vector<16xi32>,
        %lt3A_641 = arith.cmpi slt, %broadcast_in_dim3A_639, %get3A_205 : vector<16xi32>
        %mul3A_642 = arith.constant 20 : i32
        %mul3A_643 = arith.muli %scan3A_516, %mul3A_642 : i32
        %add3A_644 = arith.constant 18 : i32
        %add3A_645 = arith.addi %mul3A_643, %add3A_644 : i32
        %broadcast_in_dim3A_646 = vector.broadcast %add3A_645 : i32 to vector<16xi32>
        %gather3A_647 = tpu.vector_load_idx %arg6[%iota3A, %broadcast_in_dim3A_646] : memref<16x200xi32, #tpu.memory_space<vmem>>[vector<16xi32>, vector<16xi32>], vector<16xi32>,
        %lt3A_648 = arith.cmpi slt, %broadcast_in_dim3A_646, %get3A_205 : vector<16xi32>
        %mul3A_649 = arith.constant 20 : i32
        %mul3A_650 = arith.muli %scan3A_516, %mul3A_649 : i32
        %add3A_651 = arith.constant 19 : i32
        %add3A_652 = arith.addi %mul3A_650, %add3A_651 : i32
        %broadcast_in_dim3A_653 = vector.broadcast %add3A_652 : i32 to vector<16xi32>
        %gather3A_654 = tpu.vector_load_idx %arg6[%iota3A, %broadcast_in_dim3A_653] : memref<16x200xi32, #tpu.memory_space<vmem>>[vector<16xi32>, vector<16xi32>], vector<16xi32>,
        %lt3A_655 = arith.cmpi slt, %broadcast_in_dim3A_653, %get3A_205 : vector<16xi32>
        tpu.vector_store_idx %arg22[%iota3A, %gather3A], %broadcast_in_dim3A_207 masked %lt3A {add = true} : memref<16x1024xf32, #tpu.memory_space<vmem>>[vector<16xi32>, vector<16xi32>], vector<16xf32>, vector<16xi1>
        tpu.vector_store_idx %arg22[%iota3A, %gather3A_528], %broadcast_in_dim3A_207 masked %lt3A_529 {add = true} : memref<16x1024xf32, #tpu.memory_space<vmem>>[vector<16xi32>, vector<16xi32>], vector<16xf32>, vector<16xi1>
        tpu.vector_store_idx %arg22[%iota3A, %gather3A_535], %broadcast_in_dim3A_207 masked %lt3A_536 {add = true} : memref<16x1024xf32, #tpu.memory_space<vmem>>[vector<16xi32>, vector<16xi32>], vector<16xf32>, vector<16xi1>
        tpu.vector_store_idx %arg22[%iota3A, %gather3A_542], %broadcast_in_dim3A_207 masked %lt3A_543 {add = true} : memref<16x1024xf32, #tpu.memory_space<vmem>>[vector<16xi32>, vector<16xi32>], vector<16xf32>, vector<16xi1>
        tpu.vector_store_idx %arg22[%iota3A, %gather3A_549], %broadcast_in_dim3A_207 masked %lt3A_550 {add = true} : memref<16x1024xf32, #tpu.memory_space<vmem>>[vector<16xi32>, vector<16xi32>], vector<16xf32>, vector<16xi1>
        tpu.vector_store_idx %arg22[%iota3A, %gather3A_556], %broadcast_in_dim3A_207 masked %lt3A_557 {add = true} : memref<16x1024xf32, #tpu.memory_space<vmem>>[vector<16xi32>, vector<16xi32>], vector<16xf32>, vector<16xi1>
        tpu.vector_store_idx %arg22[%iota3A, %gather3A_563], %broadcast_in_dim3A_207 masked %lt3A_564 {add = true} : memref<16x1024xf32, #tpu.memory_space<vmem>>[vector<16xi32>, vector<16xi32>], vector<16xf32>, vector<16xi1>
        tpu.vector_store_idx %arg22[%iota3A, %gather3A_570], %broadcast_in_dim3A_207 masked %lt3A_571 {add = true} : memref<16x1024xf32, #tpu.memory_space<vmem>>[vector<16xi32>, vector<16xi32>], vector<16xf32>, vector<16xi1>
        tpu.vector_store_idx %arg22[%iota3A, %gather3A_577], %broadcast_in_dim3A_207 masked %lt3A_578 {add = true} : memref<16x1024xf32, #tpu.memory_space<vmem>>[vector<16xi32>, vector<16xi32>], vector<16xf32>, vector<16xi1>
        tpu.vector_store_idx %arg22[%iota3A, %gather3A_584], %broadcast_in_dim3A_207 masked %lt3A_585 {add = true} : memref<16x1024xf32, #tpu.memory_space<vmem>>[vector<16xi32>, vector<16xi32>], vector<16xf32>, vector<16xi1>
        tpu.vector_store_idx %arg22[%iota3A, %gather3A_591], %broadcast_in_dim3A_207 masked %lt3A_592 {add = true} : memref<16x1024xf32, #tpu.memory_space<vmem>>[vector<16xi32>, vector<16xi32>], vector<16xf32>, vector<16xi1>
        tpu.vector_store_idx %arg22[%iota3A, %gather3A_598], %broadcast_in_dim3A_207 masked %lt3A_599 {add = true} : memref<16x1024xf32, #tpu.memory_space<vmem>>[vector<16xi32>, vector<16xi32>], vector<16xf32>, vector<16xi1>
        tpu.vector_store_idx %arg22[%iota3A, %gather3A_605], %broadcast_in_dim3A_207 masked %lt3A_606 {add = true} : memref<16x1024xf32, #tpu.memory_space<vmem>>[vector<16xi32>, vector<16xi32>], vector<16xf32>, vector<16xi1>
        tpu.vector_store_idx %arg22[%iota3A, %gather3A_612], %broadcast_in_dim3A_207 masked %lt3A_613 {add = true} : memref<16x1024xf32, #tpu.memory_space<vmem>>[vector<16xi32>, vector<16xi32>], vector<16xf32>, vector<16xi1>
        tpu.vector_store_idx %arg22[%iota3A, %gather3A_619], %broadcast_in_dim3A_207 masked %lt3A_620 {add = true} : memref<16x1024xf32, #tpu.memory_space<vmem>>[vector<16xi32>, vector<16xi32>], vector<16xf32>, vector<16xi1>
        tpu.vector_store_idx %arg22[%iota3A, %gather3A_626], %broadcast_in_dim3A_207 masked %lt3A_627 {add = true} : memref<16x1024xf32, #tpu.memory_space<vmem>>[vector<16xi32>, vector<16xi32>], vector<16xf32>, vector<16xi1>
        tpu.vector_store_idx %arg22[%iota3A, %gather3A_633], %broadcast_in_dim3A_207 masked %lt3A_634 {add = true} : memref<16x1024xf32, #tpu.memory_space<vmem>>[vector<16xi32>, vector<16xi32>], vector<16xf32>, vector<16xi1>
        tpu.vector_store_idx %arg22[%iota3A, %gather3A_640], %broadcast_in_dim3A_207 masked %lt3A_641 {add = true} : memref<16x1024xf32, #tpu.memory_space<vmem>>[vector<16xi32>, vector<16xi32>], vector<16xf32>, vector<16xi1>
        tpu.vector_store_idx %arg22[%iota3A, %gather3A_647], %broadcast_in_dim3A_207 masked %lt3A_648 {add = true} : memref<16x1024xf32, #tpu.memory_space<vmem>>[vector<16xi32>, vector<16xi32>], vector<16xf32>, vector<16xi1>
        tpu.vector_store_idx %arg22[%iota3A, %gather3A_654], %broadcast_in_dim3A_207 masked %lt3A_655 {add = true} : memref<16x1024xf32, #tpu.memory_space<vmem>>[vector<16xi32>, vector<16xi32>], vector<16xf32>, vector<16xi1>
        %scan3A_656 = arith.constant 0 : i32
        scf.yield %scan3A_656 : i32
      }
      %scan3A_214 = arith.constant 10 : i32
      %mul3A_215 = arith.constant 16 : i32
      %mul3A_216 = arith.muli %add3A_192, %mul3A_215 : i32
      %add3A_217 = arith.addi %mul3A_3, %mul3A_216 : i32
      %dma_start3A_218 = arith.constant 0 : i32
      %dma_start3A_219 = tpu.memref_slice %arg4[%add3A_217, %dma_start3A_218] : memref<16384x1024xf32, #tpu.memory_space<hbm>> -> memref<16x1024xf32, #tpu.memory_space<hbm>>
      %dma_start3A_220 = arith.constant 0 : i32
      %dma_start3A_221 = tpu.memref_slice %arg4[%add3A_217, %dma_start3A_220] : memref<16384x1024xf32, #tpu.memory_space<hbm>> -> memref<16x1024xf32, #tpu.memory_space<hbm>>
      tpu.enqueue_dma source(%arg22 : memref<16x1024xf32, #tpu.memory_space<vmem>>) target(%dma_start3A_221 : memref<16x1024xf32, #tpu.memory_space<hbm>>) target_semaphore(%arg32 : memref<!tpu.dma_semaphore, #tpu.memory_space<semaphore_mem>>)
      %mul3A_222 = arith.constant 8 : i32
      %mul3A_223 = arith.muli %scan3A_158, %mul3A_222 : i32
      %add3A_224 = arith.constant 2 : i32
      %add3A_225 = arith.addi %mul3A_223, %add3A_224 : i32
      %dma_wait3A_226 = arith.constant 0 : i32
      %dma_wait3A_227 = arith.constant 0 : i32
      %dma_wait3A_228 = tpu.memref_slice %arg4[%dma_wait3A_226, %dma_wait3A_227] : memref<16384x1024xf32, #tpu.memory_space<hbm>> -> memref<16x1024xf32, #tpu.memory_space<hbm>>
      %dma_wait3A_229 = arith.constant 0 : i32
      %dma_wait3A_230 = arith.constant 0 : i32
      %dma_wait3A_231 = tpu.memref_slice %arg4[%dma_wait3A_229, %dma_wait3A_230] : memref<16384x1024xf32, #tpu.memory_space<hbm>> -> memref<16x1024xf32, #tpu.memory_space<hbm>>
      tpu.wait_dma2 semaphore(%arg31 : memref<!tpu.dma_semaphore, #tpu.memory_space<semaphore_mem>>) src(%arg21 : memref<16x1024xf32, #tpu.memory_space<vmem>>) dst(%dma_wait3A_231 : memref<16x1024xf32, #tpu.memory_space<hbm>>)
      %add3A_232 = arith.constant 8 : i32
      %add3A_233 = arith.addi %add3A_225, %add3A_232 : i32
      %sub3A = arith.constant 2 : i32
      %sub3A_234 = arith.subi %add3A_233, %sub3A : i32
      %min3A_235 = arith.constant 31 : i32
      %min3A_236 = arith.minsi %sub3A_234, %min3A_235 : i32
      %mul3A_237 = arith.constant 16 : i32
      %mul3A_238 = arith.muli %min3A_236, %mul3A_237 : i32
      %add3A_239 = arith.addi %mul3A_3, %mul3A_238 : i32
      %dma_start3A_240 = arith.constant 0 : i32
      %dma_start3A_241 = tpu.memref_slice %arg2[%add3A_239, %dma_start3A_240] : memref<16384x200xi32, #tpu.memory_space<hbm>> -> memref<16x200xi32, #tpu.memory_space<hbm>>
      %dma_start3A_242 = arith.constant 0 : i32
      %dma_start3A_243 = tpu.memref_slice %arg2[%add3A_239, %dma_start3A_242] : memref<16384x200xi32, #tpu.memory_space<hbm>> -> memref<16x200xi32, #tpu.memory_space<hbm>>
      tpu.enqueue_dma source(%dma_start3A_243 : memref<16x200xi32, #tpu.memory_space<hbm>>) target(%arg5 : memref<16x200xi32, #tpu.memory_space<vmem>>) target_semaphore(%arg23 : memref<!tpu.dma_semaphore, #tpu.memory_space<semaphore_mem>>)
      %dma_start3A_244 = tpu.memref_slice %arg3[%add3A_239] : memref<16384xi32, #tpu.memory_space<hbm>> -> memref<16xi32, #tpu.memory_space<hbm>>
      %dma_start3A_245 = tpu.memref_slice %arg3[%add3A_239] : memref<16384xi32, #tpu.memory_space<hbm>> -> memref<16xi32, #tpu.memory_space<hbm>>
      tpu.enqueue_dma source(%dma_start3A_245 : memref<16xi32, #tpu.memory_space<hbm>>) target(%arg13 : memref<16xi32, #tpu.memory_space<vmem>>) target_semaphore(%arg23 : memref<!tpu.dma_semaphore, #tpu.memory_space<semaphore_mem>>)
      %dma_wait3A_246 = arith.constant 0 : i32
      %dma_wait3A_247 = tpu.memref_slice %arg2[%mul3A_3, %dma_wait3A_246] : memref<16384x200xi32, #tpu.memory_space<hbm>> -> memref<16x200xi32, #tpu.memory_space<hbm>>
      %dma_wait3A_248 = arith.constant 0 : i32
      %dma_wait3A_249 = tpu.memref_slice %arg2[%mul3A_3, %dma_wait3A_248] : memref<16384x200xi32, #tpu.memory_space<hbm>> -> memref<16x200xi32, #tpu.memory_space<hbm>>
      tpu.wait_dma2 semaphore(%arg25 : memref<!tpu.dma_semaphore, #tpu.memory_space<semaphore_mem>>) src(%dma_wait3A_249 : memref<16x200xi32, #tpu.memory_space<hbm>>) dst(%arg7 : memref<16x200xi32, #tpu.memory_space<vmem>>)
      %dma_wait3A_250 = tpu.memref_slice %arg3[%mul3A_3] : memref<16384xi32, #tpu.memory_space<hbm>> -> memref<16xi32, #tpu.memory_space<hbm>>
      %dma_wait3A_251 = tpu.memref_slice %arg3[%mul3A_3] : memref<16384xi32, #tpu.memory_space<hbm>> -> memref<16xi32, #tpu.memory_space<hbm>>
      tpu.wait_dma2 semaphore(%arg25 : memref<!tpu.dma_semaphore, #tpu.memory_space<semaphore_mem>>) src(%dma_wait3A_251 : memref<16xi32, #tpu.memory_space<hbm>>) dst(%arg15 : memref<16xi32, #tpu.memory_space<vmem>>)
      %get3A_252 = arith.constant 0 : index
      %get3A_253 = tpu.vector_load %arg15[%get3A_252] {strides = array<i32>} : memref<16xi32, #tpu.memory_space<vmem>>, vector<16xi32>,
      %broadcast_in_dim3A_254 = arith.constant 1.000000e+00 : f32
      %broadcast_in_dim3A_255 = vector.broadcast %broadcast_in_dim3A_254 : f32 to vector<16xf32>
      %scan3A_256 = arith.constant 0 : i32
      %scan3A_257 = arith.constant 0 : i32
      %scan3A_258 = arith.constant 10 : i32
      %scan3A_259 = arith.addi %scan3A_257, %scan3A_258 : i32
      %scan3A_260 = arith.constant 1 : i32
      %scan3A_261 = scf.for %scan3A_516 = %scan3A_257 to %scan3A_259 step %scan3A_260 iter_args(%scan3A_517 = %scan3A_256) -> (i32)  : i32 {
        %mul3A_518 = arith.constant 20 : i32
        %mul3A_519 = arith.muli %scan3A_516, %mul3A_518 : i32
        %add3A_520 = arith.constant 0 : i32
        %add3A_521 = arith.addi %mul3A_519, %add3A_520 : i32
        %broadcast_in_dim3A_522 = vector.broadcast %add3A_521 : i32 to vector<16xi32>
        %gather3A = tpu.vector_load_idx %arg7[%iota3A, %broadcast_in_dim3A_522] : memref<16x200xi32, #tpu.memory_space<vmem>>[vector<16xi32>, vector<16xi32>], vector<16xi32>,
        %lt3A = arith.cmpi slt, %broadcast_in_dim3A_522, %get3A_253 : vector<16xi32>
        %mul3A_523 = arith.constant 20 : i32
        %mul3A_524 = arith.muli %scan3A_516, %mul3A_523 : i32
        %add3A_525 = arith.constant 1 : i32
        %add3A_526 = arith.addi %mul3A_524, %add3A_525 : i32
        %broadcast_in_dim3A_527 = vector.broadcast %add3A_526 : i32 to vector<16xi32>
        %gather3A_528 = tpu.vector_load_idx %arg7[%iota3A, %broadcast_in_dim3A_527] : memref<16x200xi32, #tpu.memory_space<vmem>>[vector<16xi32>, vector<16xi32>], vector<16xi32>,
        %lt3A_529 = arith.cmpi slt, %broadcast_in_dim3A_527, %get3A_253 : vector<16xi32>
        %mul3A_530 = arith.constant 20 : i32
        %mul3A_531 = arith.muli %scan3A_516, %mul3A_530 : i32
        %add3A_532 = arith.constant 2 : i32
        %add3A_533 = arith.addi %mul3A_531, %add3A_532 : i32
        %broadcast_in_dim3A_534 = vector.broadcast %add3A_533 : i32 to vector<16xi32>
        %gather3A_535 = tpu.vector_load_idx %arg7[%iota3A, %broadcast_in_dim3A_534] : memref<16x200xi32, #tpu.memory_space<vmem>>[vector<16xi32>, vector<16xi32>], vector<16xi32>,
        %lt3A_536 = arith.cmpi slt, %broadcast_in_dim3A_534, %get3A_253 : vector<16xi32>
        %mul3A_537 = arith.constant 20 : i32
        %mul3A_538 = arith.muli %scan3A_516, %mul3A_537 : i32
        %add3A_539 = arith.constant 3 : i32
        %add3A_540 = arith.addi %mul3A_538, %add3A_539 : i32
        %broadcast_in_dim3A_541 = vector.broadcast %add3A_540 : i32 to vector<16xi32>
        %gather3A_542 = tpu.vector_load_idx %arg7[%iota3A, %broadcast_in_dim3A_541] : memref<16x200xi32, #tpu.memory_space<vmem>>[vector<16xi32>, vector<16xi32>], vector<16xi32>,
        %lt3A_543 = arith.cmpi slt, %broadcast_in_dim3A_541, %get3A_253 : vector<16xi32>
        %mul3A_544 = arith.constant 20 : i32
        %mul3A_545 = arith.muli %scan3A_516, %mul3A_544 : i32
        %add3A_546 = arith.constant 4 : i32
        %add3A_547 = arith.addi %mul3A_545, %add3A_546 : i32
        %broadcast_in_dim3A_548 = vector.broadcast %add3A_547 : i32 to vector<16xi32>
        %gather3A_549 = tpu.vector_load_idx %arg7[%iota3A, %broadcast_in_dim3A_548] : memref<16x200xi32, #tpu.memory_space<vmem>>[vector<16xi32>, vector<16xi32>], vector<16xi32>,
        %lt3A_550 = arith.cmpi slt, %broadcast_in_dim3A_548, %get3A_253 : vector<16xi32>
        %mul3A_551 = arith.constant 20 : i32
        %mul3A_552 = arith.muli %scan3A_516, %mul3A_551 : i32
        %add3A_553 = arith.constant 5 : i32
        %add3A_554 = arith.addi %mul3A_552, %add3A_553 : i32
        %broadcast_in_dim3A_555 = vector.broadcast %add3A_554 : i32 to vector<16xi32>
        %gather3A_556 = tpu.vector_load_idx %arg7[%iota3A, %broadcast_in_dim3A_555] : memref<16x200xi32, #tpu.memory_space<vmem>>[vector<16xi32>, vector<16xi32>], vector<16xi32>,
        %lt3A_557 = arith.cmpi slt, %broadcast_in_dim3A_555, %get3A_253 : vector<16xi32>
        %mul3A_558 = arith.constant 20 : i32
        %mul3A_559 = arith.muli %scan3A_516, %mul3A_558 : i32
        %add3A_560 = arith.constant 6 : i32
        %add3A_561 = arith.addi %mul3A_559, %add3A_560 : i32
        %broadcast_in_dim3A_562 = vector.broadcast %add3A_561 : i32 to vector<16xi32>
        %gather3A_563 = tpu.vector_load_idx %arg7[%iota3A, %broadcast_in_dim3A_562] : memref<16x200xi32, #tpu.memory_space<vmem>>[vector<16xi32>, vector<16xi32>], vector<16xi32>,
        %lt3A_564 = arith.cmpi slt, %broadcast_in_dim3A_562, %get3A_253 : vector<16xi32>
        %mul3A_565 = arith.constant 20 : i32
        %mul3A_566 = arith.muli %scan3A_516, %mul3A_565 : i32
        %add3A_567 = arith.constant 7 : i32
        %add3A_568 = arith.addi %mul3A_566, %add3A_567 : i32
        %broadcast_in_dim3A_569 = vector.broadcast %add3A_568 : i32 to vector<16xi32>
        %gather3A_570 = tpu.vector_load_idx %arg7[%iota3A, %broadcast_in_dim3A_569] : memref<16x200xi32, #tpu.memory_space<vmem>>[vector<16xi32>, vector<16xi32>], vector<16xi32>,
        %lt3A_571 = arith.cmpi slt, %broadcast_in_dim3A_569, %get3A_253 : vector<16xi32>
        %mul3A_572 = arith.constant 20 : i32
        %mul3A_573 = arith.muli %scan3A_516, %mul3A_572 : i32
        %add3A_574 = arith.constant 8 : i32
        %add3A_575 = arith.addi %mul3A_573, %add3A_574 : i32
        %broadcast_in_dim3A_576 = vector.broadcast %add3A_575 : i32 to vector<16xi32>
        %gather3A_577 = tpu.vector_load_idx %arg7[%iota3A, %broadcast_in_dim3A_576] : memref<16x200xi32, #tpu.memory_space<vmem>>[vector<16xi32>, vector<16xi32>], vector<16xi32>,
        %lt3A_578 = arith.cmpi slt, %broadcast_in_dim3A_576, %get3A_253 : vector<16xi32>
        %mul3A_579 = arith.constant 20 : i32
        %mul3A_580 = arith.muli %scan3A_516, %mul3A_579 : i32
        %add3A_581 = arith.constant 9 : i32
        %add3A_582 = arith.addi %mul3A_580, %add3A_581 : i32
        %broadcast_in_dim3A_583 = vector.broadcast %add3A_582 : i32 to vector<16xi32>
        %gather3A_584 = tpu.vector_load_idx %arg7[%iota3A, %broadcast_in_dim3A_583] : memref<16x200xi32, #tpu.memory_space<vmem>>[vector<16xi32>, vector<16xi32>], vector<16xi32>,
        %lt3A_585 = arith.cmpi slt, %broadcast_in_dim3A_583, %get3A_253 : vector<16xi32>
        %mul3A_586 = arith.constant 20 : i32
        %mul3A_587 = arith.muli %scan3A_516, %mul3A_586 : i32
        %add3A_588 = arith.constant 10 : i32
        %add3A_589 = arith.addi %mul3A_587, %add3A_588 : i32
        %broadcast_in_dim3A_590 = vector.broadcast %add3A_589 : i32 to vector<16xi32>
        %gather3A_591 = tpu.vector_load_idx %arg7[%iota3A, %broadcast_in_dim3A_590] : memref<16x200xi32, #tpu.memory_space<vmem>>[vector<16xi32>, vector<16xi32>], vector<16xi32>,
        %lt3A_592 = arith.cmpi slt, %broadcast_in_dim3A_590, %get3A_253 : vector<16xi32>
        %mul3A_593 = arith.constant 20 : i32
        %mul3A_594 = arith.muli %scan3A_516, %mul3A_593 : i32
        %add3A_595 = arith.constant 11 : i32
        %add3A_596 = arith.addi %mul3A_594, %add3A_595 : i32
        %broadcast_in_dim3A_597 = vector.broadcast %add3A_596 : i32 to vector<16xi32>
        %gather3A_598 = tpu.vector_load_idx %arg7[%iota3A, %broadcast_in_dim3A_597] : memref<16x200xi32, #tpu.memory_space<vmem>>[vector<16xi32>, vector<16xi32>], vector<16xi32>,
        %lt3A_599 = arith.cmpi slt, %broadcast_in_dim3A_597, %get3A_253 : vector<16xi32>
        %mul3A_600 = arith.constant 20 : i32
        %mul3A_601 = arith.muli %scan3A_516, %mul3A_600 : i32
        %add3A_602 = arith.constant 12 : i32
        %add3A_603 = arith.addi %mul3A_601, %add3A_602 : i32
        %broadcast_in_dim3A_604 = vector.broadcast %add3A_603 : i32 to vector<16xi32>
        %gather3A_605 = tpu.vector_load_idx %arg7[%iota3A, %broadcast_in_dim3A_604] : memref<16x200xi32, #tpu.memory_space<vmem>>[vector<16xi32>, vector<16xi32>], vector<16xi32>,
        %lt3A_606 = arith.cmpi slt, %broadcast_in_dim3A_604, %get3A_253 : vector<16xi32>
        %mul3A_607 = arith.constant 20 : i32
        %mul3A_608 = arith.muli %scan3A_516, %mul3A_607 : i32
        %add3A_609 = arith.constant 13 : i32
        %add3A_610 = arith.addi %mul3A_608, %add3A_609 : i32
        %broadcast_in_dim3A_611 = vector.broadcast %add3A_610 : i32 to vector<16xi32>
        %gather3A_612 = tpu.vector_load_idx %arg7[%iota3A, %broadcast_in_dim3A_611] : memref<16x200xi32, #tpu.memory_space<vmem>>[vector<16xi32>, vector<16xi32>], vector<16xi32>,
        %lt3A_613 = arith.cmpi slt, %broadcast_in_dim3A_611, %get3A_253 : vector<16xi32>
        %mul3A_614 = arith.constant 20 : i32
        %mul3A_615 = arith.muli %scan3A_516, %mul3A_614 : i32
        %add3A_616 = arith.constant 14 : i32
        %add3A_617 = arith.addi %mul3A_615, %add3A_616 : i32
        %broadcast_in_dim3A_618 = vector.broadcast %add3A_617 : i32 to vector<16xi32>
        %gather3A_619 = tpu.vector_load_idx %arg7[%iota3A, %broadcast_in_dim3A_618] : memref<16x200xi32, #tpu.memory_space<vmem>>[vector<16xi32>, vector<16xi32>], vector<16xi32>,
        %lt3A_620 = arith.cmpi slt, %broadcast_in_dim3A_618, %get3A_253 : vector<16xi32>
        %mul3A_621 = arith.constant 20 : i32
        %mul3A_622 = arith.muli %scan3A_516, %mul3A_621 : i32
        %add3A_623 = arith.constant 15 : i32
        %add3A_624 = arith.addi %mul3A_622, %add3A_623 : i32
        %broadcast_in_dim3A_625 = vector.broadcast %add3A_624 : i32 to vector<16xi32>
        %gather3A_626 = tpu.vector_load_idx %arg7[%iota3A, %broadcast_in_dim3A_625] : memref<16x200xi32, #tpu.memory_space<vmem>>[vector<16xi32>, vector<16xi32>], vector<16xi32>,
        %lt3A_627 = arith.cmpi slt, %broadcast_in_dim3A_625, %get3A_253 : vector<16xi32>
        %mul3A_628 = arith.constant 20 : i32
        %mul3A_629 = arith.muli %scan3A_516, %mul3A_628 : i32
        %add3A_630 = arith.constant 16 : i32
        %add3A_631 = arith.addi %mul3A_629, %add3A_630 : i32
        %broadcast_in_dim3A_632 = vector.broadcast %add3A_631 : i32 to vector<16xi32>
        %gather3A_633 = tpu.vector_load_idx %arg7[%iota3A, %broadcast_in_dim3A_632] : memref<16x200xi32, #tpu.memory_space<vmem>>[vector<16xi32>, vector<16xi32>], vector<16xi32>,
        %lt3A_634 = arith.cmpi slt, %broadcast_in_dim3A_632, %get3A_253 : vector<16xi32>
        %mul3A_635 = arith.constant 20 : i32
        %mul3A_636 = arith.muli %scan3A_516, %mul3A_635 : i32
        %add3A_637 = arith.constant 17 : i32
        %add3A_638 = arith.addi %mul3A_636, %add3A_637 : i32
        %broadcast_in_dim3A_639 = vector.broadcast %add3A_638 : i32 to vector<16xi32>
        %gather3A_640 = tpu.vector_load_idx %arg7[%iota3A, %broadcast_in_dim3A_639] : memref<16x200xi32, #tpu.memory_space<vmem>>[vector<16xi32>, vector<16xi32>], vector<16xi32>,
        %lt3A_641 = arith.cmpi slt, %broadcast_in_dim3A_639, %get3A_253 : vector<16xi32>
        %mul3A_642 = arith.constant 20 : i32
        %mul3A_643 = arith.muli %scan3A_516, %mul3A_642 : i32
        %add3A_644 = arith.constant 18 : i32
        %add3A_645 = arith.addi %mul3A_643, %add3A_644 : i32
        %broadcast_in_dim3A_646 = vector.broadcast %add3A_645 : i32 to vector<16xi32>
        %gather3A_647 = tpu.vector_load_idx %arg7[%iota3A, %broadcast_in_dim3A_646] : memref<16x200xi32, #tpu.memory_space<vmem>>[vector<16xi32>, vector<16xi32>], vector<16xi32>,
        %lt3A_648 = arith.cmpi slt, %broadcast_in_dim3A_646, %get3A_253 : vector<16xi32>
        %mul3A_649 = arith.constant 20 : i32
        %mul3A_650 = arith.muli %scan3A_516, %mul3A_649 : i32
        %add3A_651 = arith.constant 19 : i32
        %add3A_652 = arith.addi %mul3A_650, %add3A_651 : i32
        %broadcast_in_dim3A_653 = vector.broadcast %add3A_652 : i32 to vector<16xi32>
        %gather3A_654 = tpu.vector_load_idx %arg7[%iota3A, %broadcast_in_dim3A_653] : memref<16x200xi32, #tpu.memory_space<vmem>>[vector<16xi32>, vector<16xi32>], vector<16xi32>,
        %lt3A_655 = arith.cmpi slt, %broadcast_in_dim3A_653, %get3A_253 : vector<16xi32>
        tpu.vector_store_idx %arg21[%iota3A, %gather3A], %broadcast_in_dim3A_255 masked %lt3A {add = true} : memref<16x1024xf32, #tpu.memory_space<vmem>>[vector<16xi32>, vector<16xi32>], vector<16xf32>, vector<16xi1>
        tpu.vector_store_idx %arg21[%iota3A, %gather3A_528], %broadcast_in_dim3A_255 masked %lt3A_529 {add = true} : memref<16x1024xf32, #tpu.memory_space<vmem>>[vector<16xi32>, vector<16xi32>], vector<16xf32>, vector<16xi1>
        tpu.vector_store_idx %arg21[%iota3A, %gather3A_535], %broadcast_in_dim3A_255 masked %lt3A_536 {add = true} : memref<16x1024xf32, #tpu.memory_space<vmem>>[vector<16xi32>, vector<16xi32>], vector<16xf32>, vector<16xi1>
        tpu.vector_store_idx %arg21[%iota3A, %gather3A_542], %broadcast_in_dim3A_255 masked %lt3A_543 {add = true} : memref<16x1024xf32, #tpu.memory_space<vmem>>[vector<16xi32>, vector<16xi32>], vector<16xf32>, vector<16xi1>
        tpu.vector_store_idx %arg21[%iota3A, %gather3A_549], %broadcast_in_dim3A_255 masked %lt3A_550 {add = true} : memref<16x1024xf32, #tpu.memory_space<vmem>>[vector<16xi32>, vector<16xi32>], vector<16xf32>, vector<16xi1>
        tpu.vector_store_idx %arg21[%iota3A, %gather3A_556], %broadcast_in_dim3A_255 masked %lt3A_557 {add = true} : memref<16x1024xf32, #tpu.memory_space<vmem>>[vector<16xi32>, vector<16xi32>], vector<16xf32>, vector<16xi1>
        tpu.vector_store_idx %arg21[%iota3A, %gather3A_563], %broadcast_in_dim3A_255 masked %lt3A_564 {add = true} : memref<16x1024xf32, #tpu.memory_space<vmem>>[vector<16xi32>, vector<16xi32>], vector<16xf32>, vector<16xi1>
        tpu.vector_store_idx %arg21[%iota3A, %gather3A_570], %broadcast_in_dim3A_255 masked %lt3A_571 {add = true} : memref<16x1024xf32, #tpu.memory_space<vmem>>[vector<16xi32>, vector<16xi32>], vector<16xf32>, vector<16xi1>
        tpu.vector_store_idx %arg21[%iota3A, %gather3A_577], %broadcast_in_dim3A_255 masked %lt3A_578 {add = true} : memref<16x1024xf32, #tpu.memory_space<vmem>>[vector<16xi32>, vector<16xi32>], vector<16xf32>, vector<16xi1>
        tpu.vector_store_idx %arg21[%iota3A, %gather3A_584], %broadcast_in_dim3A_255 masked %lt3A_585 {add = true} : memref<16x1024xf32, #tpu.memory_space<vmem>>[vector<16xi32>, vector<16xi32>], vector<16xf32>, vector<16xi1>
        tpu.vector_store_idx %arg21[%iota3A, %gather3A_591], %broadcast_in_dim3A_255 masked %lt3A_592 {add = true} : memref<16x1024xf32, #tpu.memory_space<vmem>>[vector<16xi32>, vector<16xi32>], vector<16xf32>, vector<16xi1>
        tpu.vector_store_idx %arg21[%iota3A, %gather3A_598], %broadcast_in_dim3A_255 masked %lt3A_599 {add = true} : memref<16x1024xf32, #tpu.memory_space<vmem>>[vector<16xi32>, vector<16xi32>], vector<16xf32>, vector<16xi1>
        tpu.vector_store_idx %arg21[%iota3A, %gather3A_605], %broadcast_in_dim3A_255 masked %lt3A_606 {add = true} : memref<16x1024xf32, #tpu.memory_space<vmem>>[vector<16xi32>, vector<16xi32>], vector<16xf32>, vector<16xi1>
        tpu.vector_store_idx %arg21[%iota3A, %gather3A_612], %broadcast_in_dim3A_255 masked %lt3A_613 {add = true} : memref<16x1024xf32, #tpu.memory_space<vmem>>[vector<16xi32>, vector<16xi32>], vector<16xf32>, vector<16xi1>
        tpu.vector_store_idx %arg21[%iota3A, %gather3A_619], %broadcast_in_dim3A_255 masked %lt3A_620 {add = true} : memref<16x1024xf32, #tpu.memory_space<vmem>>[vector<16xi32>, vector<16xi32>], vector<16xf32>, vector<16xi1>
        tpu.vector_store_idx %arg21[%iota3A, %gather3A_626], %broadcast_in_dim3A_255 masked %lt3A_627 {add = true} : memref<16x1024xf32, #tpu.memory_space<vmem>>[vector<16xi32>, vector<16xi32>], vector<16xf32>, vector<16xi1>
        tpu.vector_store_idx %arg21[%iota3A, %gather3A_633], %broadcast_in_dim3A_255 masked %lt3A_634 {add = true} : memref<16x1024xf32, #tpu.memory_space<vmem>>[vector<16xi32>, vector<16xi32>], vector<16xf32>, vector<16xi1>
        tpu.vector_store_idx %arg21[%iota3A, %gather3A_640], %broadcast_in_dim3A_255 masked %lt3A_641 {add = true} : memref<16x1024xf32, #tpu.memory_space<vmem>>[vector<16xi32>, vector<16xi32>], vector<16xf32>, vector<16xi1>
        tpu.vector_store_idx %arg21[%iota3A, %gather3A_647], %broadcast_in_dim3A_255 masked %lt3A_648 {add = true} : memref<16x1024xf32, #tpu.memory_space<vmem>>[vector<16xi32>, vector<16xi32>], vector<16xf32>, vector<16xi1>
        tpu.vector_store_idx %arg21[%iota3A, %gather3A_654], %broadcast_in_dim3A_255 masked %lt3A_655 {add = true} : memref<16x1024xf32, #tpu.memory_space<vmem>>[vector<16xi32>, vector<16xi32>], vector<16xf32>, vector<16xi1>
        %scan3A_656 = arith.constant 0 : i32
        scf.yield %scan3A_656 : i32
      }
      %scan3A_262 = arith.constant 10 : i32
      %mul3A_263 = arith.constant 16 : i32
      %mul3A_264 = arith.muli %add3A_225, %mul3A_263 : i32
      %add3A_265 = arith.addi %mul3A_3, %mul3A_264 : i32
      %dma_start3A_266 = arith.constant 0 : i32
      %dma_start3A_267 = tpu.memref_slice %arg4[%add3A_265, %dma_start3A_266] : memref<16384x1024xf32, #tpu.memory_space<hbm>> -> memref<16x1024xf32, #tpu.memory_space<hbm>>
      %dma_start3A_268 = arith.constant 0 : i32
      %dma_start3A_269 = tpu.memref_slice %arg4[%add3A_265, %dma_start3A_268] : memref<16384x1024xf32, #tpu.memory_space<hbm>> -> memref<16x1024xf32, #tpu.memory_space<hbm>>
      tpu.enqueue_dma source(%arg21 : memref<16x1024xf32, #tpu.memory_space<vmem>>) target(%dma_start3A_269 : memref<16x1024xf32, #tpu.memory_space<hbm>>) target_semaphore(%arg31 : memref<!tpu.dma_semaphore, #tpu.memory_space<semaphore_mem>>)
      %mul3A_270 = arith.constant 8 : i32
      %mul3A_271 = arith.muli %scan3A_158, %mul3A_270 : i32
      %add3A_272 = arith.constant 3 : i32
      %add3A_273 = arith.addi %mul3A_271, %add3A_272 : i32
      %dma_wait3A_274 = arith.constant 0 : i32
      %dma_wait3A_275 = arith.constant 0 : i32
      %dma_wait3A_276 = tpu.memref_slice %arg4[%dma_wait3A_274, %dma_wait3A_275] : memref<16384x1024xf32, #tpu.memory_space<hbm>> -> memref<16x1024xf32, #tpu.memory_space<hbm>>
      %dma_wait3A_277 = arith.constant 0 : i32
      %dma_wait3A_278 = arith.constant 0 : i32
      %dma_wait3A_279 = tpu.memref_slice %arg4[%dma_wait3A_277, %dma_wait3A_278] : memref<16384x1024xf32, #tpu.memory_space<hbm>> -> memref<16x1024xf32, #tpu.memory_space<hbm>>
      tpu.wait_dma2 semaphore(%arg32 : memref<!tpu.dma_semaphore, #tpu.memory_space<semaphore_mem>>) src(%arg22 : memref<16x1024xf32, #tpu.memory_space<vmem>>) dst(%dma_wait3A_279 : memref<16x1024xf32, #tpu.memory_space<hbm>>)
      %add3A_280 = arith.constant 8 : i32
      %add3A_281 = arith.addi %add3A_273, %add3A_280 : i32
      %sub3A_282 = arith.constant 2 : i32
      %sub3A_283 = arith.subi %add3A_281, %sub3A_282 : i32
      %min3A_284 = arith.constant 31 : i32
      %min3A_285 = arith.minsi %sub3A_283, %min3A_284 : i32
      %mul3A_286 = arith.constant 16 : i32
      %mul3A_287 = arith.muli %min3A_285, %mul3A_286 : i32
      %add3A_288 = arith.addi %mul3A_3, %mul3A_287 : i32
      %dma_start3A_289 = arith.constant 0 : i32
      %dma_start3A_290 = tpu.memref_slice %arg2[%add3A_288, %dma_start3A_289] : memref<16384x200xi32, #tpu.memory_space<hbm>> -> memref<16x200xi32, #tpu.memory_space<hbm>>
      %dma_start3A_291 = arith.constant 0 : i32
      %dma_start3A_292 = tpu.memref_slice %arg2[%add3A_288, %dma_start3A_291] : memref<16384x200xi32, #tpu.memory_space<hbm>> -> memref<16x200xi32, #tpu.memory_space<hbm>>
      tpu.enqueue_dma source(%dma_start3A_292 : memref<16x200xi32, #tpu.memory_space<hbm>>) target(%arg6 : memref<16x200xi32, #tpu.memory_space<vmem>>) target_semaphore(%arg24 : memref<!tpu.dma_semaphore, #tpu.memory_space<semaphore_mem>>)
      %dma_start3A_293 = tpu.memref_slice %arg3[%add3A_288] : memref<16384xi32, #tpu.memory_space<hbm>> -> memref<16xi32, #tpu.memory_space<hbm>>
      %dma_start3A_294 = tpu.memref_slice %arg3[%add3A_288] : memref<16384xi32, #tpu.memory_space<hbm>> -> memref<16xi32, #tpu.memory_space<hbm>>
      tpu.enqueue_dma source(%dma_start3A_294 : memref<16xi32, #tpu.memory_space<hbm>>) target(%arg14 : memref<16xi32, #tpu.memory_space<vmem>>) target_semaphore(%arg24 : memref<!tpu.dma_semaphore, #tpu.memory_space<semaphore_mem>>)
      %dma_wait3A_295 = arith.constant 0 : i32
      %dma_wait3A_296 = tpu.memref_slice %arg2[%mul3A_3, %dma_wait3A_295] : memref<16384x200xi32, #tpu.memory_space<hbm>> -> memref<16x200xi32, #tpu.memory_space<hbm>>
      %dma_wait3A_297 = arith.constant 0 : i32
      %dma_wait3A_298 = tpu.memref_slice %arg2[%mul3A_3, %dma_wait3A_297] : memref<16384x200xi32, #tpu.memory_space<hbm>> -> memref<16x200xi32, #tpu.memory_space<hbm>>
      tpu.wait_dma2 semaphore(%arg26 : memref<!tpu.dma_semaphore, #tpu.memory_space<semaphore_mem>>) src(%dma_wait3A_298 : memref<16x200xi32, #tpu.memory_space<hbm>>) dst(%arg8 : memref<16x200xi32, #tpu.memory_space<vmem>>)
      %dma_wait3A_299 = tpu.memref_slice %arg3[%mul3A_3] : memref<16384xi32, #tpu.memory_space<hbm>> -> memref<16xi32, #tpu.memory_space<hbm>>
      %dma_wait3A_300 = tpu.memref_slice %arg3[%mul3A_3] : memref<16384xi32, #tpu.memory_space<hbm>> -> memref<16xi32, #tpu.memory_space<hbm>>
      tpu.wait_dma2 semaphore(%arg26 : memref<!tpu.dma_semaphore, #tpu.memory_space<semaphore_mem>>) src(%dma_wait3A_300 : memref<16xi32, #tpu.memory_space<hbm>>) dst(%arg16 : memref<16xi32, #tpu.memory_space<vmem>>)
      %get3A_301 = arith.constant 0 : index
      %get3A_302 = tpu.vector_load %arg16[%get3A_301] {strides = array<i32>} : memref<16xi32, #tpu.memory_space<vmem>>, vector<16xi32>,
      %broadcast_in_dim3A_303 = arith.constant 1.000000e+00 : f32
      %broadcast_in_dim3A_304 = vector.broadcast %broadcast_in_dim3A_303 : f32 to vector<16xf32>
      %scan3A_305 = arith.constant 0 : i32
      %scan3A_306 = arith.constant 0 : i32
      %scan3A_307 = arith.constant 10 : i32
      %scan3A_308 = arith.addi %scan3A_306, %scan3A_307 : i32
      %scan3A_309 = arith.constant 1 : i32
      %scan3A_310 = scf.for %scan3A_516 = %scan3A_306 to %scan3A_308 step %scan3A_309 iter_args(%scan3A_517 = %scan3A_305) -> (i32)  : i32 {
        %mul3A_518 = arith.constant 20 : i32
        %mul3A_519 = arith.muli %scan3A_516, %mul3A_518 : i32
        %add3A_520 = arith.constant 0 : i32
        %add3A_521 = arith.addi %mul3A_519, %add3A_520 : i32
        %broadcast_in_dim3A_522 = vector.broadcast %add3A_521 : i32 to vector<16xi32>
        %gather3A = tpu.vector_load_idx %arg8[%iota3A, %broadcast_in_dim3A_522] : memref<16x200xi32, #tpu.memory_space<vmem>>[vector<16xi32>, vector<16xi32>], vector<16xi32>,
        %lt3A = arith.cmpi slt, %broadcast_in_dim3A_522, %get3A_302 : vector<16xi32>
        %mul3A_523 = arith.constant 20 : i32
        %mul3A_524 = arith.muli %scan3A_516, %mul3A_523 : i32
        %add3A_525 = arith.constant 1 : i32
        %add3A_526 = arith.addi %mul3A_524, %add3A_525 : i32
        %broadcast_in_dim3A_527 = vector.broadcast %add3A_526 : i32 to vector<16xi32>
        %gather3A_528 = tpu.vector_load_idx %arg8[%iota3A, %broadcast_in_dim3A_527] : memref<16x200xi32, #tpu.memory_space<vmem>>[vector<16xi32>, vector<16xi32>], vector<16xi32>,
        %lt3A_529 = arith.cmpi slt, %broadcast_in_dim3A_527, %get3A_302 : vector<16xi32>
        %mul3A_530 = arith.constant 20 : i32
        %mul3A_531 = arith.muli %scan3A_516, %mul3A_530 : i32
        %add3A_532 = arith.constant 2 : i32
        %add3A_533 = arith.addi %mul3A_531, %add3A_532 : i32
        %broadcast_in_dim3A_534 = vector.broadcast %add3A_533 : i32 to vector<16xi32>
        %gather3A_535 = tpu.vector_load_idx %arg8[%iota3A, %broadcast_in_dim3A_534] : memref<16x200xi32, #tpu.memory_space<vmem>>[vector<16xi32>, vector<16xi32>], vector<16xi32>,
        %lt3A_536 = arith.cmpi slt, %broadcast_in_dim3A_534, %get3A_302 : vector<16xi32>
        %mul3A_537 = arith.constant 20 : i32
        %mul3A_538 = arith.muli %scan3A_516, %mul3A_537 : i32
        %add3A_539 = arith.constant 3 : i32
        %add3A_540 = arith.addi %mul3A_538, %add3A_539 : i32
        %broadcast_in_dim3A_541 = vector.broadcast %add3A_540 : i32 to vector<16xi32>
        %gather3A_542 = tpu.vector_load_idx %arg8[%iota3A, %broadcast_in_dim3A_541] : memref<16x200xi32, #tpu.memory_space<vmem>>[vector<16xi32>, vector<16xi32>], vector<16xi32>,
        %lt3A_543 = arith.cmpi slt, %broadcast_in_dim3A_541, %get3A_302 : vector<16xi32>
        %mul3A_544 = arith.constant 20 : i32
        %mul3A_545 = arith.muli %scan3A_516, %mul3A_544 : i32
        %add3A_546 = arith.constant 4 : i32
        %add3A_547 = arith.addi %mul3A_545, %add3A_546 : i32
        %broadcast_in_dim3A_548 = vector.broadcast %add3A_547 : i32 to vector<16xi32>
        %gather3A_549 = tpu.vector_load_idx %arg8[%iota3A, %broadcast_in_dim3A_548] : memref<16x200xi32, #tpu.memory_space<vmem>>[vector<16xi32>, vector<16xi32>], vector<16xi32>,
        %lt3A_550 = arith.cmpi slt, %broadcast_in_dim3A_548, %get3A_302 : vector<16xi32>
        %mul3A_551 = arith.constant 20 : i32
        %mul3A_552 = arith.muli %scan3A_516, %mul3A_551 : i32
        %add3A_553 = arith.constant 5 : i32
        %add3A_554 = arith.addi %mul3A_552, %add3A_553 : i32
        %broadcast_in_dim3A_555 = vector.broadcast %add3A_554 : i32 to vector<16xi32>
        %gather3A_556 = tpu.vector_load_idx %arg8[%iota3A, %broadcast_in_dim3A_555] : memref<16x200xi32, #tpu.memory_space<vmem>>[vector<16xi32>, vector<16xi32>], vector<16xi32>,
        %lt3A_557 = arith.cmpi slt, %broadcast_in_dim3A_555, %get3A_302 : vector<16xi32>
        %mul3A_558 = arith.constant 20 : i32
        %mul3A_559 = arith.muli %scan3A_516, %mul3A_558 : i32
        %add3A_560 = arith.constant 6 : i32
        %add3A_561 = arith.addi %mul3A_559, %add3A_560 : i32
        %broadcast_in_dim3A_562 = vector.broadcast %add3A_561 : i32 to vector<16xi32>
        %gather3A_563 = tpu.vector_load_idx %arg8[%iota3A, %broadcast_in_dim3A_562] : memref<16x200xi32, #tpu.memory_space<vmem>>[vector<16xi32>, vector<16xi32>], vector<16xi32>,
        %lt3A_564 = arith.cmpi slt, %broadcast_in_dim3A_562, %get3A_302 : vector<16xi32>
        %mul3A_565 = arith.constant 20 : i32
        %mul3A_566 = arith.muli %scan3A_516, %mul3A_565 : i32
        %add3A_567 = arith.constant 7 : i32
        %add3A_568 = arith.addi %mul3A_566, %add3A_567 : i32
        %broadcast_in_dim3A_569 = vector.broadcast %add3A_568 : i32 to vector<16xi32>
        %gather3A_570 = tpu.vector_load_idx %arg8[%iota3A, %broadcast_in_dim3A_569] : memref<16x200xi32, #tpu.memory_space<vmem>>[vector<16xi32>, vector<16xi32>], vector<16xi32>,
        %lt3A_571 = arith.cmpi slt, %broadcast_in_dim3A_569, %get3A_302 : vector<16xi32>
        %mul3A_572 = arith.constant 20 : i32
        %mul3A_573 = arith.muli %scan3A_516, %mul3A_572 : i32
        %add3A_574 = arith.constant 8 : i32
        %add3A_575 = arith.addi %mul3A_573, %add3A_574 : i32
        %broadcast_in_dim3A_576 = vector.broadcast %add3A_575 : i32 to vector<16xi32>
        %gather3A_577 = tpu.vector_load_idx %arg8[%iota3A, %broadcast_in_dim3A_576] : memref<16x200xi32, #tpu.memory_space<vmem>>[vector<16xi32>, vector<16xi32>], vector<16xi32>,
        %lt3A_578 = arith.cmpi slt, %broadcast_in_dim3A_576, %get3A_302 : vector<16xi32>
        %mul3A_579 = arith.constant 20 : i32
        %mul3A_580 = arith.muli %scan3A_516, %mul3A_579 : i32
        %add3A_581 = arith.constant 9 : i32
        %add3A_582 = arith.addi %mul3A_580, %add3A_581 : i32
        %broadcast_in_dim3A_583 = vector.broadcast %add3A_582 : i32 to vector<16xi32>
        %gather3A_584 = tpu.vector_load_idx %arg8[%iota3A, %broadcast_in_dim3A_583] : memref<16x200xi32, #tpu.memory_space<vmem>>[vector<16xi32>, vector<16xi32>], vector<16xi32>,
        %lt3A_585 = arith.cmpi slt, %broadcast_in_dim3A_583, %get3A_302 : vector<16xi32>
        %mul3A_586 = arith.constant 20 : i32
        %mul3A_587 = arith.muli %scan3A_516, %mul3A_586 : i32
        %add3A_588 = arith.constant 10 : i32
        %add3A_589 = arith.addi %mul3A_587, %add3A_588 : i32
        %broadcast_in_dim3A_590 = vector.broadcast %add3A_589 : i32 to vector<16xi32>
        %gather3A_591 = tpu.vector_load_idx %arg8[%iota3A, %broadcast_in_dim3A_590] : memref<16x200xi32, #tpu.memory_space<vmem>>[vector<16xi32>, vector<16xi32>], vector<16xi32>,
        %lt3A_592 = arith.cmpi slt, %broadcast_in_dim3A_590, %get3A_302 : vector<16xi32>
        %mul3A_593 = arith.constant 20 : i32
        %mul3A_594 = arith.muli %scan3A_516, %mul3A_593 : i32
        %add3A_595 = arith.constant 11 : i32
        %add3A_596 = arith.addi %mul3A_594, %add3A_595 : i32
        %broadcast_in_dim3A_597 = vector.broadcast %add3A_596 : i32 to vector<16xi32>
        %gather3A_598 = tpu.vector_load_idx %arg8[%iota3A, %broadcast_in_dim3A_597] : memref<16x200xi32, #tpu.memory_space<vmem>>[vector<16xi32>, vector<16xi32>], vector<16xi32>,
        %lt3A_599 = arith.cmpi slt, %broadcast_in_dim3A_597, %get3A_302 : vector<16xi32>
        %mul3A_600 = arith.constant 20 : i32
        %mul3A_601 = arith.muli %scan3A_516, %mul3A_600 : i32
        %add3A_602 = arith.constant 12 : i32
        %add3A_603 = arith.addi %mul3A_601, %add3A_602 : i32
        %broadcast_in_dim3A_604 = vector.broadcast %add3A_603 : i32 to vector<16xi32>
        %gather3A_605 = tpu.vector_load_idx %arg8[%iota3A, %broadcast_in_dim3A_604] : memref<16x200xi32, #tpu.memory_space<vmem>>[vector<16xi32>, vector<16xi32>], vector<16xi32>,
        %lt3A_606 = arith.cmpi slt, %broadcast_in_dim3A_604, %get3A_302 : vector<16xi32>
        %mul3A_607 = arith.constant 20 : i32
        %mul3A_608 = arith.muli %scan3A_516, %mul3A_607 : i32
        %add3A_609 = arith.constant 13 : i32
        %add3A_610 = arith.addi %mul3A_608, %add3A_609 : i32
        %broadcast_in_dim3A_611 = vector.broadcast %add3A_610 : i32 to vector<16xi32>
        %gather3A_612 = tpu.vector_load_idx %arg8[%iota3A, %broadcast_in_dim3A_611] : memref<16x200xi32, #tpu.memory_space<vmem>>[vector<16xi32>, vector<16xi32>], vector<16xi32>,
        %lt3A_613 = arith.cmpi slt, %broadcast_in_dim3A_611, %get3A_302 : vector<16xi32>
        %mul3A_614 = arith.constant 20 : i32
        %mul3A_615 = arith.muli %scan3A_516, %mul3A_614 : i32
        %add3A_616 = arith.constant 14 : i32
        %add3A_617 = arith.addi %mul3A_615, %add3A_616 : i32
        %broadcast_in_dim3A_618 = vector.broadcast %add3A_617 : i32 to vector<16xi32>
        %gather3A_619 = tpu.vector_load_idx %arg8[%iota3A, %broadcast_in_dim3A_618] : memref<16x200xi32, #tpu.memory_space<vmem>>[vector<16xi32>, vector<16xi32>], vector<16xi32>,
        %lt3A_620 = arith.cmpi slt, %broadcast_in_dim3A_618, %get3A_302 : vector<16xi32>
        %mul3A_621 = arith.constant 20 : i32
        %mul3A_622 = arith.muli %scan3A_516, %mul3A_621 : i32
        %add3A_623 = arith.constant 15 : i32
        %add3A_624 = arith.addi %mul3A_622, %add3A_623 : i32
        %broadcast_in_dim3A_625 = vector.broadcast %add3A_624 : i32 to vector<16xi32>
        %gather3A_626 = tpu.vector_load_idx %arg8[%iota3A, %broadcast_in_dim3A_625] : memref<16x200xi32, #tpu.memory_space<vmem>>[vector<16xi32>, vector<16xi32>], vector<16xi32>,
        %lt3A_627 = arith.cmpi slt, %broadcast_in_dim3A_625, %get3A_302 : vector<16xi32>
        %mul3A_628 = arith.constant 20 : i32
        %mul3A_629 = arith.muli %scan3A_516, %mul3A_628 : i32
        %add3A_630 = arith.constant 16 : i32
        %add3A_631 = arith.addi %mul3A_629, %add3A_630 : i32
        %broadcast_in_dim3A_632 = vector.broadcast %add3A_631 : i32 to vector<16xi32>
        %gather3A_633 = tpu.vector_load_idx %arg8[%iota3A, %broadcast_in_dim3A_632] : memref<16x200xi32, #tpu.memory_space<vmem>>[vector<16xi32>, vector<16xi32>], vector<16xi32>,
        %lt3A_634 = arith.cmpi slt, %broadcast_in_dim3A_632, %get3A_302 : vector<16xi32>
        %mul3A_635 = arith.constant 20 : i32
        %mul3A_636 = arith.muli %scan3A_516, %mul3A_635 : i32
        %add3A_637 = arith.constant 17 : i32
        %add3A_638 = arith.addi %mul3A_636, %add3A_637 : i32
        %broadcast_in_dim3A_639 = vector.broadcast %add3A_638 : i32 to vector<16xi32>
        %gather3A_640 = tpu.vector_load_idx %arg8[%iota3A, %broadcast_in_dim3A_639] : memref<16x200xi32, #tpu.memory_space<vmem>>[vector<16xi32>, vector<16xi32>], vector<16xi32>,
        %lt3A_641 = arith.cmpi slt, %broadcast_in_dim3A_639, %get3A_302 : vector<16xi32>
        %mul3A_642 = arith.constant 20 : i32
        %mul3A_643 = arith.muli %scan3A_516, %mul3A_642 : i32
        %add3A_644 = arith.constant 18 : i32
        %add3A_645 = arith.addi %mul3A_643, %add3A_644 : i32
        %broadcast_in_dim3A_646 = vector.broadcast %add3A_645 : i32 to vector<16xi32>
        %gather3A_647 = tpu.vector_load_idx %arg8[%iota3A, %broadcast_in_dim3A_646] : memref<16x200xi32, #tpu.memory_space<vmem>>[vector<16xi32>, vector<16xi32>], vector<16xi32>,
        %lt3A_648 = arith.cmpi slt, %broadcast_in_dim3A_646, %get3A_302 : vector<16xi32>
        %mul3A_649 = arith.constant 20 : i32
        %mul3A_650 = arith.muli %scan3A_516, %mul3A_649 : i32
        %add3A_651 = arith.constant 19 : i32
        %add3A_652 = arith.addi %mul3A_650, %add3A_651 : i32
        %broadcast_in_dim3A_653 = vector.broadcast %add3A_652 : i32 to vector<16xi32>
        %gather3A_654 = tpu.vector_load_idx %arg8[%iota3A, %broadcast_in_dim3A_653] : memref<16x200xi32, #tpu.memory_space<vmem>>[vector<16xi32>, vector<16xi32>], vector<16xi32>,
        %lt3A_655 = arith.cmpi slt, %broadcast_in_dim3A_653, %get3A_302 : vector<16xi32>
        tpu.vector_store_idx %arg22[%iota3A, %gather3A], %broadcast_in_dim3A_304 masked %lt3A {add = true} : memref<16x1024xf32, #tpu.memory_space<vmem>>[vector<16xi32>, vector<16xi32>], vector<16xf32>, vector<16xi1>
        tpu.vector_store_idx %arg22[%iota3A, %gather3A_528], %broadcast_in_dim3A_304 masked %lt3A_529 {add = true} : memref<16x1024xf32, #tpu.memory_space<vmem>>[vector<16xi32>, vector<16xi32>], vector<16xf32>, vector<16xi1>
        tpu.vector_store_idx %arg22[%iota3A, %gather3A_535], %broadcast_in_dim3A_304 masked %lt3A_536 {add = true} : memref<16x1024xf32, #tpu.memory_space<vmem>>[vector<16xi32>, vector<16xi32>], vector<16xf32>, vector<16xi1>
        tpu.vector_store_idx %arg22[%iota3A, %gather3A_542], %broadcast_in_dim3A_304 masked %lt3A_543 {add = true} : memref<16x1024xf32, #tpu.memory_space<vmem>>[vector<16xi32>, vector<16xi32>], vector<16xf32>, vector<16xi1>
        tpu.vector_store_idx %arg22[%iota3A, %gather3A_549], %broadcast_in_dim3A_304 masked %lt3A_550 {add = true} : memref<16x1024xf32, #tpu.memory_space<vmem>>[vector<16xi32>, vector<16xi32>], vector<16xf32>, vector<16xi1>
        tpu.vector_store_idx %arg22[%iota3A, %gather3A_556], %broadcast_in_dim3A_304 masked %lt3A_557 {add = true} : memref<16x1024xf32, #tpu.memory_space<vmem>>[vector<16xi32>, vector<16xi32>], vector<16xf32>, vector<16xi1>
        tpu.vector_store_idx %arg22[%iota3A, %gather3A_563], %broadcast_in_dim3A_304 masked %lt3A_564 {add = true} : memref<16x1024xf32, #tpu.memory_space<vmem>>[vector<16xi32>, vector<16xi32>], vector<16xf32>, vector<16xi1>
        tpu.vector_store_idx %arg22[%iota3A, %gather3A_570], %broadcast_in_dim3A_304 masked %lt3A_571 {add = true} : memref<16x1024xf32, #tpu.memory_space<vmem>>[vector<16xi32>, vector<16xi32>], vector<16xf32>, vector<16xi1>
        tpu.vector_store_idx %arg22[%iota3A, %gather3A_577], %broadcast_in_dim3A_304 masked %lt3A_578 {add = true} : memref<16x1024xf32, #tpu.memory_space<vmem>>[vector<16xi32>, vector<16xi32>], vector<16xf32>, vector<16xi1>
        tpu.vector_store_idx %arg22[%iota3A, %gather3A_584], %broadcast_in_dim3A_304 masked %lt3A_585 {add = true} : memref<16x1024xf32, #tpu.memory_space<vmem>>[vector<16xi32>, vector<16xi32>], vector<16xf32>, vector<16xi1>
        tpu.vector_store_idx %arg22[%iota3A, %gather3A_591], %broadcast_in_dim3A_304 masked %lt3A_592 {add = true} : memref<16x1024xf32, #tpu.memory_space<vmem>>[vector<16xi32>, vector<16xi32>], vector<16xf32>, vector<16xi1>
        tpu.vector_store_idx %arg22[%iota3A, %gather3A_598], %broadcast_in_dim3A_304 masked %lt3A_599 {add = true} : memref<16x1024xf32, #tpu.memory_space<vmem>>[vector<16xi32>, vector<16xi32>], vector<16xf32>, vector<16xi1>
        tpu.vector_store_idx %arg22[%iota3A, %gather3A_605], %broadcast_in_dim3A_304 masked %lt3A_606 {add = true} : memref<16x1024xf32, #tpu.memory_space<vmem>>[vector<16xi32>, vector<16xi32>], vector<16xf32>, vector<16xi1>
        tpu.vector_store_idx %arg22[%iota3A, %gather3A_612], %broadcast_in_dim3A_304 masked %lt3A_613 {add = true} : memref<16x1024xf32, #tpu.memory_space<vmem>>[vector<16xi32>, vector<16xi32>], vector<16xf32>, vector<16xi1>
        tpu.vector_store_idx %arg22[%iota3A, %gather3A_619], %broadcast_in_dim3A_304 masked %lt3A_620 {add = true} : memref<16x1024xf32, #tpu.memory_space<vmem>>[vector<16xi32>, vector<16xi32>], vector<16xf32>, vector<16xi1>
        tpu.vector_store_idx %arg22[%iota3A, %gather3A_626], %broadcast_in_dim3A_304 masked %lt3A_627 {add = true} : memref<16x1024xf32, #tpu.memory_space<vmem>>[vector<16xi32>, vector<16xi32>], vector<16xf32>, vector<16xi1>
        tpu.vector_store_idx %arg22[%iota3A, %gather3A_633], %broadcast_in_dim3A_304 masked %lt3A_634 {add = true} : memref<16x1024xf32, #tpu.memory_space<vmem>>[vector<16xi32>, vector<16xi32>], vector<16xf32>, vector<16xi1>
        tpu.vector_store_idx %arg22[%iota3A, %gather3A_640], %broadcast_in_dim3A_304 masked %lt3A_641 {add = true} : memref<16x1024xf32, #tpu.memory_space<vmem>>[vector<16xi32>, vector<16xi32>], vector<16xf32>, vector<16xi1>
        tpu.vector_store_idx %arg22[%iota3A, %gather3A_647], %broadcast_in_dim3A_304 masked %lt3A_648 {add = true} : memref<16x1024xf32, #tpu.memory_space<vmem>>[vector<16xi32>, vector<16xi32>], vector<16xf32>, vector<16xi1>
        tpu.vector_store_idx %arg22[%iota3A, %gather3A_654], %broadcast_in_dim3A_304 masked %lt3A_655 {add = true} : memref<16x1024xf32, #tpu.memory_space<vmem>>[vector<16xi32>, vector<16xi32>], vector<16xf32>, vector<16xi1>
        %scan3A_656 = arith.constant 0 : i32
        scf.yield %scan3A_656 : i32
      }
      %scan3A_311 = arith.constant 10 : i32
      %mul3A_312 = arith.constant 16 : i32
      %mul3A_313 = arith.muli %add3A_273, %mul3A_312 : i32
      %add3A_314 = arith.addi %mul3A_3, %mul3A_313 : i32
      %dma_start3A_315 = arith.constant 0 : i32
      %dma_start3A_316 = tpu.memref_slice %arg4[%add3A_314, %dma_start3A_315] : memref<16384x1024xf32, #tpu.memory_space<hbm>> -> memref<16x1024xf32, #tpu.memory_space<hbm>>
      %dma_start3A_317 = arith.constant 0 : i32
      %dma_start3A_318 = tpu.memref_slice %arg4[%add3A_314, %dma_start3A_317] : memref<16384x1024xf32, #tpu.memory_space<hbm>> -> memref<16x1024xf32, #tpu.memory_space<hbm>>
      tpu.enqueue_dma source(%arg22 : memref<16x1024xf32, #tpu.memory_space<vmem>>) target(%dma_start3A_318 : memref<16x1024xf32, #tpu.memory_space<hbm>>) target_semaphore(%arg32 : memref<!tpu.dma_semaphore, #tpu.memory_space<semaphore_mem>>)
      %mul3A_319 = arith.constant 8 : i32
      %mul3A_320 = arith.muli %scan3A_158, %mul3A_319 : i32
      %add3A_321 = arith.constant 4 : i32
      %add3A_322 = arith.addi %mul3A_320, %add3A_321 : i32
      %dma_wait3A_323 = arith.constant 0 : i32
      %dma_wait3A_324 = arith.constant 0 : i32
      %dma_wait3A_325 = tpu.memref_slice %arg4[%dma_wait3A_323, %dma_wait3A_324] : memref<16384x1024xf32, #tpu.memory_space<hbm>> -> memref<16x1024xf32, #tpu.memory_space<hbm>>
      %dma_wait3A_326 = arith.constant 0 : i32
      %dma_wait3A_327 = arith.constant 0 : i32
      %dma_wait3A_328 = tpu.memref_slice %arg4[%dma_wait3A_326, %dma_wait3A_327] : memref<16384x1024xf32, #tpu.memory_space<hbm>> -> memref<16x1024xf32, #tpu.memory_space<hbm>>
      tpu.wait_dma2 semaphore(%arg31 : memref<!tpu.dma_semaphore, #tpu.memory_space<semaphore_mem>>) src(%arg21 : memref<16x1024xf32, #tpu.memory_space<vmem>>) dst(%dma_wait3A_328 : memref<16x1024xf32, #tpu.memory_space<hbm>>)
      %add3A_329 = arith.constant 8 : i32
      %add3A_330 = arith.addi %add3A_322, %add3A_329 : i32
      %sub3A_331 = arith.constant 2 : i32
      %sub3A_332 = arith.subi %add3A_330, %sub3A_331 : i32
      %min3A_333 = arith.constant 31 : i32
      %min3A_334 = arith.minsi %sub3A_332, %min3A_333 : i32
      %mul3A_335 = arith.constant 16 : i32
      %mul3A_336 = arith.muli %min3A_334, %mul3A_335 : i32
      %add3A_337 = arith.addi %mul3A_3, %mul3A_336 : i32
      %dma_start3A_338 = arith.constant 0 : i32
      %dma_start3A_339 = tpu.memref_slice %arg2[%add3A_337, %dma_start3A_338] : memref<16384x200xi32, #tpu.memory_space<hbm>> -> memref<16x200xi32, #tpu.memory_space<hbm>>
      %dma_start3A_340 = arith.constant 0 : i32
      %dma_start3A_341 = tpu.memref_slice %arg2[%add3A_337, %dma_start3A_340] : memref<16384x200xi32, #tpu.memory_space<hbm>> -> memref<16x200xi32, #tpu.memory_space<hbm>>
      tpu.enqueue_dma source(%dma_start3A_341 : memref<16x200xi32, #tpu.memory_space<hbm>>) target(%arg7 : memref<16x200xi32, #tpu.memory_space<vmem>>) target_semaphore(%arg25 : memref<!tpu.dma_semaphore, #tpu.memory_space<semaphore_mem>>)
      %dma_start3A_342 = tpu.memref_slice %arg3[%add3A_337] : memref<16384xi32, #tpu.memory_space<hbm>> -> memref<16xi32, #tpu.memory_space<hbm>>
      %dma_start3A_343 = tpu.memref_slice %arg3[%add3A_337] : memref<16384xi32, #tpu.memory_space<hbm>> -> memref<16xi32, #tpu.memory_space<hbm>>
      tpu.enqueue_dma source(%dma_start3A_343 : memref<16xi32, #tpu.memory_space<hbm>>) target(%arg15 : memref<16xi32, #tpu.memory_space<vmem>>) target_semaphore(%arg25 : memref<!tpu.dma_semaphore, #tpu.memory_space<semaphore_mem>>)
      %dma_wait3A_344 = arith.constant 0 : i32
      %dma_wait3A_345 = tpu.memref_slice %arg2[%mul3A_3, %dma_wait3A_344] : memref<16384x200xi32, #tpu.memory_space<hbm>> -> memref<16x200xi32, #tpu.memory_space<hbm>>
      %dma_wait3A_346 = arith.constant 0 : i32
      %dma_wait3A_347 = tpu.memref_slice %arg2[%mul3A_3, %dma_wait3A_346] : memref<16384x200xi32, #tpu.memory_space<hbm>> -> memref<16x200xi32, #tpu.memory_space<hbm>>
      tpu.wait_dma2 semaphore(%arg27 : memref<!tpu.dma_semaphore, #tpu.memory_space<semaphore_mem>>) src(%dma_wait3A_347 : memref<16x200xi32, #tpu.memory_space<hbm>>) dst(%arg9 : memref<16x200xi32, #tpu.memory_space<vmem>>)
      %dma_wait3A_348 = tpu.memref_slice %arg3[%mul3A_3] : memref<16384xi32, #tpu.memory_space<hbm>> -> memref<16xi32, #tpu.memory_space<hbm>>
      %dma_wait3A_349 = tpu.memref_slice %arg3[%mul3A_3] : memref<16384xi32, #tpu.memory_space<hbm>> -> memref<16xi32, #tpu.memory_space<hbm>>
      tpu.wait_dma2 semaphore(%arg27 : memref<!tpu.dma_semaphore, #tpu.memory_space<semaphore_mem>>) src(%dma_wait3A_349 : memref<16xi32, #tpu.memory_space<hbm>>) dst(%arg17 : memref<16xi32, #tpu.memory_space<vmem>>)
      %get3A_350 = arith.constant 0 : index
      %get3A_351 = tpu.vector_load %arg17[%get3A_350] {strides = array<i32>} : memref<16xi32, #tpu.memory_space<vmem>>, vector<16xi32>,
      %broadcast_in_dim3A_352 = arith.constant 1.000000e+00 : f32
      %broadcast_in_dim3A_353 = vector.broadcast %broadcast_in_dim3A_352 : f32 to vector<16xf32>
      %scan3A_354 = arith.constant 0 : i32
      %scan3A_355 = arith.constant 0 : i32
      %scan3A_356 = arith.constant 10 : i32
      %scan3A_357 = arith.addi %scan3A_355, %scan3A_356 : i32
      %scan3A_358 = arith.constant 1 : i32
      %scan3A_359 = scf.for %scan3A_516 = %scan3A_355 to %scan3A_357 step %scan3A_358 iter_args(%scan3A_517 = %scan3A_354) -> (i32)  : i32 {
        %mul3A_518 = arith.constant 20 : i32
        %mul3A_519 = arith.muli %scan3A_516, %mul3A_518 : i32
        %add3A_520 = arith.constant 0 : i32
        %add3A_521 = arith.addi %mul3A_519, %add3A_520 : i32
        %broadcast_in_dim3A_522 = vector.broadcast %add3A_521 : i32 to vector<16xi32>
        %gather3A = tpu.vector_load_idx %arg9[%iota3A, %broadcast_in_dim3A_522] : memref<16x200xi32, #tpu.memory_space<vmem>>[vector<16xi32>, vector<16xi32>], vector<16xi32>,
        %lt3A = arith.cmpi slt, %broadcast_in_dim3A_522, %get3A_351 : vector<16xi32>
        %mul3A_523 = arith.constant 20 : i32
        %mul3A_524 = arith.muli %scan3A_516, %mul3A_523 : i32
        %add3A_525 = arith.constant 1 : i32
        %add3A_526 = arith.addi %mul3A_524, %add3A_525 : i32
        %broadcast_in_dim3A_527 = vector.broadcast %add3A_526 : i32 to vector<16xi32>
        %gather3A_528 = tpu.vector_load_idx %arg9[%iota3A, %broadcast_in_dim3A_527] : memref<16x200xi32, #tpu.memory_space<vmem>>[vector<16xi32>, vector<16xi32>], vector<16xi32>,
        %lt3A_529 = arith.cmpi slt, %broadcast_in_dim3A_527, %get3A_351 : vector<16xi32>
        %mul3A_530 = arith.constant 20 : i32
        %mul3A_531 = arith.muli %scan3A_516, %mul3A_530 : i32
        %add3A_532 = arith.constant 2 : i32
        %add3A_533 = arith.addi %mul3A_531, %add3A_532 : i32
        %broadcast_in_dim3A_534 = vector.broadcast %add3A_533 : i32 to vector<16xi32>
        %gather3A_535 = tpu.vector_load_idx %arg9[%iota3A, %broadcast_in_dim3A_534] : memref<16x200xi32, #tpu.memory_space<vmem>>[vector<16xi32>, vector<16xi32>], vector<16xi32>,
        %lt3A_536 = arith.cmpi slt, %broadcast_in_dim3A_534, %get3A_351 : vector<16xi32>
        %mul3A_537 = arith.constant 20 : i32
        %mul3A_538 = arith.muli %scan3A_516, %mul3A_537 : i32
        %add3A_539 = arith.constant 3 : i32
        %add3A_540 = arith.addi %mul3A_538, %add3A_539 : i32
        %broadcast_in_dim3A_541 = vector.broadcast %add3A_540 : i32 to vector<16xi32>
        %gather3A_542 = tpu.vector_load_idx %arg9[%iota3A, %broadcast_in_dim3A_541] : memref<16x200xi32, #tpu.memory_space<vmem>>[vector<16xi32>, vector<16xi32>], vector<16xi32>,
        %lt3A_543 = arith.cmpi slt, %broadcast_in_dim3A_541, %get3A_351 : vector<16xi32>
        %mul3A_544 = arith.constant 20 : i32
        %mul3A_545 = arith.muli %scan3A_516, %mul3A_544 : i32
        %add3A_546 = arith.constant 4 : i32
        %add3A_547 = arith.addi %mul3A_545, %add3A_546 : i32
        %broadcast_in_dim3A_548 = vector.broadcast %add3A_547 : i32 to vector<16xi32>
        %gather3A_549 = tpu.vector_load_idx %arg9[%iota3A, %broadcast_in_dim3A_548] : memref<16x200xi32, #tpu.memory_space<vmem>>[vector<16xi32>, vector<16xi32>], vector<16xi32>,
        %lt3A_550 = arith.cmpi slt, %broadcast_in_dim3A_548, %get3A_351 : vector<16xi32>
        %mul3A_551 = arith.constant 20 : i32
        %mul3A_552 = arith.muli %scan3A_516, %mul3A_551 : i32
        %add3A_553 = arith.constant 5 : i32
        %add3A_554 = arith.addi %mul3A_552, %add3A_553 : i32
        %broadcast_in_dim3A_555 = vector.broadcast %add3A_554 : i32 to vector<16xi32>
        %gather3A_556 = tpu.vector_load_idx %arg9[%iota3A, %broadcast_in_dim3A_555] : memref<16x200xi32, #tpu.memory_space<vmem>>[vector<16xi32>, vector<16xi32>], vector<16xi32>,
        %lt3A_557 = arith.cmpi slt, %broadcast_in_dim3A_555, %get3A_351 : vector<16xi32>
        %mul3A_558 = arith.constant 20 : i32
        %mul3A_559 = arith.muli %scan3A_516, %mul3A_558 : i32
        %add3A_560 = arith.constant 6 : i32
        %add3A_561 = arith.addi %mul3A_559, %add3A_560 : i32
        %broadcast_in_dim3A_562 = vector.broadcast %add3A_561 : i32 to vector<16xi32>
        %gather3A_563 = tpu.vector_load_idx %arg9[%iota3A, %broadcast_in_dim3A_562] : memref<16x200xi32, #tpu.memory_space<vmem>>[vector<16xi32>, vector<16xi32>], vector<16xi32>,
        %lt3A_564 = arith.cmpi slt, %broadcast_in_dim3A_562, %get3A_351 : vector<16xi32>
        %mul3A_565 = arith.constant 20 : i32
        %mul3A_566 = arith.muli %scan3A_516, %mul3A_565 : i32
        %add3A_567 = arith.constant 7 : i32
        %add3A_568 = arith.addi %mul3A_566, %add3A_567 : i32
        %broadcast_in_dim3A_569 = vector.broadcast %add3A_568 : i32 to vector<16xi32>
        %gather3A_570 = tpu.vector_load_idx %arg9[%iota3A, %broadcast_in_dim3A_569] : memref<16x200xi32, #tpu.memory_space<vmem>>[vector<16xi32>, vector<16xi32>], vector<16xi32>,
        %lt3A_571 = arith.cmpi slt, %broadcast_in_dim3A_569, %get3A_351 : vector<16xi32>
        %mul3A_572 = arith.constant 20 : i32
        %mul3A_573 = arith.muli %scan3A_516, %mul3A_572 : i32
        %add3A_574 = arith.constant 8 : i32
        %add3A_575 = arith.addi %mul3A_573, %add3A_574 : i32
        %broadcast_in_dim3A_576 = vector.broadcast %add3A_575 : i32 to vector<16xi32>
        %gather3A_577 = tpu.vector_load_idx %arg9[%iota3A, %broadcast_in_dim3A_576] : memref<16x200xi32, #tpu.memory_space<vmem>>[vector<16xi32>, vector<16xi32>], vector<16xi32>,
        %lt3A_578 = arith.cmpi slt, %broadcast_in_dim3A_576, %get3A_351 : vector<16xi32>
        %mul3A_579 = arith.constant 20 : i32
        %mul3A_580 = arith.muli %scan3A_516, %mul3A_579 : i32
        %add3A_581 = arith.constant 9 : i32
        %add3A_582 = arith.addi %mul3A_580, %add3A_581 : i32
        %broadcast_in_dim3A_583 = vector.broadcast %add3A_582 : i32 to vector<16xi32>
        %gather3A_584 = tpu.vector_load_idx %arg9[%iota3A, %broadcast_in_dim3A_583] : memref<16x200xi32, #tpu.memory_space<vmem>>[vector<16xi32>, vector<16xi32>], vector<16xi32>,
        %lt3A_585 = arith.cmpi slt, %broadcast_in_dim3A_583, %get3A_351 : vector<16xi32>
        %mul3A_586 = arith.constant 20 : i32
        %mul3A_587 = arith.muli %scan3A_516, %mul3A_586 : i32
        %add3A_588 = arith.constant 10 : i32
        %add3A_589 = arith.addi %mul3A_587, %add3A_588 : i32
        %broadcast_in_dim3A_590 = vector.broadcast %add3A_589 : i32 to vector<16xi32>
        %gather3A_591 = tpu.vector_load_idx %arg9[%iota3A, %broadcast_in_dim3A_590] : memref<16x200xi32, #tpu.memory_space<vmem>>[vector<16xi32>, vector<16xi32>], vector<16xi32>,
        %lt3A_592 = arith.cmpi slt, %broadcast_in_dim3A_590, %get3A_351 : vector<16xi32>
        %mul3A_593 = arith.constant 20 : i32
        %mul3A_594 = arith.muli %scan3A_516, %mul3A_593 : i32
        %add3A_595 = arith.constant 11 : i32
        %add3A_596 = arith.addi %mul3A_594, %add3A_595 : i32
        %broadcast_in_dim3A_597 = vector.broadcast %add3A_596 : i32 to vector<16xi32>
        %gather3A_598 = tpu.vector_load_idx %arg9[%iota3A, %broadcast_in_dim3A_597] : memref<16x200xi32, #tpu.memory_space<vmem>>[vector<16xi32>, vector<16xi32>], vector<16xi32>,
        %lt3A_599 = arith.cmpi slt, %broadcast_in_dim3A_597, %get3A_351 : vector<16xi32>
        %mul3A_600 = arith.constant 20 : i32
        %mul3A_601 = arith.muli %scan3A_516, %mul3A_600 : i32
        %add3A_602 = arith.constant 12 : i32
        %add3A_603 = arith.addi %mul3A_601, %add3A_602 : i32
        %broadcast_in_dim3A_604 = vector.broadcast %add3A_603 : i32 to vector<16xi32>
        %gather3A_605 = tpu.vector_load_idx %arg9[%iota3A, %broadcast_in_dim3A_604] : memref<16x200xi32, #tpu.memory_space<vmem>>[vector<16xi32>, vector<16xi32>], vector<16xi32>,
        %lt3A_606 = arith.cmpi slt, %broadcast_in_dim3A_604, %get3A_351 : vector<16xi32>
        %mul3A_607 = arith.constant 20 : i32
        %mul3A_608 = arith.muli %scan3A_516, %mul3A_607 : i32
        %add3A_609 = arith.constant 13 : i32
        %add3A_610 = arith.addi %mul3A_608, %add3A_609 : i32
        %broadcast_in_dim3A_611 = vector.broadcast %add3A_610 : i32 to vector<16xi32>
        %gather3A_612 = tpu.vector_load_idx %arg9[%iota3A, %broadcast_in_dim3A_611] : memref<16x200xi32, #tpu.memory_space<vmem>>[vector<16xi32>, vector<16xi32>], vector<16xi32>,
        %lt3A_613 = arith.cmpi slt, %broadcast_in_dim3A_611, %get3A_351 : vector<16xi32>
        %mul3A_614 = arith.constant 20 : i32
        %mul3A_615 = arith.muli %scan3A_516, %mul3A_614 : i32
        %add3A_616 = arith.constant 14 : i32
        %add3A_617 = arith.addi %mul3A_615, %add3A_616 : i32
        %broadcast_in_dim3A_618 = vector.broadcast %add3A_617 : i32 to vector<16xi32>
        %gather3A_619 = tpu.vector_load_idx %arg9[%iota3A, %broadcast_in_dim3A_618] : memref<16x200xi32, #tpu.memory_space<vmem>>[vector<16xi32>, vector<16xi32>], vector<16xi32>,
        %lt3A_620 = arith.cmpi slt, %broadcast_in_dim3A_618, %get3A_351 : vector<16xi32>
        %mul3A_621 = arith.constant 20 : i32
        %mul3A_622 = arith.muli %scan3A_516, %mul3A_621 : i32
        %add3A_623 = arith.constant 15 : i32
        %add3A_624 = arith.addi %mul3A_622, %add3A_623 : i32
        %broadcast_in_dim3A_625 = vector.broadcast %add3A_624 : i32 to vector<16xi32>
        %gather3A_626 = tpu.vector_load_idx %arg9[%iota3A, %broadcast_in_dim3A_625] : memref<16x200xi32, #tpu.memory_space<vmem>>[vector<16xi32>, vector<16xi32>], vector<16xi32>,
        %lt3A_627 = arith.cmpi slt, %broadcast_in_dim3A_625, %get3A_351 : vector<16xi32>
        %mul3A_628 = arith.constant 20 : i32
        %mul3A_629 = arith.muli %scan3A_516, %mul3A_628 : i32
        %add3A_630 = arith.constant 16 : i32
        %add3A_631 = arith.addi %mul3A_629, %add3A_630 : i32
        %broadcast_in_dim3A_632 = vector.broadcast %add3A_631 : i32 to vector<16xi32>
        %gather3A_633 = tpu.vector_load_idx %arg9[%iota3A, %broadcast_in_dim3A_632] : memref<16x200xi32, #tpu.memory_space<vmem>>[vector<16xi32>, vector<16xi32>], vector<16xi32>,
        %lt3A_634 = arith.cmpi slt, %broadcast_in_dim3A_632, %get3A_351 : vector<16xi32>
        %mul3A_635 = arith.constant 20 : i32
        %mul3A_636 = arith.muli %scan3A_516, %mul3A_635 : i32
        %add3A_637 = arith.constant 17 : i32
        %add3A_638 = arith.addi %mul3A_636, %add3A_637 : i32
        %broadcast_in_dim3A_639 = vector.broadcast %add3A_638 : i32 to vector<16xi32>
        %gather3A_640 = tpu.vector_load_idx %arg9[%iota3A, %broadcast_in_dim3A_639] : memref<16x200xi32, #tpu.memory_space<vmem>>[vector<16xi32>, vector<16xi32>], vector<16xi32>,
        %lt3A_641 = arith.cmpi slt, %broadcast_in_dim3A_639, %get3A_351 : vector<16xi32>
        %mul3A_642 = arith.constant 20 : i32
        %mul3A_643 = arith.muli %scan3A_516, %mul3A_642 : i32
        %add3A_644 = arith.constant 18 : i32
        %add3A_645 = arith.addi %mul3A_643, %add3A_644 : i32
        %broadcast_in_dim3A_646 = vector.broadcast %add3A_645 : i32 to vector<16xi32>
        %gather3A_647 = tpu.vector_load_idx %arg9[%iota3A, %broadcast_in_dim3A_646] : memref<16x200xi32, #tpu.memory_space<vmem>>[vector<16xi32>, vector<16xi32>], vector<16xi32>,
        %lt3A_648 = arith.cmpi slt, %broadcast_in_dim3A_646, %get3A_351 : vector<16xi32>
        %mul3A_649 = arith.constant 20 : i32
        %mul3A_650 = arith.muli %scan3A_516, %mul3A_649 : i32
        %add3A_651 = arith.constant 19 : i32
        %add3A_652 = arith.addi %mul3A_650, %add3A_651 : i32
        %broadcast_in_dim3A_653 = vector.broadcast %add3A_652 : i32 to vector<16xi32>
        %gather3A_654 = tpu.vector_load_idx %arg9[%iota3A, %broadcast_in_dim3A_653] : memref<16x200xi32, #tpu.memory_space<vmem>>[vector<16xi32>, vector<16xi32>], vector<16xi32>,
        %lt3A_655 = arith.cmpi slt, %broadcast_in_dim3A_653, %get3A_351 : vector<16xi32>
        tpu.vector_store_idx %arg21[%iota3A, %gather3A], %broadcast_in_dim3A_353 masked %lt3A {add = true} : memref<16x1024xf32, #tpu.memory_space<vmem>>[vector<16xi32>, vector<16xi32>], vector<16xf32>, vector<16xi1>
        tpu.vector_store_idx %arg21[%iota3A, %gather3A_528], %broadcast_in_dim3A_353 masked %lt3A_529 {add = true} : memref<16x1024xf32, #tpu.memory_space<vmem>>[vector<16xi32>, vector<16xi32>], vector<16xf32>, vector<16xi1>
        tpu.vector_store_idx %arg21[%iota3A, %gather3A_535], %broadcast_in_dim3A_353 masked %lt3A_536 {add = true} : memref<16x1024xf32, #tpu.memory_space<vmem>>[vector<16xi32>, vector<16xi32>], vector<16xf32>, vector<16xi1>
        tpu.vector_store_idx %arg21[%iota3A, %gather3A_542], %broadcast_in_dim3A_353 masked %lt3A_543 {add = true} : memref<16x1024xf32, #tpu.memory_space<vmem>>[vector<16xi32>, vector<16xi32>], vector<16xf32>, vector<16xi1>
        tpu.vector_store_idx %arg21[%iota3A, %gather3A_549], %broadcast_in_dim3A_353 masked %lt3A_550 {add = true} : memref<16x1024xf32, #tpu.memory_space<vmem>>[vector<16xi32>, vector<16xi32>], vector<16xf32>, vector<16xi1>
        tpu.vector_store_idx %arg21[%iota3A, %gather3A_556], %broadcast_in_dim3A_353 masked %lt3A_557 {add = true} : memref<16x1024xf32, #tpu.memory_space<vmem>>[vector<16xi32>, vector<16xi32>], vector<16xf32>, vector<16xi1>
        tpu.vector_store_idx %arg21[%iota3A, %gather3A_563], %broadcast_in_dim3A_353 masked %lt3A_564 {add = true} : memref<16x1024xf32, #tpu.memory_space<vmem>>[vector<16xi32>, vector<16xi32>], vector<16xf32>, vector<16xi1>
        tpu.vector_store_idx %arg21[%iota3A, %gather3A_570], %broadcast_in_dim3A_353 masked %lt3A_571 {add = true} : memref<16x1024xf32, #tpu.memory_space<vmem>>[vector<16xi32>, vector<16xi32>], vector<16xf32>, vector<16xi1>
        tpu.vector_store_idx %arg21[%iota3A, %gather3A_577], %broadcast_in_dim3A_353 masked %lt3A_578 {add = true} : memref<16x1024xf32, #tpu.memory_space<vmem>>[vector<16xi32>, vector<16xi32>], vector<16xf32>, vector<16xi1>
        tpu.vector_store_idx %arg21[%iota3A, %gather3A_584], %broadcast_in_dim3A_353 masked %lt3A_585 {add = true} : memref<16x1024xf32, #tpu.memory_space<vmem>>[vector<16xi32>, vector<16xi32>], vector<16xf32>, vector<16xi1>
        tpu.vector_store_idx %arg21[%iota3A, %gather3A_591], %broadcast_in_dim3A_353 masked %lt3A_592 {add = true} : memref<16x1024xf32, #tpu.memory_space<vmem>>[vector<16xi32>, vector<16xi32>], vector<16xf32>, vector<16xi1>
        tpu.vector_store_idx %arg21[%iota3A, %gather3A_598], %broadcast_in_dim3A_353 masked %lt3A_599 {add = true} : memref<16x1024xf32, #tpu.memory_space<vmem>>[vector<16xi32>, vector<16xi32>], vector<16xf32>, vector<16xi1>
        tpu.vector_store_idx %arg21[%iota3A, %gather3A_605], %broadcast_in_dim3A_353 masked %lt3A_606 {add = true} : memref<16x1024xf32, #tpu.memory_space<vmem>>[vector<16xi32>, vector<16xi32>], vector<16xf32>, vector<16xi1>
        tpu.vector_store_idx %arg21[%iota3A, %gather3A_612], %broadcast_in_dim3A_353 masked %lt3A_613 {add = true} : memref<16x1024xf32, #tpu.memory_space<vmem>>[vector<16xi32>, vector<16xi32>], vector<16xf32>, vector<16xi1>
        tpu.vector_store_idx %arg21[%iota3A, %gather3A_619], %broadcast_in_dim3A_353 masked %lt3A_620 {add = true} : memref<16x1024xf32, #tpu.memory_space<vmem>>[vector<16xi32>, vector<16xi32>], vector<16xf32>, vector<16xi1>
        tpu.vector_store_idx %arg21[%iota3A, %gather3A_626], %broadcast_in_dim3A_353 masked %lt3A_627 {add = true} : memref<16x1024xf32, #tpu.memory_space<vmem>>[vector<16xi32>, vector<16xi32>], vector<16xf32>, vector<16xi1>
        tpu.vector_store_idx %arg21[%iota3A, %gather3A_633], %broadcast_in_dim3A_353 masked %lt3A_634 {add = true} : memref<16x1024xf32, #tpu.memory_space<vmem>>[vector<16xi32>, vector<16xi32>], vector<16xf32>, vector<16xi1>
        tpu.vector_store_idx %arg21[%iota3A, %gather3A_640], %broadcast_in_dim3A_353 masked %lt3A_641 {add = true} : memref<16x1024xf32, #tpu.memory_space<vmem>>[vector<16xi32>, vector<16xi32>], vector<16xf32>, vector<16xi1>
        tpu.vector_store_idx %arg21[%iota3A, %gather3A_647], %broadcast_in_dim3A_353 masked %lt3A_648 {add = true} : memref<16x1024xf32, #tpu.memory_space<vmem>>[vector<16xi32>, vector<16xi32>], vector<16xf32>, vector<16xi1>
        tpu.vector_store_idx %arg21[%iota3A, %gather3A_654], %broadcast_in_dim3A_353 masked %lt3A_655 {add = true} : memref<16x1024xf32, #tpu.memory_space<vmem>>[vector<16xi32>, vector<16xi32>], vector<16xf32>, vector<16xi1>
        %scan3A_656 = arith.constant 0 : i32
        scf.yield %scan3A_656 : i32
      }
      %scan3A_360 = arith.constant 10 : i32
      %mul3A_361 = arith.constant 16 : i32
      %mul3A_362 = arith.muli %add3A_322, %mul3A_361 : i32
      %add3A_363 = arith.addi %mul3A_3, %mul3A_362 : i32
      %dma_start3A_364 = arith.constant 0 : i32
      %dma_start3A_365 = tpu.memref_slice %arg4[%add3A_363, %dma_start3A_364] : memref<16384x1024xf32, #tpu.memory_space<hbm>> -> memref<16x1024xf32, #tpu.memory_space<hbm>>
      %dma_start3A_366 = arith.constant 0 : i32
      %dma_start3A_367 = tpu.memref_slice %arg4[%add3A_363, %dma_start3A_366] : memref<16384x1024xf32, #tpu.memory_space<hbm>> -> memref<16x1024xf32, #tpu.memory_space<hbm>>
      tpu.enqueue_dma source(%arg21 : memref<16x1024xf32, #tpu.memory_space<vmem>>) target(%dma_start3A_367 : memref<16x1024xf32, #tpu.memory_space<hbm>>) target_semaphore(%arg31 : memref<!tpu.dma_semaphore, #tpu.memory_space<semaphore_mem>>)
      %mul3A_368 = arith.constant 8 : i32
      %mul3A_369 = arith.muli %scan3A_158, %mul3A_368 : i32
      %add3A_370 = arith.constant 5 : i32
      %add3A_371 = arith.addi %mul3A_369, %add3A_370 : i32
      %dma_wait3A_372 = arith.constant 0 : i32
      %dma_wait3A_373 = arith.constant 0 : i32
      %dma_wait3A_374 = tpu.memref_slice %arg4[%dma_wait3A_372, %dma_wait3A_373] : memref<16384x1024xf32, #tpu.memory_space<hbm>> -> memref<16x1024xf32, #tpu.memory_space<hbm>>
      %dma_wait3A_375 = arith.constant 0 : i32
      %dma_wait3A_376 = arith.constant 0 : i32
      %dma_wait3A_377 = tpu.memref_slice %arg4[%dma_wait3A_375, %dma_wait3A_376] : memref<16384x1024xf32, #tpu.memory_space<hbm>> -> memref<16x1024xf32, #tpu.memory_space<hbm>>
      tpu.wait_dma2 semaphore(%arg32 : memref<!tpu.dma_semaphore, #tpu.memory_space<semaphore_mem>>) src(%arg22 : memref<16x1024xf32, #tpu.memory_space<vmem>>) dst(%dma_wait3A_377 : memref<16x1024xf32, #tpu.memory_space<hbm>>)
      %add3A_378 = arith.constant 8 : i32
      %add3A_379 = arith.addi %add3A_371, %add3A_378 : i32
      %sub3A_380 = arith.constant 2 : i32
      %sub3A_381 = arith.subi %add3A_379, %sub3A_380 : i32
      %min3A_382 = arith.constant 31 : i32
      %min3A_383 = arith.minsi %sub3A_381, %min3A_382 : i32
      %mul3A_384 = arith.constant 16 : i32
      %mul3A_385 = arith.muli %min3A_383, %mul3A_384 : i32
      %add3A_386 = arith.addi %mul3A_3, %mul3A_385 : i32
      %dma_start3A_387 = arith.constant 0 : i32
      %dma_start3A_388 = tpu.memref_slice %arg2[%add3A_386, %dma_start3A_387] : memref<16384x200xi32, #tpu.memory_space<hbm>> -> memref<16x200xi32, #tpu.memory_space<hbm>>
      %dma_start3A_389 = arith.constant 0 : i32
      %dma_start3A_390 = tpu.memref_slice %arg2[%add3A_386, %dma_start3A_389] : memref<16384x200xi32, #tpu.memory_space<hbm>> -> memref<16x200xi32, #tpu.memory_space<hbm>>
      tpu.enqueue_dma source(%dma_start3A_390 : memref<16x200xi32, #tpu.memory_space<hbm>>) target(%arg8 : memref<16x200xi32, #tpu.memory_space<vmem>>) target_semaphore(%arg26 : memref<!tpu.dma_semaphore, #tpu.memory_space<semaphore_mem>>)
      %dma_start3A_391 = tpu.memref_slice %arg3[%add3A_386] : memref<16384xi32, #tpu.memory_space<hbm>> -> memref<16xi32, #tpu.memory_space<hbm>>
      %dma_start3A_392 = tpu.memref_slice %arg3[%add3A_386] : memref<16384xi32, #tpu.memory_space<hbm>> -> memref<16xi32, #tpu.memory_space<hbm>>
      tpu.enqueue_dma source(%dma_start3A_392 : memref<16xi32, #tpu.memory_space<hbm>>) target(%arg16 : memref<16xi32, #tpu.memory_space<vmem>>) target_semaphore(%arg26 : memref<!tpu.dma_semaphore, #tpu.memory_space<semaphore_mem>>)
      %dma_wait3A_393 = arith.constant 0 : i32
      %dma_wait3A_394 = tpu.memref_slice %arg2[%mul3A_3, %dma_wait3A_393] : memref<16384x200xi32, #tpu.memory_space<hbm>> -> memref<16x200xi32, #tpu.memory_space<hbm>>
      %dma_wait3A_395 = arith.constant 0 : i32
      %dma_wait3A_396 = tpu.memref_slice %arg2[%mul3A_3, %dma_wait3A_395] : memref<16384x200xi32, #tpu.memory_space<hbm>> -> memref<16x200xi32, #tpu.memory_space<hbm>>
      tpu.wait_dma2 semaphore(%arg28 : memref<!tpu.dma_semaphore, #tpu.memory_space<semaphore_mem>>) src(%dma_wait3A_396 : memref<16x200xi32, #tpu.memory_space<hbm>>) dst(%arg10 : memref<16x200xi32, #tpu.memory_space<vmem>>)
      %dma_wait3A_397 = tpu.memref_slice %arg3[%mul3A_3] : memref<16384xi32, #tpu.memory_space<hbm>> -> memref<16xi32, #tpu.memory_space<hbm>>
      %dma_wait3A_398 = tpu.memref_slice %arg3[%mul3A_3] : memref<16384xi32, #tpu.memory_space<hbm>> -> memref<16xi32, #tpu.memory_space<hbm>>
      tpu.wait_dma2 semaphore(%arg28 : memref<!tpu.dma_semaphore, #tpu.memory_space<semaphore_mem>>) src(%dma_wait3A_398 : memref<16xi32, #tpu.memory_space<hbm>>) dst(%arg18 : memref<16xi32, #tpu.memory_space<vmem>>)
      %get3A_399 = arith.constant 0 : index
      %get3A_400 = tpu.vector_load %arg18[%get3A_399] {strides = array<i32>} : memref<16xi32, #tpu.memory_space<vmem>>, vector<16xi32>,
      %broadcast_in_dim3A_401 = arith.constant 1.000000e+00 : f32
      %broadcast_in_dim3A_402 = vector.broadcast %broadcast_in_dim3A_401 : f32 to vector<16xf32>
      %scan3A_403 = arith.constant 0 : i32
      %scan3A_404 = arith.constant 0 : i32
      %scan3A_405 = arith.constant 10 : i32
      %scan3A_406 = arith.addi %scan3A_404, %scan3A_405 : i32
      %scan3A_407 = arith.constant 1 : i32
      %scan3A_408 = scf.for %scan3A_516 = %scan3A_404 to %scan3A_406 step %scan3A_407 iter_args(%scan3A_517 = %scan3A_403) -> (i32)  : i32 {
        %mul3A_518 = arith.constant 20 : i32
        %mul3A_519 = arith.muli %scan3A_516, %mul3A_518 : i32
        %add3A_520 = arith.constant 0 : i32
        %add3A_521 = arith.addi %mul3A_519, %add3A_520 : i32
        %broadcast_in_dim3A_522 = vector.broadcast %add3A_521 : i32 to vector<16xi32>
        %gather3A = tpu.vector_load_idx %arg10[%iota3A, %broadcast_in_dim3A_522] : memref<16x200xi32, #tpu.memory_space<vmem>>[vector<16xi32>, vector<16xi32>], vector<16xi32>,
        %lt3A = arith.cmpi slt, %broadcast_in_dim3A_522, %get3A_400 : vector<16xi32>
        %mul3A_523 = arith.constant 20 : i32
        %mul3A_524 = arith.muli %scan3A_516, %mul3A_523 : i32
        %add3A_525 = arith.constant 1 : i32
        %add3A_526 = arith.addi %mul3A_524, %add3A_525 : i32
        %broadcast_in_dim3A_527 = vector.broadcast %add3A_526 : i32 to vector<16xi32>
        %gather3A_528 = tpu.vector_load_idx %arg10[%iota3A, %broadcast_in_dim3A_527] : memref<16x200xi32, #tpu.memory_space<vmem>>[vector<16xi32>, vector<16xi32>], vector<16xi32>,
        %lt3A_529 = arith.cmpi slt, %broadcast_in_dim3A_527, %get3A_400 : vector<16xi32>
        %mul3A_530 = arith.constant 20 : i32
        %mul3A_531 = arith.muli %scan3A_516, %mul3A_530 : i32
        %add3A_532 = arith.constant 2 : i32
        %add3A_533 = arith.addi %mul3A_531, %add3A_532 : i32
        %broadcast_in_dim3A_534 = vector.broadcast %add3A_533 : i32 to vector<16xi32>
        %gather3A_535 = tpu.vector_load_idx %arg10[%iota3A, %broadcast_in_dim3A_534] : memref<16x200xi32, #tpu.memory_space<vmem>>[vector<16xi32>, vector<16xi32>], vector<16xi32>,
        %lt3A_536 = arith.cmpi slt, %broadcast_in_dim3A_534, %get3A_400 : vector<16xi32>
        %mul3A_537 = arith.constant 20 : i32
        %mul3A_538 = arith.muli %scan3A_516, %mul3A_537 : i32
        %add3A_539 = arith.constant 3 : i32
        %add3A_540 = arith.addi %mul3A_538, %add3A_539 : i32
        %broadcast_in_dim3A_541 = vector.broadcast %add3A_540 : i32 to vector<16xi32>
        %gather3A_542 = tpu.vector_load_idx %arg10[%iota3A, %broadcast_in_dim3A_541] : memref<16x200xi32, #tpu.memory_space<vmem>>[vector<16xi32>, vector<16xi32>], vector<16xi32>,
        %lt3A_543 = arith.cmpi slt, %broadcast_in_dim3A_541, %get3A_400 : vector<16xi32>
        %mul3A_544 = arith.constant 20 : i32
        %mul3A_545 = arith.muli %scan3A_516, %mul3A_544 : i32
        %add3A_546 = arith.constant 4 : i32
        %add3A_547 = arith.addi %mul3A_545, %add3A_546 : i32
        %broadcast_in_dim3A_548 = vector.broadcast %add3A_547 : i32 to vector<16xi32>
        %gather3A_549 = tpu.vector_load_idx %arg10[%iota3A, %broadcast_in_dim3A_548] : memref<16x200xi32, #tpu.memory_space<vmem>>[vector<16xi32>, vector<16xi32>], vector<16xi32>,
        %lt3A_550 = arith.cmpi slt, %broadcast_in_dim3A_548, %get3A_400 : vector<16xi32>
        %mul3A_551 = arith.constant 20 : i32
        %mul3A_552 = arith.muli %scan3A_516, %mul3A_551 : i32
        %add3A_553 = arith.constant 5 : i32
        %add3A_554 = arith.addi %mul3A_552, %add3A_553 : i32
        %broadcast_in_dim3A_555 = vector.broadcast %add3A_554 : i32 to vector<16xi32>
        %gather3A_556 = tpu.vector_load_idx %arg10[%iota3A, %broadcast_in_dim3A_555] : memref<16x200xi32, #tpu.memory_space<vmem>>[vector<16xi32>, vector<16xi32>], vector<16xi32>,
        %lt3A_557 = arith.cmpi slt, %broadcast_in_dim3A_555, %get3A_400 : vector<16xi32>
        %mul3A_558 = arith.constant 20 : i32
        %mul3A_559 = arith.muli %scan3A_516, %mul3A_558 : i32
        %add3A_560 = arith.constant 6 : i32
        %add3A_561 = arith.addi %mul3A_559, %add3A_560 : i32
        %broadcast_in_dim3A_562 = vector.broadcast %add3A_561 : i32 to vector<16xi32>
        %gather3A_563 = tpu.vector_load_idx %arg10[%iota3A, %broadcast_in_dim3A_562] : memref<16x200xi32, #tpu.memory_space<vmem>>[vector<16xi32>, vector<16xi32>], vector<16xi32>,
        %lt3A_564 = arith.cmpi slt, %broadcast_in_dim3A_562, %get3A_400 : vector<16xi32>
        %mul3A_565 = arith.constant 20 : i32
        %mul3A_566 = arith.muli %scan3A_516, %mul3A_565 : i32
        %add3A_567 = arith.constant 7 : i32
        %add3A_568 = arith.addi %mul3A_566, %add3A_567 : i32
        %broadcast_in_dim3A_569 = vector.broadcast %add3A_568 : i32 to vector<16xi32>
        %gather3A_570 = tpu.vector_load_idx %arg10[%iota3A, %broadcast_in_dim3A_569] : memref<16x200xi32, #tpu.memory_space<vmem>>[vector<16xi32>, vector<16xi32>], vector<16xi32>,
        %lt3A_571 = arith.cmpi slt, %broadcast_in_dim3A_569, %get3A_400 : vector<16xi32>
        %mul3A_572 = arith.constant 20 : i32
        %mul3A_573 = arith.muli %scan3A_516, %mul3A_572 : i32
        %add3A_574 = arith.constant 8 : i32
        %add3A_575 = arith.addi %mul3A_573, %add3A_574 : i32
        %broadcast_in_dim3A_576 = vector.broadcast %add3A_575 : i32 to vector<16xi32>
        %gather3A_577 = tpu.vector_load_idx %arg10[%iota3A, %broadcast_in_dim3A_576] : memref<16x200xi32, #tpu.memory_space<vmem>>[vector<16xi32>, vector<16xi32>], vector<16xi32>,
        %lt3A_578 = arith.cmpi slt, %broadcast_in_dim3A_576, %get3A_400 : vector<16xi32>
        %mul3A_579 = arith.constant 20 : i32
        %mul3A_580 = arith.muli %scan3A_516, %mul3A_579 : i32
        %add3A_581 = arith.constant 9 : i32
        %add3A_582 = arith.addi %mul3A_580, %add3A_581 : i32
        %broadcast_in_dim3A_583 = vector.broadcast %add3A_582 : i32 to vector<16xi32>
        %gather3A_584 = tpu.vector_load_idx %arg10[%iota3A, %broadcast_in_dim3A_583] : memref<16x200xi32, #tpu.memory_space<vmem>>[vector<16xi32>, vector<16xi32>], vector<16xi32>,
        %lt3A_585 = arith.cmpi slt, %broadcast_in_dim3A_583, %get3A_400 : vector<16xi32>
        %mul3A_586 = arith.constant 20 : i32
        %mul3A_587 = arith.muli %scan3A_516, %mul3A_586 : i32
        %add3A_588 = arith.constant 10 : i32
        %add3A_589 = arith.addi %mul3A_587, %add3A_588 : i32
        %broadcast_in_dim3A_590 = vector.broadcast %add3A_589 : i32 to vector<16xi32>
        %gather3A_591 = tpu.vector_load_idx %arg10[%iota3A, %broadcast_in_dim3A_590] : memref<16x200xi32, #tpu.memory_space<vmem>>[vector<16xi32>, vector<16xi32>], vector<16xi32>,
        %lt3A_592 = arith.cmpi slt, %broadcast_in_dim3A_590, %get3A_400 : vector<16xi32>
        %mul3A_593 = arith.constant 20 : i32
        %mul3A_594 = arith.muli %scan3A_516, %mul3A_593 : i32
        %add3A_595 = arith.constant 11 : i32
        %add3A_596 = arith.addi %mul3A_594, %add3A_595 : i32
        %broadcast_in_dim3A_597 = vector.broadcast %add3A_596 : i32 to vector<16xi32>
        %gather3A_598 = tpu.vector_load_idx %arg10[%iota3A, %broadcast_in_dim3A_597] : memref<16x200xi32, #tpu.memory_space<vmem>>[vector<16xi32>, vector<16xi32>], vector<16xi32>,
        %lt3A_599 = arith.cmpi slt, %broadcast_in_dim3A_597, %get3A_400 : vector<16xi32>
        %mul3A_600 = arith.constant 20 : i32
        %mul3A_601 = arith.muli %scan3A_516, %mul3A_600 : i32
        %add3A_602 = arith.constant 12 : i32
        %add3A_603 = arith.addi %mul3A_601, %add3A_602 : i32
        %broadcast_in_dim3A_604 = vector.broadcast %add3A_603 : i32 to vector<16xi32>
        %gather3A_605 = tpu.vector_load_idx %arg10[%iota3A, %broadcast_in_dim3A_604] : memref<16x200xi32, #tpu.memory_space<vmem>>[vector<16xi32>, vector<16xi32>], vector<16xi32>,
        %lt3A_606 = arith.cmpi slt, %broadcast_in_dim3A_604, %get3A_400 : vector<16xi32>
        %mul3A_607 = arith.constant 20 : i32
        %mul3A_608 = arith.muli %scan3A_516, %mul3A_607 : i32
        %add3A_609 = arith.constant 13 : i32
        %add3A_610 = arith.addi %mul3A_608, %add3A_609 : i32
        %broadcast_in_dim3A_611 = vector.broadcast %add3A_610 : i32 to vector<16xi32>
        %gather3A_612 = tpu.vector_load_idx %arg10[%iota3A, %broadcast_in_dim3A_611] : memref<16x200xi32, #tpu.memory_space<vmem>>[vector<16xi32>, vector<16xi32>], vector<16xi32>,
        %lt3A_613 = arith.cmpi slt, %broadcast_in_dim3A_611, %get3A_400 : vector<16xi32>
        %mul3A_614 = arith.constant 20 : i32
        %mul3A_615 = arith.muli %scan3A_516, %mul3A_614 : i32
        %add3A_616 = arith.constant 14 : i32
        %add3A_617 = arith.addi %mul3A_615, %add3A_616 : i32
        %broadcast_in_dim3A_618 = vector.broadcast %add3A_617 : i32 to vector<16xi32>
        %gather3A_619 = tpu.vector_load_idx %arg10[%iota3A, %broadcast_in_dim3A_618] : memref<16x200xi32, #tpu.memory_space<vmem>>[vector<16xi32>, vector<16xi32>], vector<16xi32>,
        %lt3A_620 = arith.cmpi slt, %broadcast_in_dim3A_618, %get3A_400 : vector<16xi32>
        %mul3A_621 = arith.constant 20 : i32
        %mul3A_622 = arith.muli %scan3A_516, %mul3A_621 : i32
        %add3A_623 = arith.constant 15 : i32
        %add3A_624 = arith.addi %mul3A_622, %add3A_623 : i32
        %broadcast_in_dim3A_625 = vector.broadcast %add3A_624 : i32 to vector<16xi32>
        %gather3A_626 = tpu.vector_load_idx %arg10[%iota3A, %broadcast_in_dim3A_625] : memref<16x200xi32, #tpu.memory_space<vmem>>[vector<16xi32>, vector<16xi32>], vector<16xi32>,
        %lt3A_627 = arith.cmpi slt, %broadcast_in_dim3A_625, %get3A_400 : vector<16xi32>
        %mul3A_628 = arith.constant 20 : i32
        %mul3A_629 = arith.muli %scan3A_516, %mul3A_628 : i32
        %add3A_630 = arith.constant 16 : i32
        %add3A_631 = arith.addi %mul3A_629, %add3A_630 : i32
        %broadcast_in_dim3A_632 = vector.broadcast %add3A_631 : i32 to vector<16xi32>
        %gather3A_633 = tpu.vector_load_idx %arg10[%iota3A, %broadcast_in_dim3A_632] : memref<16x200xi32, #tpu.memory_space<vmem>>[vector<16xi32>, vector<16xi32>], vector<16xi32>,
        %lt3A_634 = arith.cmpi slt, %broadcast_in_dim3A_632, %get3A_400 : vector<16xi32>
        %mul3A_635 = arith.constant 20 : i32
        %mul3A_636 = arith.muli %scan3A_516, %mul3A_635 : i32
        %add3A_637 = arith.constant 17 : i32
        %add3A_638 = arith.addi %mul3A_636, %add3A_637 : i32
        %broadcast_in_dim3A_639 = vector.broadcast %add3A_638 : i32 to vector<16xi32>
        %gather3A_640 = tpu.vector_load_idx %arg10[%iota3A, %broadcast_in_dim3A_639] : memref<16x200xi32, #tpu.memory_space<vmem>>[vector<16xi32>, vector<16xi32>], vector<16xi32>,
        %lt3A_641 = arith.cmpi slt, %broadcast_in_dim3A_639, %get3A_400 : vector<16xi32>
        %mul3A_642 = arith.constant 20 : i32
        %mul3A_643 = arith.muli %scan3A_516, %mul3A_642 : i32
        %add3A_644 = arith.constant 18 : i32
        %add3A_645 = arith.addi %mul3A_643, %add3A_644 : i32
        %broadcast_in_dim3A_646 = vector.broadcast %add3A_645 : i32 to vector<16xi32>
        %gather3A_647 = tpu.vector_load_idx %arg10[%iota3A, %broadcast_in_dim3A_646] : memref<16x200xi32, #tpu.memory_space<vmem>>[vector<16xi32>, vector<16xi32>], vector<16xi32>,
        %lt3A_648 = arith.cmpi slt, %broadcast_in_dim3A_646, %get3A_400 : vector<16xi32>
        %mul3A_649 = arith.constant 20 : i32
        %mul3A_650 = arith.muli %scan3A_516, %mul3A_649 : i32
        %add3A_651 = arith.constant 19 : i32
        %add3A_652 = arith.addi %mul3A_650, %add3A_651 : i32
        %broadcast_in_dim3A_653 = vector.broadcast %add3A_652 : i32 to vector<16xi32>
        %gather3A_654 = tpu.vector_load_idx %arg10[%iota3A, %broadcast_in_dim3A_653] : memref<16x200xi32, #tpu.memory_space<vmem>>[vector<16xi32>, vector<16xi32>], vector<16xi32>,
        %lt3A_655 = arith.cmpi slt, %broadcast_in_dim3A_653, %get3A_400 : vector<16xi32>
        tpu.vector_store_idx %arg22[%iota3A, %gather3A], %broadcast_in_dim3A_402 masked %lt3A {add = true} : memref<16x1024xf32, #tpu.memory_space<vmem>>[vector<16xi32>, vector<16xi32>], vector<16xf32>, vector<16xi1>
        tpu.vector_store_idx %arg22[%iota3A, %gather3A_528], %broadcast_in_dim3A_402 masked %lt3A_529 {add = true} : memref<16x1024xf32, #tpu.memory_space<vmem>>[vector<16xi32>, vector<16xi32>], vector<16xf32>, vector<16xi1>
        tpu.vector_store_idx %arg22[%iota3A, %gather3A_535], %broadcast_in_dim3A_402 masked %lt3A_536 {add = true} : memref<16x1024xf32, #tpu.memory_space<vmem>>[vector<16xi32>, vector<16xi32>], vector<16xf32>, vector<16xi1>
        tpu.vector_store_idx %arg22[%iota3A, %gather3A_542], %broadcast_in_dim3A_402 masked %lt3A_543 {add = true} : memref<16x1024xf32, #tpu.memory_space<vmem>>[vector<16xi32>, vector<16xi32>], vector<16xf32>, vector<16xi1>
        tpu.vector_store_idx %arg22[%iota3A, %gather3A_549], %broadcast_in_dim3A_402 masked %lt3A_550 {add = true} : memref<16x1024xf32, #tpu.memory_space<vmem>>[vector<16xi32>, vector<16xi32>], vector<16xf32>, vector<16xi1>
        tpu.vector_store_idx %arg22[%iota3A, %gather3A_556], %broadcast_in_dim3A_402 masked %lt3A_557 {add = true} : memref<16x1024xf32, #tpu.memory_space<vmem>>[vector<16xi32>, vector<16xi32>], vector<16xf32>, vector<16xi1>
        tpu.vector_store_idx %arg22[%iota3A, %gather3A_563], %broadcast_in_dim3A_402 masked %lt3A_564 {add = true} : memref<16x1024xf32, #tpu.memory_space<vmem>>[vector<16xi32>, vector<16xi32>], vector<16xf32>, vector<16xi1>
        tpu.vector_store_idx %arg22[%iota3A, %gather3A_570], %broadcast_in_dim3A_402 masked %lt3A_571 {add = true} : memref<16x1024xf32, #tpu.memory_space<vmem>>[vector<16xi32>, vector<16xi32>], vector<16xf32>, vector<16xi1>
        tpu.vector_store_idx %arg22[%iota3A, %gather3A_577], %broadcast_in_dim3A_402 masked %lt3A_578 {add = true} : memref<16x1024xf32, #tpu.memory_space<vmem>>[vector<16xi32>, vector<16xi32>], vector<16xf32>, vector<16xi1>
        tpu.vector_store_idx %arg22[%iota3A, %gather3A_584], %broadcast_in_dim3A_402 masked %lt3A_585 {add = true} : memref<16x1024xf32, #tpu.memory_space<vmem>>[vector<16xi32>, vector<16xi32>], vector<16xf32>, vector<16xi1>
        tpu.vector_store_idx %arg22[%iota3A, %gather3A_591], %broadcast_in_dim3A_402 masked %lt3A_592 {add = true} : memref<16x1024xf32, #tpu.memory_space<vmem>>[vector<16xi32>, vector<16xi32>], vector<16xf32>, vector<16xi1>
        tpu.vector_store_idx %arg22[%iota3A, %gather3A_598], %broadcast_in_dim3A_402 masked %lt3A_599 {add = true} : memref<16x1024xf32, #tpu.memory_space<vmem>>[vector<16xi32>, vector<16xi32>], vector<16xf32>, vector<16xi1>
        tpu.vector_store_idx %arg22[%iota3A, %gather3A_605], %broadcast_in_dim3A_402 masked %lt3A_606 {add = true} : memref<16x1024xf32, #tpu.memory_space<vmem>>[vector<16xi32>, vector<16xi32>], vector<16xf32>, vector<16xi1>
        tpu.vector_store_idx %arg22[%iota3A, %gather3A_612], %broadcast_in_dim3A_402 masked %lt3A_613 {add = true} : memref<16x1024xf32, #tpu.memory_space<vmem>>[vector<16xi32>, vector<16xi32>], vector<16xf32>, vector<16xi1>
        tpu.vector_store_idx %arg22[%iota3A, %gather3A_619], %broadcast_in_dim3A_402 masked %lt3A_620 {add = true} : memref<16x1024xf32, #tpu.memory_space<vmem>>[vector<16xi32>, vector<16xi32>], vector<16xf32>, vector<16xi1>
        tpu.vector_store_idx %arg22[%iota3A, %gather3A_626], %broadcast_in_dim3A_402 masked %lt3A_627 {add = true} : memref<16x1024xf32, #tpu.memory_space<vmem>>[vector<16xi32>, vector<16xi32>], vector<16xf32>, vector<16xi1>
        tpu.vector_store_idx %arg22[%iota3A, %gather3A_633], %broadcast_in_dim3A_402 masked %lt3A_634 {add = true} : memref<16x1024xf32, #tpu.memory_space<vmem>>[vector<16xi32>, vector<16xi32>], vector<16xf32>, vector<16xi1>
        tpu.vector_store_idx %arg22[%iota3A, %gather3A_640], %broadcast_in_dim3A_402 masked %lt3A_641 {add = true} : memref<16x1024xf32, #tpu.memory_space<vmem>>[vector<16xi32>, vector<16xi32>], vector<16xf32>, vector<16xi1>
        tpu.vector_store_idx %arg22[%iota3A, %gather3A_647], %broadcast_in_dim3A_402 masked %lt3A_648 {add = true} : memref<16x1024xf32, #tpu.memory_space<vmem>>[vector<16xi32>, vector<16xi32>], vector<16xf32>, vector<16xi1>
        tpu.vector_store_idx %arg22[%iota3A, %gather3A_654], %broadcast_in_dim3A_402 masked %lt3A_655 {add = true} : memref<16x1024xf32, #tpu.memory_space<vmem>>[vector<16xi32>, vector<16xi32>], vector<16xf32>, vector<16xi1>
        %scan3A_656 = arith.constant 0 : i32
        scf.yield %scan3A_656 : i32
      }
      %scan3A_409 = arith.constant 10 : i32
      %mul3A_410 = arith.constant 16 : i32
      %mul3A_411 = arith.muli %add3A_371, %mul3A_410 : i32
      %add3A_412 = arith.addi %mul3A_3, %mul3A_411 : i32
      %dma_start3A_413 = arith.constant 0 : i32
      %dma_start3A_414 = tpu.memref_slice %arg4[%add3A_412, %dma_start3A_413] : memref<16384x1024xf32, #tpu.memory_space<hbm>> -> memref<16x1024xf32, #tpu.memory_space<hbm>>
      %dma_start3A_415 = arith.constant 0 : i32
      %dma_start3A_416 = tpu.memref_slice %arg4[%add3A_412, %dma_start3A_415] : memref<16384x1024xf32, #tpu.memory_space<hbm>> -> memref<16x1024xf32, #tpu.memory_space<hbm>>
      tpu.enqueue_dma source(%arg22 : memref<16x1024xf32, #tpu.memory_space<vmem>>) target(%dma_start3A_416 : memref<16x1024xf32, #tpu.memory_space<hbm>>) target_semaphore(%arg32 : memref<!tpu.dma_semaphore, #tpu.memory_space<semaphore_mem>>)
      %mul3A_417 = arith.constant 8 : i32
      %mul3A_418 = arith.muli %scan3A_158, %mul3A_417 : i32
      %add3A_419 = arith.constant 6 : i32
      %add3A_420 = arith.addi %mul3A_418, %add3A_419 : i32
      %dma_wait3A_421 = arith.constant 0 : i32
      %dma_wait3A_422 = arith.constant 0 : i32
      %dma_wait3A_423 = tpu.memref_slice %arg4[%dma_wait3A_421, %dma_wait3A_422] : memref<16384x1024xf32, #tpu.memory_space<hbm>> -> memref<16x1024xf32, #tpu.memory_space<hbm>>
      %dma_wait3A_424 = arith.constant 0 : i32
      %dma_wait3A_425 = arith.constant 0 : i32
      %dma_wait3A_426 = tpu.memref_slice %arg4[%dma_wait3A_424, %dma_wait3A_425] : memref<16384x1024xf32, #tpu.memory_space<hbm>> -> memref<16x1024xf32, #tpu.memory_space<hbm>>
      tpu.wait_dma2 semaphore(%arg31 : memref<!tpu.dma_semaphore, #tpu.memory_space<semaphore_mem>>) src(%arg21 : memref<16x1024xf32, #tpu.memory_space<vmem>>) dst(%dma_wait3A_426 : memref<16x1024xf32, #tpu.memory_space<hbm>>)
      %add3A_427 = arith.constant 8 : i32
      %add3A_428 = arith.addi %add3A_420, %add3A_427 : i32
      %sub3A_429 = arith.constant 2 : i32
      %sub3A_430 = arith.subi %add3A_428, %sub3A_429 : i32
      %min3A_431 = arith.constant 31 : i32
      %min3A_432 = arith.minsi %sub3A_430, %min3A_431 : i32
      %mul3A_433 = arith.constant 16 : i32
      %mul3A_434 = arith.muli %min3A_432, %mul3A_433 : i32
      %add3A_435 = arith.addi %mul3A_3, %mul3A_434 : i32
      %dma_start3A_436 = arith.constant 0 : i32
      %dma_start3A_437 = tpu.memref_slice %arg2[%add3A_435, %dma_start3A_436] : memref<16384x200xi32, #tpu.memory_space<hbm>> -> memref<16x200xi32, #tpu.memory_space<hbm>>
      %dma_start3A_438 = arith.constant 0 : i32
      %dma_start3A_439 = tpu.memref_slice %arg2[%add3A_435, %dma_start3A_438] : memref<16384x200xi32, #tpu.memory_space<hbm>> -> memref<16x200xi32, #tpu.memory_space<hbm>>
      tpu.enqueue_dma source(%dma_start3A_439 : memref<16x200xi32, #tpu.memory_space<hbm>>) target(%arg9 : memref<16x200xi32, #tpu.memory_space<vmem>>) target_semaphore(%arg27 : memref<!tpu.dma_semaphore, #tpu.memory_space<semaphore_mem>>)
      %dma_start3A_440 = tpu.memref_slice %arg3[%add3A_435] : memref<16384xi32, #tpu.memory_space<hbm>> -> memref<16xi32, #tpu.memory_space<hbm>>
      %dma_start3A_441 = tpu.memref_slice %arg3[%add3A_435] : memref<16384xi32, #tpu.memory_space<hbm>> -> memref<16xi32, #tpu.memory_space<hbm>>
      tpu.enqueue_dma source(%dma_start3A_441 : memref<16xi32, #tpu.memory_space<hbm>>) target(%arg17 : memref<16xi32, #tpu.memory_space<vmem>>) target_semaphore(%arg27 : memref<!tpu.dma_semaphore, #tpu.memory_space<semaphore_mem>>)
      %dma_wait3A_442 = arith.constant 0 : i32
      %dma_wait3A_443 = tpu.memref_slice %arg2[%mul3A_3, %dma_wait3A_442] : memref<16384x200xi32, #tpu.memory_space<hbm>> -> memref<16x200xi32, #tpu.memory_space<hbm>>
      %dma_wait3A_444 = arith.constant 0 : i32
      %dma_wait3A_445 = tpu.memref_slice %arg2[%mul3A_3, %dma_wait3A_444] : memref<16384x200xi32, #tpu.memory_space<hbm>> -> memref<16x200xi32, #tpu.memory_space<hbm>>
      tpu.wait_dma2 semaphore(%arg29 : memref<!tpu.dma_semaphore, #tpu.memory_space<semaphore_mem>>) src(%dma_wait3A_445 : memref<16x200xi32, #tpu.memory_space<hbm>>) dst(%arg11 : memref<16x200xi32, #tpu.memory_space<vmem>>)
      %dma_wait3A_446 = tpu.memref_slice %arg3[%mul3A_3] : memref<16384xi32, #tpu.memory_space<hbm>> -> memref<16xi32, #tpu.memory_space<hbm>>
      %dma_wait3A_447 = tpu.memref_slice %arg3[%mul3A_3] : memref<16384xi32, #tpu.memory_space<hbm>> -> memref<16xi32, #tpu.memory_space<hbm>>
      tpu.wait_dma2 semaphore(%arg29 : memref<!tpu.dma_semaphore, #tpu.memory_space<semaphore_mem>>) src(%dma_wait3A_447 : memref<16xi32, #tpu.memory_space<hbm>>) dst(%arg19 : memref<16xi32, #tpu.memory_space<vmem>>)
      %get3A_448 = arith.constant 0 : index
      %get3A_449 = tpu.vector_load %arg19[%get3A_448] {strides = array<i32>} : memref<16xi32, #tpu.memory_space<vmem>>, vector<16xi32>,
      %broadcast_in_dim3A_450 = arith.constant 1.000000e+00 : f32
      %broadcast_in_dim3A_451 = vector.broadcast %broadcast_in_dim3A_450 : f32 to vector<16xf32>
      %scan3A_452 = arith.constant 0 : i32
      %scan3A_453 = arith.constant 0 : i32
      %scan3A_454 = arith.constant 10 : i32
      %scan3A_455 = arith.addi %scan3A_453, %scan3A_454 : i32
      %scan3A_456 = arith.constant 1 : i32
      %scan3A_457 = scf.for %scan3A_516 = %scan3A_453 to %scan3A_455 step %scan3A_456 iter_args(%scan3A_517 = %scan3A_452) -> (i32)  : i32 {
        %mul3A_518 = arith.constant 20 : i32
        %mul3A_519 = arith.muli %scan3A_516, %mul3A_518 : i32
        %add3A_520 = arith.constant 0 : i32
        %add3A_521 = arith.addi %mul3A_519, %add3A_520 : i32
        %broadcast_in_dim3A_522 = vector.broadcast %add3A_521 : i32 to vector<16xi32>
        %gather3A = tpu.vector_load_idx %arg11[%iota3A, %broadcast_in_dim3A_522] : memref<16x200xi32, #tpu.memory_space<vmem>>[vector<16xi32>, vector<16xi32>], vector<16xi32>,
        %lt3A = arith.cmpi slt, %broadcast_in_dim3A_522, %get3A_449 : vector<16xi32>
        %mul3A_523 = arith.constant 20 : i32
        %mul3A_524 = arith.muli %scan3A_516, %mul3A_523 : i32
        %add3A_525 = arith.constant 1 : i32
        %add3A_526 = arith.addi %mul3A_524, %add3A_525 : i32
        %broadcast_in_dim3A_527 = vector.broadcast %add3A_526 : i32 to vector<16xi32>
        %gather3A_528 = tpu.vector_load_idx %arg11[%iota3A, %broadcast_in_dim3A_527] : memref<16x200xi32, #tpu.memory_space<vmem>>[vector<16xi32>, vector<16xi32>], vector<16xi32>,
        %lt3A_529 = arith.cmpi slt, %broadcast_in_dim3A_527, %get3A_449 : vector<16xi32>
        %mul3A_530 = arith.constant 20 : i32
        %mul3A_531 = arith.muli %scan3A_516, %mul3A_530 : i32
        %add3A_532 = arith.constant 2 : i32
        %add3A_533 = arith.addi %mul3A_531, %add3A_532 : i32
        %broadcast_in_dim3A_534 = vector.broadcast %add3A_533 : i32 to vector<16xi32>
        %gather3A_535 = tpu.vector_load_idx %arg11[%iota3A, %broadcast_in_dim3A_534] : memref<16x200xi32, #tpu.memory_space<vmem>>[vector<16xi32>, vector<16xi32>], vector<16xi32>,
        %lt3A_536 = arith.cmpi slt, %broadcast_in_dim3A_534, %get3A_449 : vector<16xi32>
        %mul3A_537 = arith.constant 20 : i32
        %mul3A_538 = arith.muli %scan3A_516, %mul3A_537 : i32
        %add3A_539 = arith.constant 3 : i32
        %add3A_540 = arith.addi %mul3A_538, %add3A_539 : i32
        %broadcast_in_dim3A_541 = vector.broadcast %add3A_540 : i32 to vector<16xi32>
        %gather3A_542 = tpu.vector_load_idx %arg11[%iota3A, %broadcast_in_dim3A_541] : memref<16x200xi32, #tpu.memory_space<vmem>>[vector<16xi32>, vector<16xi32>], vector<16xi32>,
        %lt3A_543 = arith.cmpi slt, %broadcast_in_dim3A_541, %get3A_449 : vector<16xi32>
        %mul3A_544 = arith.constant 20 : i32
        %mul3A_545 = arith.muli %scan3A_516, %mul3A_544 : i32
        %add3A_546 = arith.constant 4 : i32
        %add3A_547 = arith.addi %mul3A_545, %add3A_546 : i32
        %broadcast_in_dim3A_548 = vector.broadcast %add3A_547 : i32 to vector<16xi32>
        %gather3A_549 = tpu.vector_load_idx %arg11[%iota3A, %broadcast_in_dim3A_548] : memref<16x200xi32, #tpu.memory_space<vmem>>[vector<16xi32>, vector<16xi32>], vector<16xi32>,
        %lt3A_550 = arith.cmpi slt, %broadcast_in_dim3A_548, %get3A_449 : vector<16xi32>
        %mul3A_551 = arith.constant 20 : i32
        %mul3A_552 = arith.muli %scan3A_516, %mul3A_551 : i32
        %add3A_553 = arith.constant 5 : i32
        %add3A_554 = arith.addi %mul3A_552, %add3A_553 : i32
        %broadcast_in_dim3A_555 = vector.broadcast %add3A_554 : i32 to vector<16xi32>
        %gather3A_556 = tpu.vector_load_idx %arg11[%iota3A, %broadcast_in_dim3A_555] : memref<16x200xi32, #tpu.memory_space<vmem>>[vector<16xi32>, vector<16xi32>], vector<16xi32>,
        %lt3A_557 = arith.cmpi slt, %broadcast_in_dim3A_555, %get3A_449 : vector<16xi32>
        %mul3A_558 = arith.constant 20 : i32
        %mul3A_559 = arith.muli %scan3A_516, %mul3A_558 : i32
        %add3A_560 = arith.constant 6 : i32
        %add3A_561 = arith.addi %mul3A_559, %add3A_560 : i32
        %broadcast_in_dim3A_562 = vector.broadcast %add3A_561 : i32 to vector<16xi32>
        %gather3A_563 = tpu.vector_load_idx %arg11[%iota3A, %broadcast_in_dim3A_562] : memref<16x200xi32, #tpu.memory_space<vmem>>[vector<16xi32>, vector<16xi32>], vector<16xi32>,
        %lt3A_564 = arith.cmpi slt, %broadcast_in_dim3A_562, %get3A_449 : vector<16xi32>
        %mul3A_565 = arith.constant 20 : i32
        %mul3A_566 = arith.muli %scan3A_516, %mul3A_565 : i32
        %add3A_567 = arith.constant 7 : i32
        %add3A_568 = arith.addi %mul3A_566, %add3A_567 : i32
        %broadcast_in_dim3A_569 = vector.broadcast %add3A_568 : i32 to vector<16xi32>
        %gather3A_570 = tpu.vector_load_idx %arg11[%iota3A, %broadcast_in_dim3A_569] : memref<16x200xi32, #tpu.memory_space<vmem>>[vector<16xi32>, vector<16xi32>], vector<16xi32>,
        %lt3A_571 = arith.cmpi slt, %broadcast_in_dim3A_569, %get3A_449 : vector<16xi32>
        %mul3A_572 = arith.constant 20 : i32
        %mul3A_573 = arith.muli %scan3A_516, %mul3A_572 : i32
        %add3A_574 = arith.constant 8 : i32
        %add3A_575 = arith.addi %mul3A_573, %add3A_574 : i32
        %broadcast_in_dim3A_576 = vector.broadcast %add3A_575 : i32 to vector<16xi32>
        %gather3A_577 = tpu.vector_load_idx %arg11[%iota3A, %broadcast_in_dim3A_576] : memref<16x200xi32, #tpu.memory_space<vmem>>[vector<16xi32>, vector<16xi32>], vector<16xi32>,
        %lt3A_578 = arith.cmpi slt, %broadcast_in_dim3A_576, %get3A_449 : vector<16xi32>
        %mul3A_579 = arith.constant 20 : i32
        %mul3A_580 = arith.muli %scan3A_516, %mul3A_579 : i32
        %add3A_581 = arith.constant 9 : i32
        %add3A_582 = arith.addi %mul3A_580, %add3A_581 : i32
        %broadcast_in_dim3A_583 = vector.broadcast %add3A_582 : i32 to vector<16xi32>
        %gather3A_584 = tpu.vector_load_idx %arg11[%iota3A, %broadcast_in_dim3A_583] : memref<16x200xi32, #tpu.memory_space<vmem>>[vector<16xi32>, vector<16xi32>], vector<16xi32>,
        %lt3A_585 = arith.cmpi slt, %broadcast_in_dim3A_583, %get3A_449 : vector<16xi32>
        %mul3A_586 = arith.constant 20 : i32
        %mul3A_587 = arith.muli %scan3A_516, %mul3A_586 : i32
        %add3A_588 = arith.constant 10 : i32
        %add3A_589 = arith.addi %mul3A_587, %add3A_588 : i32
        %broadcast_in_dim3A_590 = vector.broadcast %add3A_589 : i32 to vector<16xi32>
        %gather3A_591 = tpu.vector_load_idx %arg11[%iota3A, %broadcast_in_dim3A_590] : memref<16x200xi32, #tpu.memory_space<vmem>>[vector<16xi32>, vector<16xi32>], vector<16xi32>,
        %lt3A_592 = arith.cmpi slt, %broadcast_in_dim3A_590, %get3A_449 : vector<16xi32>
        %mul3A_593 = arith.constant 20 : i32
        %mul3A_594 = arith.muli %scan3A_516, %mul3A_593 : i32
        %add3A_595 = arith.constant 11 : i32
        %add3A_596 = arith.addi %mul3A_594, %add3A_595 : i32
        %broadcast_in_dim3A_597 = vector.broadcast %add3A_596 : i32 to vector<16xi32>
        %gather3A_598 = tpu.vector_load_idx %arg11[%iota3A, %broadcast_in_dim3A_597] : memref<16x200xi32, #tpu.memory_space<vmem>>[vector<16xi32>, vector<16xi32>], vector<16xi32>,
        %lt3A_599 = arith.cmpi slt, %broadcast_in_dim3A_597, %get3A_449 : vector<16xi32>
        %mul3A_600 = arith.constant 20 : i32
        %mul3A_601 = arith.muli %scan3A_516, %mul3A_600 : i32
        %add3A_602 = arith.constant 12 : i32
        %add3A_603 = arith.addi %mul3A_601, %add3A_602 : i32
        %broadcast_in_dim3A_604 = vector.broadcast %add3A_603 : i32 to vector<16xi32>
        %gather3A_605 = tpu.vector_load_idx %arg11[%iota3A, %broadcast_in_dim3A_604] : memref<16x200xi32, #tpu.memory_space<vmem>>[vector<16xi32>, vector<16xi32>], vector<16xi32>,
        %lt3A_606 = arith.cmpi slt, %broadcast_in_dim3A_604, %get3A_449 : vector<16xi32>
        %mul3A_607 = arith.constant 20 : i32
        %mul3A_608 = arith.muli %scan3A_516, %mul3A_607 : i32
        %add3A_609 = arith.constant 13 : i32
        %add3A_610 = arith.addi %mul3A_608, %add3A_609 : i32
        %broadcast_in_dim3A_611 = vector.broadcast %add3A_610 : i32 to vector<16xi32>
        %gather3A_612 = tpu.vector_load_idx %arg11[%iota3A, %broadcast_in_dim3A_611] : memref<16x200xi32, #tpu.memory_space<vmem>>[vector<16xi32>, vector<16xi32>], vector<16xi32>,
        %lt3A_613 = arith.cmpi slt, %broadcast_in_dim3A_611, %get3A_449 : vector<16xi32>
        %mul3A_614 = arith.constant 20 : i32
        %mul3A_615 = arith.muli %scan3A_516, %mul3A_614 : i32
        %add3A_616 = arith.constant 14 : i32
        %add3A_617 = arith.addi %mul3A_615, %add3A_616 : i32
        %broadcast_in_dim3A_618 = vector.broadcast %add3A_617 : i32 to vector<16xi32>
        %gather3A_619 = tpu.vector_load_idx %arg11[%iota3A, %broadcast_in_dim3A_618] : memref<16x200xi32, #tpu.memory_space<vmem>>[vector<16xi32>, vector<16xi32>], vector<16xi32>,
        %lt3A_620 = arith.cmpi slt, %broadcast_in_dim3A_618, %get3A_449 : vector<16xi32>
        %mul3A_621 = arith.constant 20 : i32
        %mul3A_622 = arith.muli %scan3A_516, %mul3A_621 : i32
        %add3A_623 = arith.constant 15 : i32
        %add3A_624 = arith.addi %mul3A_622, %add3A_623 : i32
        %broadcast_in_dim3A_625 = vector.broadcast %add3A_624 : i32 to vector<16xi32>
        %gather3A_626 = tpu.vector_load_idx %arg11[%iota3A, %broadcast_in_dim3A_625] : memref<16x200xi32, #tpu.memory_space<vmem>>[vector<16xi32>, vector<16xi32>], vector<16xi32>,
        %lt3A_627 = arith.cmpi slt, %broadcast_in_dim3A_625, %get3A_449 : vector<16xi32>
        %mul3A_628 = arith.constant 20 : i32
        %mul3A_629 = arith.muli %scan3A_516, %mul3A_628 : i32
        %add3A_630 = arith.constant 16 : i32
        %add3A_631 = arith.addi %mul3A_629, %add3A_630 : i32
        %broadcast_in_dim3A_632 = vector.broadcast %add3A_631 : i32 to vector<16xi32>
        %gather3A_633 = tpu.vector_load_idx %arg11[%iota3A, %broadcast_in_dim3A_632] : memref<16x200xi32, #tpu.memory_space<vmem>>[vector<16xi32>, vector<16xi32>], vector<16xi32>,
        %lt3A_634 = arith.cmpi slt, %broadcast_in_dim3A_632, %get3A_449 : vector<16xi32>
        %mul3A_635 = arith.constant 20 : i32
        %mul3A_636 = arith.muli %scan3A_516, %mul3A_635 : i32
        %add3A_637 = arith.constant 17 : i32
        %add3A_638 = arith.addi %mul3A_636, %add3A_637 : i32
        %broadcast_in_dim3A_639 = vector.broadcast %add3A_638 : i32 to vector<16xi32>
        %gather3A_640 = tpu.vector_load_idx %arg11[%iota3A, %broadcast_in_dim3A_639] : memref<16x200xi32, #tpu.memory_space<vmem>>[vector<16xi32>, vector<16xi32>], vector<16xi32>,
        %lt3A_641 = arith.cmpi slt, %broadcast_in_dim3A_639, %get3A_449 : vector<16xi32>
        %mul3A_642 = arith.constant 20 : i32
        %mul3A_643 = arith.muli %scan3A_516, %mul3A_642 : i32
        %add3A_644 = arith.constant 18 : i32
        %add3A_645 = arith.addi %mul3A_643, %add3A_644 : i32
        %broadcast_in_dim3A_646 = vector.broadcast %add3A_645 : i32 to vector<16xi32>
        %gather3A_647 = tpu.vector_load_idx %arg11[%iota3A, %broadcast_in_dim3A_646] : memref<16x200xi32, #tpu.memory_space<vmem>>[vector<16xi32>, vector<16xi32>], vector<16xi32>,
        %lt3A_648 = arith.cmpi slt, %broadcast_in_dim3A_646, %get3A_449 : vector<16xi32>
        %mul3A_649 = arith.constant 20 : i32
        %mul3A_650 = arith.muli %scan3A_516, %mul3A_649 : i32
        %add3A_651 = arith.constant 19 : i32
        %add3A_652 = arith.addi %mul3A_650, %add3A_651 : i32
        %broadcast_in_dim3A_653 = vector.broadcast %add3A_652 : i32 to vector<16xi32>
        %gather3A_654 = tpu.vector_load_idx %arg11[%iota3A, %broadcast_in_dim3A_653] : memref<16x200xi32, #tpu.memory_space<vmem>>[vector<16xi32>, vector<16xi32>], vector<16xi32>,
        %lt3A_655 = arith.cmpi slt, %broadcast_in_dim3A_653, %get3A_449 : vector<16xi32>
        tpu.vector_store_idx %arg21[%iota3A, %gather3A], %broadcast_in_dim3A_451 masked %lt3A {add = true} : memref<16x1024xf32, #tpu.memory_space<vmem>>[vector<16xi32>, vector<16xi32>], vector<16xf32>, vector<16xi1>
        tpu.vector_store_idx %arg21[%iota3A, %gather3A_528], %broadcast_in_dim3A_451 masked %lt3A_529 {add = true} : memref<16x1024xf32, #tpu.memory_space<vmem>>[vector<16xi32>, vector<16xi32>], vector<16xf32>, vector<16xi1>
        tpu.vector_store_idx %arg21[%iota3A, %gather3A_535], %broadcast_in_dim3A_451 masked %lt3A_536 {add = true} : memref<16x1024xf32, #tpu.memory_space<vmem>>[vector<16xi32>, vector<16xi32>], vector<16xf32>, vector<16xi1>
        tpu.vector_store_idx %arg21[%iota3A, %gather3A_542], %broadcast_in_dim3A_451 masked %lt3A_543 {add = true} : memref<16x1024xf32, #tpu.memory_space<vmem>>[vector<16xi32>, vector<16xi32>], vector<16xf32>, vector<16xi1>
        tpu.vector_store_idx %arg21[%iota3A, %gather3A_549], %broadcast_in_dim3A_451 masked %lt3A_550 {add = true} : memref<16x1024xf32, #tpu.memory_space<vmem>>[vector<16xi32>, vector<16xi32>], vector<16xf32>, vector<16xi1>
        tpu.vector_store_idx %arg21[%iota3A, %gather3A_556], %broadcast_in_dim3A_451 masked %lt3A_557 {add = true} : memref<16x1024xf32, #tpu.memory_space<vmem>>[vector<16xi32>, vector<16xi32>], vector<16xf32>, vector<16xi1>
        tpu.vector_store_idx %arg21[%iota3A, %gather3A_563], %broadcast_in_dim3A_451 masked %lt3A_564 {add = true} : memref<16x1024xf32, #tpu.memory_space<vmem>>[vector<16xi32>, vector<16xi32>], vector<16xf32>, vector<16xi1>
        tpu.vector_store_idx %arg21[%iota3A, %gather3A_570], %broadcast_in_dim3A_451 masked %lt3A_571 {add = true} : memref<16x1024xf32, #tpu.memory_space<vmem>>[vector<16xi32>, vector<16xi32>], vector<16xf32>, vector<16xi1>
        tpu.vector_store_idx %arg21[%iota3A, %gather3A_577], %broadcast_in_dim3A_451 masked %lt3A_578 {add = true} : memref<16x1024xf32, #tpu.memory_space<vmem>>[vector<16xi32>, vector<16xi32>], vector<16xf32>, vector<16xi1>
        tpu.vector_store_idx %arg21[%iota3A, %gather3A_584], %broadcast_in_dim3A_451 masked %lt3A_585 {add = true} : memref<16x1024xf32, #tpu.memory_space<vmem>>[vector<16xi32>, vector<16xi32>], vector<16xf32>, vector<16xi1>
        tpu.vector_store_idx %arg21[%iota3A, %gather3A_591], %broadcast_in_dim3A_451 masked %lt3A_592 {add = true} : memref<16x1024xf32, #tpu.memory_space<vmem>>[vector<16xi32>, vector<16xi32>], vector<16xf32>, vector<16xi1>
        tpu.vector_store_idx %arg21[%iota3A, %gather3A_598], %broadcast_in_dim3A_451 masked %lt3A_599 {add = true} : memref<16x1024xf32, #tpu.memory_space<vmem>>[vector<16xi32>, vector<16xi32>], vector<16xf32>, vector<16xi1>
        tpu.vector_store_idx %arg21[%iota3A, %gather3A_605], %broadcast_in_dim3A_451 masked %lt3A_606 {add = true} : memref<16x1024xf32, #tpu.memory_space<vmem>>[vector<16xi32>, vector<16xi32>], vector<16xf32>, vector<16xi1>
        tpu.vector_store_idx %arg21[%iota3A, %gather3A_612], %broadcast_in_dim3A_451 masked %lt3A_613 {add = true} : memref<16x1024xf32, #tpu.memory_space<vmem>>[vector<16xi32>, vector<16xi32>], vector<16xf32>, vector<16xi1>
        tpu.vector_store_idx %arg21[%iota3A, %gather3A_619], %broadcast_in_dim3A_451 masked %lt3A_620 {add = true} : memref<16x1024xf32, #tpu.memory_space<vmem>>[vector<16xi32>, vector<16xi32>], vector<16xf32>, vector<16xi1>
        tpu.vector_store_idx %arg21[%iota3A, %gather3A_626], %broadcast_in_dim3A_451 masked %lt3A_627 {add = true} : memref<16x1024xf32, #tpu.memory_space<vmem>>[vector<16xi32>, vector<16xi32>], vector<16xf32>, vector<16xi1>
        tpu.vector_store_idx %arg21[%iota3A, %gather3A_633], %broadcast_in_dim3A_451 masked %lt3A_634 {add = true} : memref<16x1024xf32, #tpu.memory_space<vmem>>[vector<16xi32>, vector<16xi32>], vector<16xf32>, vector<16xi1>
        tpu.vector_store_idx %arg21[%iota3A, %gather3A_640], %broadcast_in_dim3A_451 masked %lt3A_641 {add = true} : memref<16x1024xf32, #tpu.memory_space<vmem>>[vector<16xi32>, vector<16xi32>], vector<16xf32>, vector<16xi1>
        tpu.vector_store_idx %arg21[%iota3A, %gather3A_647], %broadcast_in_dim3A_451 masked %lt3A_648 {add = true} : memref<16x1024xf32, #tpu.memory_space<vmem>>[vector<16xi32>, vector<16xi32>], vector<16xf32>, vector<16xi1>
        tpu.vector_store_idx %arg21[%iota3A, %gather3A_654], %broadcast_in_dim3A_451 masked %lt3A_655 {add = true} : memref<16x1024xf32, #tpu.memory_space<vmem>>[vector<16xi32>, vector<16xi32>], vector<16xf32>, vector<16xi1>
        %scan3A_656 = arith.constant 0 : i32
        scf.yield %scan3A_656 : i32
      }
      %scan3A_458 = arith.constant 10 : i32
      %mul3A_459 = arith.constant 16 : i32
      %mul3A_460 = arith.muli %add3A_420, %mul3A_459 : i32
      %add3A_461 = arith.addi %mul3A_3, %mul3A_460 : i32
      %dma_start3A_462 = arith.constant 0 : i32
      %dma_start3A_463 = tpu.memref_slice %arg4[%add3A_461, %dma_start3A_462] : memref<16384x1024xf32, #tpu.memory_space<hbm>> -> memref<16x1024xf32, #tpu.memory_space<hbm>>
      %dma_start3A_464 = arith.constant 0 : i32
      %dma_start3A_465 = tpu.memref_slice %arg4[%add3A_461, %dma_start3A_464] : memref<16384x1024xf32, #tpu.memory_space<hbm>> -> memref<16x1024xf32, #tpu.memory_space<hbm>>
      tpu.enqueue_dma source(%arg21 : memref<16x1024xf32, #tpu.memory_space<vmem>>) target(%dma_start3A_465 : memref<16x1024xf32, #tpu.memory_space<hbm>>) target_semaphore(%arg31 : memref<!tpu.dma_semaphore, #tpu.memory_space<semaphore_mem>>)
      %mul3A_466 = arith.constant 8 : i32
      %mul3A_467 = arith.muli %scan3A_158, %mul3A_466 : i32
      %add3A_468 = arith.constant 7 : i32
      %add3A_469 = arith.addi %mul3A_467, %add3A_468 : i32
      %dma_wait3A_470 = arith.constant 0 : i32
      %dma_wait3A_471 = arith.constant 0 : i32
      %dma_wait3A_472 = tpu.memref_slice %arg4[%dma_wait3A_470, %dma_wait3A_471] : memref<16384x1024xf32, #tpu.memory_space<hbm>> -> memref<16x1024xf32, #tpu.memory_space<hbm>>
      %dma_wait3A_473 = arith.constant 0 : i32
      %dma_wait3A_474 = arith.constant 0 : i32
      %dma_wait3A_475 = tpu.memref_slice %arg4[%dma_wait3A_473, %dma_wait3A_474] : memref<16384x1024xf32, #tpu.memory_space<hbm>> -> memref<16x1024xf32, #tpu.memory_space<hbm>>
      tpu.wait_dma2 semaphore(%arg32 : memref<!tpu.dma_semaphore, #tpu.memory_space<semaphore_mem>>) src(%arg22 : memref<16x1024xf32, #tpu.memory_space<vmem>>) dst(%dma_wait3A_475 : memref<16x1024xf32, #tpu.memory_space<hbm>>)
      %add3A_476 = arith.constant 8 : i32
      %add3A_477 = arith.addi %add3A_469, %add3A_476 : i32
      %sub3A_478 = arith.constant 2 : i32
      %sub3A_479 = arith.subi %add3A_477, %sub3A_478 : i32
      %min3A_480 = arith.constant 31 : i32
      %min3A_481 = arith.minsi %sub3A_479, %min3A_480 : i32
      %mul3A_482 = arith.constant 16 : i32
      %mul3A_483 = arith.muli %min3A_481, %mul3A_482 : i32
      %add3A_484 = arith.addi %mul3A_3, %mul3A_483 : i32
      %dma_start3A_485 = arith.constant 0 : i32
      %dma_start3A_486 = tpu.memref_slice %arg2[%add3A_484, %dma_start3A_485] : memref<16384x200xi32, #tpu.memory_space<hbm>> -> memref<16x200xi32, #tpu.memory_space<hbm>>
      %dma_start3A_487 = arith.constant 0 : i32
      %dma_start3A_488 = tpu.memref_slice %arg2[%add3A_484, %dma_start3A_487] : memref<16384x200xi32, #tpu.memory_space<hbm>> -> memref<16x200xi32, #tpu.memory_space<hbm>>
      tpu.enqueue_dma source(%dma_start3A_488 : memref<16x200xi32, #tpu.memory_space<hbm>>) target(%arg10 : memref<16x200xi32, #tpu.memory_space<vmem>>) target_semaphore(%arg28 : memref<!tpu.dma_semaphore, #tpu.memory_space<semaphore_mem>>)
      %dma_start3A_489 = tpu.memref_slice %arg3[%add3A_484] : memref<16384xi32, #tpu.memory_space<hbm>> -> memref<16xi32, #tpu.memory_space<hbm>>
      %dma_start3A_490 = tpu.memref_slice %arg3[%add3A_484] : memref<16384xi32, #tpu.memory_space<hbm>> -> memref<16xi32, #tpu.memory_space<hbm>>
      tpu.enqueue_dma source(%dma_start3A_490 : memref<16xi32, #tpu.memory_space<hbm>>) target(%arg18 : memref<16xi32, #tpu.memory_space<vmem>>) target_semaphore(%arg28 : memref<!tpu.dma_semaphore, #tpu.memory_space<semaphore_mem>>)
      %dma_wait3A_491 = arith.constant 0 : i32
      %dma_wait3A_492 = tpu.memref_slice %arg2[%mul3A_3, %dma_wait3A_491] : memref<16384x200xi32, #tpu.memory_space<hbm>> -> memref<16x200xi32, #tpu.memory_space<hbm>>
      %dma_wait3A_493 = arith.constant 0 : i32
      %dma_wait3A_494 = tpu.memref_slice %arg2[%mul3A_3, %dma_wait3A_493] : memref<16384x200xi32, #tpu.memory_space<hbm>> -> memref<16x200xi32, #tpu.memory_space<hbm>>
      tpu.wait_dma2 semaphore(%arg30 : memref<!tpu.dma_semaphore, #tpu.memory_space<semaphore_mem>>) src(%dma_wait3A_494 : memref<16x200xi32, #tpu.memory_space<hbm>>) dst(%arg12 : memref<16x200xi32, #tpu.memory_space<vmem>>)
      %dma_wait3A_495 = tpu.memref_slice %arg3[%mul3A_3] : memref<16384xi32, #tpu.memory_space<hbm>> -> memref<16xi32, #tpu.memory_space<hbm>>
      %dma_wait3A_496 = tpu.memref_slice %arg3[%mul3A_3] : memref<16384xi32, #tpu.memory_space<hbm>> -> memref<16xi32, #tpu.memory_space<hbm>>
      tpu.wait_dma2 semaphore(%arg30 : memref<!tpu.dma_semaphore, #tpu.memory_space<semaphore_mem>>) src(%dma_wait3A_496 : memref<16xi32, #tpu.memory_space<hbm>>) dst(%arg20 : memref<16xi32, #tpu.memory_space<vmem>>)
      %get3A_497 = arith.constant 0 : index
      %get3A_498 = tpu.vector_load %arg20[%get3A_497] {strides = array<i32>} : memref<16xi32, #tpu.memory_space<vmem>>, vector<16xi32>,
      %broadcast_in_dim3A_499 = arith.constant 1.000000e+00 : f32
      %broadcast_in_dim3A_500 = vector.broadcast %broadcast_in_dim3A_499 : f32 to vector<16xf32>
      %scan3A_501 = arith.constant 0 : i32
      %scan3A_502 = arith.constant 0 : i32
      %scan3A_503 = arith.constant 10 : i32
      %scan3A_504 = arith.addi %scan3A_502, %scan3A_503 : i32
      %scan3A_505 = arith.constant 1 : i32
      %scan3A_506 = scf.for %scan3A_516 = %scan3A_502 to %scan3A_504 step %scan3A_505 iter_args(%scan3A_517 = %scan3A_501) -> (i32)  : i32 {
        %mul3A_518 = arith.constant 20 : i32
        %mul3A_519 = arith.muli %scan3A_516, %mul3A_518 : i32
        %add3A_520 = arith.constant 0 : i32
        %add3A_521 = arith.addi %mul3A_519, %add3A_520 : i32
        %broadcast_in_dim3A_522 = vector.broadcast %add3A_521 : i32 to vector<16xi32>
        %gather3A = tpu.vector_load_idx %arg12[%iota3A, %broadcast_in_dim3A_522] : memref<16x200xi32, #tpu.memory_space<vmem>>[vector<16xi32>, vector<16xi32>], vector<16xi32>,
        %lt3A = arith.cmpi slt, %broadcast_in_dim3A_522, %get3A_498 : vector<16xi32>
        %mul3A_523 = arith.constant 20 : i32
        %mul3A_524 = arith.muli %scan3A_516, %mul3A_523 : i32
        %add3A_525 = arith.constant 1 : i32
        %add3A_526 = arith.addi %mul3A_524, %add3A_525 : i32
        %broadcast_in_dim3A_527 = vector.broadcast %add3A_526 : i32 to vector<16xi32>
        %gather3A_528 = tpu.vector_load_idx %arg12[%iota3A, %broadcast_in_dim3A_527] : memref<16x200xi32, #tpu.memory_space<vmem>>[vector<16xi32>, vector<16xi32>], vector<16xi32>,
        %lt3A_529 = arith.cmpi slt, %broadcast_in_dim3A_527, %get3A_498 : vector<16xi32>
        %mul3A_530 = arith.constant 20 : i32
        %mul3A_531 = arith.muli %scan3A_516, %mul3A_530 : i32
        %add3A_532 = arith.constant 2 : i32
        %add3A_533 = arith.addi %mul3A_531, %add3A_532 : i32
        %broadcast_in_dim3A_534 = vector.broadcast %add3A_533 : i32 to vector<16xi32>
        %gather3A_535 = tpu.vector_load_idx %arg12[%iota3A, %broadcast_in_dim3A_534] : memref<16x200xi32, #tpu.memory_space<vmem>>[vector<16xi32>, vector<16xi32>], vector<16xi32>,
        %lt3A_536 = arith.cmpi slt, %broadcast_in_dim3A_534, %get3A_498 : vector<16xi32>
        %mul3A_537 = arith.constant 20 : i32
        %mul3A_538 = arith.muli %scan3A_516, %mul3A_537 : i32
        %add3A_539 = arith.constant 3 : i32
        %add3A_540 = arith.addi %mul3A_538, %add3A_539 : i32
        %broadcast_in_dim3A_541 = vector.broadcast %add3A_540 : i32 to vector<16xi32>
        %gather3A_542 = tpu.vector_load_idx %arg12[%iota3A, %broadcast_in_dim3A_541] : memref<16x200xi32, #tpu.memory_space<vmem>>[vector<16xi32>, vector<16xi32>], vector<16xi32>,
        %lt3A_543 = arith.cmpi slt, %broadcast_in_dim3A_541, %get3A_498 : vector<16xi32>
        %mul3A_544 = arith.constant 20 : i32
        %mul3A_545 = arith.muli %scan3A_516, %mul3A_544 : i32
        %add3A_546 = arith.constant 4 : i32
        %add3A_547 = arith.addi %mul3A_545, %add3A_546 : i32
        %broadcast_in_dim3A_548 = vector.broadcast %add3A_547 : i32 to vector<16xi32>
        %gather3A_549 = tpu.vector_load_idx %arg12[%iota3A, %broadcast_in_dim3A_548] : memref<16x200xi32, #tpu.memory_space<vmem>>[vector<16xi32>, vector<16xi32>], vector<16xi32>,
        %lt3A_550 = arith.cmpi slt, %broadcast_in_dim3A_548, %get3A_498 : vector<16xi32>
        %mul3A_551 = arith.constant 20 : i32
        %mul3A_552 = arith.muli %scan3A_516, %mul3A_551 : i32
        %add3A_553 = arith.constant 5 : i32
        %add3A_554 = arith.addi %mul3A_552, %add3A_553 : i32
        %broadcast_in_dim3A_555 = vector.broadcast %add3A_554 : i32 to vector<16xi32>
        %gather3A_556 = tpu.vector_load_idx %arg12[%iota3A, %broadcast_in_dim3A_555] : memref<16x200xi32, #tpu.memory_space<vmem>>[vector<16xi32>, vector<16xi32>], vector<16xi32>,
        %lt3A_557 = arith.cmpi slt, %broadcast_in_dim3A_555, %get3A_498 : vector<16xi32>
        %mul3A_558 = arith.constant 20 : i32
        %mul3A_559 = arith.muli %scan3A_516, %mul3A_558 : i32
        %add3A_560 = arith.constant 6 : i32
        %add3A_561 = arith.addi %mul3A_559, %add3A_560 : i32
        %broadcast_in_dim3A_562 = vector.broadcast %add3A_561 : i32 to vector<16xi32>
        %gather3A_563 = tpu.vector_load_idx %arg12[%iota3A, %broadcast_in_dim3A_562] : memref<16x200xi32, #tpu.memory_space<vmem>>[vector<16xi32>, vector<16xi32>], vector<16xi32>,
        %lt3A_564 = arith.cmpi slt, %broadcast_in_dim3A_562, %get3A_498 : vector<16xi32>
        %mul3A_565 = arith.constant 20 : i32
        %mul3A_566 = arith.muli %scan3A_516, %mul3A_565 : i32
        %add3A_567 = arith.constant 7 : i32
        %add3A_568 = arith.addi %mul3A_566, %add3A_567 : i32
        %broadcast_in_dim3A_569 = vector.broadcast %add3A_568 : i32 to vector<16xi32>
        %gather3A_570 = tpu.vector_load_idx %arg12[%iota3A, %broadcast_in_dim3A_569] : memref<16x200xi32, #tpu.memory_space<vmem>>[vector<16xi32>, vector<16xi32>], vector<16xi32>,
        %lt3A_571 = arith.cmpi slt, %broadcast_in_dim3A_569, %get3A_498 : vector<16xi32>
        %mul3A_572 = arith.constant 20 : i32
        %mul3A_573 = arith.muli %scan3A_516, %mul3A_572 : i32
        %add3A_574 = arith.constant 8 : i32
        %add3A_575 = arith.addi %mul3A_573, %add3A_574 : i32
        %broadcast_in_dim3A_576 = vector.broadcast %add3A_575 : i32 to vector<16xi32>
        %gather3A_577 = tpu.vector_load_idx %arg12[%iota3A, %broadcast_in_dim3A_576] : memref<16x200xi32, #tpu.memory_space<vmem>>[vector<16xi32>, vector<16xi32>], vector<16xi32>,
        %lt3A_578 = arith.cmpi slt, %broadcast_in_dim3A_576, %get3A_498 : vector<16xi32>
        %mul3A_579 = arith.constant 20 : i32
        %mul3A_580 = arith.muli %scan3A_516, %mul3A_579 : i32
        %add3A_581 = arith.constant 9 : i32
        %add3A_582 = arith.addi %mul3A_580, %add3A_581 : i32
        %broadcast_in_dim3A_583 = vector.broadcast %add3A_582 : i32 to vector<16xi32>
        %gather3A_584 = tpu.vector_load_idx %arg12[%iota3A, %broadcast_in_dim3A_583] : memref<16x200xi32, #tpu.memory_space<vmem>>[vector<16xi32>, vector<16xi32>], vector<16xi32>,
        %lt3A_585 = arith.cmpi slt, %broadcast_in_dim3A_583, %get3A_498 : vector<16xi32>
        %mul3A_586 = arith.constant 20 : i32
        %mul3A_587 = arith.muli %scan3A_516, %mul3A_586 : i32
        %add3A_588 = arith.constant 10 : i32
        %add3A_589 = arith.addi %mul3A_587, %add3A_588 : i32
        %broadcast_in_dim3A_590 = vector.broadcast %add3A_589 : i32 to vector<16xi32>
        %gather3A_591 = tpu.vector_load_idx %arg12[%iota3A, %broadcast_in_dim3A_590] : memref<16x200xi32, #tpu.memory_space<vmem>>[vector<16xi32>, vector<16xi32>], vector<16xi32>,
        %lt3A_592 = arith.cmpi slt, %broadcast_in_dim3A_590, %get3A_498 : vector<16xi32>
        %mul3A_593 = arith.constant 20 : i32
        %mul3A_594 = arith.muli %scan3A_516, %mul3A_593 : i32
        %add3A_595 = arith.constant 11 : i32
        %add3A_596 = arith.addi %mul3A_594, %add3A_595 : i32
        %broadcast_in_dim3A_597 = vector.broadcast %add3A_596 : i32 to vector<16xi32>
        %gather3A_598 = tpu.vector_load_idx %arg12[%iota3A, %broadcast_in_dim3A_597] : memref<16x200xi32, #tpu.memory_space<vmem>>[vector<16xi32>, vector<16xi32>], vector<16xi32>,
        %lt3A_599 = arith.cmpi slt, %broadcast_in_dim3A_597, %get3A_498 : vector<16xi32>
        %mul3A_600 = arith.constant 20 : i32
        %mul3A_601 = arith.muli %scan3A_516, %mul3A_600 : i32
        %add3A_602 = arith.constant 12 : i32
        %add3A_603 = arith.addi %mul3A_601, %add3A_602 : i32
        %broadcast_in_dim3A_604 = vector.broadcast %add3A_603 : i32 to vector<16xi32>
        %gather3A_605 = tpu.vector_load_idx %arg12[%iota3A, %broadcast_in_dim3A_604] : memref<16x200xi32, #tpu.memory_space<vmem>>[vector<16xi32>, vector<16xi32>], vector<16xi32>,
        %lt3A_606 = arith.cmpi slt, %broadcast_in_dim3A_604, %get3A_498 : vector<16xi32>
        %mul3A_607 = arith.constant 20 : i32
        %mul3A_608 = arith.muli %scan3A_516, %mul3A_607 : i32
        %add3A_609 = arith.constant 13 : i32
        %add3A_610 = arith.addi %mul3A_608, %add3A_609 : i32
        %broadcast_in_dim3A_611 = vector.broadcast %add3A_610 : i32 to vector<16xi32>
        %gather3A_612 = tpu.vector_load_idx %arg12[%iota3A, %broadcast_in_dim3A_611] : memref<16x200xi32, #tpu.memory_space<vmem>>[vector<16xi32>, vector<16xi32>], vector<16xi32>,
        %lt3A_613 = arith.cmpi slt, %broadcast_in_dim3A_611, %get3A_498 : vector<16xi32>
        %mul3A_614 = arith.constant 20 : i32
        %mul3A_615 = arith.muli %scan3A_516, %mul3A_614 : i32
        %add3A_616 = arith.constant 14 : i32
        %add3A_617 = arith.addi %mul3A_615, %add3A_616 : i32
        %broadcast_in_dim3A_618 = vector.broadcast %add3A_617 : i32 to vector<16xi32>
        %gather3A_619 = tpu.vector_load_idx %arg12[%iota3A, %broadcast_in_dim3A_618] : memref<16x200xi32, #tpu.memory_space<vmem>>[vector<16xi32>, vector<16xi32>], vector<16xi32>,
        %lt3A_620 = arith.cmpi slt, %broadcast_in_dim3A_618, %get3A_498 : vector<16xi32>
        %mul3A_621 = arith.constant 20 : i32
        %mul3A_622 = arith.muli %scan3A_516, %mul3A_621 : i32
        %add3A_623 = arith.constant 15 : i32
        %add3A_624 = arith.addi %mul3A_622, %add3A_623 : i32
        %broadcast_in_dim3A_625 = vector.broadcast %add3A_624 : i32 to vector<16xi32>
        %gather3A_626 = tpu.vector_load_idx %arg12[%iota3A, %broadcast_in_dim3A_625] : memref<16x200xi32, #tpu.memory_space<vmem>>[vector<16xi32>, vector<16xi32>], vector<16xi32>,
        %lt3A_627 = arith.cmpi slt, %broadcast_in_dim3A_625, %get3A_498 : vector<16xi32>
        %mul3A_628 = arith.constant 20 : i32
        %mul3A_629 = arith.muli %scan3A_516, %mul3A_628 : i32
        %add3A_630 = arith.constant 16 : i32
        %add3A_631 = arith.addi %mul3A_629, %add3A_630 : i32
        %broadcast_in_dim3A_632 = vector.broadcast %add3A_631 : i32 to vector<16xi32>
        %gather3A_633 = tpu.vector_load_idx %arg12[%iota3A, %broadcast_in_dim3A_632] : memref<16x200xi32, #tpu.memory_space<vmem>>[vector<16xi32>, vector<16xi32>], vector<16xi32>,
        %lt3A_634 = arith.cmpi slt, %broadcast_in_dim3A_632, %get3A_498 : vector<16xi32>
        %mul3A_635 = arith.constant 20 : i32
        %mul3A_636 = arith.muli %scan3A_516, %mul3A_635 : i32
        %add3A_637 = arith.constant 17 : i32
        %add3A_638 = arith.addi %mul3A_636, %add3A_637 : i32
        %broadcast_in_dim3A_639 = vector.broadcast %add3A_638 : i32 to vector<16xi32>
        %gather3A_640 = tpu.vector_load_idx %arg12[%iota3A, %broadcast_in_dim3A_639] : memref<16x200xi32, #tpu.memory_space<vmem>>[vector<16xi32>, vector<16xi32>], vector<16xi32>,
        %lt3A_641 = arith.cmpi slt, %broadcast_in_dim3A_639, %get3A_498 : vector<16xi32>
        %mul3A_642 = arith.constant 20 : i32
        %mul3A_643 = arith.muli %scan3A_516, %mul3A_642 : i32
        %add3A_644 = arith.constant 18 : i32
        %add3A_645 = arith.addi %mul3A_643, %add3A_644 : i32
        %broadcast_in_dim3A_646 = vector.broadcast %add3A_645 : i32 to vector<16xi32>
        %gather3A_647 = tpu.vector_load_idx %arg12[%iota3A, %broadcast_in_dim3A_646] : memref<16x200xi32, #tpu.memory_space<vmem>>[vector<16xi32>, vector<16xi32>], vector<16xi32>,
        %lt3A_648 = arith.cmpi slt, %broadcast_in_dim3A_646, %get3A_498 : vector<16xi32>
        %mul3A_649 = arith.constant 20 : i32
        %mul3A_650 = arith.muli %scan3A_516, %mul3A_649 : i32
        %add3A_651 = arith.constant 19 : i32
        %add3A_652 = arith.addi %mul3A_650, %add3A_651 : i32
        %broadcast_in_dim3A_653 = vector.broadcast %add3A_652 : i32 to vector<16xi32>
        %gather3A_654 = tpu.vector_load_idx %arg12[%iota3A, %broadcast_in_dim3A_653] : memref<16x200xi32, #tpu.memory_space<vmem>>[vector<16xi32>, vector<16xi32>], vector<16xi32>,
        %lt3A_655 = arith.cmpi slt, %broadcast_in_dim3A_653, %get3A_498 : vector<16xi32>
        tpu.vector_store_idx %arg22[%iota3A, %gather3A], %broadcast_in_dim3A_500 masked %lt3A {add = true} : memref<16x1024xf32, #tpu.memory_space<vmem>>[vector<16xi32>, vector<16xi32>], vector<16xf32>, vector<16xi1>
        tpu.vector_store_idx %arg22[%iota3A, %gather3A_528], %broadcast_in_dim3A_500 masked %lt3A_529 {add = true} : memref<16x1024xf32, #tpu.memory_space<vmem>>[vector<16xi32>, vector<16xi32>], vector<16xf32>, vector<16xi1>
        tpu.vector_store_idx %arg22[%iota3A, %gather3A_535], %broadcast_in_dim3A_500 masked %lt3A_536 {add = true} : memref<16x1024xf32, #tpu.memory_space<vmem>>[vector<16xi32>, vector<16xi32>], vector<16xf32>, vector<16xi1>
        tpu.vector_store_idx %arg22[%iota3A, %gather3A_542], %broadcast_in_dim3A_500 masked %lt3A_543 {add = true} : memref<16x1024xf32, #tpu.memory_space<vmem>>[vector<16xi32>, vector<16xi32>], vector<16xf32>, vector<16xi1>
        tpu.vector_store_idx %arg22[%iota3A, %gather3A_549], %broadcast_in_dim3A_500 masked %lt3A_550 {add = true} : memref<16x1024xf32, #tpu.memory_space<vmem>>[vector<16xi32>, vector<16xi32>], vector<16xf32>, vector<16xi1>
        tpu.vector_store_idx %arg22[%iota3A, %gather3A_556], %broadcast_in_dim3A_500 masked %lt3A_557 {add = true} : memref<16x1024xf32, #tpu.memory_space<vmem>>[vector<16xi32>, vector<16xi32>], vector<16xf32>, vector<16xi1>
        tpu.vector_store_idx %arg22[%iota3A, %gather3A_563], %broadcast_in_dim3A_500 masked %lt3A_564 {add = true} : memref<16x1024xf32, #tpu.memory_space<vmem>>[vector<16xi32>, vector<16xi32>], vector<16xf32>, vector<16xi1>
        tpu.vector_store_idx %arg22[%iota3A, %gather3A_570], %broadcast_in_dim3A_500 masked %lt3A_571 {add = true} : memref<16x1024xf32, #tpu.memory_space<vmem>>[vector<16xi32>, vector<16xi32>], vector<16xf32>, vector<16xi1>
        tpu.vector_store_idx %arg22[%iota3A, %gather3A_577], %broadcast_in_dim3A_500 masked %lt3A_578 {add = true} : memref<16x1024xf32, #tpu.memory_space<vmem>>[vector<16xi32>, vector<16xi32>], vector<16xf32>, vector<16xi1>
        tpu.vector_store_idx %arg22[%iota3A, %gather3A_584], %broadcast_in_dim3A_500 masked %lt3A_585 {add = true} : memref<16x1024xf32, #tpu.memory_space<vmem>>[vector<16xi32>, vector<16xi32>], vector<16xf32>, vector<16xi1>
        tpu.vector_store_idx %arg22[%iota3A, %gather3A_591], %broadcast_in_dim3A_500 masked %lt3A_592 {add = true} : memref<16x1024xf32, #tpu.memory_space<vmem>>[vector<16xi32>, vector<16xi32>], vector<16xf32>, vector<16xi1>
        tpu.vector_store_idx %arg22[%iota3A, %gather3A_598], %broadcast_in_dim3A_500 masked %lt3A_599 {add = true} : memref<16x1024xf32, #tpu.memory_space<vmem>>[vector<16xi32>, vector<16xi32>], vector<16xf32>, vector<16xi1>
        tpu.vector_store_idx %arg22[%iota3A, %gather3A_605], %broadcast_in_dim3A_500 masked %lt3A_606 {add = true} : memref<16x1024xf32, #tpu.memory_space<vmem>>[vector<16xi32>, vector<16xi32>], vector<16xf32>, vector<16xi1>
        tpu.vector_store_idx %arg22[%iota3A, %gather3A_612], %broadcast_in_dim3A_500 masked %lt3A_613 {add = true} : memref<16x1024xf32, #tpu.memory_space<vmem>>[vector<16xi32>, vector<16xi32>], vector<16xf32>, vector<16xi1>
        tpu.vector_store_idx %arg22[%iota3A, %gather3A_619], %broadcast_in_dim3A_500 masked %lt3A_620 {add = true} : memref<16x1024xf32, #tpu.memory_space<vmem>>[vector<16xi32>, vector<16xi32>], vector<16xf32>, vector<16xi1>
        tpu.vector_store_idx %arg22[%iota3A, %gather3A_626], %broadcast_in_dim3A_500 masked %lt3A_627 {add = true} : memref<16x1024xf32, #tpu.memory_space<vmem>>[vector<16xi32>, vector<16xi32>], vector<16xf32>, vector<16xi1>
        tpu.vector_store_idx %arg22[%iota3A, %gather3A_633], %broadcast_in_dim3A_500 masked %lt3A_634 {add = true} : memref<16x1024xf32, #tpu.memory_space<vmem>>[vector<16xi32>, vector<16xi32>], vector<16xf32>, vector<16xi1>
        tpu.vector_store_idx %arg22[%iota3A, %gather3A_640], %broadcast_in_dim3A_500 masked %lt3A_641 {add = true} : memref<16x1024xf32, #tpu.memory_space<vmem>>[vector<16xi32>, vector<16xi32>], vector<16xf32>, vector<16xi1>
        tpu.vector_store_idx %arg22[%iota3A, %gather3A_647], %broadcast_in_dim3A_500 masked %lt3A_648 {add = true} : memref<16x1024xf32, #tpu.memory_space<vmem>>[vector<16xi32>, vector<16xi32>], vector<16xf32>, vector<16xi1>
        tpu.vector_store_idx %arg22[%iota3A, %gather3A_654], %broadcast_in_dim3A_500 masked %lt3A_655 {add = true} : memref<16x1024xf32, #tpu.memory_space<vmem>>[vector<16xi32>, vector<16xi32>], vector<16xf32>, vector<16xi1>
        %scan3A_656 = arith.constant 0 : i32
        scf.yield %scan3A_656 : i32
      }
      %scan3A_507 = arith.constant 10 : i32
      %mul3A_508 = arith.constant 16 : i32
      %mul3A_509 = arith.muli %add3A_469, %mul3A_508 : i32
      %add3A_510 = arith.addi %mul3A_3, %mul3A_509 : i32
      %dma_start3A_511 = arith.constant 0 : i32
      %dma_start3A_512 = tpu.memref_slice %arg4[%add3A_510, %dma_start3A_511] : memref<16384x1024xf32, #tpu.memory_space<hbm>> -> memref<16x1024xf32, #tpu.memory_space<hbm>>
      %dma_start3A_513 = arith.constant 0 : i32
      %dma_start3A_514 = tpu.memref_slice %arg4[%add3A_510, %dma_start3A_513] : memref<16384x1024xf32, #tpu.memory_space<hbm>> -> memref<16x1024xf32, #tpu.memory_space<hbm>>
      tpu.enqueue_dma source(%arg22 : memref<16x1024xf32, #tpu.memory_space<vmem>>) target(%dma_start3A_514 : memref<16x1024xf32, #tpu.memory_space<hbm>>) target_semaphore(%arg32 : memref<!tpu.dma_semaphore, #tpu.memory_space<semaphore_mem>>)
      %scan3A_515 = arith.constant 0 : i32
      scf.yield %scan3A_515 : i32
    }
    %scan3A_110 = arith.constant 4 : i32
    %dma_wait3A = arith.constant 0 : i32
    %dma_wait3A_111 = arith.constant 0 : i32
    %dma_wait3A_112 = tpu.memref_slice %arg4[%dma_wait3A, %dma_wait3A_111] : memref<16384x1024xf32, #tpu.memory_space<hbm>> -> memref<16x1024xf32, #tpu.memory_space<hbm>>
    %dma_wait3A_113 = arith.constant 0 : i32
    %dma_wait3A_114 = arith.constant 0 : i32
    %dma_wait3A_115 = tpu.memref_slice %arg4[%dma_wait3A_113, %dma_wait3A_114] : memref<16384x1024xf32, #tpu.memory_space<hbm>> -> memref<16x1024xf32, #tpu.memory_space<hbm>>
    tpu.wait_dma2 semaphore(%arg31 : memref<!tpu.dma_semaphore, #tpu.memory_space<semaphore_mem>>) src(%arg21 : memref<16x1024xf32, #tpu.memory_space<vmem>>) dst(%dma_wait3A_115 : memref<16x1024xf32, #tpu.memory_space<hbm>>)
    %dma_wait3A_116 = arith.constant 0 : i32
    %dma_wait3A_117 = arith.constant 0 : i32
    %dma_wait3A_118 = tpu.memref_slice %arg4[%dma_wait3A_116, %dma_wait3A_117] : memref<16384x1024xf32, #tpu.memory_space<hbm>> -> memref<16x1024xf32, #tpu.memory_space<hbm>>
    %dma_wait3A_119 = arith.constant 0 : i32
    %dma_wait3A_120 = arith.constant 0 : i32
    %dma_wait3A_121 = tpu.memref_slice %arg4[%dma_wait3A_119, %dma_wait3A_120] : memref<16384x1024xf32, #tpu.memory_space<hbm>> -> memref<16x1024xf32, #tpu.memory_space<hbm>>
    tpu.wait_dma2 semaphore(%arg32 : memref<!tpu.dma_semaphore, #tpu.memory_space<semaphore_mem>>) src(%arg22 : memref<16x1024xf32, #tpu.memory_space<vmem>>) dst(%dma_wait3A_121 : memref<16x1024xf32, #tpu.memory_space<hbm>>)
    %dma_wait3A_122 = arith.constant 0 : i32
    %dma_wait3A_123 = tpu.memref_slice %arg2[%mul3A_3, %dma_wait3A_122] : memref<16384x200xi32, #tpu.memory_space<hbm>> -> memref<16x200xi32, #tpu.memory_space<hbm>>
    %dma_wait3A_124 = arith.constant 0 : i32
    %dma_wait3A_125 = tpu.memref_slice %arg2[%mul3A_3, %dma_wait3A_124] : memref<16384x200xi32, #tpu.memory_space<hbm>> -> memref<16x200xi32, #tpu.memory_space<hbm>>
    tpu.wait_dma2 semaphore(%arg23 : memref<!tpu.dma_semaphore, #tpu.memory_space<semaphore_mem>>) src(%dma_wait3A_125 : memref<16x200xi32, #tpu.memory_space<hbm>>) dst(%arg5 : memref<16x200xi32, #tpu.memory_space<vmem>>)
    %dma_wait3A_126 = tpu.memref_slice %arg3[%mul3A_3] : memref<16384xi32, #tpu.memory_space<hbm>> -> memref<16xi32, #tpu.memory_space<hbm>>
    %dma_wait3A_127 = tpu.memref_slice %arg3[%mul3A_3] : memref<16384xi32, #tpu.memory_space<hbm>> -> memref<16xi32, #tpu.memory_space<hbm>>
    tpu.wait_dma2 semaphore(%arg23 : memref<!tpu.dma_semaphore, #tpu.memory_space<semaphore_mem>>) src(%dma_wait3A_127 : memref<16xi32, #tpu.memory_space<hbm>>) dst(%arg13 : memref<16xi32, #tpu.memory_space<vmem>>)
    %dma_wait3A_128 = arith.constant 0 : i32
    %dma_wait3A_129 = tpu.memref_slice %arg2[%mul3A_3, %dma_wait3A_128] : memref<16384x200xi32, #tpu.memory_space<hbm>> -> memref<16x200xi32, #tpu.memory_space<hbm>>
    %dma_wait3A_130 = arith.constant 0 : i32
    %dma_wait3A_131 = tpu.memref_slice %arg2[%mul3A_3, %dma_wait3A_130] : memref<16384x200xi32, #tpu.memory_space<hbm>> -> memref<16x200xi32, #tpu.memory_space<hbm>>
    tpu.wait_dma2 semaphore(%arg24 : memref<!tpu.dma_semaphore, #tpu.memory_space<semaphore_mem>>) src(%dma_wait3A_131 : memref<16x200xi32, #tpu.memory_space<hbm>>) dst(%arg6 : memref<16x200xi32, #tpu.memory_space<vmem>>)
    %dma_wait3A_132 = tpu.memref_slice %arg3[%mul3A_3] : memref<16384xi32, #tpu.memory_space<hbm>> -> memref<16xi32, #tpu.memory_space<hbm>>
    %dma_wait3A_133 = tpu.memref_slice %arg3[%mul3A_3] : memref<16384xi32, #tpu.memory_space<hbm>> -> memref<16xi32, #tpu.memory_space<hbm>>
    tpu.wait_dma2 semaphore(%arg24 : memref<!tpu.dma_semaphore, #tpu.memory_space<semaphore_mem>>) src(%dma_wait3A_133 : memref<16xi32, #tpu.memory_space<hbm>>) dst(%arg14 : memref<16xi32, #tpu.memory_space<vmem>>)
    %dma_wait3A_134 = arith.constant 0 : i32
    %dma_wait3A_135 = tpu.memref_slice %arg2[%mul3A_3, %dma_wait3A_134] : memref<16384x200xi32, #tpu.memory_space<hbm>> -> memref<16x200xi32, #tpu.memory_space<hbm>>
    %dma_wait3A_136 = arith.constant 0 : i32
    %dma_wait3A_137 = tpu.memref_slice %arg2[%mul3A_3, %dma_wait3A_136] : memref<16384x200xi32, #tpu.memory_space<hbm>> -> memref<16x200xi32, #tpu.memory_space<hbm>>
    tpu.wait_dma2 semaphore(%arg25 : memref<!tpu.dma_semaphore, #tpu.memory_space<semaphore_mem>>) src(%dma_wait3A_137 : memref<16x200xi32, #tpu.memory_space<hbm>>) dst(%arg7 : memref<16x200xi32, #tpu.memory_space<vmem>>)
    %dma_wait3A_138 = tpu.memref_slice %arg3[%mul3A_3] : memref<16384xi32, #tpu.memory_space<hbm>> -> memref<16xi32, #tpu.memory_space<hbm>>
    %dma_wait3A_139 = tpu.memref_slice %arg3[%mul3A_3] : memref<16384xi32, #tpu.memory_space<hbm>> -> memref<16xi32, #tpu.memory_space<hbm>>
    tpu.wait_dma2 semaphore(%arg25 : memref<!tpu.dma_semaphore, #tpu.memory_space<semaphore_mem>>) src(%dma_wait3A_139 : memref<16xi32, #tpu.memory_space<hbm>>) dst(%arg15 : memref<16xi32, #tpu.memory_space<vmem>>)
    %dma_wait3A_140 = arith.constant 0 : i32
    %dma_wait3A_141 = tpu.memref_slice %arg2[%mul3A_3, %dma_wait3A_140] : memref<16384x200xi32, #tpu.memory_space<hbm>> -> memref<16x200xi32, #tpu.memory_space<hbm>>
    %dma_wait3A_142 = arith.constant 0 : i32
    %dma_wait3A_143 = tpu.memref_slice %arg2[%mul3A_3, %dma_wait3A_142] : memref<16384x200xi32, #tpu.memory_space<hbm>> -> memref<16x200xi32, #tpu.memory_space<hbm>>
    tpu.wait_dma2 semaphore(%arg26 : memref<!tpu.dma_semaphore, #tpu.memory_space<semaphore_mem>>) src(%dma_wait3A_143 : memref<16x200xi32, #tpu.memory_space<hbm>>) dst(%arg8 : memref<16x200xi32, #tpu.memory_space<vmem>>)
    %dma_wait3A_144 = tpu.memref_slice %arg3[%mul3A_3] : memref<16384xi32, #tpu.memory_space<hbm>> -> memref<16xi32, #tpu.memory_space<hbm>>
    %dma_wait3A_145 = tpu.memref_slice %arg3[%mul3A_3] : memref<16384xi32, #tpu.memory_space<hbm>> -> memref<16xi32, #tpu.memory_space<hbm>>
    tpu.wait_dma2 semaphore(%arg26 : memref<!tpu.dma_semaphore, #tpu.memory_space<semaphore_mem>>) src(%dma_wait3A_145 : memref<16xi32, #tpu.memory_space<hbm>>) dst(%arg16 : memref<16xi32, #tpu.memory_space<vmem>>)
    %dma_wait3A_146 = arith.constant 0 : i32
    %dma_wait3A_147 = tpu.memref_slice %arg2[%mul3A_3, %dma_wait3A_146] : memref<16384x200xi32, #tpu.memory_space<hbm>> -> memref<16x200xi32, #tpu.memory_space<hbm>>
    %dma_wait3A_148 = arith.constant 0 : i32
    %dma_wait3A_149 = tpu.memref_slice %arg2[%mul3A_3, %dma_wait3A_148] : memref<16384x200xi32, #tpu.memory_space<hbm>> -> memref<16x200xi32, #tpu.memory_space<hbm>>
    tpu.wait_dma2 semaphore(%arg27 : memref<!tpu.dma_semaphore, #tpu.memory_space<semaphore_mem>>) src(%dma_wait3A_149 : memref<16x200xi32, #tpu.memory_space<hbm>>) dst(%arg9 : memref<16x200xi32, #tpu.memory_space<vmem>>)
    %dma_wait3A_150 = tpu.memref_slice %arg3[%mul3A_3] : memref<16384xi32, #tpu.memory_space<hbm>> -> memref<16xi32, #tpu.memory_space<hbm>>
    %dma_wait3A_151 = tpu.memref_slice %arg3[%mul3A_3] : memref<16384xi32, #tpu.memory_space<hbm>> -> memref<16xi32, #tpu.memory_space<hbm>>
    tpu.wait_dma2 semaphore(%arg27 : memref<!tpu.dma_semaphore, #tpu.memory_space<semaphore_mem>>) src(%dma_wait3A_151 : memref<16xi32, #tpu.memory_space<hbm>>) dst(%arg17 : memref<16xi32, #tpu.memory_space<vmem>>)
    %dma_wait3A_152 = arith.constant 0 : i32
    %dma_wait3A_153 = tpu.memref_slice %arg2[%mul3A_3, %dma_wait3A_152] : memref<16384x200xi32, #tpu.memory_space<hbm>> -> memref<16x200xi32, #tpu.memory_space<hbm>>
    %dma_wait3A_154 = arith.constant 0 : i32
    %dma_wait3A_155 = tpu.memref_slice %arg2[%mul3A_3, %dma_wait3A_154] : memref<16384x200xi32, #tpu.memory_space<hbm>> -> memref<16x200xi32, #tpu.memory_space<hbm>>
    tpu.wait_dma2 semaphore(%arg28 : memref<!tpu.dma_semaphore, #tpu.memory_space<semaphore_mem>>) src(%dma_wait3A_155 : memref<16x200xi32, #tpu.memory_space<hbm>>) dst(%arg10 : memref<16x200xi32, #tpu.memory_space<vmem>>)
    %dma_wait3A_156 = tpu.memref_slice %arg3[%mul3A_3] : memref<16384xi32, #tpu.memory_space<hbm>> -> memref<16xi32, #tpu.memory_space<hbm>>
    %dma_wait3A_157 = tpu.memref_slice %arg3[%mul3A_3] : memref<16384xi32, #tpu.memory_space<hbm>> -> memref<16xi32, #tpu.memory_space<hbm>>
    tpu.wait_dma2 semaphore(%arg28 : memref<!tpu.dma_semaphore, #tpu.memory_space<semaphore_mem>>) src(%dma_wait3A_157 : memref<16xi32, #tpu.memory_space<hbm>>) dst(%arg18 : memref<16xi32, #tpu.memory_space<vmem>>)
    return
  }
}

module attributes {stable_mosaic.version = 14 : i64} {
  func.func @_tc_body(%arg0: i32, %arg1: memref<512x1024xf32, #tpu.memory_space<vmem>>, %arg2: memref<1x1x512xi32, #tpu.memory_space<vmem>>, %arg3: memref<1024x64xf32, #tpu.memory_space<vmem>>, %arg4: memref<16x64xf32, #tpu.memory_space<vmem>>, %arg5: memref<1x1024xi32, #tpu.memory_space<vmem>>, %arg6: memref<3x1xf32, #tpu.memory_space<vmem>>, %arg7: memref<1x1xf32, #tpu.memory_space<vmem>>, %arg8: memref<256x80xf32, #tpu.memory_space<vmem>>, %arg9: memref<1x80xf32, #tpu.memory_space<vmem>>, %arg10: memref<80x40xf32, #tpu.memory_space<vmem>>, %arg11: memref<1x40xf32, #tpu.memory_space<vmem>>, %arg12: memref<40x1xf32, #tpu.memory_space<vmem>>, %arg13: memref<1x1xf32, #tpu.memory_space<vmem>>, %arg14: memref<512x1xf32, #tpu.memory_space<vmem>>) attributes {dimension_semantics = [#tpu.dimension_semantics<arbitrary>], iteration_bounds = array<i64: 32>, scalar_prefetch = 0 : i64, scratch_operands = 0 : i64, tpu.core_type = #tpu.core_type<tc>, window_params = [{transform_indices = @transform_0, window_bounds = array<i64: 512, 1024>}, {transform_indices = @transform_1, window_bounds = array<i64: 1, 1, 512>}, {pipeline_mode = #tpu.pipeline_mode<synchronous>, transform_indices = @transform_2, window_bounds = array<i64: 1024, 64>}, {pipeline_mode = #tpu.pipeline_mode<synchronous>, transform_indices = @transform_3, window_bounds = array<i64: 16, 64>}, {pipeline_mode = #tpu.pipeline_mode<synchronous>, transform_indices = @transform_4, window_bounds = array<i64: 1, 1024>}, {pipeline_mode = #tpu.pipeline_mode<synchronous>, transform_indices = @transform_5, window_bounds = array<i64: 3, 1>}, {pipeline_mode = #tpu.pipeline_mode<synchronous>, transform_indices = @transform_6, window_bounds = array<i64: 1, 1>}, {pipeline_mode = #tpu.pipeline_mode<synchronous>, transform_indices = @transform_7, window_bounds = array<i64: 256, 80>}, {pipeline_mode = #tpu.pipeline_mode<synchronous>, transform_indices = @transform_8, window_bounds = array<i64: 1, 80>}, {pipeline_mode = #tpu.pipeline_mode<synchronous>, transform_indices = @transform_9, window_bounds = array<i64: 80, 40>}, {pipeline_mode = #tpu.pipeline_mode<synchronous>, transform_indices = @transform_10, window_bounds = array<i64: 1, 40>}, {pipeline_mode = #tpu.pipeline_mode<synchronous>, transform_indices = @transform_11, window_bounds = array<i64: 40, 1>}, {pipeline_mode = #tpu.pipeline_mode<synchronous>, transform_indices = @transform_12, window_bounds = array<i64: 1, 1>}, {transform_indices = @transform_13, window_bounds = array<i64: 512, 1>}]} {
    %sqrt3A = arith.constant 1.001000e+00 : f32
    %sqrt3A_0 = math.sqrt %sqrt3A : f32
    %div3A = arith.constant 1.000000e+00 : f32
    %div3A_1 = arith.divf %div3A, %sqrt3A_0 : f32
    %div3A_2 = arith.constant 2.000000e+02 : f32
    %div3A_3 = arith.divf %div3A_1, %div3A_2 : f32
    %get3A = arith.constant 0 : index
    %get3A_4 = arith.constant 0 : index
    %get3A_5 = vector.load %arg5[%get3A, %get3A_4] : memref<1x1024xi32, #tpu.memory_space<vmem>>, vector<1x1024xi32>
    %get3A_6 = vector.shape_cast %get3A_5 : vector<1x1024xi32> to vector<1024xi32>
    %broadcast_in_dim3A = vector.shape_cast %get3A_6 : vector<1024xi32> to vector<1024x1xi32>
    %iota3A = tpu.iota {dimensions = array<i32: 1>} : vector<1x16xi32>
    %eq3A = vector.broadcast %broadcast_in_dim3A : vector<1024x1xi32> to vector<1024x16xi32>
    %eq3A_7 = vector.broadcast %iota3A : vector<1x16xi32> to vector<1024x16xi32>
    %eq3A_8 = arith.cmpi eq, %eq3A, %eq3A_7 : vector<1024x16xi32>
    %convert_element_type3A = arith.extui %eq3A_8 : vector<1024x16xi1> to vector<1024x16xi32>
    %convert_element_type3A_9 = arith.sitofp %convert_element_type3A : vector<1024x16xi32> to vector<1024x16xf32>
    %get3A_10 = arith.constant 0 : index
    %get3A_11 = arith.constant 0 : index
    %get3A_12 = vector.load %arg4[%get3A_10, %get3A_11] : memref<16x64xf32, #tpu.memory_space<vmem>>, vector<16x64xf32>
    %dot_general3A = arith.constant dense<0.000000e+00> : vector<1024x64xf32>
    %dot_general3A_13 = tpu.matmul %convert_element_type3A_9, %get3A_12, %dot_general3A {dimension_numbers = #tpu.dot_dimension_numbers<[1], [0], [0], [1], [0, 0, 1, 1], [], []>, transpose_lhs_hint = false} : vector<1024x16xf32>, vector<16x64xf32>, vector<1024x64xf32> -> vector<1024x64xf32>
    %get3A_14 = arith.constant 0 : index
    %get3A_15 = arith.constant 0 : index
    %get3A_16 = vector.load %arg3[%get3A_14, %get3A_15] : memref<1024x64xf32, #tpu.memory_space<vmem>>, vector<1024x64xf32>
    %concatenate3A = tpu.concatenate %get3A_16, %dot_general3A_13 in 1 : vector<1024x64xf32>, vector<1024x64xf32> -> vector<1024x128xf32>
    %get3A_17 = arith.constant 0 : index
    %get3A_18 = arith.constant 0 : index
    %get3A_19 = vector.load %arg1[%get3A_17, %get3A_18] : memref<512x1024xf32, #tpu.memory_space<vmem>>, vector<512x1024xf32>
    %broadcast_in_dim3A_20 = arith.constant 0.000000e+00 : f32
    %broadcast_in_dim3A_21 = vector.broadcast %broadcast_in_dim3A_20 : f32 to vector<32x1024xf32>
    %slice3A = vector.extract_strided_slice %get3A_19 {offsets = [0, 0], sizes = [480, 1024], strides = [1, 1]} : vector<512x1024xf32> to vector<480x1024xf32>
    %concatenate3A_22 = tpu.concatenate %broadcast_in_dim3A_21, %slice3A in 0 : vector<32x1024xf32>, vector<480x1024xf32> -> vector<512x1024xf32>
    %sub3A = arith.subf %get3A_19, %concatenate3A_22 : vector<512x1024xf32>
    %dot_general3A_23 = arith.constant dense<0.000000e+00> : vector<512x128xf32>
    %dot_general3A_24 = tpu.matmul %sub3A, %concatenate3A, %dot_general3A_23 {dimension_numbers = #tpu.dot_dimension_numbers<[1], [0], [0], [1], [0, 0, 1, 1], [], []>, transpose_lhs_hint = false} : vector<512x1024xf32>, vector<1024x128xf32>, vector<512x128xf32> -> vector<512x128xf32>
    %mul3A = vector.broadcast %div3A_3 : f32 to vector<512x128xf32>
    %mul3A_25 = arith.mulf %dot_general3A_24, %mul3A : vector<512x128xf32>
    %get3A_26 = arith.constant 0 : index
    %get3A_27 = arith.constant 0 : index
    %get3A_28 = arith.constant 0 : index
    %get3A_29 = vector.load %arg2[%get3A_26, %get3A_27, %get3A_28] : memref<1x1x512xi32, #tpu.memory_space<vmem>>, vector<1x1x512xi32>
    %get3A_30 = vector.shape_cast %get3A_29 : vector<1x1x512xi32> to vector<512xi32>
    %broadcast_in_dim3A_31 = vector.shape_cast %get3A_30 : vector<512xi32> to vector<512x1xi32>
    %iota3A_32 = tpu.iota {dimensions = array<i32: 1>} : vector<1x1024xi32>
    %eq3A_33 = vector.broadcast %broadcast_in_dim3A_31 : vector<512x1xi32> to vector<512x1024xi32>
    %eq3A_34 = vector.broadcast %iota3A_32 : vector<1x1024xi32> to vector<512x1024xi32>
    %eq3A_35 = arith.cmpi eq, %eq3A_33, %eq3A_34 : vector<512x1024xi32>
    %convert_element_type3A_36 = arith.extui %eq3A_35 : vector<512x1024xi1> to vector<512x1024xi32>
    %convert_element_type3A_37 = arith.sitofp %convert_element_type3A_36 : vector<512x1024xi32> to vector<512x1024xf32>
    %dot_general3A_38 = arith.constant dense<0.000000e+00> : vector<512x128xf32>
    %dot_general3A_39 = tpu.matmul %convert_element_type3A_37, %concatenate3A, %dot_general3A_38 {dimension_numbers = #tpu.dot_dimension_numbers<[1], [0], [0], [1], [0, 0, 1, 1], [], []>, transpose_lhs_hint = false} : vector<512x1024xf32>, vector<1024x128xf32>, vector<512x128xf32> -> vector<512x128xf32>
    %get3A_40 = arith.constant 0 : index
    %get3A_41 = arith.constant 0 : index
    %get3A_42 = vector.load %arg6[%get3A_40, %get3A_41] : memref<3x1xf32, #tpu.memory_space<vmem>>, vector<3x1xf32>
    %slice3A_43 = vector.extract_strided_slice %mul3A_25 {offsets = [0, 0], sizes = [512, 1], strides = [1, 1]} : vector<512x128xf32> to vector<512x1xf32>
    %slice3A_44 = vector.extract_strided_slice %dot_general3A_39 {offsets = [0, 0], sizes = [512, 1], strides = [1, 1]} : vector<512x128xf32> to vector<512x1xf32>
    %mul3A_45 = arith.mulf %slice3A_43, %slice3A_44 : vector<512x1xf32>
    %slice3A_46 = vector.extract_strided_slice %get3A_42 {offsets = [0, 0], sizes = [1, 1], strides = [1, 1]} : vector<3x1xf32> to vector<1x1xf32>
    %squeeze3A = vector.extract %slice3A_46[0, 0] : f32 from vector<1x1xf32>
    %mul3A_47 = vector.broadcast %squeeze3A : f32 to vector<512x1xf32>
    %mul3A_48 = arith.mulf %mul3A_45, %mul3A_47 : vector<512x1xf32>
    %slice3A_49 = vector.extract_strided_slice %mul3A_25 {offsets = [0, 127], sizes = [512, 1], strides = [1, 1]} : vector<512x128xf32> to vector<512x1xf32>
    %slice3A_50 = vector.extract_strided_slice %dot_general3A_39 {offsets = [0, 127], sizes = [512, 1], strides = [1, 1]} : vector<512x128xf32> to vector<512x1xf32>
    %mul3A_51 = arith.mulf %slice3A_49, %slice3A_50 : vector<512x1xf32>
    %slice3A_52 = vector.extract_strided_slice %get3A_42 {offsets = [1, 0], sizes = [1, 1], strides = [1, 1]} : vector<3x1xf32> to vector<1x1xf32>
    %squeeze3A_53 = vector.extract %slice3A_52[0, 0] : f32 from vector<1x1xf32>
    %mul3A_54 = vector.broadcast %squeeze3A_53 : f32 to vector<512x1xf32>
    %mul3A_55 = arith.mulf %mul3A_51, %mul3A_54 : vector<512x1xf32>
    %add3A = arith.addf %mul3A_48, %mul3A_55 : vector<512x1xf32>
    %slice3A_56 = vector.extract_strided_slice %mul3A_25 {offsets = [0, 64], sizes = [512, 1], strides = [1, 1]} : vector<512x128xf32> to vector<512x1xf32>
    %slice3A_57 = vector.extract_strided_slice %dot_general3A_39 {offsets = [0, 64], sizes = [512, 1], strides = [1, 1]} : vector<512x128xf32> to vector<512x1xf32>
    %mul3A_58 = arith.mulf %slice3A_56, %slice3A_57 : vector<512x1xf32>
    %slice3A_59 = vector.extract_strided_slice %get3A_42 {offsets = [2, 0], sizes = [1, 1], strides = [1, 1]} : vector<3x1xf32> to vector<1x1xf32>
    %squeeze3A_60 = vector.extract %slice3A_59[0, 0] : f32 from vector<1x1xf32>
    %mul3A_61 = vector.broadcast %squeeze3A_60 : f32 to vector<512x1xf32>
    %mul3A_62 = arith.mulf %mul3A_58, %mul3A_61 : vector<512x1xf32>
    %add3A_63 = arith.addf %add3A, %mul3A_62 : vector<512x1xf32>
    %get3A_64 = arith.constant 0 : index
    %get3A_65 = arith.constant 0 : index
    %get3A_66 = vector.load %arg7[%get3A_64, %get3A_65] : memref<1x1xf32, #tpu.memory_space<vmem>>, vector<1x1xf32>
    %get3A_67 = vector.extract %get3A_66[0, 0] : f32 from vector<1x1xf32>
    %add3A_68 = vector.broadcast %get3A_67 : f32 to vector<512x1xf32>
    %add3A_69 = arith.addf %add3A_63, %add3A_68 : vector<512x1xf32>
    %concatenate3A_70 = tpu.concatenate %mul3A_25, %dot_general3A_39 in 1 : vector<512x128xf32>, vector<512x128xf32> -> vector<512x256xf32>
    %mul3A_71 = vector.broadcast %div3A_1 : f32 to vector<512x256xf32>
    %mul3A_72 = arith.mulf %concatenate3A_70, %mul3A_71 : vector<512x256xf32>
    %get3A_73 = arith.constant 0 : index
    %get3A_74 = arith.constant 0 : index
    %get3A_75 = vector.load %arg8[%get3A_73, %get3A_74] : memref<256x80xf32, #tpu.memory_space<vmem>>, vector<256x80xf32>
    %dot_general3A_76 = arith.constant dense<0.000000e+00> : vector<512x80xf32>
    %dot_general3A_77 = tpu.matmul %mul3A_72, %get3A_75, %dot_general3A_76 {dimension_numbers = #tpu.dot_dimension_numbers<[1], [0], [0], [1], [0, 0, 1, 1], [], []>, transpose_lhs_hint = false} : vector<512x256xf32>, vector<256x80xf32>, vector<512x80xf32> -> vector<512x80xf32>
    %get3A_78 = arith.constant 0 : index
    %get3A_79 = arith.constant 0 : index
    %get3A_80 = vector.load %arg9[%get3A_78, %get3A_79] : memref<1x80xf32, #tpu.memory_space<vmem>>, vector<1x80xf32>
    %get3A_81 = vector.shape_cast %get3A_80 : vector<1x80xf32> to vector<80xf32>
    %broadcast_in_dim3A_82 = vector.shape_cast %get3A_81 : vector<80xf32> to vector<1x80xf32>
    %add3A_83 = vector.broadcast %broadcast_in_dim3A_82 : vector<1x80xf32> to vector<512x80xf32>
    %add3A_84 = arith.addf %dot_general3A_77, %add3A_83 : vector<512x80xf32>
    %max3A = arith.constant 0.000000e+00 : f32
    %max3A_85 = vector.broadcast %max3A : f32 to vector<512x80xf32>
    %max3A_86 = arith.maximumf %add3A_84, %max3A_85 : vector<512x80xf32>
    %get3A_87 = arith.constant 0 : index
    %get3A_88 = arith.constant 0 : index
    %get3A_89 = vector.load %arg10[%get3A_87, %get3A_88] : memref<80x40xf32, #tpu.memory_space<vmem>>, vector<80x40xf32>
    %dot_general3A_90 = arith.constant dense<0.000000e+00> : vector<512x40xf32>
    %dot_general3A_91 = tpu.matmul %max3A_86, %get3A_89, %dot_general3A_90 {dimension_numbers = #tpu.dot_dimension_numbers<[1], [0], [0], [1], [0, 0, 1, 1], [], []>, transpose_lhs_hint = false} : vector<512x80xf32>, vector<80x40xf32>, vector<512x40xf32> -> vector<512x40xf32>
    %get3A_92 = arith.constant 0 : index
    %get3A_93 = arith.constant 0 : index
    %get3A_94 = vector.load %arg11[%get3A_92, %get3A_93] : memref<1x40xf32, #tpu.memory_space<vmem>>, vector<1x40xf32>
    %get3A_95 = vector.shape_cast %get3A_94 : vector<1x40xf32> to vector<40xf32>
    %broadcast_in_dim3A_96 = vector.shape_cast %get3A_95 : vector<40xf32> to vector<1x40xf32>
    %add3A_97 = vector.broadcast %broadcast_in_dim3A_96 : vector<1x40xf32> to vector<512x40xf32>
    %add3A_98 = arith.addf %dot_general3A_91, %add3A_97 : vector<512x40xf32>
    %max3A_99 = arith.constant 0.000000e+00 : f32
    %max3A_100 = vector.broadcast %max3A_99 : f32 to vector<512x40xf32>
    %max3A_101 = arith.maximumf %add3A_98, %max3A_100 : vector<512x40xf32>
    %get3A_102 = arith.constant 0 : index
    %get3A_103 = arith.constant 0 : index
    %get3A_104 = vector.load %arg12[%get3A_102, %get3A_103] : memref<40x1xf32, #tpu.memory_space<vmem>>, vector<40x1xf32>
    %dot_general3A_105 = arith.constant dense<0.000000e+00> : vector<512x1xf32>
    %dot_general3A_106 = tpu.matmul %max3A_101, %get3A_104, %dot_general3A_105 {dimension_numbers = #tpu.dot_dimension_numbers<[1], [0], [0], [1], [0, 0, 1, 1], [], []>, transpose_lhs_hint = false} : vector<512x40xf32>, vector<40x1xf32>, vector<512x1xf32> -> vector<512x1xf32>
    %get3A_107 = arith.constant 0 : index
    %get3A_108 = arith.constant 0 : index
    %get3A_109 = vector.load %arg13[%get3A_107, %get3A_108] : memref<1x1xf32, #tpu.memory_space<vmem>>, vector<1x1xf32>
    %get3A_110 = vector.shape_cast %get3A_109 : vector<1x1xf32> to vector<1xf32>
    %broadcast_in_dim3A_111 = vector.shape_cast %get3A_110 : vector<1xf32> to vector<1x1xf32>
    %add3A_112 = vector.broadcast %broadcast_in_dim3A_111 : vector<1x1xf32> to vector<512x1xf32>
    %add3A_113 = arith.addf %dot_general3A_106, %add3A_112 : vector<512x1xf32>
    %add3A_114 = arith.addf %add3A_69, %add3A_113 : vector<512x1xf32>
    %mul3A_115 = arith.constant 5.000000e-01 : f32
    %mul3A_116 = vector.broadcast %mul3A_115 : f32 to vector<512x1xf32>
    %mul3A_117 = arith.mulf %mul3A_116, %add3A_114 : vector<512x1xf32>
    %logistic3A = arith.negf %mul3A_117 : vector<512x1xf32>
    %logistic3A_118 = math.exp %logistic3A : vector<512x1xf32>
    %logistic3A_119 = arith.constant 1.000000e+00 : f32
    %logistic3A_120 = vector.broadcast %logistic3A_119 : f32 to vector<512x1xf32>
    %logistic3A_121 = arith.addf %logistic3A_120, %logistic3A_118 : vector<512x1xf32>
    %logistic3A_122 = arith.divf %logistic3A_120, %logistic3A_121 : vector<512x1xf32>
    %swap3A = arith.constant 0 : index
    %swap3A_123 = arith.constant 0 : index
    %swap3A_124 = vector.load %arg14[%swap3A, %swap3A_123] : memref<512x1xf32, #tpu.memory_space<vmem>>, vector<512x1xf32>
    tpu.vector_store %arg14[%swap3A, %swap3A_123], %logistic3A_122 {strides = array<i32>} : memref<512x1xf32, #tpu.memory_space<vmem>>, vector<512x1xf32>,
    return
  }
  func.func @transform_0(%arg0: i32) -> (i32, i32) {
    %c0_i32 = arith.constant 0 : i32
    %c0_i32_0 = arith.constant 0 : i32
    return %arg0, %c0_i32 : i32, i32
  }
  func.func @transform_1(%arg0: i32) -> (i32, i32, i32) {
    %c0_i32 = arith.constant 0 : i32
    %c0_i32_0 = arith.constant 0 : i32
    %c0_i32_1 = arith.constant 0 : i32
    return %arg0, %c0_i32, %c0_i32_0 : i32, i32, i32
  }
  func.func @transform_2(%arg0: i32) -> (i32, i32) {
    %c0_i32 = arith.constant 0 : i32
    %c0_i32_0 = arith.constant 0 : i32
    %c0_i32_1 = arith.constant 0 : i32
    return %c0_i32, %c0_i32_0 : i32, i32
  }
  func.func @transform_3(%arg0: i32) -> (i32, i32) {
    %c0_i32 = arith.constant 0 : i32
    %c0_i32_0 = arith.constant 0 : i32
    %c0_i32_1 = arith.constant 0 : i32
    return %c0_i32, %c0_i32_0 : i32, i32
  }
  func.func @transform_4(%arg0: i32) -> (i32, i32) {
    %c0_i32 = arith.constant 0 : i32
    %c0_i32_0 = arith.constant 0 : i32
    %c0_i32_1 = arith.constant 0 : i32
    return %c0_i32, %c0_i32_0 : i32, i32
  }
  func.func @transform_5(%arg0: i32) -> (i32, i32) {
    %c0_i32 = arith.constant 0 : i32
    %c0_i32_0 = arith.constant 0 : i32
    %c0_i32_1 = arith.constant 0 : i32
    return %c0_i32, %c0_i32_0 : i32, i32
  }
  func.func @transform_6(%arg0: i32) -> (i32, i32) {
    %c0_i32 = arith.constant 0 : i32
    %c0_i32_0 = arith.constant 0 : i32
    %c0_i32_1 = arith.constant 0 : i32
    return %c0_i32, %c0_i32_0 : i32, i32
  }
  func.func @transform_7(%arg0: i32) -> (i32, i32) {
    %c0_i32 = arith.constant 0 : i32
    %c0_i32_0 = arith.constant 0 : i32
    %c0_i32_1 = arith.constant 0 : i32
    return %c0_i32, %c0_i32_0 : i32, i32
  }
  func.func @transform_8(%arg0: i32) -> (i32, i32) {
    %c0_i32 = arith.constant 0 : i32
    %c0_i32_0 = arith.constant 0 : i32
    %c0_i32_1 = arith.constant 0 : i32
    return %c0_i32, %c0_i32_0 : i32, i32
  }
  func.func @transform_9(%arg0: i32) -> (i32, i32) {
    %c0_i32 = arith.constant 0 : i32
    %c0_i32_0 = arith.constant 0 : i32
    %c0_i32_1 = arith.constant 0 : i32
    return %c0_i32, %c0_i32_0 : i32, i32
  }
  func.func @transform_10(%arg0: i32) -> (i32, i32) {
    %c0_i32 = arith.constant 0 : i32
    %c0_i32_0 = arith.constant 0 : i32
    %c0_i32_1 = arith.constant 0 : i32
    return %c0_i32, %c0_i32_0 : i32, i32
  }
  func.func @transform_11(%arg0: i32) -> (i32, i32) {
    %c0_i32 = arith.constant 0 : i32
    %c0_i32_0 = arith.constant 0 : i32
    %c0_i32_1 = arith.constant 0 : i32
    return %c0_i32, %c0_i32_0 : i32, i32
  }
  func.func @transform_12(%arg0: i32) -> (i32, i32) {
    %c0_i32 = arith.constant 0 : i32
    %c0_i32_0 = arith.constant 0 : i32
    %c0_i32_1 = arith.constant 0 : i32
    return %c0_i32, %c0_i32_0 : i32, i32
  }
  func.func @transform_13(%arg0: i32) -> (i32, i32) {
    %c0_i32 = arith.constant 0 : i32
    %c0_i32_0 = arith.constant 0 : i32
    return %arg0, %c0_i32 : i32, i32
  }
}

</mosaic_0001>

<sc_bundles>
// kernel: kernel.4.cloned.1.call-start
scs
__scs_entry_jumppad:
0x0: {  	(pc) =	sbr.rel $0x88, $3  }
0x1: {  	(tag) =	ssettag $0x0;
	lr =	simm.s32 $0x1  }
0x2: {  	[smem:$0x3F93] =	sst lr;
	_ =	strace $0xD0000000  }
0x3: {  	_ = 	snop  }
0x4: {  	_ = 	snop  }
0x5: {  	_ = 	snop  }
0x6: {  	_ = 	snop  }
0x7: {  	_ = 	snop  }
__scs_overlays_trampoline_lowered:
0x8: {  	[smem:$0x3FA2] =	sst s0  }
0x9: {  	[smem:$0x3FA3] =	sst s1  }
0xa: {  	[smem:$0x3FA4] =	sst s2  }
0xb: {  	[smem:$0x3FA5] =	sst s3  }
0xc: {  	[smem:$0x3FA6] =	sst s4  }
0xd: {  	[smem:$0x3FA7] =	sst s5  }
0xe: {  	[smem:$0x3FA8] =	sst s6  }
0xf: {  	[smem:$0x3FA9] =	sst s7  }
0x10: {  	[smem:$0x3FAA] =	sst s8  }
0x11: {  	[smem:$0x3FAB] =	sst s9;
	s0 =	simm.s32 @!p0 $0x0  }
0x12: {  	s1 =	sld [smem:$0x3F91];
	s0 =	simm.s32 @p0 $0x1  }
0x13: {  	[smem:$0x3FAC] =	sst s0;
	s0 =	simm.s32 @!p1 $0x0  }
0x14: {  	s2 =	sld [smem:$0x3F90];
	s0 =	simm.s32 @p1 $0x1  }
0x15: {  	[smem:$0x3FAD] =	sst s0;
	s0 =	simm.s32 @!p2 $0x0  }
0x16: {  	s3 =	sld [smem:$0x3FDB];
	s0 =	simm.s32 @p2 $0x1  }
0x17: {  	s4 =	simm.s32 $0x1BF5;
	[smem:$0x3FAF] =	sst s0  }
0x18: {  	s0 =	sld [smem:$0x3F92];
	_ =	swait.ge [sflag:s4], $0x0  }
0x19: {  	s7 =	sld [smem:$0x3F93]  }
0x1a: {  	s8 =	sadd.s32 $0xFFFFE003, lr  }
0x1b: {  	s9 =	sadd.s32 $0xFFFFFEF7, lr;
	s5 =	simm.s32 $0xFFFFFFFF;
	p2 =	slt.u32 s8, $0xFFFFF086  }
0x1c: {  	p1 =	slt.u32 s9, $0xF7A;
	s5 =	simm.s32 @!p2 $0x0  }
0x1d: {  	s5 =	simm.s32 @p1 $0x1;
	p0 =	seq.s32 s7, s2  }
0x1e: {  	s7 =	smul.u32 @!p0 $0xF7A, s2;
	p2 =	seq.s32 @!p0 s5, $0x0  }
0x1f: {  	s9 =	smul.u32 $0xF7A, s1;
	s8 =	simm.s32 @!p0 $0x1BF5;
	p2 =	por !p2, p0  }
0x20: {  	[sflag:s8] =	ssyncset.s32 @!p0 $0xFFFFF086;
	s6 =	sadd.s32 @!p0 s3, s7;
	s7 =	simm.s32 @!p0 $0x108  }
0x21: {  	s3 =	sadd.s32 s3, s9;
	s6 =	sadd.s32 @!p0 $0x88, s6;
	s7 =	simm.s32 @p2 $0x1082  }
0x22: {  	[simem:s7], [sflag:s8] =	dma.local @!p0 [hbm:s6], $0xF7A  }
0x23: {  	s9 =	sor.u32 $0xD0000000, s2;
	s6 =	simm.s32 $0x108;
	_ =	swait.ge @!p0 [sflag:s8], $0x0  }
0x24: {  	s3 =	sadd.s32 $0x88, s3;
	s6 =	simm.s32 @!p1 $0x1082;
	[sflag:s4] =	ssyncset.s32 $0xFFFFF086  }
0x25: {  	[simem:s6], [sflag:s4] =	dma.local [hbm:s3], $0xF7A  }
0x26: {  	[smem:$0x3F93] =	sst s1;
	(tag) =	ssettag s2;
	_ =	strace s9  }
0x27: {  	s1 =	sld [smem:$0x3FA3]  }
0x28: {  	s2 =	sld [smem:$0x3FA4]  }
0x29: {  	s4 =	sld [smem:$0x3FA6]  }
0x2a: {  	p0 =	seq.s32 s5, $0x0;
	s5 =	sld [smem:$0x3FA7]  }
0x2b: {  	s6 =	sld [smem:$0x3FA8]  }
0x2c: {  	s7 =	sld [smem:$0x3FA9]  }
0x2d: {  	s3 =	simm.s32 $0x108;
	s8 =	sld [smem:$0x3FAA]  }
0x2e: {  	s3 =	simm.s32 @!p0 $0x1082;
	s9 =	sld [smem:$0x3FAB]  }
0x2f: {  	lr =	sadd.s32 s0, s3;
	s0 =	sld [smem:$0x3FA2]  }
0x30: {  	s3 =	sld [smem:$0x3FA5]  }
0x31: {  	[smem:$0x3FAE] =	sst s10  }
0x32: {  	s10 =	sld [smem:$0x3FAC];
	_ =	sdelay $0x3  }
0x33: {  	p0 =	seq.s32 s10, $0x1;
	s10 =	sld [smem:$0x3FAE];
	_ =	sdelay $0x3  }
0x34: {  	[smem:$0x3FAE] =	sst s10  }
0x35: {  	s10 =	sld [smem:$0x3FAD];
	_ =	sdelay $0x3  }
0x36: {  	p1 =	seq.s32 s10, $0x1;
	s10 =	sld [smem:$0x3FAE];
	_ =	sdelay $0x3  }
0x37: {  	[smem:$0x3FAE] =	sst s10  }
0x38: {  	s10 =	sld [smem:$0x3FAF]  }
0x39: {  	_ = 	snop;
	(pc) =	sbr.ind lr, $3  }
0x3a: {  	_ = 	snop  }
0x3b: {  	_ = 	snop  }
0x3c: {  	p2 =	seq.s32 s10, $0x1;
	s10 =	sld [smem:$0x3FAE]  }
0x3d: {  	_ =	shalt  }
0x3e: {  	_ =	shalt  }
0x3f: {  	_ =	shalt  }
0x40: {  	_ =	shalt  }
0x41: {  	_ =	shalt  }
0x42: {  	_ =	shalt  }
0x43: {  	_ =	shalt  }
0x44: {  	_ =	shalt  }
0x45: {  	_ =	shalt  }
0x46: {  	_ =	shalt  }
0x47: {  	_ =	shalt  }
0x48: {  	_ =	shalt  }
0x49: {  	_ =	shalt  }
0x4a: {  	_ =	shalt  }
0x4b: {  	_ =	shalt  }
0x4c: {  	_ =	shalt  }
0x4d: {  	_ =	shalt  }
0x4e: {  	_ =	shalt  }
0x4f: {  	_ =	shalt  }
0x50: {  	_ =	shalt  }
0x51: {  	_ =	shalt  }
0x52: {  	_ =	shalt  }
0x53: {  	_ =	shalt  }
0x54: {  	_ =	shalt  }
0x55: {  	_ =	shalt  }
0x56: {  	_ =	shalt  }
0x57: {  	_ =	shalt  }
0x58: {  	_ =	shalt  }
0x59: {  	_ =	shalt  }
0x5a: {  	_ =	shalt  }
0x5b: {  	_ =	shalt  }
0x5c: {  	_ =	shalt  }
0x5d: {  	_ =	shalt  }
0x5e: {  	_ =	shalt  }
0x5f: {  	_ =	shalt  }
0x60: {  	_ =	shalt  }
0x61: {  	_ =	shalt  }
0x62: {  	_ =	shalt  }
0x63: {  	_ =	shalt  }
0x64: {  	_ =	shalt  }
0x65: {  	_ =	shalt  }
0x66: {  	_ =	shalt  }
0x67: {  	_ =	shalt  }
0x68: {  	_ =	shalt  }
0x69: {  	_ =	shalt  }
0x6a: {  	_ =	shalt  }
0x6b: {  	_ =	shalt  }
0x6c: {  	_ =	shalt  }
0x6d: {  	_ =	shalt  }
0x6e: {  	_ =	shalt  }
0x6f: {  	_ =	shalt  }
0x70: {  	_ =	shalt  }
0x71: {  	_ =	shalt  }
0x72: {  	_ =	shalt  }
0x73: {  	_ =	shalt  }
0x74: {  	_ =	shalt  }
0x75: {  	_ =	shalt  }
0x76: {  	_ =	shalt  }
0x77: {  	_ =	shalt  }
0x78: {  	_ =	shalt  }
0x79: {  	_ =	shalt  }
0x7a: {  	_ =	shalt  }
0x7b: {  	_ =	shalt  }
0x7c: {  	_ =	shalt  }
0x7d: {  	_ =	shalt  }
0x7e: {  	_ =	shalt  }
0x7f: {  	_ =	shalt  }
0x80: {  	_ =	shalt  }
0x81: {  	_ =	shalt  }
0x82: {  	_ =	shalt  }
0x83: {  	_ =	shalt  }
0x84: {  	_ =	shalt  }
0x85: {  	_ =	shalt  }
0x86: {  	_ =	shalt  }
0x87: {  	_ =	shalt  }
.Lfunc_end0:
.L_simem_size_0:
called_computation_lowered:
.L_overlay_start_0:
0x88: {  	s2 =	sld [smem:$0x3FD9]  }
0x89: {  	s3 =	sld [smem:$0x3FFE];
	_ =	sdelay $0x1  }
0x8a: {  	s1 =	srdreg.scid  }
0x8b: {  	s0 =	sand.u32 $0x1, s1  }
0x8c: {  	s17 =	sshll.u32 s0, $0xA;
	s2 =	sadd.s32 s3, s2  }
0x8d: {  	s2 =	sadd.s32 s2, s17  }
0x8e: {  	[smem:$0x3FBA] =	sst s2  }
0x8f: {  	_ = 	snop  }
0x90: {  	s2 =	sld [smem:$0x3FBD];
	(tm) =	ssettm $0x1  }
0x91: {  	s18 =	sld [smem:$0x3FFB];
	_ =	sdelay $0x3  }
0x92: {  	_ =	strace s18  }
0x93: {  	s3 =	sld [smem:$0x3FFC];
	_ =	sdelay $0x3  }
0x94: {  	_ =	strace s3  }
0x95: {  	s3 =	sld [smem:$0x3FFD];
	_ =	sdelay $0x3  }
0x96: {  	_ =	strace s3  }
0x97: {  	_ =	strace $0x8FFFFFFF  }
0x98: {  	s19 =	sld [smem:$0x3FDB];
	_ =	sdelay $0x1  }
0x99: {  	s4 =	simm.s32 $_scs_section_size  }
0x9a: {  	s5 =	simm.s32 $_size__tile_overlayer_lowered;
	s6 =	simm.s32 $_tile_overlayer_lowered  }
0x9b: {  	s22 =	simm.s32 $0x1BFF;
	s21 =	sshll.u32 s6, $0x1;
	s3 =	sadd.s32 s4, s19  }
0x9c: {  	s7 =	simm.s32 $0x0;
	s20 =	sshll.u32 s5, $0x1;
	s5 =	sadd.s32 s21, s3  }
0x9d: {  	[timem:s7], [sflag:s22] =	dma.local [hbm:s5], s20  }
0x9e: {  	_ =	swait.ge [sflag:s22], s20  }
0x9f: {  	s4 =	ssub.s32 $0x0, s20;
	[sflag:s22] =	ssyncset.done $0x0  }
0xa0: {  	[sflag:s22] =	ssyncadd.s32 s4;
	_ =	sdelay $0x1  }
0xa1: {  	s23 =	simm.s32 $0x1B8B  }
0xa2: {  	_ =	swait.ge [sflag:s23], $0x1  }
0xa3: {  	[sflag:s23] =	ssyncset.done $0x0  }
0xa4: {  	s25 =	simm.s32 $0x1B8E;
	s24 =	sld [smem:$0x3FFE];
	[sflag:s23] =	ssyncadd.s32 $0xFFFFFFFF  }
0xa5: {  	s26 =	simm.s32 $execute0_lowered;
	[smem:$0x3FD2] =	sst s25  }
0xa6: {  	s5 =	sshll.u32 s26, $0x1;
	_ =	strace $0x80000046;
	[dreg:$0x1] =	wrdreg $0xFFFFFFFF  }
0xa7: {  	s28 =	simm.s32 $_size_execute0_lowered;
	s3 =	sadd.s32 s3, s5;
	[dreg:$0x0] =	wrdreg $0x0  }
0xa8: {  	s5 =	sshll.u32 s28, $0x1;
	[dreg:$0x2] =	wrdreg s3  }
0xa9: {  	[dreg:$0x3] =	wrdreg s5  }
0xaa: {  	[dreg:$0x4] =	wrdreg $0xC0  }
0xab: {  	_ =	task [dreg:s7], $0x5FFFF  }
0xac: {  	[dreg:$0x1] =	wrdreg $0xFFFFFFFF  }
0xad: {  	[dreg:$0x0] =	wrdreg $0x60  }
0xae: {  	[dreg:$0x2] =	wrdreg s24  }
0xaf: {  	[dreg:$0x3] =	wrdreg s2  }
0xb0: {  	[dreg:$0x4] =	wrdreg $0x9  }
0xb1: {  	_ =	task.clear_ibuf [dreg:s7], $0x5FFFF;
	_ =	strace $0x90000046  }
0xb2: {  	s29 =	simm.s32 $0x9;
	_ =	strace $0x80000048  }
0xb3: {  	_ =	swait.ge [sflag:s29], $0x1  }
0xb4: {  	[sflag:s29] =	ssyncadd.s32 $0xFFFFFFFF  }
0xb5: {  	_ =	strace $0x90000048  }
0xb6: {  	_ =	sfence  }
0xb7: {  	s30 =	sld [smem:$0x0];
	_ =	sdelay $0x2  }
0xb8: {  	s31 =	sshll.u32 s1, $0xD;
	s1 =	sshrl.u32 s1, $0x2  }
0xb9: {  	s3 =	sand.u32 $0x4000, s31;
	s1 =	sadd.s32 s1, s30  }
0xba: {  	s0 =	sor.u32 s3, s0;
	s1 =	sshll.u32 s1, $0x11  }
0xbb: {  	s0 =	sor.u32 s1, s0  }
0xbc: {  	s0 =	sadd.s32 $0x8F2B, s0  }
0xbd: {  	[sflag:s0] =	ssyncadd.remote.s32 $0x1  }
0xbe: {  	_ =	sfence.sel $0xFFFF  }
0xbf: {  	[dreg:$0x0] =	wrdreg $0xFFFFFFFF;
	(pc) =	sbr.abs _section_cstart, $3  }
0xc0: {  	[dreg:$0x1] =	wrdreg $0xFFFFFFFF  }
0xc1: {  	_ =	task.clear_ibuf [dreg:s7], $0x2FFFF;
	_ =	strace $0x9FFFFFFF  }
0xc2: {  	(tm) =	ssettm $0x7FFFFFFF  }
0xc3: {  	_ =	shalt  }
tec
execute0_lowered:
.L_overlay_start_1:
0x0: {  	(tag) =	ssettag $0x1  }
0x1: {  	s0 =	rddreg [dreg:$0x0]  }
0x2: {  	s1 =	rddreg [dreg:$0x1];
	s3 =	simm.s32 $0x0;
	s2 =	srdreg.scid  }
0x3: {  	s4 =	stileid.u32;
	[smem:$0x7FF] =	sst s3;
	s2 =	sand.u32 $0x1, s2  }
0x4: {  	s5 =	sshll.u32 s4, $0xA;
	s4 =	sadd.s32 $0x1800, s0;
	s8 =	sadd.s32 $0x81800, s0  }
0x5: {  	_ =	strace $0x80000047;
	s6 =	ssub.s32 $0x2, s2;
	s2 =	sshll.u32 s2, $0x9  }
0x6: {  	[dreg:$0x4] =	wrdreg s8;
	s7 =	sshrl.u32 s6, $0x1;
	s5 =	sor.u32 s2, s5  }
0x7: {  	s28 =	ssub.s32 s6, s7;
	s2 =	sshll.u32 s5, $0x5;
	s29 =	sshrl.u32 s5, $0x3  }
0x8: {  	s30 =	sor.u32 $0x10, s5;
	s7 =	sor.u32 $0x20, s5;
	s10 =	sor.u32 $0x30, s5  }
0x9: {  	s13 =	sor.u32 $0x40, s5;
	s16 =	sor.u32 $0x50, s5;
	s18 =	sor.u32 $0x60, s5  }
0xa: {  	s21 =	sor.u32 $0x70, s5;
	s24 =	sshll.u32 s5, $0x7;
	[dreg:$0x3] =	wrdreg s5  }
0xb: {  	s25 =	sor.u32 $0x80, s5;
	s26 =	sor.u32 $0x90, s5;
	[dreg:$0xf] =	wrdreg s18  }
0xc: {  	s2 =	sadd.s32 s4, s2;
	s31 =	sshll.u32 s30, $0x5;
	[dreg:$0x13] =	wrdreg s21  }
0xd: {  	s6 =	sshrl.u32 s30, $0x3;
	s9 =	sshll.u32 s7, $0x5;
	[dreg:$0x19] =	wrdreg s25  }
0xe: {  	s11 =	sshll.u32 s10, $0x5;
	s12 =	sshrl.u32 s10, $0x3;
	[dreg:$0x1a] =	wrdreg s26  }
0xf: {  	s14 =	sshll.u32 s13, $0x5;
	s0 =	smax.u32 s28, $0x1;
	[dreg:$0x5] =	wrdreg s2  }
0x10: {  	s17 =	sshll.u32 s16, $0x5;
	s28 =	sor.u32 $0xA0, s5;
	[dreg:$0x18] =	wrdreg s0  }
0x11: {  	s19 =	sshll.u32 s18, $0x5;
	s30 =	sor.u32 $0xC0, s5;
	[dreg:$0x1b] =	wrdreg s28  }
0x12: {  	s20 =	sshrl.u32 s18, $0x3;
	s2 =	sadd.s32 s1, s29;
	[dreg:$0x1d] =	wrdreg s30  }
0x13: {  	s22 =	sshll.u32 s21, $0x5;
	s6 =	sadd.s32 s1, s6;
	[dreg:$0x6] =	wrdreg s2  }
0x14: {  	s10 =	simm.s32 $0x2000;
	s29 =	sor.u32 $0xB0, s5;
	[dreg:$0x8] =	wrdreg s6  }
0x15: {  	s26 =	simm.s32 $0xC400;
	s2 =	sadd.s32 s4, s31;
	[dreg:$0x1c] =	wrdreg s29  }
0x16: {  	v0 =	vimm.f32 $0.0e+00;
	s18 =	simm.s32 $0x6;
	s6 =	sadd.s32 s4, s9;
	[dreg:$0x7] =	wrdreg s2  }
0x17: {  	v1 =	vimm.s32 $0xB80;
	vm0 =	vcmask $0x300;
	v2 =	vimm.s32 $0x2380;
	s31 =	sor.u32 $0xD0, s5;
	s9 =	simm.s32 $0x3;
	[dreg:$0x9] =	wrdreg s6  }
0x18: {  	vm1 =	vcmask $0x704;
	v1 =	vsel vm0, $0x0, v1;
	v2 =	vsel vm0, $0x0, v2;
	s2 =	sshrl.u32 s7, $0x3;
	s6 =	sshrl.u32 s13, $0x3;
	[dreg:$0x1e] =	wrdreg s31  }
0x19: {  	vm15 =	vcmask $0xB08;
	v1 =	vsel vm1, $0x80, v1;
	v2 =	vsel vm1, $0x80, v2;
	s7 =	simm.s32 $0x9;
	s13 =	simm.s32 $0x4;
	s2 =	sadd.s32 s1, s2  }
0x1a: {  	vm4 =	vcmask $0xF0C;
	v1 =	vsel vm15, $0x100, v1;
	v2 =	vsel vm15, $0x100, v2;
	s15 =	sadd.s32 s1, s6;
	s6 =	sadd.s32 s4, s17;
	[dreg:$0xa] =	wrdreg s2  }
0x1b: {  	vm5 =	vcmask $0x1310;
	v1 =	vsel vm4, $0x180, v1;
	v2 =	vsel vm4, $0x180, v2;
	s17 =	simm.s32 $0x8;
	s2 =	sadd.s32 s4, s11;
	[dreg:$0xe] =	wrdreg s15  }
0x1c: {  	vm6 =	vcmask $0x1714;
	v1 =	vsel vm5, $0x200, v1;
	v2 =	vsel vm5, $0x200, v2;
	[dreg:$0x10] =	wrdreg s6;
	s6 =	sshrl.u32 s21, $0x3;
	s11 =	simm.s32 $0xA  }
0x1d: {  	vm7 =	vcmask $0x1B18;
	v1 =	vsel vm6, $0x280, v1;
	v2 =	vsel vm6, $0x280, v2;
	s15 =	simm.s32 $0x5;
	[dreg:$0xb] =	wrdreg s2;
	s2 =	sadd.s32 s1, s12  }
0x1e: {  	vm8 =	vcmask $0x1F1C;
	v1 =	vsel vm7, $0x300, v1;
	v2 =	vsel vm7, $0x300, v2;
	s23 =	sadd.s32 s1, s6;
	s12 =	simm.s32 $0x3000;
	[dreg:$0xc] =	wrdreg s2  }
0x1f: {  	vm9 =	vcmask $0x2320;
	v1 =	vsel vm8, $0x380, v1;
	v2 =	vsel vm8, $0x380, v2;
	s6 =	simm.s32 $0x7;
	s2 =	sadd.s32 s4, s14;
	[dreg:$0x16] =	wrdreg s23  }
0x20: {  	vm10 =	vcmask $0x2724;
	v1 =	vsel vm9, $0x800, v1;
	v2 =	vsel vm9, $0x2000, v2;
	s14 =	simm.s32 $0x4000;
	[dreg:$0xd] =	wrdreg s2;
	s2 =	sshrl.u32 s16, $0x3  }
0x21: {  	vm11 =	vcmask $0x2B28;
	v1 =	vsel vm10, $0x880, v1;
	v2 =	vsel vm10, $0x2080, v2;
	s23 =	simm.s32 $0x8400;
	s16 =	simm.s32 $0x5000;
	s2 =	sadd.s32 s1, s2  }
0x22: {  	vm12 =	vcmask $0x2F2C;
	v1 =	vsel vm11, $0x900, v1;
	v2 =	vsel vm11, $0x2100, v2;
	[dreg:$0x11] =	wrdreg s2;
	s2 =	sadd.s32 s4, s19;
	s19 =	simm.s32 $0x6000  }
0x23: {  	vm13 =	vcmask $0x3330;
	v1 =	vsel vm12, $0x980, v1;
	v2 =	vsel vm12, $0x2180, v2;
	[dreg:$0x12] =	wrdreg s2;
	s2 =	sadd.s32 s1, s20;
	s20 =	simm.s32 $0x7000  }
0x24: {  	vm14 =	vcmask $0x3734;
	v1 =	vsel vm13, $0xA00, v1;
	v2 =	vsel vm13, $0x2200, v2;
	[dreg:$0x14] =	wrdreg s2;
	s2 =	sadd.s32 s4, s22;
	s22 =	simm.s32 $0x1  }
0x25: {  	vm15 =	vcmask $0x3B38;
	v1 =	vsel vm14, $0xA80, v1;
	v2 =	vsel vm14, $0x2280, v2;
	[dreg:$0x15] =	wrdreg s2;
	s2 =	sadd.s32 s8, s24;
	s8 =	simm.s32 $0x1000  }
0x26: {  	v3 =	vimm.f32 $1.000000000e+00;
	v1 =	vsel vm15, $0xB00, v1;
	v2 =	vsel vm15, $0x2300, v2;
	s24 =	simm.s32 $0x2;
	[dreg:$0x17] =	wrdreg s2;
	s2 =	simm.s32 $0x0  }
.LBB2_1:
0x27: {  	s0 =	sand.u32 $0x70, s3;
	s21 =	sand.u32 $0x1C00, s3  }
0x28: {  	s0 =	sor.u32 s0, s21  }
0x29: {  	[tilespmem:s0+$0x8700] =	vst v0  }
0x2a: {  	[tilespmem:s0+$0xC700] =	vst v0  }
0x2b: {  	[tilespmem:s0+$0xC680] =	vst v0  }
0x2c: {  	[tilespmem:s0+$0x8680] =	vst v0  }
0x2d: {  	[tilespmem:s0+$0xC600] =	vst v0  }
0x2e: {  	[tilespmem:s0+$0xC580] =	vst v0  }
0x2f: {  	[tilespmem:s0+$0x8600] =	vst v0  }
0x30: {  	[tilespmem:s0+$0xC500] =	vst v0  }
0x31: {  	[tilespmem:s0+$0x8500] =	vst v0  }
0x32: {  	[tilespmem:s0+$0xC480] =	vst v0  }
0x33: {  	[tilespmem:s0+$0x8480] =	vst v0  }
0x34: {  	[tilespmem:s0+$0xC400] =	vst v0  }
0x35: {  	s31 =	sor.u32 s3, s3;
	[tilespmem:s0+$0x8580] =	vst v0  }
0x36: {  	s25 =	sor.u32 $0x380, s31;
	[tilespmem:s0+$0x8400] =	vst v0  }
0x37: {  	[tilespmem:s25+$0x8400] =	vst v0  }
0x38: {  	[tilespmem:s25+$0xC400] =	vst v0  }
0x39: {  	[tilespmem:s0+$0xE700] =	vst v0  }
0x3a: {  	[tilespmem:s0+$0xA700] =	vst v0  }
0x3b: {  	[tilespmem:s0+$0xA680] =	vst v0  }
0x3c: {  	[tilespmem:s0+$0xE680] =	vst v0  }
0x3d: {  	[tilespmem:s0+$0xE600] =	vst v0  }
0x3e: {  	[tilespmem:s0+$0xA600] =	vst v0  }
0x3f: {  	[tilespmem:s0+$0xE580] =	vst v0  }
0x40: {  	[tilespmem:s0+$0xA500] =	vst v0  }
0x41: {  	[tilespmem:s0+$0xE480] =	vst v0  }
0x42: {  	[tilespmem:s0+$0xA580] =	vst v0  }
0x43: {  	[tilespmem:s0+$0xA480] =	vst v0  }
0x44: {  	[tilespmem:s0+$0xE500] =	vst v0  }
0x45: {  	[dreg:$0x1f] =	wrdreg s2;
	[tilespmem:s0+$0xE400] =	vst v0  }
0x46: {  	s29 =	simm.s32 $0x10;
	s28 =	sor.u32 $0x2380, s31;
	[tilespmem:s0+$0xA400] =	vst v0;
	s0 =	simm.s32 $0x80  }
.LBB2_2:
0x47: {  	s25 =	sand.u32 $0x70, s29  }
0x48: {  	s30 =	sand.u32 $0x1C00, s0;
	[tilespmem:s28+$0x8400] =	vst v0;
	s31 =	smov.u32 s29;
	s21 =	sadd.s32 $0x10, s29  }
0x49: {  	p0 =	sne.s32 s29, $0x3F0;
	s25 =	sor.u32 s25, s30;
	[tilespmem:s28+$0xC400] =	vst v0  }
0x4a: {  	[tilespmem:s25+$0x8700] =	vst v0  }
0x4b: {  	[tilespmem:s25+$0xC700] =	vst v0  }
0x4c: {  	[tilespmem:s25+$0xC680] =	vst v0  }
0x4d: {  	[tilespmem:s25+$0x8680] =	vst v0  }
0x4e: {  	[tilespmem:s25+$0xC600] =	vst v0  }
0x4f: {  	[tilespmem:s25+$0xC580] =	vst v0  }
0x50: {  	[tilespmem:s25+$0x8600] =	vst v0  }
0x51: {  	[tilespmem:s25+$0xC500] =	vst v0  }
0x52: {  	[tilespmem:s25+$0x8500] =	vst v0  }
0x53: {  	[tilespmem:s25+$0xC480] =	vst v0  }
0x54: {  	[tilespmem:s25+$0x8480] =	vst v0  }
0x55: {  	[tilespmem:s25+$0xC400] =	vst v0  }
0x56: {  	s28 =	sor.u32 s31, s0;
	[tilespmem:s25+$0x8580] =	vst v0  }
0x57: {  	s29 =	sor.u32 $0x380, s28;
	[tilespmem:s25+$0x8400] =	vst v0  }
0x58: {  	[tilespmem:s29+$0x8400] =	vst v0  }
0x59: {  	[tilespmem:s29+$0xC400] =	vst v0  }
0x5a: {  	[tilespmem:s25+$0xE700] =	vst v0  }
0x5b: {  	[tilespmem:s25+$0xA700] =	vst v0  }
0x5c: {  	[tilespmem:s25+$0xA680] =	vst v0  }
0x5d: {  	[tilespmem:s25+$0xE680] =	vst v0  }
0x5e: {  	[tilespmem:s25+$0xE600] =	vst v0  }
0x5f: {  	[tilespmem:s25+$0xA600] =	vst v0  }
0x60: {  	[tilespmem:s25+$0xE580] =	vst v0  }
0x61: {  	[tilespmem:s25+$0xA500] =	vst v0  }
0x62: {  	[tilespmem:s25+$0xE480] =	vst v0  }
.Ltmp0:
0x63: {  	[tilespmem:s25+$0xA580] =	vst v0;
	(pc) =	sbr.rel @p0 .LBB2_2-.Ltmp0, $4  }
0x64: {  	[tilespmem:s25+$0xA480] =	vst v0  }
0x65: {  	[tilespmem:s25+$0xE500] =	vst v0  }
0x66: {  	[tilespmem:s25+$0xE400] =	vst v0  }
0x67: {  	s0 =	sadd.s32 $0x80, s0;
	s28 =	sor.u32 $0x2380, s28;
	s29 =	smov.u32 s21;
	[tilespmem:s25+$0xA400] =	vst v0  }
0x68: {  	[tilespmem:s28+$0x8400] =	vst v0  }
0x69: {  	[tilespmem:s28+$0xC400] =	vst v0;
	s21 =	simm.s32 $0x0;
	s0 =	rddreg [dreg:$0x5]  }
0x6a: {  	[tilespmem:s21], [sflag:$0x1] =	stream.linear.gather [hbm4b:s0+s21], $0x1000, $0x38;
	[tilespmem:$0x10400] =	vst v63  }
0x6b: {  	s28 =	rddreg [dreg:$0x6];
	s2 =	simm.s32 $0x8000  }
0x6c: {  	[tilespmem:s2], [sflag:$0x1] =	stream.linear.gather [hbm4b:s28+s21], $0x10, $0x38;
	[tilespmem:$0x10400] =	vst v63  }
0x6d: {  	s29 =	rddreg [dreg:$0x7]  }
0x6e: {  	[tilespmem:s8], [sflag:$0x2] =	stream.linear.gather [hbm4b:s29+s21], $0x1000, $0x38;
	[tilespmem:$0x10400] =	vst v63  }
0x6f: {  	s30 =	rddreg [dreg:$0x8];
	s31 =	simm.s32 $0x8080  }
0x70: {  	[tilespmem:s31], [sflag:$0x2] =	stream.linear.gather [hbm4b:s30+s21], $0x10, $0x38;
	[tilespmem:$0x10400] =	vst v63  }
0x71: {  	s5 =	rddreg [dreg:$0x9]  }
0x72: {  	[tilespmem:s10], [sflag:$0x3] =	stream.linear.gather [hbm4b:s5+s21], $0x1000, $0x38;
	[tilespmem:$0x10400] =	vst v63  }
0x73: {  	s25 =	rddreg [dreg:$0xa];
	s28 =	simm.s32 $0x8100  }
0x74: {  	[tilespmem:s28], [sflag:$0x3] =	stream.linear.gather [hbm4b:s25+s21], $0x10, $0x38;
	[tilespmem:$0x10400] =	vst v63  }
0x75: {  	s29 =	rddreg [dreg:$0xb]  }
0x76: {  	[tilespmem:s12], [sflag:$0x4] =	stream.linear.gather [hbm4b:s29+s21], $0x1000, $0x38;
	[tilespmem:$0x10400] =	vst v63  }
0x77: {  	s30 =	rddreg [dreg:$0xc];
	s31 =	simm.s32 $0x8180  }
0x78: {  	[tilespmem:s31], [sflag:$0x4] =	stream.linear.gather [hbm4b:s30+s21], $0x10, $0x38;
	[tilespmem:$0x10400] =	vst v63  }
0x79: {  	s5 =	rddreg [dreg:$0xd]  }
0x7a: {  	[tilespmem:s14], [sflag:$0x5] =	stream.linear.gather [hbm4b:s5+s21], $0x1000, $0x38;
	[tilespmem:$0x10400] =	vst v63  }
0x7b: {  	s25 =	rddreg [dreg:$0xe];
	s28 =	simm.s32 $0x8200  }
0x7c: {  	[tilespmem:s28], [sflag:$0x5] =	stream.linear.gather [hbm4b:s25+s21], $0x10, $0x38;
	[tilespmem:$0x10400] =	vst v63  }
0x7d: {  	s29 =	rddreg [dreg:$0x10]  }
0x7e: {  	[tilespmem:s16], [sflag:$0x6] =	stream.linear.gather [hbm4b:s29+s21], $0x1000, $0x38;
	[tilespmem:$0x10400] =	vst v63  }
0x7f: {  	s30 =	rddreg [dreg:$0x11];
	s31 =	simm.s32 $0x8280  }
0x80: {  	[tilespmem:s31], [sflag:$0x6] =	stream.linear.gather [hbm4b:s30+s21], $0x10, $0x38;
	[tilespmem:$0x10400] =	vst v63  }
0x81: {  	s5 =	rddreg [dreg:$0x12]  }
0x82: {  	[tilespmem:s19], [sflag:$0x7] =	stream.linear.gather [hbm4b:s5+s21], $0x1000, $0x38;
	[tilespmem:$0x10400] =	vst v63  }
0x83: {  	s25 =	rddreg [dreg:$0x14];
	s28 =	simm.s32 $0x8300  }
0x84: {  	[tilespmem:s28], [sflag:$0x7] =	stream.linear.gather [hbm4b:s25+s21], $0x10, $0x38;
	[tilespmem:$0x10400] =	vst v63  }
0x85: {  	s29 =	rddreg [dreg:$0x15]  }
0x86: {  	[tilespmem:s20], [sflag:$0x8] =	stream.linear.gather [hbm4b:s29+s21], $0x1000, $0x38;
	[tilespmem:$0x10400] =	vst v63  }
0x87: {  	s30 =	rddreg [dreg:$0x16];
	s31 =	simm.s32 $0x8380  }
0x88: {  	[tilespmem:s31], [sflag:$0x8] =	stream.linear.gather [hbm4b:s30+s21], $0x10, $0x38;
	[tilespmem:$0x10400] =	vst v63  }
.LBB2_4:
0x89: {  	p0 =	seq.s32 s21, $0x0  }
0x8a: {  	s0 =	simm.s32 @!p0 $0x9  }
0x8b: {  	_ =	swait.ge @!p0 [sflag:s0], $0x4000  }
0x8c: {  	s28 =	sshll.u32 @!p0 s21, $0x7;
	s2 =	rddreg [dreg:$0xf]  }
0x8d: {  	[sflag:s0] =	ssyncset.done @!p0 $0x0;
	s25 =	sadd.s32 @!p0 s2, s28  }
0x8e: {  	[sflag:s0] =	ssyncadd.s32 @!p0 $0xFFFFC000;
	s0 =	sshll.u32 @!p0 s25, $0x5  }
0x8f: {  	s29 =	simm.s32 @!p0 $0x0;
	s30 =	simm.s32 @!p0 $0x6000;
	s0 =	sadd.s32 @!p0 s4, s0  }
0x90: {  	[tilespmem:s30], [sflag:$0x7] =	stream.linear.gather @!p0 [hbm4b:s0+s29], $0x1000, $0x38;
	[tilespmem:$0x10400] =	vst v63  }
0x91: {  	s5 =	simm.s32 $0x1;
	s0 =	sshrl.u32 @!p0 s25, $0x3  }
0x92: {  	s31 =	simm.s32 $0x4;
	s25 =	simm.s32 @!p0 $0x8300;
	s0 =	sadd.s32 @!p0 s1, s0  }
0x93: {  	[tilespmem:s25], [sflag:$0x7] =	stream.linear.gather @!p0 [hbm4b:s0+s29], $0x10, $0x38;
	[tilespmem:$0x10400] =	vst v63  }
0x94: {  	v11 =	vimm.s32 $0x0;
	v6 =	vmov s5;
	v15 =	vmov s31;
	s5 =	simm.s32 $0x6;
	_ =	swait.ge [sflag:s22], $0x1000  }
0x95: {  	v9 =	vshll.u32 v6, $0x3;
	v16 =	vand.u32 $0x7D, v6;
	v19 =	vmov s5;
	[sflag:s22] =	ssyncset.done $0x0  }
0x96: {  	v20 =	vand.u32 $0x7C, v15;
	v23 =	vshll.u32 v15, $0x3;
	v21 =	vshll.u32 v19, $0x3;
	[sflag:s22] =	ssyncadd.s32 $0xFFFFF000  }
0x97: {  	v9 =	vand.u32 $0xC00, v9;
	v25 =	vand.u32 $0x7E, v19;
	s2 =	simm.s32 $0x0;
	v21 =	vand.u32 $0x1C00, v21;
	_ =	swait.ge [sflag:s22], $0x10  }
0x98: {  	v9 =	vor.u32 v16, v9;
	v5 =	vmov s2;
	v21 =	vor.u32 v25, v21;
	[sflag:s22] =	ssyncset.done $0x0  }
0x99: {  	s2 =	simm.s32 $0x5;
	v51 =	vadd.s32 v1, v9;
	v9 =	vand.u32 $0x1C00, v23;
	v7 =	vshll.u32 v5, $0x3;
	[sflag:s22] =	ssyncadd.s32 $0xFFFFFFF0  }
0x9a: {  	v8 =	vand.u32 $0x7C, v5;
	v18 =	vmov s2;
	v7 =	vand.u32 $0xC00, v7;
	v4 =	vld [tilespmem:$0x8000]  }
0x9b: {  	v20 =	vor.u32 v20, v9;
	s30 =	simm.s32 $0x3;
	v24 =	vand.u32 $0x7D, v18;
	v7 =	vor.u32 v8, v7;
	s29 =	simm.s32 $0x2  }
0x9c: {  	v14 =	vmov s30;
	s25 =	simm.s32 $0xB;
	v7 =	vadd.s32 v1, v7;
	v12 =	vmov s29  }
0x9d: {  	v17 =	vshll.u32 v14, $0x3;
	v10 =	vmov s25;
	v8 =	vshll.u32 v12, $0x3  }
0x9e: {  	v17 =	vand.u32 $0xC00, v17;
	v13 =	vshll.u32 v10, $0x3;
	v8 =	vand.u32 $0xC00, v8  }
0x9f: {  	v13 =	vand.u32 $0x1C00, v13;
	vm0 =	vlt.s32 v10, v4;
	v10 =	vand.u32 $0x7F, v10  }
0xa0: {  	vm2 =	vlt.s32 v14, v4;
	v14 =	vand.u32 $0x7F, v14;
	vm6 =	vlt.s32 v5, v4  }
0xa1: {  	vm5 =	vlt.s32 v6, v4;
	vm3 =	vlt.s32 v18, v4;
	vm4 =	vlt.s32 v15, v4  }
0xa2: {  	v15 =	vadd.s32 v1, v21;
	vm1 =	vlt.s32 v19, v4;
	v11 =	vsel vm0, $0xFFFFFFFF, v11  }
0xa3: {  	s30 =	simm.s32 $0x8;
	v10 =	vor.u32 v10, v13;
	v13 =	vshll.u32 v18, $0x3;
	v17 =	vor.u32 v14, v17  }
0xa4: {  	s25 =	simm.s32 $0x7;
	v14 =	vmov s30;
	vm0 =	vlt.s32 v12, v4;
	[tilespmem:$0x1FFF0] =	vst v11;
	v11 =	vand.u32 $0x7E, v12  }
0xa5: {  	v5 =	vld.idx.msk [tilespmem:v7+s3+$0x0], $0xffff;
	v22 =	vand.u32 $0x1C00, v13;
	v13 =	vmov s25;
	v7 =	vand.u32 $0x7C, v14  }
0xa6: {  	s31 =	simm.s32 $0xA;
	v49 =	vshll.u32 v14, $0x3;
	v17 =	vadd.s32 v1, v17;
	v50 =	vadd.s32 v1, v10  }
0xa7: {  	v10 =	vmov s31;
	v12 =	vadd.s32 v1, v20;
	vm7 =	vlt.s32 v14, v4  }
0xa8: {  	v22 =	vor.u32 v24, v22;
	v48 =	vshll.u32 v13, $0x3;
	v21 =	vand.u32 $0x1C00, v49  }
0xa9: {  	s2 =	simm.s32 $0xE;
	s31 =	simm.s32 $0x9;
	s25 =	simm.s32 $0xF;
	v16 =	vor.u32 v11, v8;
	v52 =	vshll.u32 v10, $0x3;
	v53 =	vand.u32 $0x7E, v10  }
0xaa: {  	v11 =	vmov s2;
	v31 =	vmov s31;
	v35 =	vmov s25  }
0xab: {  	vm10 =	vlt.s32 v13, v4;
	vm14 =	vlt.s32 v10, v4;
	v6 =	vadd.s32 v1, v22  }
0xac: {  	s30 =	simm.s32 $0x11;
	s2 =	simm.s32 $0xC;
	v18 =	vand.u32 $0x1C00, v48;
	v21 =	vor.u32 v7, v21;
	v54 =	vshll.u32 v11, $0x3  }
0xad: {  	v7 =	vmov s30;
	v55 =	vand.u32 $0x7E, v11;
	v33 =	vmov s2  }
0xae: {  	s31 =	simm.s32 $0x12;
	v25 =	vand.u32 $0x1C00, v52;
	v58 =	vshll.u32 v31, $0x3;
	v36 =	vand.u32 $0x7D, v31  }
0xaf: {  	v38 =	vshll.u32 v35, $0x3;
	v61 =	vand.u32 $0x7F, v35;
	v46 =	vmov s31  }
0xb0: {  	vm8 =	vlt.s32 v31, v4;
	vm12 =	vlt.s32 v35, v4;
	vm13 =	vlt.s32 v11, v4  }
0xb1: {  	v8 =	vshll.u32 v5, $0x3;
	v5 =	vand.u32 $0x7F, v5;
	v21 =	vadd.s32 v1, v21  }
0xb2: {  	v37 =	vand.u32 $0x7C, v33;
	v38 =	vand.u32 $0x1C00, v38;
	v45 =	vand.u32 $0x7D, v7  }
0xb3: {  	s5 =	simm.s32 $0x10;
	v23 =	vor.u32 v53, v25;
	v48 =	vand.u32 $0x7E, v46;
	v49 =	vshll.u32 v46, $0x3  }
0xb4: {  	v24 =	vld.idx.msk [tilespmem:v51+s3+$0x0], $0xffff;
	vm9 =	vlt.s32 v33, v4;
	v26 =	vand.u32 $0xFFFFFC00, v8;
	v8 =	vmov s5  }
0xb5: {  	s5 =	simm.s32 $0xD;
	v20 =	vor.u32 v61, v38;
	v23 =	vadd.s32 v1, v23;
	v19 =	vand.u32 $0x7C, v8  }
0xb6: {  	v27 =	vshll.u32 v8, $0x3;
	v5 =	vor.u32 v5, v26;
	v34 =	vmov s5  }
0xb7: {  	v26 =	vand.u32 $0x1C00, v54;
	v20 =	vadd.s32 v1, v20;
	vm15 =	vlt.s32 v8, v4  }
0xb8: {  	v15 =	vld.idx.msk [tilespmem:v15+s3+$0x0], $0xffff;
	v9 =	vadd.s32 v2, v5;
	v5 =	vand.u32 $0x7F, v13;
	v27 =	vand.u32 $0x1C00, v27  }
0xb9: {  	v56 =	vand.u32 $0x7F, v24;
	v24 =	vshll.u32 v24, $0x3;
	v40 =	vshll.u32 v34, $0x3  }
0xba: {  	v26 =	vor.u32 v55, v26;
	v13 =	vand.u32 $0x1C00, v49;
	vm11 =	vlt.s32 v34, v4  }
0xbb: {  	v22 =	vld.idx.msk [tilespmem:v50+s3+$0x0], $0xffff;
	v18 =	vor.u32 v5, v18;
	v19 =	vor.u32 v19, v27;
	v27 =	vand.u32 $0x1C00, v58  }
0xbc: {  	v17 =	vld.idx.msk [tilespmem:v17+s3+$0x0], $0xffff;
	v62 =	vand.u32 $0x1C00, v40;
	v24 =	vand.u32 $0xFFFFFC00, v24;
	v26 =	vadd.s32 v1, v26  }
0xbd: {  	v12 =	vld.idx.msk [tilespmem:v12+s3+$0x0], $0xffff;
	v52 =	vor.u32 v48, v13;
	v29 =	vshll.u32 v15, $0x3;
	v15 =	vand.u32 $0x7F, v15  }
0xbe: {  	v6 =	vld.idx.msk [tilespmem:v6+s3+$0x0], $0xffff;
	v18 =	vadd.s32 v1, v18;
	v27 =	vor.u32 v36, v27;
	v19 =	vadd.s32 v1, v19  }
0xbf: {  	v24 =	vor.u32 v56, v24;
	v29 =	vand.u32 $0xFFFFFC00, v29;
	v27 =	vadd.s32 v1, v27  }
0xc0: {  	v14 =	vld.idx.msk [tilespmem:v23+s3+$0x0], $0xffff;
	v24 =	vadd.s32 v2, v24;
	v23 =	vadd.s32 v1, v52;
	v30 =	vand.u32 $0x7F, v22  }
0xc1: {  	v22 =	vshll.u32 v22, $0x3;
	v63 =	vshll.u32 v17, $0x3;
	v17 =	vand.u32 $0x7F, v17  }
0xc2: {  	v51 =	vand.u32 $0x7F, v12;
	v12 =	vshll.u32 v12, $0x3;
	v22 =	vand.u32 $0xFFFFFC00, v22  }
0xc3: {  	v12 =	vand.u32 $0xFFFFFC00, v12;
	v28 =	vshll.u32 v6, $0x3;
	v6 =	vand.u32 $0x7F, v6  }
0xc4: {  	v12 =	vor.u32 v51, v12;
	v22 =	vor.u32 v30, v22;
	v5 =	vand.u32 $0xFFFFFC00, v28  }
0xc5: {  	v28 =	vand.u32 $0xFFFFFC00, v63;
	v32 =	vor.u32 v6, v5;
	v5 =	vor.u32 v15, v29  }
0xc6: {  	v18 =	vld.idx.msk [tilespmem:v18+s3+$0x0], $0xffff;
	v6 =	vshll.u32 v7, $0x3;
	v15 =	vadd.s32 v1, v16;
	v17 =	vor.u32 v17, v28  }
0xc7: {  	v19 =	vld.idx.msk [tilespmem:v19+s3+$0x0], $0xffff;
	v53 =	vand.u32 $0x7F, v14;
	v14 =	vshll.u32 v14, $0x3;
	v5 =	vadd.s32 v2, v5  }
0xc8: {  	v16 =	vld.idx.msk [tilespmem:v21+s3+$0x0], $0xffff;
	v57 =	vand.u32 $0x1C00, v6;
	v6 =	vshll.u32 v33, $0x3;
	v32 =	vadd.s32 v2, v32  }
0xc9: {  	v20 =	vld.idx.msk [tilespmem:v20+s3+$0x0], $0xffff;
	v14 =	vand.u32 $0xFFFFFC00, v14;
	v56 =	vadd.s32 v2, v17;
	v6 =	vand.u32 $0x1C00, v6  }
0xca: {  	v21 =	vor.u32 v45, v57;
	v14 =	vor.u32 v53, v14;
	v59 =	vor.u32 v37, v6  }
0xcb: {  	v21 =	vadd.s32 v1, v21;
	v14 =	vadd.s32 v2, v14;
	v36 =	vadd.s32 v1, v59  }
0xcc: {  	v50 =	vand.u32 $0x7F, v18;
	v18 =	vshll.u32 v18, $0x3;
	v55 =	vand.u32 $0x7F, v19  }
0xcd: {  	s30 =	simm.s32 $0x13;
	v27 =	vld.idx.msk [tilespmem:v27+s3+$0x0], $0xffff;
	v17 =	vshll.u32 v19, $0x3;
	v39 =	vand.u32 $0x7F, v16;
	v16 =	vshll.u32 v16, $0x3  }
0xce: {  	v59 =	vshll.u32 v20, $0x3;
	v60 =	vld.idx.msk [tilespmem:v15+s3+$0x0], $0xffff;
	v15 =	vmov s30;
	v16 =	vand.u32 $0xFFFFFC00, v16  }
0xcf: {  	v41 =	vshll.u32 v15, $0x3;
	v6 =	vor.u32 v39, v16;
	v16 =	vand.u32 $0x7D, v34  }
0xd0: {  	v47 =	vand.u32 $0x7F, v15;
	v41 =	vand.u32 $0x1C00, v41;
	v16 =	vor.u32 v16, v62  }
0xd1: {  	v19 =	vld.idx.msk [tilespmem:v26+s3+$0x0], $0xffff;
	v18 =	vand.u32 $0xFFFFFC00, v18;
	v25 =	vor.u32 v47, v41;
	v16 =	vadd.s32 v1, v16  }
0xd2: {  	v20 =	vand.u32 $0x7F, v20;
	v13 =	vor.u32 v50, v18;
	v18 =	vld.idx.msk [tilespmem:v21+s3+$0x0], $0xffff;
	v25 =	vadd.s32 v1, v25  }
0xd3: {  	v57 =	vand.u32 $0x7F, v27;
	v10 =	vand.u32 $0xFFFFFC00, v17;
	v54 =	vld.idx.msk [tilespmem:v36+s3+$0x0], $0xffff;
	v42 =	vshll.u32 v60, $0x3  }
0xd4: {  	v10 =	vor.u32 v55, v10;
	v37 =	vand.u32 $0x7F, v60;
	v42 =	vand.u32 $0xFFFFFC00, v42  }
0xd5: {  	v23 =	vld.idx.msk [tilespmem:v23+s3+$0x0], $0xffff;
	v13 =	vadd.s32 v2, v13;
	v10 =	vadd.s32 v2, v10;
	v37 =	vor.u32 v37, v42  }
0xd6: {  	v6 =	vadd.s32 v2, v6;
	v61 =	vand.u32 $0x7F, v19;
	v37 =	vadd.s32 v2, v37;
	v16 =	vld.idx.msk [tilespmem:v16+s3+$0x0], $0xffff  }
0xd7: {  	v60 =	vadd.s32 v2, v12;
	v17 =	vshll.u32 v18, $0x3;
	v63 =	vand.u32 $0x7F, v18;
	v25 =	vld.idx.msk [tilespmem:v25+s3+$0x0], $0xffff  }
0xd8: {  	v58 =	vshll.u32 v54, $0x3;
	v28 =	vand.u32 $0x7F, v54;
	[tilespmem:v9+s23+$0x0] =	vst.idx.add.f32.msk vm6, v3;
	v9 =	vand.u32 $0xFFFFFC00, v59  }
0xd9: {  	v62 =	vand.u32 $0xFFFFFC00, v17;
	v11 =	vand.u32 $0xFFFFFC00, v58;
	[tilespmem:v24+s23+$0x0] =	vst.idx.add.f32.msk vm5, v3;
	v9 =	vor.u32 v20, v9  }
0xda: {  	vm5 =	vlt.s32 v7, v4;
	v11 =	vor.u32 v28, v11;
	v7 =	vadd.s32 v2, v9  }
0xdb: {  	v17 =	vshll.u32 v27, $0x3;
	v11 =	vadd.s32 v2, v11;
	[tilespmem:v37+s23+$0x0] =	vst.idx.add.f32.msk vm0, v3;
	vm0 =	vlt.s32 v46, v4  }
0xdc: {  	v12 =	vand.u32 $0x7F, v16;
	v16 =	vshll.u32 v16, $0x3;
	[tilespmem:v56+s23+$0x0] =	vst.idx.add.f32.msk vm2, v3;
	v9 =	vand.u32 $0x7F, v25  }
0xdd: {  	v16 =	vand.u32 $0xFFFFFC00, v16;
	[tilespmem:v60+s23+$0x0] =	vst.idx.add.f32.msk vm4, v3;
	vm4 =	vlt.s32 v15, v4;
	v15 =	vand.u32 $0x7F, v23  }
0xde: {  	v12 =	vor.u32 v12, v16;
	v16 =	vshll.u32 v19, $0x3;
	v19 =	vand.u32 $0xFFFFFC00, v17  }
0xdf: {  	v17 =	vadd.s32 v2, v22;
	v8 =	vand.u32 $0xFFFFFC00, v16;
	v16 =	vshll.u32 v25, $0x3  }
0xe0: {  	v12 =	vadd.s32 v2, v12;
	v8 =	vor.u32 v61, v8;
	v16 =	vand.u32 $0xFFFFFC00, v16  }
0xe1: {  	v19 =	vor.u32 v57, v19;
	v8 =	vadd.s32 v2, v8;
	v18 =	vor.u32 v9, v16  }
0xe2: {  	s29 =	simm.s32 $0x27;
	s25 =	sshll.u32 s21, $0x3;
	[tilespmem:v32+s23+$0x0] =	vst.idx.add.f32.msk vm3, v3;
	v16 =	vadd.s32 v2, v19;
	v19 =	vor.u32 v63, v62;
	v9 =	vshll.u32 v23, $0x3  }
.LBB2_5:
0xe3: {  	s0 =	sadd.s32 $0xFFFFFFED, s29  }
0xe4: {  	[tilespmem:v5+s23+$0x0] =	vst.idx.add.f32.msk vm1, v3;
	v20 =	vmov s0  }
0xe5: {  	v5 =	vadd.s32 v2, v19;
	v19 =	vand.u32 $0xFFFFFC00, v9;
	[tilespmem:v13+s23+$0x0] =	vst.idx.add.f32.msk vm10, v3;
	v22 =	vshll.u32 v20, $0x3  }
0xe6: {  	v13 =	vand.u32 $0x7C, v20;
	[tilespmem:v6+s23+$0x0] =	vst.idx.add.f32.msk vm7, v3;
	v6 =	vor.u32 v15, v19;
	v15 =	vand.u32 $0xC00, v22  }
0xe7: {  	v13 =	vor.u32 v13, v15  }
0xe8: {  	v48 =	vadd.s32 v1, v13;
	v13 =	vld [tilespmem:$0x1FFF0];
	_ =	sdelay $0x4  }
0xe9: {  	s31 =	sadd.s32 $0xFFFFFFEE, s29;
	s2 =	sadd.s32 $0xFFFFFFEF, s29;
	vm1 =	vnez.u8 v13  }
0xea: {  	v18 =	vadd.s32 v2, v18;
	s30 =	smov.u32 s29;
	v21 =	vmov s31;
	v9 =	vmov s2;
	s31 =	sadd.s32 $0xFFFFFFF6, s29  }
0xeb: {  	s2 =	sadd.s32 $0xFFFFFFF8, s29;
	v19 =	vshll.u32 v21, $0x3;
	vm6 =	vlt.s32 v20, v4;
	v31 =	vmov s31;
	s31 =	sadd.s32 $0xFFFFFFFA, s30  }
0xec: {  	[tilespmem:v16+s23+$0x0] =	vst.idx.add.f32.msk vm8, v3;
	v6 =	vadd.s32 v2, v6;
	v16 =	vmov s2;
	v34 =	vmov s31  }
0xed: {  	s2 =	sadd.s32 $0xFFFFFFF1, s30;
	v56 =	vshll.u32 v31, $0x3;
	v36 =	vand.u32 $0x7D, v31;
	vm8 =	vlt.s32 v31, v4  }
0xee: {  	v15 =	vshll.u32 v9, $0x3;
	[tilespmem:v14+s23+$0x0] =	vst.idx.add.f32.msk vm14, v3;
	v23 =	vmov s2;
	v14 =	vand.u32 $0x7F, v16  }
0xef: {  	v58 =	vand.u32 $0x7D, v34;
	v13 =	vimm.s32 $0x0;
	[tilespmem:v17+s23+$0x0] =	vst.idx.add.f32.msk vm1, v3;
	vm1 =	vlt.s32 v16, v4  }
0xf0: {  	s5 =	sadd.s32 $0xFFFFFFF0, s30;
	v60 =	vshll.u32 v34, $0x3;
	v15 =	vand.u32 $0xC00, v15;
	v13 =	vsel vm1, $0xFFFFFFFF, v13;
	[tilespmem:v11+s23+$0x0] =	vst.idx.add.f32.msk vm9, v3  }
0xf1: {  	v17 =	vand.u32 $0xC00, v19;
	v19 =	vand.u32 $0x7E, v9;
	v11 =	vmov s5;
	[tilespmem:$0x1FFF0] =	vst v13  }
0xf2: {  	s5 =	sadd.s32 $0xFFFFFFF2, s30;
	v15 =	vor.u32 v19, v15;
	v13 =	vshll.u32 v16, $0x3;
	[tilespmem:v12+s23+$0x0] =	vst.idx.add.f32.msk vm11, v3;
	v12 =	vand.u32 $0x7D, v21  }
0xf3: {  	vm2 =	vlt.s32 v11, v4;
	v16 =	vmov s5;
	s5 =	sadd.s32 $0xFFFFFFF3, s30;
	vm11 =	vlt.s32 v34, v4  }
0xf4: {  	v13 =	vand.u32 $0x1C00, v13;
	[tilespmem:v8+s23+$0x0] =	vst.idx.add.f32.msk vm13, v3;
	v8 =	vshll.u32 v11, $0x3;
	v24 =	vmov s5  }
0xf5: {  	vm3 =	vlt.s32 v16, v4;
	v12 =	vor.u32 v12, v17;
	[tilespmem:v7+s23+$0x0] =	vst.idx.add.f32.msk vm12, v3;
	v7 =	vand.u32 $0x7F, v11  }
0xf6: {  	s2 =	sadd.s32 $0xFFFFFFFB, s30;
	v11 =	vor.u32 v14, v13;
	v13 =	vshll.u32 v16, $0x3;
	v14 =	vshll.u32 v24, $0x3  }
0xf7: {  	v25 =	vand.u32 $0x7E, v24;
	v17 =	vadd.s32 v1, v12;
	v12 =	vmov s2  }
0xf8: {  	vm1 =	vlt.s32 v24, v4;
	v24 =	vand.u32 $0x1C00, v56;
	[tilespmem:v10+s23+$0x0] =	vst.idx.add.f32.msk vm15, v3;
	v10 =	vand.u32 $0x7C, v23  }
0xf9: {  	v27 =	vshll.u32 v12, $0x3;
	v29 =	vand.u32 $0x7E, v12;
	v24 =	vor.u32 v36, v24  }
0xfa: {  	s5 =	sadd.s32 $0xFFFFFFF4, s30;
	vm13 =	vlt.s32 v12, v4;
	[tilespmem:v5+s23+$0x0] =	vst.idx.add.f32.msk vm5, v3;
	v5 =	vand.u32 $0xC00, v8;
	v8 =	vand.u32 $0x1C00, v13  }
0xfb: {  	v13 =	vmov s5;
	vm5 =	vlt.s32 v21, v4;
	v27 =	vand.u32 $0x1C00, v27  }
0xfc: {  	s5 =	sadd.s32 $0xFFFFFFF5, s30;
	v24 =	vadd.s32 v1, v24;
	[tilespmem:v6+s23+$0x0] =	vst.idx.add.f32.msk vm0, v3;
	v5 =	vor.u32 v7, v5;
	v6 =	vshll.u32 v23, $0x3  }
0xfd: {  	v7 =	vand.u32 $0x1C00, v14;
	v14 =	vmov s5;
	vm0 =	vlt.s32 v9, v4  }
0xfe: {  	v27 =	vor.u32 v29, v27;
	vm10 =	vlt.s32 v13, v4;
	[tilespmem:v18+s23+$0x0] =	vst.idx.add.f32.msk vm4, v3;
	v18 =	vand.u32 $0x7D, v16  }
0xff: {  	v7 =	vor.u32 v25, v7;
	vm4 =	vlt.s32 v23, v4;
	v20 =	vshll.u32 v14, $0x3  }
0x100: {  	v49 =	vadd.s32 v1, v5;
	v6 =	vand.u32 $0x1C00, v6;
	vm7 =	vlt.s32 v14, v4  }
0x101: {  	v27 =	vadd.s32 v1, v27;
	v8 =	vor.u32 v18, v8;
	v18 =	vshll.u32 v13, $0x3  }
0x102: {  	s0 =	sadd.s32 $0xFFFFFFF7, s29;
	s5 =	sadd.s32 $0xFFFFFFFD, s30;
	v7 =	vadd.s32 v1, v7;
	v5 =	vand.u32 $0x1C00, v20;
	v20 =	vadd.s32 v1, v11  }
0x103: {  	v11 =	vmov s0;
	v26 =	vor.u32 v10, v6;
	v10 =	vmov s5  }
0x104: {  	v53 =	vld.idx.msk [tilespmem:v17+s3+$0x0], $0xffff;
	v17 =	vand.u32 $0x7F, v13;
	v8 =	vadd.s32 v1, v8;
	v16 =	vand.u32 $0x1C00, v18  }
0x105: {  	s5 =	sadd.s32 $0xFFFFFFF9, s30;
	v18 =	vand.u32 $0x7C, v14;
	v50 =	vshll.u32 v11, $0x3;
	v51 =	vand.u32 $0x7E, v11  }
0x106: {  	v52 =	vand.u32 $0x7C, v10;
	v33 =	vmov s5;
	v26 =	vadd.s32 v1, v26  }
0x107: {  	vm14 =	vlt.s32 v11, v4;
	vm15 =	vlt.s32 v10, v4;
	v5 =	vor.u32 v18, v5  }
0x108: {  	v22 =	vld.idx.msk [tilespmem:v48+s3+$0x0], $0xffff;
	s5 =	sadd.s32 $0xFFFFFFFC, s30;
	v18 =	vshll.u32 v10, $0x3;
	v16 =	vor.u32 v17, v16;
	v23 =	vand.u32 $0x1C00, v50  }
0x109: {  	v35 =	vmov s5;
	v37 =	vand.u32 $0x7C, v33;
	vm9 =	vlt.s32 v33, v4  }
0x10a: {  	v24 =	vld.idx.msk [tilespmem:v24+s3+$0x0], $0xffff;
	v5 =	vadd.s32 v1, v5;
	v18 =	vand.u32 $0x1C00, v18;
	v38 =	vshll.u32 v35, $0x3  }
0x10b: {  	v16 =	vadd.s32 v1, v16;
	v59 =	vand.u32 $0x7F, v35;
	v23 =	vor.u32 v51, v23  }
0x10c: {  	vm12 =	vlt.s32 v35, v4;
	v18 =	vor.u32 v52, v18;
	v21 =	vld.idx.msk [tilespmem:v49+s3+$0x0], $0xffff;
	v38 =	vand.u32 $0x1C00, v38  }
0x10d: {  	v23 =	vadd.s32 v1, v23;
	v6 =	vld.idx.msk [tilespmem:v7+s3+$0x0], $0xffff;
	v7 =	vand.u32 $0x7F, v22;
	v32 =	vand.u32 $0x7F, v53  }
0x10e: {  	v18 =	vadd.s32 v1, v18;
	v19 =	vld.idx.msk [tilespmem:v8+s3+$0x0], $0xffff;
	v8 =	vshll.u32 v22, $0x3;
	v22 =	vshll.u32 v53, $0x3  }
0x10f: {  	s31 =	sadd.s32 $0xFFFFFFFF, s30;
	s2 =	sadd.s32 $0xFFFFFFFE, s30;
	v8 =	vand.u32 $0xFFFFFC00, v8;
	v22 =	vand.u32 $0xFFFFFC00, v22;
	v56 =	vand.u32 $0x7F, v24  }
0x110: {  	v8 =	vor.u32 v7, v8;
	v7 =	vmov s2;
	v61 =	vld.idx.msk [tilespmem:v16+s3+$0x0], $0xffff;
	v16 =	vmov s31  }
0x111: {  	v20 =	vld.idx.msk [tilespmem:v20+s3+$0x0], $0xffff;
	v22 =	vor.u32 v32, v22;
	v8 =	vadd.s32 v2, v8;
	v55 =	vshll.u32 v7, $0x3  }
0x112: {  	v26 =	vld.idx.msk [tilespmem:v26+s3+$0x0], $0xffff;
	v62 =	vshll.u32 v21, $0x3;
	v41 =	vand.u32 $0x7D, v7;
	v21 =	vand.u32 $0x7F, v21  }
0x113: {  	v44 =	vand.u32 $0x7E, v16;
	v45 =	vshll.u32 v16, $0x3;
	v22 =	vadd.s32 v2, v22  }
0x114: {  	v17 =	vshll.u32 v6, $0x3;
	v6 =	vand.u32 $0x7F, v6;
	v29 =	vand.u32 $0xFFFFFC00, v62  }
0x115: {  	v13 =	vand.u32 $0x1C00, v45;
	v28 =	vshll.u32 v19, $0x3;
	v19 =	vand.u32 $0x7F, v19  }
0x116: {  	v54 =	vld.idx.msk [tilespmem:v5+s3+$0x0], $0xffff;
	v30 =	vand.u32 $0xFFFFFC00, v17;
	v17 =	vand.u32 $0x7F, v20;
	v20 =	vshll.u32 v20, $0x3  }
0x117: {  	v21 =	vor.u32 v21, v29;
	v48 =	vand.u32 $0x7F, v26;
	v26 =	vshll.u32 v26, $0x3  }
0x118: {  	v52 =	vor.u32 v44, v13;
	v28 =	vand.u32 $0xFFFFFC00, v28;
	v6 =	vor.u32 v6, v30  }
0x119: {  	v30 =	vand.u32 $0x1C00, v55;
	v20 =	vand.u32 $0xFFFFFC00, v20;
	v50 =	vand.u32 $0xFFFFFC00, v26  }
0x11a: {  	v14 =	vld.idx.msk [tilespmem:v23+s3+$0x0], $0xffff;
	v21 =	vadd.s32 v2, v21;
	v19 =	vor.u32 v19, v28;
	v5 =	vadd.s32 v2, v6  }
0x11b: {  	v6 =	vadd.s32 v1, v15;
	v15 =	vshll.u32 v33, $0x3;
	v39 =	vand.u32 $0x7F, v54  }
0x11c: {  	v28 =	vshll.u32 v54, $0x3;
	v30 =	vor.u32 v41, v30;
	v46 =	vand.u32 $0x7F, v61  }
0x11d: {  	v18 =	vld.idx.msk [tilespmem:v18+s3+$0x0], $0xffff;
	v49 =	vshll.u32 v61, $0x3;
	v25 =	vor.u32 v48, v50;
	v17 =	vor.u32 v17, v20  }
0x11e: {  	v15 =	vand.u32 $0x1C00, v15;
	v9 =	vadd.s32 v2, v19;
	v30 =	vadd.s32 v1, v30  }
0x11f: {  	v13 =	vand.u32 $0xFFFFFC00, v49;
	v53 =	vand.u32 $0x7F, v14;
	v14 =	vshll.u32 v14, $0x3  }
0x120: {  	v25 =	vadd.s32 v2, v25;
	v17 =	vadd.s32 v2, v17;
	v57 =	vor.u32 v37, v15  }
0x121: {  	v15 =	vmov s30;
	v37 =	vor.u32 v59, v38;
	v13 =	vor.u32 v46, v13  }
0x122: {  	v14 =	vand.u32 $0xFFFFFC00, v14;
	v55 =	vand.u32 $0x7F, v18;
	v18 =	vshll.u32 v18, $0x3  }
0x123: {  	v20 =	vld.idx.msk [tilespmem:v27+s3+$0x0], $0xffff;
	v19 =	vshll.u32 v15, $0x3;
	v63 =	vand.u32 $0x7F, v15;
	v47 =	vadd.s32 v1, v37  }
0x124: {  	v13 =	vadd.s32 v2, v13;
	v14 =	vor.u32 v53, v14;
	v19 =	vand.u32 $0x1C00, v19  }
0x125: {  	v40 =	vld.idx.msk [tilespmem:v6+s3+$0x0], $0xffff;
	v6 =	vand.u32 $0xFFFFFC00, v28;
	v28 =	vadd.s32 v1, v57;
	v19 =	vor.u32 v63, v19  }
0x126: {  	v6 =	vor.u32 v39, v6;
	v39 =	vand.u32 $0x1C00, v60;
	v51 =	vld.idx.msk [tilespmem:v30+s3+$0x0], $0xffff;
	v19 =	vadd.s32 v1, v19  }
0x127: {  	v11 =	vand.u32 $0xFFFFFC00, v18;
	v30 =	vadd.s32 v1, v52;
	v36 =	vor.u32 v58, v39  }
0x128: {  	v59 =	vand.u32 $0x7F, v20;
	v20 =	vshll.u32 v20, $0x3;
	v36 =	vadd.s32 v1, v36;
	v23 =	vld.idx.msk [tilespmem:v47+s3+$0x0], $0xffff  }
0x129: {  	v14 =	vadd.s32 v2, v14;
	v31 =	vor.u32 v55, v11;
	v20 =	vand.u32 $0xFFFFFC00, v20  }
0x12a: {  	v6 =	vadd.s32 v2, v6;
	v20 =	vor.u32 v59, v20;
	v42 =	vshll.u32 v40, $0x3;
	v28 =	vld.idx.msk [tilespmem:v28+s3+$0x0], $0xffff  }
0x12b: {  	v40 =	vand.u32 $0x7F, v40;
	v42 =	vand.u32 $0xFFFFFC00, v42;
	v18 =	vshll.u32 v51, $0x3;
	v19 =	vld.idx.msk [tilespmem:v19+s3+$0x0], $0xffff  }
0x12c: {  	v30 =	vld.idx.msk [tilespmem:v30+s3+$0x0], $0xffff;
	v26 =	vand.u32 $0x7F, v51;
	v40 =	vor.u32 v40, v42;
	v60 =	vand.u32 $0xFFFFFC00, v18  }
0x12d: {  	v18 =	vshll.u32 v24, $0x3;
	v39 =	vadd.s32 v2, v40;
	v54 =	vld.idx.msk [tilespmem:v36+s3+$0x0], $0xffff;
	v12 =	vshll.u32 v23, $0x3  }
0x12e: {  	v23 =	vand.u32 $0x7F, v23;
	v18 =	vand.u32 $0xFFFFFC00, v18;
	[tilespmem:v8+s23+$0x0] =	vst.idx.add.f32.msk vm6, v3;
	v8 =	vadd.s32 v2, v20  }
0x12f: {  	v62 =	vand.u32 $0xFFFFFC00, v12;
	[tilespmem:v22+s23+$0x0] =	vst.idx.add.f32.msk vm5, v3;
	v63 =	vor.u32 v56, v18;
	vm5 =	vlt.s32 v7, v4  }
0x130: {  	v57 =	vshll.u32 v28, $0x3;
	v28 =	vand.u32 $0x7F, v28;
	v18 =	vor.u32 v23, v62  }
0x131: {  	v11 =	vand.u32 $0xFFFFFC00, v57;
	v20 =	vshll.u32 v19, $0x3;
	v7 =	vadd.s32 v2, v18  }
0x132: {  	p1 =	sne.s32 s29, $0xC7;
	v18 =	vand.u32 $0x7F, v19;
	v19 =	vor.u32 v26, v60;
	v10 =	vor.u32 v28, v11  }
.Ltmp1:
0x133: {  	v20 =	vand.u32 $0xFFFFFC00, v20;
	v58 =	vand.u32 $0x7F, v54;
	v11 =	vadd.s32 v2, v10;
	(pc) =	sbr.rel @p1 .LBB2_5-.Ltmp1, $4  }
0x134: {  	v27 =	vshll.u32 v54, $0x3;
	v10 =	vadd.s32 v2, v31;
	[tilespmem:v39+s23+$0x0] =	vst.idx.add.f32.msk vm0, v3;
	vm0 =	vlt.s32 v16, v4  }
0x135: {  	v18 =	vor.u32 v18, v20;
	v16 =	vadd.s32 v2, v63;
	v27 =	vand.u32 $0xFFFFFC00, v27;
	[tilespmem:v21+s23+$0x0] =	vst.idx.add.f32.msk vm2, v3  }
0x136: {  	v61 =	vor.u32 v58, v27;
	[tilespmem:v25+s23+$0x0] =	vst.idx.add.f32.msk vm4, v3;
	vm4 =	vlt.s32 v15, v4  }
0x137: {  	s29 =	sadd.s32 $0x14, s29;
	v15 =	vand.u32 $0x7F, v30;
	v12 =	vadd.s32 v2, v61;
	[tilespmem:v9+s23+$0x0] =	vst.idx.add.f32.msk vm3, v3;
	v9 =	vshll.u32 v30, $0x3  }
0x138: {  	_ =	sdelay $0x4  }
0x139: {  	[tilespmem:v5+s23+$0x0] =	vst.idx.add.f32.msk vm1, v3  }
0x13a: {  	v5 =	vld [tilespmem:$0x1FFF0];
	_ =	sdelay $0x4  }
0x13b: {  	vm1 =	vnez.u8 v5;
	_ =	sdelay $0x1  }
0x13c: {  	[tilespmem:v13+s23+$0x0] =	vst.idx.add.f32.msk vm10, v3  }
0x13d: {  	[tilespmem:v6+s23+$0x0] =	vst.idx.add.f32.msk vm7, v3  }
0x13e: {  	[tilespmem:v16+s23+$0x0] =	vst.idx.add.f32.msk vm8, v3  }
0x13f: {  	[tilespmem:v14+s23+$0x0] =	vst.idx.add.f32.msk vm14, v3  }
0x140: {  	v4 =	vand.u32 $0xFFFFFC00, v9;
	[tilespmem:v17+s23+$0x0] =	vst.idx.add.f32.msk vm1, v3  }
0x141: {  	v4 =	vor.u32 v15, v4;
	v5 =	vadd.s32 v2, v19;
	[tilespmem:v11+s23+$0x0] =	vst.idx.add.f32.msk vm9, v3  }
0x142: {  	v4 =	vadd.s32 v2, v4;
	[tilespmem:v12+s23+$0x0] =	vst.idx.add.f32.msk vm11, v3  }
0x143: {  	v6 =	vadd.s32 v2, v18;
	[tilespmem:v8+s23+$0x0] =	vst.idx.add.f32.msk vm13, v3  }
0x144: {  	[tilespmem:v7+s23+$0x0] =	vst.idx.add.f32.msk vm12, v3  }
0x145: {  	[tilespmem:v10+s23+$0x0] =	vst.idx.add.f32.msk vm15, v3  }
0x146: {  	[tilespmem:v5+s23+$0x0] =	vst.idx.add.f32.msk vm5, v3  }
0x147: {  	s0 =	sshll.u32 s21, $0xE;
	s2 =	rddreg [dreg:$0x17];
	[tilespmem:v4+s23+$0x0] =	vst.idx.add.f32.msk vm0, v3  }
0x148: {  	s0 =	sadd.s32 s0, s2;
	[tilespmem:v6+s23+$0x0] =	vst.idx.add.f32.msk vm4, v3  }
0x149: {  	[hbm4b:s0+s3] =	stream.linear.scatter [tilespmem:s23], [sflag:$0x9], $0x4000, $0x38;
	[tilespmem:$0x10400] =	vst v63  }
0x14a: {  	s0 =	simm.s32 @!p0 $0xA  }
0x14b: {  	_ =	swait.ge @!p0 [sflag:s0], $0x4000  }
0x14c: {  	s2 =	rddreg [dreg:$0x13]  }
0x14d: {  	[sflag:s0] =	ssyncset.done @!p0 $0x0;
	s2 =	sadd.s32 @!p0 s2, s28  }
0x14e: {  	[sflag:s0] =	ssyncadd.s32 @!p0 $0xFFFFC000;
	s0 =	sshll.u32 @!p0 s2, $0x5  }
0x14f: {  	s5 =	simm.s32 @!p0 $0x0;
	s28 =	simm.s32 @!p0 $0x7000;
	s0 =	sadd.s32 @!p0 s4, s0  }
0x150: {  	[tilespmem:s28], [sflag:$0x8] =	stream.linear.gather @!p0 [hbm4b:s0+s5], $0x1000, $0x38;
	[tilespmem:$0x10400] =	vst v63  }
0x151: {  	s31 =	simm.s32 $0x2;
	s0 =	sshrl.u32 @!p0 s2, $0x3  }
0x152: {  	v12 =	vmov s31;
	s31 =	simm.s32 $0x4;
	s2 =	simm.s32 @!p0 $0x8380;
	s0 =	sadd.s32 @!p0 s1, s0  }
0x153: {  	[tilespmem:s2], [sflag:$0x8] =	stream.linear.gather @!p0 [hbm4b:s0+s5], $0x10, $0x38;
	[tilespmem:$0x10400] =	vst v63  }
0x154: {  	s29 =	simm.s32 $0x0;
	v11 =	vimm.s32 $0x0;
	v15 =	vmov s31;
	_ =	swait.ge [sflag:s24], $0x1000  }
0x155: {  	v20 =	vand.u32 $0x7C, v15;
	v23 =	vshll.u32 v15, $0x3;
	v5 =	vmov s29;
	s29 =	simm.s32 $0xB;
	[sflag:s24] =	ssyncset.done $0x0  }
0x156: {  	s30 =	simm.s32 $0x1;
	v7 =	vshll.u32 v5, $0x3;
	v8 =	vand.u32 $0x7C, v5;
	v10 =	vmov s29;
	[sflag:s24] =	ssyncadd.s32 $0xFFFFF000  }
0x157: {  	s29 =	simm.s32 $0x6;
	v6 =	vmov s30;
	v7 =	vand.u32 $0xC00, v7;
	v13 =	vshll.u32 v10, $0x3;
	_ =	swait.ge [sflag:s24], $0x10  }
0x158: {  	s30 =	simm.s32 $0x3;
	v19 =	vmov s29;
	v9 =	vshll.u32 v6, $0x3;
	v7 =	vor.u32 v8, v7;
	[sflag:s24] =	ssyncset.done $0x0  }
0x159: {  	v8 =	vshll.u32 v12, $0x3;
	v14 =	vmov s30;
	v16 =	vand.u32 $0x7D, v6;
	[sflag:s24] =	ssyncadd.s32 $0xFFFFFFF0  }
0x15a: {  	v13 =	vand.u32 $0x1C00, v13;
	v21 =	vshll.u32 v19, $0x3;
	v25 =	vand.u32 $0x7E, v19;
	v4 =	vld [tilespmem:$0x8080]  }
0x15b: {  	v7 =	vadd.s32 v1, v7;
	v8 =	vand.u32 $0xC00, v8;
	v9 =	vand.u32 $0xC00, v9  }
0x15c: {  	v17 =	vshll.u32 v14, $0x3;
	v21 =	vand.u32 $0x1C00, v21;
	v9 =	vor.u32 v16, v9  }
0x15d: {  	v17 =	vand.u32 $0xC00, v17;
	v51 =	vadd.s32 v1, v9;
	v9 =	vand.u32 $0x1C00, v23;
	s5 =	simm.s32 $0x5  }
0x15e: {  	v21 =	vor.u32 v25, v21;
	v20 =	vor.u32 v20, v9;
	v18 =	vmov s5  }
0x15f: {  	v24 =	vand.u32 $0x7D, v18;
	vm0 =	vlt.s32 v10, v4;
	v10 =	vand.u32 $0x7F, v10  }
0x160: {  	vm2 =	vlt.s32 v14, v4;
	v14 =	vand.u32 $0x7F, v14;
	vm6 =	vlt.s32 v5, v4  }
0x161: {  	vm5 =	vlt.s32 v6, v4;
	vm3 =	vlt.s32 v18, v4;
	vm4 =	vlt.s32 v15, v4  }
0x162: {  	v15 =	vadd.s32 v1, v21;
	vm1 =	vlt.s32 v19, v4;
	v11 =	vsel vm0, $0xFFFFFFFF, v11  }
0x163: {  	s31 =	simm.s32 $0x8;
	v10 =	vor.u32 v10, v13;
	v13 =	vshll.u32 v18, $0x3;
	v17 =	vor.u32 v14, v17  }
0x164: {  	s30 =	simm.s32 $0x7;
	v14 =	vmov s31;
	vm0 =	vlt.s32 v12, v4;
	[tilespmem:$0x1FFE0] =	vst v11;
	v11 =	vand.u32 $0x7E, v12  }
0x165: {  	v5 =	vld.idx.msk [tilespmem:v7+s8+$0x0], $0xffff;
	v22 =	vand.u32 $0x1C00, v13;
	v13 =	vmov s30;
	v7 =	vand.u32 $0x7C, v14  }
0x166: {  	s2 =	simm.s32 $0xA;
	s31 =	simm.s32 $0x9;
	v49 =	vshll.u32 v14, $0x3;
	v17 =	vadd.s32 v1, v17;
	v50 =	vadd.s32 v1, v10  }
0x167: {  	v10 =	vmov s2;
	v31 =	vmov s31;
	v12 =	vadd.s32 v1, v20  }
0x168: {  	vm7 =	vlt.s32 v14, v4;
	v22 =	vor.u32 v24, v22;
	v48 =	vshll.u32 v13, $0x3  }
0x169: {  	s5 =	simm.s32 $0xE;
	s2 =	simm.s32 $0xC;
	v21 =	vand.u32 $0x1C00, v49;
	v16 =	vor.u32 v11, v8;
	v52 =	vshll.u32 v10, $0x3  }
0x16a: {  	s31 =	simm.s32 $0x12;
	v53 =	vand.u32 $0x7E, v10;
	v11 =	vmov s5;
	v33 =	vmov s2  }
0x16b: {  	v58 =	vshll.u32 v31, $0x3;
	v36 =	vand.u32 $0x7D, v31;
	v46 =	vmov s31  }
0x16c: {  	vm10 =	vlt.s32 v13, v4;
	vm8 =	vlt.s32 v31, v4;
	vm14 =	vlt.s32 v10, v4  }
0x16d: {  	s30 =	simm.s32 $0x11;
	v6 =	vadd.s32 v1, v22;
	v18 =	vand.u32 $0x1C00, v48;
	v21 =	vor.u32 v7, v21  }
0x16e: {  	s5 =	simm.s32 $0xD;
	v54 =	vshll.u32 v11, $0x3;
	v7 =	vmov s30;
	v55 =	vand.u32 $0x7E, v11  }
0x16f: {  	v34 =	vmov s5;
	v25 =	vand.u32 $0x1C00, v52;
	v37 =	vand.u32 $0x7C, v33  }
0x170: {  	v48 =	vand.u32 $0x7E, v46;
	v49 =	vshll.u32 v46, $0x3;
	vm9 =	vlt.s32 v33, v4  }
0x171: {  	vm13 =	vlt.s32 v11, v4;
	v8 =	vshll.u32 v5, $0x3;
	v5 =	vand.u32 $0x7F, v5  }
0x172: {  	v21 =	vadd.s32 v1, v21;
	v40 =	vshll.u32 v34, $0x3;
	v45 =	vand.u32 $0x7D, v7  }
0x173: {  	s29 =	simm.s32 $0x10;
	v24 =	vld.idx.msk [tilespmem:v51+s8+$0x0], $0xffff;
	v23 =	vor.u32 v53, v25;
	vm11 =	vlt.s32 v34, v4;
	v26 =	vand.u32 $0xFFFFFC00, v8  }
0x174: {  	v8 =	vmov s29;
	v62 =	vand.u32 $0x1C00, v40;
	v23 =	vadd.s32 v1, v23  }
0x175: {  	s29 =	simm.s32 $0xF;
	v19 =	vand.u32 $0x7C, v8;
	v27 =	vshll.u32 v8, $0x3;
	v5 =	vor.u32 v5, v26  }
0x176: {  	v35 =	vmov s29;
	v26 =	vand.u32 $0x1C00, v54;
	vm15 =	vlt.s32 v8, v4  }
0x177: {  	v15 =	vld.idx.msk [tilespmem:v15+s8+$0x0], $0xffff;
	v9 =	vadd.s32 v2, v5;
	v5 =	vand.u32 $0x7F, v13;
	v27 =	vand.u32 $0x1C00, v27  }
0x178: {  	v56 =	vand.u32 $0x7F, v24;
	v24 =	vshll.u32 v24, $0x3;
	v38 =	vshll.u32 v35, $0x3  }
0x179: {  	v61 =	vand.u32 $0x7F, v35;
	v26 =	vor.u32 v55, v26;
	v13 =	vand.u32 $0x1C00, v49  }
0x17a: {  	vm12 =	vlt.s32 v35, v4;
	v18 =	vor.u32 v5, v18;
	v19 =	vor.u32 v19, v27  }
0x17b: {  	v22 =	vld.idx.msk [tilespmem:v50+s8+$0x0], $0xffff;
	v27 =	vand.u32 $0x1C00, v58;
	v38 =	vand.u32 $0x1C00, v38;
	v24 =	vand.u32 $0xFFFFFC00, v24  }
0x17c: {  	v17 =	vld.idx.msk [tilespmem:v17+s8+$0x0], $0xffff;
	v26 =	vadd.s32 v1, v26;
	v52 =	vor.u32 v48, v13;
	v29 =	vshll.u32 v15, $0x3  }
0x17d: {  	v12 =	vld.idx.msk [tilespmem:v12+s8+$0x0], $0xffff;
	v15 =	vand.u32 $0x7F, v15;
	v18 =	vadd.s32 v1, v18;
	v27 =	vor.u32 v36, v27  }
0x17e: {  	v6 =	vld.idx.msk [tilespmem:v6+s8+$0x0], $0xffff;
	v20 =	vor.u32 v61, v38;
	v19 =	vadd.s32 v1, v19;
	v24 =	vor.u32 v56, v24  }
0x17f: {  	v29 =	vand.u32 $0xFFFFFC00, v29;
	v27 =	vadd.s32 v1, v27;
	v20 =	vadd.s32 v1, v20  }
0x180: {  	v14 =	vld.idx.msk [tilespmem:v23+s8+$0x0], $0xffff;
	v24 =	vadd.s32 v2, v24;
	v23 =	vadd.s32 v1, v52;
	v30 =	vand.u32 $0x7F, v22  }
0x181: {  	v22 =	vshll.u32 v22, $0x3;
	v63 =	vshll.u32 v17, $0x3;
	v17 =	vand.u32 $0x7F, v17  }
0x182: {  	v51 =	vand.u32 $0x7F, v12;
	v12 =	vshll.u32 v12, $0x3;
	v22 =	vand.u32 $0xFFFFFC00, v22  }
0x183: {  	v12 =	vand.u32 $0xFFFFFC00, v12;
	v28 =	vshll.u32 v6, $0x3;
	v6 =	vand.u32 $0x7F, v6  }
0x184: {  	v12 =	vor.u32 v51, v12;
	v22 =	vor.u32 v30, v22;
	v5 =	vand.u32 $0xFFFFFC00, v28  }
0x185: {  	v28 =	vand.u32 $0xFFFFFC00, v63;
	v32 =	vor.u32 v6, v5;
	v5 =	vor.u32 v15, v29  }
0x186: {  	v18 =	vld.idx.msk [tilespmem:v18+s8+$0x0], $0xffff;
	v6 =	vshll.u32 v7, $0x3;
	v15 =	vadd.s32 v1, v16;
	v17 =	vor.u32 v17, v28  }
0x187: {  	v19 =	vld.idx.msk [tilespmem:v19+s8+$0x0], $0xffff;
	v53 =	vand.u32 $0x7F, v14;
	v14 =	vshll.u32 v14, $0x3;
	v5 =	vadd.s32 v2, v5  }
0x188: {  	v16 =	vld.idx.msk [tilespmem:v21+s8+$0x0], $0xffff;
	v57 =	vand.u32 $0x1C00, v6;
	v6 =	vshll.u32 v33, $0x3;
	v32 =	vadd.s32 v2, v32  }
0x189: {  	v14 =	vand.u32 $0xFFFFFC00, v14;
	v56 =	vadd.s32 v2, v17;
	v6 =	vand.u32 $0x1C00, v6  }
0x18a: {  	v21 =	vor.u32 v45, v57;
	v14 =	vor.u32 v53, v14;
	v59 =	vor.u32 v37, v6  }
0x18b: {  	v21 =	vadd.s32 v1, v21;
	v14 =	vadd.s32 v2, v14;
	v36 =	vadd.s32 v1, v59  }
0x18c: {  	v27 =	vld.idx.msk [tilespmem:v27+s8+$0x0], $0xffff;
	v50 =	vand.u32 $0x7F, v18;
	v18 =	vshll.u32 v18, $0x3;
	v55 =	vand.u32 $0x7F, v19  }
0x18d: {  	s30 =	simm.s32 $0x13;
	v20 =	vld.idx.msk [tilespmem:v20+s8+$0x0], $0xffff;
	v17 =	vshll.u32 v19, $0x3;
	v39 =	vand.u32 $0x7F, v16;
	v16 =	vshll.u32 v16, $0x3  }
0x18e: {  	v60 =	vld.idx.msk [tilespmem:v15+s8+$0x0], $0xffff;
	v15 =	vmov s30;
	v18 =	vand.u32 $0xFFFFFC00, v18;
	v16 =	vand.u32 $0xFFFFFC00, v16  }
0x18f: {  	v41 =	vshll.u32 v15, $0x3;
	v6 =	vor.u32 v39, v16;
	v16 =	vand.u32 $0x7D, v34  }
0x190: {  	v47 =	vand.u32 $0x7F, v15;
	v41 =	vand.u32 $0x1C00, v41;
	v16 =	vor.u32 v16, v62  }
0x191: {  	v19 =	vld.idx.msk [tilespmem:v26+s8+$0x0], $0xffff;
	v57 =	vand.u32 $0x7F, v27;
	v25 =	vor.u32 v47, v41;
	v16 =	vadd.s32 v1, v16  }
0x192: {  	v10 =	vand.u32 $0xFFFFFC00, v17;
	v13 =	vor.u32 v50, v18;
	v18 =	vld.idx.msk [tilespmem:v21+s8+$0x0], $0xffff;
	v25 =	vadd.s32 v1, v25  }
0x193: {  	v59 =	vshll.u32 v20, $0x3;
	v20 =	vand.u32 $0x7F, v20;
	v54 =	vld.idx.msk [tilespmem:v36+s8+$0x0], $0xffff;
	v42 =	vshll.u32 v60, $0x3  }
0x194: {  	v10 =	vor.u32 v55, v10;
	v37 =	vand.u32 $0x7F, v60;
	v42 =	vand.u32 $0xFFFFFC00, v42  }
0x195: {  	v23 =	vld.idx.msk [tilespmem:v23+s8+$0x0], $0xffff;
	v13 =	vadd.s32 v2, v13;
	v10 =	vadd.s32 v2, v10;
	v37 =	vor.u32 v37, v42  }
0x196: {  	v6 =	vadd.s32 v2, v6;
	v61 =	vand.u32 $0x7F, v19;
	v37 =	vadd.s32 v2, v37;
	v16 =	vld.idx.msk [tilespmem:v16+s8+$0x0], $0xffff  }
0x197: {  	v60 =	vadd.s32 v2, v12;
	v17 =	vshll.u32 v18, $0x3;
	v63 =	vand.u32 $0x7F, v18;
	v25 =	vld.idx.msk [tilespmem:v25+s8+$0x0], $0xffff  }
0x198: {  	v58 =	vshll.u32 v54, $0x3;
	v28 =	vand.u32 $0x7F, v54;
	[tilespmem:v9+s26+$0x0] =	vst.idx.add.f32.msk vm6, v3;
	v9 =	vand.u32 $0xFFFFFC00, v59  }
0x199: {  	v62 =	vand.u32 $0xFFFFFC00, v17;
	v11 =	vand.u32 $0xFFFFFC00, v58;
	[tilespmem:v24+s26+$0x0] =	vst.idx.add.f32.msk vm5, v3;
	v9 =	vor.u32 v20, v9  }
0x19a: {  	vm5 =	vlt.s32 v7, v4;
	v11 =	vor.u32 v28, v11;
	v7 =	vadd.s32 v2, v9  }
0x19b: {  	v17 =	vshll.u32 v27, $0x3;
	v11 =	vadd.s32 v2, v11;
	[tilespmem:v37+s26+$0x0] =	vst.idx.add.f32.msk vm0, v3;
	vm0 =	vlt.s32 v46, v4  }
0x19c: {  	v12 =	vand.u32 $0x7F, v16;
	v16 =	vshll.u32 v16, $0x3;
	[tilespmem:v56+s26+$0x0] =	vst.idx.add.f32.msk vm2, v3;
	v9 =	vand.u32 $0x7F, v25  }
0x19d: {  	v16 =	vand.u32 $0xFFFFFC00, v16;
	[tilespmem:v60+s26+$0x0] =	vst.idx.add.f32.msk vm4, v3;
	vm4 =	vlt.s32 v15, v4;
	v15 =	vand.u32 $0x7F, v23  }
0x19e: {  	v12 =	vor.u32 v12, v16;
	v16 =	vshll.u32 v19, $0x3;
	v19 =	vand.u32 $0xFFFFFC00, v17  }
0x19f: {  	v17 =	vadd.s32 v2, v22;
	v8 =	vand.u32 $0xFFFFFC00, v16;
	v16 =	vshll.u32 v25, $0x3  }
0x1a0: {  	v12 =	vadd.s32 v2, v12;
	v8 =	vor.u32 v61, v8;
	v16 =	vand.u32 $0xFFFFFC00, v16  }
0x1a1: {  	v19 =	vor.u32 v57, v19;
	v8 =	vadd.s32 v2, v8;
	v18 =	vor.u32 v9, v16  }
0x1a2: {  	s28 =	simm.s32 $0x27;
	[tilespmem:v32+s26+$0x0] =	vst.idx.add.f32.msk vm3, v3;
	v16 =	vadd.s32 v2, v19;
	v19 =	vor.u32 v63, v62;
	v9 =	vshll.u32 v23, $0x3  }
.LBB2_7:
0x1a3: {  	s0 =	sadd.s32 $0xFFFFFFED, s28  }
0x1a4: {  	[tilespmem:v5+s26+$0x0] =	vst.idx.add.f32.msk vm1, v3;
	v20 =	vmov s0  }
0x1a5: {  	v5 =	vadd.s32 v2, v19;
	v19 =	vand.u32 $0xFFFFFC00, v9;
	[tilespmem:v13+s26+$0x0] =	vst.idx.add.f32.msk vm10, v3;
	v22 =	vshll.u32 v20, $0x3  }
0x1a6: {  	v13 =	vand.u32 $0x7C, v20;
	[tilespmem:v6+s26+$0x0] =	vst.idx.add.f32.msk vm7, v3;
	v6 =	vor.u32 v15, v19;
	v15 =	vand.u32 $0xC00, v22  }
0x1a7: {  	v13 =	vor.u32 v13, v15  }
0x1a8: {  	v48 =	vadd.s32 v1, v13;
	v13 =	vld [tilespmem:$0x1FFE0];
	_ =	sdelay $0x2  }
0x1a9: {  	s2 =	sadd.s32 $0xFFFFFFEE, s28;
	s5 =	sadd.s32 $0xFFFFFFEF, s28;
	v18 =	vadd.s32 v2, v18;
	s30 =	sadd.s32 $0xFFFFFFF6, s28  }
0x1aa: {  	s29 =	smov.u32 s28;
	v21 =	vmov s2;
	v9 =	vmov s5;
	v31 =	vmov s30  }
0x1ab: {  	s30 =	sadd.s32 $0xFFFFFFFC, s29;
	v19 =	vshll.u32 v21, $0x3;
	vm6 =	vlt.s32 v20, v4;
	vm1 =	vnez.u8 v13  }
0x1ac: {  	s31 =	sadd.s32 $0xFFFFFFF8, s28;
	v56 =	vshll.u32 v31, $0x3;
	v35 =	vmov s30;
	v36 =	vand.u32 $0x7D, v31  }
0x1ad: {  	[tilespmem:v16+s26+$0x0] =	vst.idx.add.f32.msk vm8, v3;
	v6 =	vadd.s32 v2, v6;
	v16 =	vmov s31;
	s31 =	sadd.s32 $0xFFFFFFF1, s29;
	v38 =	vshll.u32 v35, $0x3  }
0x1ae: {  	v59 =	vand.u32 $0x7F, v35;
	vm8 =	vlt.s32 v31, v4;
	v23 =	vmov s31;
	s31 =	sadd.s32 $0xFFFFFFF3, s29  }
0x1af: {  	v15 =	vshll.u32 v9, $0x3;
	[tilespmem:v14+s26+$0x0] =	vst.idx.add.f32.msk vm14, v3;
	v14 =	vand.u32 $0x7F, v16;
	v24 =	vmov s31  }
0x1b0: {  	v38 =	vand.u32 $0x1C00, v38;
	v15 =	vand.u32 $0xC00, v15;
	v25 =	vand.u32 $0x7E, v24  }
0x1b1: {  	s5 =	sadd.s32 $0xFFFFFFF0, s29;
	v13 =	vimm.s32 $0x0;
	[tilespmem:v17+s26+$0x0] =	vst.idx.add.f32.msk vm1, v3;
	vm1 =	vlt.s32 v16, v4;
	v17 =	vand.u32 $0xC00, v19  }
0x1b2: {  	v19 =	vand.u32 $0x7E, v9;
	v13 =	vsel vm1, $0xFFFFFFFF, v13;
	[tilespmem:v11+s26+$0x0] =	vst.idx.add.f32.msk vm9, v3;
	v11 =	vmov s5  }
0x1b3: {  	s5 =	sadd.s32 $0xFFFFFFF2, s29;
	v15 =	vor.u32 v19, v15;
	vm1 =	vlt.s32 v24, v4;
	[tilespmem:$0x1FFE0] =	vst v13;
	v13 =	vshll.u32 v16, $0x3  }
0x1b4: {  	[tilespmem:v12+s26+$0x0] =	vst.idx.add.f32.msk vm11, v3;
	v12 =	vand.u32 $0x7D, v21;
	vm2 =	vlt.s32 v11, v4;
	v16 =	vmov s5  }
0x1b5: {  	v13 =	vand.u32 $0x1C00, v13;
	[tilespmem:v8+s26+$0x0] =	vst.idx.add.f32.msk vm13, v3;
	v8 =	vshll.u32 v11, $0x3;
	vm3 =	vlt.s32 v16, v4  }
0x1b6: {  	v12 =	vor.u32 v12, v17;
	[tilespmem:v7+s26+$0x0] =	vst.idx.add.f32.msk vm12, v3;
	v7 =	vand.u32 $0x7F, v11;
	v11 =	vor.u32 v14, v13  }
0x1b7: {  	s2 =	sadd.s32 $0xFFFFFFFB, s29;
	v13 =	vshll.u32 v16, $0x3;
	v14 =	vshll.u32 v24, $0x3;
	v17 =	vadd.s32 v1, v12  }
0x1b8: {  	v12 =	vmov s2;
	v24 =	vand.u32 $0x1C00, v56;
	vm12 =	vlt.s32 v35, v4  }
0x1b9: {  	s2 =	sadd.s32 $0xFFFFFFF9, s29;
	[tilespmem:v10+s26+$0x0] =	vst.idx.add.f32.msk vm15, v3;
	v10 =	vand.u32 $0x7C, v23;
	v27 =	vshll.u32 v12, $0x3;
	v29 =	vand.u32 $0x7E, v12  }
0x1ba: {  	s5 =	sadd.s32 $0xFFFFFFF4, s29;
	v33 =	vmov s2;
	v24 =	vor.u32 v36, v24;
	vm13 =	vlt.s32 v12, v4  }
0x1bb: {  	[tilespmem:v5+s26+$0x0] =	vst.idx.add.f32.msk vm5, v3;
	v5 =	vand.u32 $0xC00, v8;
	v8 =	vand.u32 $0x1C00, v13;
	v13 =	vmov s5  }
0x1bc: {  	vm5 =	vlt.s32 v21, v4;
	v37 =	vand.u32 $0x7C, v33;
	v27 =	vand.u32 $0x1C00, v27  }
0x1bd: {  	s31 =	sadd.s32 $0xFFFFFFF5, s29;
	v24 =	vadd.s32 v1, v24;
	vm9 =	vlt.s32 v33, v4;
	v5 =	vor.u32 v7, v5  }
0x1be: {  	[tilespmem:v6+s26+$0x0] =	vst.idx.add.f32.msk vm0, v3;
	v6 =	vshll.u32 v23, $0x3;
	v7 =	vand.u32 $0x1C00, v14;
	v14 =	vmov s31  }
0x1bf: {  	vm0 =	vlt.s32 v9, v4;
	v27 =	vor.u32 v29, v27;
	vm10 =	vlt.s32 v13, v4  }
0x1c0: {  	[tilespmem:v18+s26+$0x0] =	vst.idx.add.f32.msk vm4, v3;
	v18 =	vand.u32 $0x7D, v16;
	v7 =	vor.u32 v25, v7;
	vm4 =	vlt.s32 v23, v4  }
0x1c1: {  	v20 =	vshll.u32 v14, $0x3;
	v49 =	vadd.s32 v1, v5;
	v6 =	vand.u32 $0x1C00, v6  }
0x1c2: {  	vm7 =	vlt.s32 v14, v4;
	v27 =	vadd.s32 v1, v27;
	v8 =	vor.u32 v18, v8  }
0x1c3: {  	s0 =	sadd.s32 $0xFFFFFFF7, s28;
	v18 =	vshll.u32 v13, $0x3;
	v7 =	vadd.s32 v1, v7;
	v5 =	vand.u32 $0x1C00, v20  }
0x1c4: {  	s5 =	sadd.s32 $0xFFFFFFFD, s29;
	v20 =	vadd.s32 v1, v11;
	v11 =	vmov s0;
	v26 =	vor.u32 v10, v6  }
0x1c5: {  	v10 =	vmov s5;
	v53 =	vld.idx.msk [tilespmem:v17+s8+$0x0], $0xffff;
	v17 =	vand.u32 $0x7F, v13;
	v8 =	vadd.s32 v1, v8  }
0x1c6: {  	s5 =	sadd.s32 $0xFFFFFFFA, s29;
	v16 =	vand.u32 $0x1C00, v18;
	v18 =	vand.u32 $0x7C, v14;
	v50 =	vshll.u32 v11, $0x3  }
0x1c7: {  	v51 =	vand.u32 $0x7E, v11;
	v52 =	vand.u32 $0x7C, v10;
	v34 =	vmov s5  }
0x1c8: {  	v22 =	vld.idx.msk [tilespmem:v48+s8+$0x0], $0xffff;
	v26 =	vadd.s32 v1, v26;
	vm14 =	vlt.s32 v11, v4;
	vm15 =	vlt.s32 v10, v4  }
0x1c9: {  	v5 =	vor.u32 v18, v5;
	v18 =	vshll.u32 v10, $0x3;
	v16 =	vor.u32 v17, v16  }
0x1ca: {  	v23 =	vand.u32 $0x1C00, v50;
	v58 =	vand.u32 $0x7D, v34;
	v60 =	vshll.u32 v34, $0x3;
	v24 =	vld.idx.msk [tilespmem:v24+s8+$0x0], $0xffff  }
0x1cb: {  	vm11 =	vlt.s32 v34, v4;
	v5 =	vadd.s32 v1, v5;
	v18 =	vand.u32 $0x1C00, v18  }
0x1cc: {  	v16 =	vadd.s32 v1, v16;
	v23 =	vor.u32 v51, v23;
	v18 =	vor.u32 v52, v18;
	v21 =	vld.idx.msk [tilespmem:v49+s8+$0x0], $0xffff  }
0x1cd: {  	v23 =	vadd.s32 v1, v23;
	v6 =	vld.idx.msk [tilespmem:v7+s8+$0x0], $0xffff;
	v7 =	vand.u32 $0x7F, v22;
	v32 =	vand.u32 $0x7F, v53  }
0x1ce: {  	v18 =	vadd.s32 v1, v18;
	v19 =	vld.idx.msk [tilespmem:v8+s8+$0x0], $0xffff;
	v8 =	vshll.u32 v22, $0x3;
	v22 =	vshll.u32 v53, $0x3  }
0x1cf: {  	s31 =	sadd.s32 $0xFFFFFFFE, s29;
	v8 =	vand.u32 $0xFFFFFC00, v8;
	v22 =	vand.u32 $0xFFFFFC00, v22;
	v56 =	vand.u32 $0x7F, v24  }
0x1d0: {  	v20 =	vld.idx.msk [tilespmem:v20+s8+$0x0], $0xffff;
	v8 =	vor.u32 v7, v8;
	v7 =	vmov s31;
	v22 =	vor.u32 v32, v22  }
0x1d1: {  	v26 =	vld.idx.msk [tilespmem:v26+s8+$0x0], $0xffff;
	s31 =	sadd.s32 $0xFFFFFFFF, s29;
	v8 =	vadd.s32 v2, v8;
	v55 =	vshll.u32 v7, $0x3;
	v62 =	vshll.u32 v21, $0x3  }
0x1d2: {  	v61 =	vld.idx.msk [tilespmem:v16+s8+$0x0], $0xffff;
	v41 =	vand.u32 $0x7D, v7;
	v16 =	vmov s31;
	v21 =	vand.u32 $0x7F, v21  }
0x1d3: {  	v22 =	vadd.s32 v2, v22;
	v17 =	vshll.u32 v6, $0x3;
	v6 =	vand.u32 $0x7F, v6  }
0x1d4: {  	v44 =	vand.u32 $0x7E, v16;
	v45 =	vshll.u32 v16, $0x3;
	v29 =	vand.u32 $0xFFFFFC00, v62  }
0x1d5: {  	v28 =	vshll.u32 v19, $0x3;
	v19 =	vand.u32 $0x7F, v19;
	v30 =	vand.u32 $0xFFFFFC00, v17  }
0x1d6: {  	v54 =	vld.idx.msk [tilespmem:v5+s8+$0x0], $0xffff;
	v17 =	vand.u32 $0x7F, v20;
	v20 =	vshll.u32 v20, $0x3;
	v21 =	vor.u32 v21, v29  }
0x1d7: {  	v13 =	vand.u32 $0x1C00, v45;
	v48 =	vand.u32 $0x7F, v26;
	v26 =	vshll.u32 v26, $0x3  }
0x1d8: {  	v28 =	vand.u32 $0xFFFFFC00, v28;
	v6 =	vor.u32 v6, v30;
	v30 =	vand.u32 $0x1C00, v55  }
0x1d9: {  	v20 =	vand.u32 $0xFFFFFC00, v20;
	v50 =	vand.u32 $0xFFFFFC00, v26;
	v52 =	vor.u32 v44, v13  }
0x1da: {  	v14 =	vld.idx.msk [tilespmem:v23+s8+$0x0], $0xffff;
	v21 =	vadd.s32 v2, v21;
	v19 =	vor.u32 v19, v28;
	v5 =	vadd.s32 v2, v6  }
0x1db: {  	v6 =	vadd.s32 v1, v15;
	v15 =	vshll.u32 v33, $0x3;
	v39 =	vand.u32 $0x7F, v54  }
0x1dc: {  	v28 =	vshll.u32 v54, $0x3;
	v30 =	vor.u32 v41, v30;
	v46 =	vand.u32 $0x7F, v61  }
0x1dd: {  	v18 =	vld.idx.msk [tilespmem:v18+s8+$0x0], $0xffff;
	v49 =	vshll.u32 v61, $0x3;
	v25 =	vor.u32 v48, v50;
	v17 =	vor.u32 v17, v20  }
0x1de: {  	v15 =	vand.u32 $0x1C00, v15;
	v9 =	vadd.s32 v2, v19;
	v30 =	vadd.s32 v1, v30  }
0x1df: {  	v13 =	vand.u32 $0xFFFFFC00, v49;
	v53 =	vand.u32 $0x7F, v14;
	v14 =	vshll.u32 v14, $0x3  }
0x1e0: {  	v25 =	vadd.s32 v2, v25;
	v17 =	vadd.s32 v2, v17;
	v57 =	vor.u32 v37, v15  }
0x1e1: {  	v15 =	vmov s29;
	v37 =	vor.u32 v59, v38;
	v13 =	vor.u32 v46, v13  }
0x1e2: {  	v14 =	vand.u32 $0xFFFFFC00, v14;
	v55 =	vand.u32 $0x7F, v18;
	v18 =	vshll.u32 v18, $0x3  }
0x1e3: {  	v20 =	vld.idx.msk [tilespmem:v27+s8+$0x0], $0xffff;
	v19 =	vshll.u32 v15, $0x3;
	v63 =	vand.u32 $0x7F, v15;
	v47 =	vadd.s32 v1, v37  }
0x1e4: {  	v13 =	vadd.s32 v2, v13;
	v14 =	vor.u32 v53, v14;
	v19 =	vand.u32 $0x1C00, v19  }
0x1e5: {  	v40 =	vld.idx.msk [tilespmem:v6+s8+$0x0], $0xffff;
	v6 =	vand.u32 $0xFFFFFC00, v28;
	v28 =	vadd.s32 v1, v57;
	v19 =	vor.u32 v63, v19  }
0x1e6: {  	v6 =	vor.u32 v39, v6;
	v39 =	vand.u32 $0x1C00, v60;
	v51 =	vld.idx.msk [tilespmem:v30+s8+$0x0], $0xffff;
	v19 =	vadd.s32 v1, v19  }
0x1e7: {  	v11 =	vand.u32 $0xFFFFFC00, v18;
	v30 =	vadd.s32 v1, v52;
	v36 =	vor.u32 v58, v39  }
0x1e8: {  	v59 =	vand.u32 $0x7F, v20;
	v20 =	vshll.u32 v20, $0x3;
	v36 =	vadd.s32 v1, v36;
	v23 =	vld.idx.msk [tilespmem:v47+s8+$0x0], $0xffff  }
0x1e9: {  	v14 =	vadd.s32 v2, v14;
	v31 =	vor.u32 v55, v11;
	v20 =	vand.u32 $0xFFFFFC00, v20  }
0x1ea: {  	v6 =	vadd.s32 v2, v6;
	v20 =	vor.u32 v59, v20;
	v42 =	vshll.u32 v40, $0x3;
	v28 =	vld.idx.msk [tilespmem:v28+s8+$0x0], $0xffff  }
0x1eb: {  	v40 =	vand.u32 $0x7F, v40;
	v42 =	vand.u32 $0xFFFFFC00, v42;
	v18 =	vshll.u32 v51, $0x3;
	v19 =	vld.idx.msk [tilespmem:v19+s8+$0x0], $0xffff  }
0x1ec: {  	v30 =	vld.idx.msk [tilespmem:v30+s8+$0x0], $0xffff;
	v26 =	vand.u32 $0x7F, v51;
	v40 =	vor.u32 v40, v42;
	v60 =	vand.u32 $0xFFFFFC00, v18  }
0x1ed: {  	v18 =	vshll.u32 v24, $0x3;
	v39 =	vadd.s32 v2, v40;
	v54 =	vld.idx.msk [tilespmem:v36+s8+$0x0], $0xffff;
	v12 =	vshll.u32 v23, $0x3  }
0x1ee: {  	v23 =	vand.u32 $0x7F, v23;
	v18 =	vand.u32 $0xFFFFFC00, v18;
	[tilespmem:v8+s26+$0x0] =	vst.idx.add.f32.msk vm6, v3;
	v8 =	vadd.s32 v2, v20  }
0x1ef: {  	v62 =	vand.u32 $0xFFFFFC00, v12;
	[tilespmem:v22+s26+$0x0] =	vst.idx.add.f32.msk vm5, v3;
	v63 =	vor.u32 v56, v18;
	vm5 =	vlt.s32 v7, v4  }
0x1f0: {  	v57 =	vshll.u32 v28, $0x3;
	v28 =	vand.u32 $0x7F, v28;
	v18 =	vor.u32 v23, v62  }
0x1f1: {  	v11 =	vand.u32 $0xFFFFFC00, v57;
	v20 =	vshll.u32 v19, $0x3;
	v7 =	vadd.s32 v2, v18  }
0x1f2: {  	p0 =	sne.s32 s28, $0xC7;
	v18 =	vand.u32 $0x7F, v19;
	v19 =	vor.u32 v26, v60;
	v10 =	vor.u32 v28, v11  }
.Ltmp2:
0x1f3: {  	v20 =	vand.u32 $0xFFFFFC00, v20;
	v58 =	vand.u32 $0x7F, v54;
	v11 =	vadd.s32 v2, v10;
	(pc) =	sbr.rel @p0 .LBB2_7-.Ltmp2, $4  }
0x1f4: {  	v27 =	vshll.u32 v54, $0x3;
	v10 =	vadd.s32 v2, v31;
	[tilespmem:v39+s26+$0x0] =	vst.idx.add.f32.msk vm0, v3;
	vm0 =	vlt.s32 v16, v4  }
0x1f5: {  	v18 =	vor.u32 v18, v20;
	v16 =	vadd.s32 v2, v63;
	v27 =	vand.u32 $0xFFFFFC00, v27;
	[tilespmem:v21+s26+$0x0] =	vst.idx.add.f32.msk vm2, v3  }
0x1f6: {  	v61 =	vor.u32 v58, v27;
	[tilespmem:v25+s26+$0x0] =	vst.idx.add.f32.msk vm4, v3;
	vm4 =	vlt.s32 v15, v4  }
0x1f7: {  	s28 =	sadd.s32 $0x14, s28;
	v15 =	vand.u32 $0x7F, v30;
	v12 =	vadd.s32 v2, v61;
	[tilespmem:v9+s26+$0x0] =	vst.idx.add.f32.msk vm3, v3;
	v9 =	vshll.u32 v30, $0x3  }
0x1f8: {  	_ =	sdelay $0x4  }
0x1f9: {  	[tilespmem:v5+s26+$0x0] =	vst.idx.add.f32.msk vm1, v3  }
0x1fa: {  	v5 =	vld [tilespmem:$0x1FFE0];
	_ =	sdelay $0x4  }
0x1fb: {  	vm1 =	vnez.u8 v5;
	_ =	sdelay $0x1  }
0x1fc: {  	[tilespmem:v13+s26+$0x0] =	vst.idx.add.f32.msk vm10, v3  }
0x1fd: {  	[tilespmem:v6+s26+$0x0] =	vst.idx.add.f32.msk vm7, v3  }
0x1fe: {  	[tilespmem:v16+s26+$0x0] =	vst.idx.add.f32.msk vm8, v3  }
0x1ff: {  	[tilespmem:v14+s26+$0x0] =	vst.idx.add.f32.msk vm14, v3  }
0x200: {  	v4 =	vand.u32 $0xFFFFFC00, v9;
	[tilespmem:v17+s26+$0x0] =	vst.idx.add.f32.msk vm1, v3  }
0x201: {  	v4 =	vor.u32 v15, v4;
	v5 =	vadd.s32 v2, v19;
	[tilespmem:v11+s26+$0x0] =	vst.idx.add.f32.msk vm9, v3  }
0x202: {  	v4 =	vadd.s32 v2, v4;
	[tilespmem:v12+s26+$0x0] =	vst.idx.add.f32.msk vm11, v3  }
0x203: {  	v6 =	vadd.s32 v2, v18;
	[tilespmem:v8+s26+$0x0] =	vst.idx.add.f32.msk vm13, v3  }
0x204: {  	s0 =	sshll.u32 s21, $0x7;
	s2 =	rddreg [dreg:$0x3];
	[tilespmem:v7+s26+$0x0] =	vst.idx.add.f32.msk vm12, v3  }
0x205: {  	s0 =	sadd.s32 s0, s2;
	[tilespmem:v10+s26+$0x0] =	vst.idx.add.f32.msk vm15, v3  }
0x206: {  	s5 =	rddreg [dreg:$0x4];
	s0 =	sshll.u32 s0, $0x7;
	[tilespmem:v5+s26+$0x0] =	vst.idx.add.f32.msk vm5, v3  }
0x207: {  	s28 =	sadd.s32 s5, s0;
	[tilespmem:v4+s26+$0x0] =	vst.idx.add.f32.msk vm0, v3  }
0x208: {  	s0 =	sadd.s32 $0x800, s28;
	[tilespmem:v6+s26+$0x0] =	vst.idx.add.f32.msk vm4, v3  }
0x209: {  	[hbm4b:s0+s3] =	stream.linear.scatter [tilespmem:s26], [sflag:$0xA], $0x4000, $0x38;
	[tilespmem:$0x10400] =	vst v63  }
0x20a: {  	s30 =	smin.u32 s25, $0x17;
	_ =	swait.ge [sflag:s7], $0x4000  }
0x20b: {  	s0 =	sshll.u32 s30, $0x4;
	s31 =	rddreg [dreg:$0x19]  }
0x20c: {  	s0 =	sadd.s32 s0, s31  }
0x20d: {  	[sflag:s7] =	ssyncset.done $0x0;
	s2 =	sshll.u32 s0, $0x5  }
0x20e: {  	[sflag:s7] =	ssyncadd.s32 $0xFFFFC000;
	s0 =	sshrl.u32 s0, $0x3;
	s2 =	sadd.s32 s4, s2  }
0x20f: {  	[tilespmem:s3], [sflag:$0x1] =	stream.linear.gather [hbm4b:s2+s3], $0x1000, $0x38;
	[tilespmem:$0x10400] =	vst v63  }
0x210: {  	s5 =	simm.s32 $0x8000;
	s30 =	simm.s32 $0x0;
	s0 =	sadd.s32 s1, s0  }
0x211: {  	v5 =	vmov s30;
	[tilespmem:s5], [sflag:$0x1] =	stream.linear.gather [hbm4b:s0+s3], $0x10, $0x38;
	[tilespmem:$0x10400] =	vst v63  }
0x212: {  	v11 =	vimm.s32 $0x0;
	s30 =	simm.s32 $0x3;
	v7 =	vshll.u32 v5, $0x3;
	_ =	swait.ge [sflag:s9], $0x1000  }
0x213: {  	v8 =	vand.u32 $0x7C, v5;
	v14 =	vmov s30;
	s30 =	simm.s32 $0x6;
	s31 =	simm.s32 $0x1;
	v7 =	vand.u32 $0xC00, v7;
	[sflag:s9] =	ssyncset.done $0x0  }
0x214: {  	v17 =	vshll.u32 v14, $0x3;
	v19 =	vmov s30;
	v6 =	vmov s31;
	[sflag:s9] =	ssyncadd.s32 $0xFFFFF000  }
0x215: {  	v7 =	vor.u32 v8, v7;
	v21 =	vshll.u32 v19, $0x3;
	v17 =	vand.u32 $0xC00, v17;
	_ =	swait.ge [sflag:s9], $0x10  }
0x216: {  	s31 =	simm.s32 $0x4;
	v25 =	vand.u32 $0x7E, v19;
	v9 =	vshll.u32 v6, $0x3;
	v7 =	vadd.s32 v1, v7;
	[sflag:s9] =	ssyncset.done $0x0  }
0x217: {  	v15 =	vmov s31;
	v16 =	vand.u32 $0x7D, v6;
	v21 =	vand.u32 $0x1C00, v21;
	[sflag:s9] =	ssyncadd.s32 $0xFFFFFFF0  }
0x218: {  	v9 =	vand.u32 $0xC00, v9;
	v20 =	vand.u32 $0x7C, v15;
	v23 =	vshll.u32 v15, $0x3;
	s5 =	simm.s32 $0x2;
	v4 =	vld [tilespmem:$0x8100]  }
0x219: {  	v21 =	vor.u32 v25, v21;
	v9 =	vor.u32 v16, v9;
	v12 =	vmov s5;
	s5 =	simm.s32 $0xB  }
0x21a: {  	v51 =	vadd.s32 v1, v9;
	v9 =	vand.u32 $0x1C00, v23;
	v10 =	vmov s5  }
0x21b: {  	v20 =	vor.u32 v20, v9;
	v8 =	vshll.u32 v12, $0x3;
	s5 =	simm.s32 $0x5;
	v13 =	vshll.u32 v10, $0x3  }
0x21c: {  	v8 =	vand.u32 $0xC00, v8;
	v18 =	vmov s5;
	v13 =	vand.u32 $0x1C00, v13  }
0x21d: {  	v24 =	vand.u32 $0x7D, v18;
	vm0 =	vlt.s32 v10, v4;
	v10 =	vand.u32 $0x7F, v10  }
0x21e: {  	vm2 =	vlt.s32 v14, v4;
	v14 =	vand.u32 $0x7F, v14;
	vm6 =	vlt.s32 v5, v4  }
0x21f: {  	vm5 =	vlt.s32 v6, v4;
	vm3 =	vlt.s32 v18, v4;
	vm4 =	vlt.s32 v15, v4  }
0x220: {  	v15 =	vadd.s32 v1, v21;
	vm1 =	vlt.s32 v19, v4;
	v11 =	vsel vm0, $0xFFFFFFFF, v11  }
0x221: {  	s2 =	simm.s32 $0x8;
	v10 =	vor.u32 v10, v13;
	v13 =	vshll.u32 v18, $0x3;
	v17 =	vor.u32 v14, v17  }
0x222: {  	s31 =	simm.s32 $0x7;
	v14 =	vmov s2;
	vm0 =	vlt.s32 v12, v4;
	[tilespmem:$0x1FFD0] =	vst v11;
	v11 =	vand.u32 $0x7E, v12  }
0x223: {  	v5 =	vld.idx.msk [tilespmem:v7+s10+$0x0], $0xffff;
	v22 =	vand.u32 $0x1C00, v13;
	v13 =	vmov s31;
	v7 =	vand.u32 $0x7C, v14  }
0x224: {  	s5 =	simm.s32 $0xA;
	v49 =	vshll.u32 v14, $0x3;
	v17 =	vadd.s32 v1, v17;
	v50 =	vadd.s32 v1, v10  }
0x225: {  	v10 =	vmov s5;
	v12 =	vadd.s32 v1, v20;
	vm7 =	vlt.s32 v14, v4  }
0x226: {  	v22 =	vor.u32 v24, v22;
	v48 =	vshll.u32 v13, $0x3;
	v21 =	vand.u32 $0x1C00, v49  }
0x227: {  	s30 =	simm.s32 $0xE;
	s5 =	simm.s32 $0x9;
	v16 =	vor.u32 v11, v8;
	v52 =	vshll.u32 v10, $0x3;
	v53 =	vand.u32 $0x7E, v10  }
0x228: {  	v11 =	vmov s30;
	v31 =	vmov s5;
	vm10 =	vlt.s32 v13, v4  }
0x229: {  	s2 =	simm.s32 $0x11;
	vm14 =	vlt.s32 v10, v4;
	v6 =	vadd.s32 v1, v22;
	v18 =	vand.u32 $0x1C00, v48  }
0x22a: {  	s30 =	simm.s32 $0xC;
	v21 =	vor.u32 v7, v21;
	v54 =	vshll.u32 v11, $0x3;
	v7 =	vmov s2  }
0x22b: {  	s5 =	simm.s32 $0xF;
	v55 =	vand.u32 $0x7E, v11;
	v33 =	vmov s30;
	v25 =	vand.u32 $0x1C00, v52  }
0x22c: {  	v58 =	vshll.u32 v31, $0x3;
	v35 =	vmov s5;
	v36 =	vand.u32 $0x7D, v31  }
0x22d: {  	vm8 =	vlt.s32 v31, v4;
	vm13 =	vlt.s32 v11, v4;
	v8 =	vshll.u32 v5, $0x3  }
0x22e: {  	v5 =	vand.u32 $0x7F, v5;
	v21 =	vadd.s32 v1, v21;
	v37 =	vand.u32 $0x7C, v33  }
0x22f: {  	v38 =	vshll.u32 v35, $0x3;
	v61 =	vand.u32 $0x7F, v35;
	v45 =	vand.u32 $0x7D, v7  }
0x230: {  	s31 =	simm.s32 $0x10;
	v24 =	vld.idx.msk [tilespmem:v51+s10+$0x0], $0xffff;
	v23 =	vor.u32 v53, v25;
	vm9 =	vlt.s32 v33, v4;
	vm12 =	vlt.s32 v35, v4  }
0x231: {  	v26 =	vand.u32 $0xFFFFFC00, v8;
	v8 =	vmov s31;
	v38 =	vand.u32 $0x1C00, v38  }
0x232: {  	s31 =	simm.s32 $0xD;
	v23 =	vadd.s32 v1, v23;
	v19 =	vand.u32 $0x7C, v8;
	v27 =	vshll.u32 v8, $0x3  }
0x233: {  	v5 =	vor.u32 v5, v26;
	v34 =	vmov s31;
	v26 =	vand.u32 $0x1C00, v54  }
0x234: {  	v20 =	vor.u32 v61, v38;
	vm15 =	vlt.s32 v8, v4;
	v9 =	vadd.s32 v2, v5  }
0x235: {  	v15 =	vld.idx.msk [tilespmem:v15+s10+$0x0], $0xffff;
	v5 =	vand.u32 $0x7F, v13;
	v27 =	vand.u32 $0x1C00, v27;
	v56 =	vand.u32 $0x7F, v24  }
0x236: {  	s31 =	simm.s32 $0x12;
	v24 =	vshll.u32 v24, $0x3;
	v40 =	vshll.u32 v34, $0x3;
	v26 =	vor.u32 v55, v26  }
0x237: {  	v46 =	vmov s31;
	v20 =	vadd.s32 v1, v20;
	vm11 =	vlt.s32 v34, v4  }
0x238: {  	v22 =	vld.idx.msk [tilespmem:v50+s10+$0x0], $0xffff;
	v18 =	vor.u32 v5, v18;
	v19 =	vor.u32 v19, v27;
	v27 =	vand.u32 $0x1C00, v58  }
0x239: {  	v17 =	vld.idx.msk [tilespmem:v17+s10+$0x0], $0xffff;
	v62 =	vand.u32 $0x1C00, v40;
	v48 =	vand.u32 $0x7E, v46;
	v49 =	vshll.u32 v46, $0x3  }
0x23a: {  	v12 =	vld.idx.msk [tilespmem:v12+s10+$0x0], $0xffff;
	v24 =	vand.u32 $0xFFFFFC00, v24;
	v26 =	vadd.s32 v1, v26;
	v29 =	vshll.u32 v15, $0x3  }
0x23b: {  	v15 =	vand.u32 $0x7F, v15;
	v18 =	vadd.s32 v1, v18;
	v27 =	vor.u32 v36, v27  }
0x23c: {  	v6 =	vld.idx.msk [tilespmem:v6+s10+$0x0], $0xffff;
	v19 =	vadd.s32 v1, v19;
	v13 =	vand.u32 $0x1C00, v49;
	v24 =	vor.u32 v56, v24  }
0x23d: {  	v29 =	vand.u32 $0xFFFFFC00, v29;
	v27 =	vadd.s32 v1, v27;
	v52 =	vor.u32 v48, v13  }
0x23e: {  	v24 =	vadd.s32 v2, v24;
	v30 =	vand.u32 $0x7F, v22;
	v22 =	vshll.u32 v22, $0x3  }
0x23f: {  	v63 =	vshll.u32 v17, $0x3;
	v17 =	vand.u32 $0x7F, v17;
	v51 =	vand.u32 $0x7F, v12  }
0x240: {  	v14 =	vld.idx.msk [tilespmem:v23+s10+$0x0], $0xffff;
	v12 =	vshll.u32 v12, $0x3;
	v23 =	vadd.s32 v1, v52;
	v22 =	vand.u32 $0xFFFFFC00, v22  }
0x241: {  	v12 =	vand.u32 $0xFFFFFC00, v12;
	v28 =	vshll.u32 v6, $0x3;
	v6 =	vand.u32 $0x7F, v6  }
0x242: {  	v12 =	vor.u32 v51, v12;
	v22 =	vor.u32 v30, v22;
	v5 =	vand.u32 $0xFFFFFC00, v28  }
0x243: {  	v28 =	vand.u32 $0xFFFFFC00, v63;
	v32 =	vor.u32 v6, v5;
	v5 =	vor.u32 v15, v29  }
0x244: {  	v18 =	vld.idx.msk [tilespmem:v18+s10+$0x0], $0xffff;
	v6 =	vshll.u32 v7, $0x3;
	v15 =	vadd.s32 v1, v16;
	v17 =	vor.u32 v17, v28  }
0x245: {  	v19 =	vld.idx.msk [tilespmem:v19+s10+$0x0], $0xffff;
	v53 =	vand.u32 $0x7F, v14;
	v14 =	vshll.u32 v14, $0x3;
	v5 =	vadd.s32 v2, v5  }
0x246: {  	v16 =	vld.idx.msk [tilespmem:v21+s10+$0x0], $0xffff;
	v57 =	vand.u32 $0x1C00, v6;
	v6 =	vshll.u32 v33, $0x3;
	v32 =	vadd.s32 v2, v32  }
0x247: {  	v20 =	vld.idx.msk [tilespmem:v20+s10+$0x0], $0xffff;
	v14 =	vand.u32 $0xFFFFFC00, v14;
	v56 =	vadd.s32 v2, v17;
	v6 =	vand.u32 $0x1C00, v6  }
0x248: {  	v21 =	vor.u32 v45, v57;
	v14 =	vor.u32 v53, v14;
	v59 =	vor.u32 v37, v6  }
0x249: {  	v21 =	vadd.s32 v1, v21;
	v14 =	vadd.s32 v2, v14;
	v36 =	vadd.s32 v1, v59  }
0x24a: {  	v50 =	vand.u32 $0x7F, v18;
	v18 =	vshll.u32 v18, $0x3;
	v55 =	vand.u32 $0x7F, v19  }
0x24b: {  	s30 =	simm.s32 $0x13;
	v27 =	vld.idx.msk [tilespmem:v27+s10+$0x0], $0xffff;
	v17 =	vshll.u32 v19, $0x3;
	v39 =	vand.u32 $0x7F, v16;
	v16 =	vshll.u32 v16, $0x3  }
0x24c: {  	v59 =	vshll.u32 v20, $0x3;
	v60 =	vld.idx.msk [tilespmem:v15+s10+$0x0], $0xffff;
	v15 =	vmov s30;
	v16 =	vand.u32 $0xFFFFFC00, v16  }
0x24d: {  	v41 =	vshll.u32 v15, $0x3;
	v6 =	vor.u32 v39, v16;
	v16 =	vand.u32 $0x7D, v34  }
0x24e: {  	v47 =	vand.u32 $0x7F, v15;
	v41 =	vand.u32 $0x1C00, v41;
	v16 =	vor.u32 v16, v62  }
0x24f: {  	v19 =	vld.idx.msk [tilespmem:v26+s10+$0x0], $0xffff;
	v18 =	vand.u32 $0xFFFFFC00, v18;
	v25 =	vor.u32 v47, v41;
	v16 =	vadd.s32 v1, v16  }
0x250: {  	v20 =	vand.u32 $0x7F, v20;
	v13 =	vor.u32 v50, v18;
	v18 =	vld.idx.msk [tilespmem:v21+s10+$0x0], $0xffff;
	v25 =	vadd.s32 v1, v25  }
0x251: {  	v57 =	vand.u32 $0x7F, v27;
	v10 =	vand.u32 $0xFFFFFC00, v17;
	v54 =	vld.idx.msk [tilespmem:v36+s10+$0x0], $0xffff;
	v42 =	vshll.u32 v60, $0x3  }
0x252: {  	v10 =	vor.u32 v55, v10;
	v37 =	vand.u32 $0x7F, v60;
	v42 =	vand.u32 $0xFFFFFC00, v42  }
0x253: {  	v23 =	vld.idx.msk [tilespmem:v23+s10+$0x0], $0xffff;
	v13 =	vadd.s32 v2, v13;
	v10 =	vadd.s32 v2, v10;
	v37 =	vor.u32 v37, v42  }
0x254: {  	v6 =	vadd.s32 v2, v6;
	v61 =	vand.u32 $0x7F, v19;
	v37 =	vadd.s32 v2, v37;
	v16 =	vld.idx.msk [tilespmem:v16+s10+$0x0], $0xffff  }
0x255: {  	v60 =	vadd.s32 v2, v12;
	v17 =	vshll.u32 v18, $0x3;
	v63 =	vand.u32 $0x7F, v18;
	v25 =	vld.idx.msk [tilespmem:v25+s10+$0x0], $0xffff  }
0x256: {  	v58 =	vshll.u32 v54, $0x3;
	v28 =	vand.u32 $0x7F, v54;
	[tilespmem:v9+s23+$0x0] =	vst.idx.add.f32.msk vm6, v3;
	v9 =	vand.u32 $0xFFFFFC00, v59  }
0x257: {  	v62 =	vand.u32 $0xFFFFFC00, v17;
	v11 =	vand.u32 $0xFFFFFC00, v58;
	[tilespmem:v24+s23+$0x0] =	vst.idx.add.f32.msk vm5, v3;
	v9 =	vor.u32 v20, v9  }
0x258: {  	vm5 =	vlt.s32 v7, v4;
	v11 =	vor.u32 v28, v11;
	v7 =	vadd.s32 v2, v9  }
0x259: {  	v17 =	vshll.u32 v27, $0x3;
	v11 =	vadd.s32 v2, v11;
	[tilespmem:v37+s23+$0x0] =	vst.idx.add.f32.msk vm0, v3;
	vm0 =	vlt.s32 v46, v4  }
0x25a: {  	v12 =	vand.u32 $0x7F, v16;
	v16 =	vshll.u32 v16, $0x3;
	[tilespmem:v56+s23+$0x0] =	vst.idx.add.f32.msk vm2, v3;
	v9 =	vand.u32 $0x7F, v25  }
0x25b: {  	v16 =	vand.u32 $0xFFFFFC00, v16;
	[tilespmem:v60+s23+$0x0] =	vst.idx.add.f32.msk vm4, v3;
	vm4 =	vlt.s32 v15, v4;
	v15 =	vand.u32 $0x7F, v23  }
0x25c: {  	v12 =	vor.u32 v12, v16;
	v16 =	vshll.u32 v19, $0x3;
	v19 =	vand.u32 $0xFFFFFC00, v17  }
0x25d: {  	v17 =	vadd.s32 v2, v22;
	v8 =	vand.u32 $0xFFFFFC00, v16;
	v16 =	vshll.u32 v25, $0x3  }
0x25e: {  	v12 =	vadd.s32 v2, v12;
	v8 =	vor.u32 v61, v8;
	v16 =	vand.u32 $0xFFFFFC00, v16  }
0x25f: {  	v19 =	vor.u32 v57, v19;
	v8 =	vadd.s32 v2, v8;
	v18 =	vor.u32 v9, v16  }
0x260: {  	s29 =	simm.s32 $0x27;
	[tilespmem:v32+s23+$0x0] =	vst.idx.add.f32.msk vm3, v3;
	v16 =	vadd.s32 v2, v19;
	v19 =	vor.u32 v63, v62;
	v9 =	vshll.u32 v23, $0x3  }
.LBB2_9:
0x261: {  	s0 =	sadd.s32 $0xFFFFFFED, s29  }
0x262: {  	[tilespmem:v5+s23+$0x0] =	vst.idx.add.f32.msk vm1, v3;
	v20 =	vmov s0  }
0x263: {  	v5 =	vadd.s32 v2, v19;
	v19 =	vand.u32 $0xFFFFFC00, v9;
	[tilespmem:v13+s23+$0x0] =	vst.idx.add.f32.msk vm10, v3;
	v22 =	vshll.u32 v20, $0x3  }
0x264: {  	v13 =	vand.u32 $0x7C, v20;
	[tilespmem:v6+s23+$0x0] =	vst.idx.add.f32.msk vm7, v3;
	v6 =	vor.u32 v15, v19;
	v15 =	vand.u32 $0xC00, v22  }
0x265: {  	v13 =	vor.u32 v13, v15  }
0x266: {  	v48 =	vadd.s32 v1, v13;
	v13 =	vld [tilespmem:$0x1FFD0];
	_ =	sdelay $0x4  }
0x267: {  	s2 =	sadd.s32 $0xFFFFFFEE, s29;
	s5 =	sadd.s32 $0xFFFFFFEF, s29;
	vm1 =	vnez.u8 v13  }
0x268: {  	v18 =	vadd.s32 v2, v18;
	s30 =	smov.u32 s29;
	s31 =	sadd.s32 $0xFFFFFFF6, s29;
	v21 =	vmov s2;
	v9 =	vmov s5  }
0x269: {  	v31 =	vmov s31;
	s31 =	sadd.s32 $0xFFFFFFFA, s30;
	v19 =	vshll.u32 v21, $0x3;
	vm6 =	vlt.s32 v20, v4  }
0x26a: {  	s2 =	sadd.s32 $0xFFFFFFF8, s29;
	v34 =	vmov s31;
	v56 =	vshll.u32 v31, $0x3;
	v36 =	vand.u32 $0x7D, v31  }
0x26b: {  	[tilespmem:v16+s23+$0x0] =	vst.idx.add.f32.msk vm8, v3;
	v6 =	vadd.s32 v2, v6;
	v16 =	vmov s2;
	v58 =	vand.u32 $0x7D, v34  }
0x26c: {  	s2 =	sadd.s32 $0xFFFFFFF1, s30;
	v60 =	vshll.u32 v34, $0x3;
	vm8 =	vlt.s32 v31, v4;
	v15 =	vshll.u32 v9, $0x3;
	[tilespmem:v14+s23+$0x0] =	vst.idx.add.f32.msk vm14, v3  }
0x26d: {  	v23 =	vmov s2;
	v13 =	vimm.s32 $0x0;
	[tilespmem:v17+s23+$0x0] =	vst.idx.add.f32.msk vm1, v3;
	vm1 =	vlt.s32 v16, v4  }
0x26e: {  	s5 =	sadd.s32 $0xFFFFFFF0, s30;
	v14 =	vand.u32 $0x7F, v16;
	v15 =	vand.u32 $0xC00, v15;
	v13 =	vsel vm1, $0xFFFFFFFF, v13;
	[tilespmem:v11+s23+$0x0] =	vst.idx.add.f32.msk vm9, v3  }
0x26f: {  	v17 =	vand.u32 $0xC00, v19;
	v19 =	vand.u32 $0x7E, v9;
	v11 =	vmov s5;
	[tilespmem:$0x1FFD0] =	vst v13  }
0x270: {  	s5 =	sadd.s32 $0xFFFFFFF2, s30;
	v15 =	vor.u32 v19, v15;
	v13 =	vshll.u32 v16, $0x3;
	[tilespmem:v12+s23+$0x0] =	vst.idx.add.f32.msk vm11, v3;
	v12 =	vand.u32 $0x7D, v21  }
0x271: {  	vm2 =	vlt.s32 v11, v4;
	v16 =	vmov s5;
	s5 =	sadd.s32 $0xFFFFFFF3, s30;
	vm11 =	vlt.s32 v34, v4  }
0x272: {  	v13 =	vand.u32 $0x1C00, v13;
	[tilespmem:v8+s23+$0x0] =	vst.idx.add.f32.msk vm13, v3;
	v8 =	vshll.u32 v11, $0x3;
	v24 =	vmov s5  }
0x273: {  	vm3 =	vlt.s32 v16, v4;
	v12 =	vor.u32 v12, v17;
	[tilespmem:v7+s23+$0x0] =	vst.idx.add.f32.msk vm12, v3;
	v7 =	vand.u32 $0x7F, v11  }
0x274: {  	s2 =	sadd.s32 $0xFFFFFFFB, s30;
	v11 =	vor.u32 v14, v13;
	v13 =	vshll.u32 v16, $0x3;
	v14 =	vshll.u32 v24, $0x3  }
0x275: {  	v25 =	vand.u32 $0x7E, v24;
	v17 =	vadd.s32 v1, v12;
	v12 =	vmov s2  }
0x276: {  	vm1 =	vlt.s32 v24, v4;
	v24 =	vand.u32 $0x1C00, v56;
	[tilespmem:v10+s23+$0x0] =	vst.idx.add.f32.msk vm15, v3;
	v10 =	vand.u32 $0x7C, v23  }
0x277: {  	v27 =	vshll.u32 v12, $0x3;
	v29 =	vand.u32 $0x7E, v12;
	v24 =	vor.u32 v36, v24  }
0x278: {  	s5 =	sadd.s32 $0xFFFFFFF4, s30;
	vm13 =	vlt.s32 v12, v4;
	[tilespmem:v5+s23+$0x0] =	vst.idx.add.f32.msk vm5, v3;
	v5 =	vand.u32 $0xC00, v8;
	v8 =	vand.u32 $0x1C00, v13  }
0x279: {  	v13 =	vmov s5;
	vm5 =	vlt.s32 v21, v4;
	v27 =	vand.u32 $0x1C00, v27  }
0x27a: {  	s5 =	sadd.s32 $0xFFFFFFF5, s30;
	v24 =	vadd.s32 v1, v24;
	[tilespmem:v6+s23+$0x0] =	vst.idx.add.f32.msk vm0, v3;
	v5 =	vor.u32 v7, v5;
	v6 =	vshll.u32 v23, $0x3  }
0x27b: {  	v7 =	vand.u32 $0x1C00, v14;
	v14 =	vmov s5;
	vm0 =	vlt.s32 v9, v4  }
0x27c: {  	v27 =	vor.u32 v29, v27;
	vm10 =	vlt.s32 v13, v4;
	[tilespmem:v18+s23+$0x0] =	vst.idx.add.f32.msk vm4, v3;
	v18 =	vand.u32 $0x7D, v16  }
0x27d: {  	v7 =	vor.u32 v25, v7;
	vm4 =	vlt.s32 v23, v4;
	v20 =	vshll.u32 v14, $0x3  }
0x27e: {  	v49 =	vadd.s32 v1, v5;
	v6 =	vand.u32 $0x1C00, v6;
	vm7 =	vlt.s32 v14, v4  }
0x27f: {  	v27 =	vadd.s32 v1, v27;
	v8 =	vor.u32 v18, v8;
	v18 =	vshll.u32 v13, $0x3  }
0x280: {  	s0 =	sadd.s32 $0xFFFFFFF7, s29;
	s5 =	sadd.s32 $0xFFFFFFFD, s30;
	v7 =	vadd.s32 v1, v7;
	v5 =	vand.u32 $0x1C00, v20;
	v20 =	vadd.s32 v1, v11  }
0x281: {  	v11 =	vmov s0;
	v26 =	vor.u32 v10, v6;
	v10 =	vmov s5  }
0x282: {  	v53 =	vld.idx.msk [tilespmem:v17+s10+$0x0], $0xffff;
	v17 =	vand.u32 $0x7F, v13;
	v8 =	vadd.s32 v1, v8;
	v16 =	vand.u32 $0x1C00, v18  }
0x283: {  	s5 =	sadd.s32 $0xFFFFFFF9, s30;
	v18 =	vand.u32 $0x7C, v14;
	v50 =	vshll.u32 v11, $0x3;
	v51 =	vand.u32 $0x7E, v11  }
0x284: {  	v52 =	vand.u32 $0x7C, v10;
	v33 =	vmov s5;
	v26 =	vadd.s32 v1, v26  }
0x285: {  	vm14 =	vlt.s32 v11, v4;
	vm15 =	vlt.s32 v10, v4;
	v5 =	vor.u32 v18, v5  }
0x286: {  	v22 =	vld.idx.msk [tilespmem:v48+s10+$0x0], $0xffff;
	s5 =	sadd.s32 $0xFFFFFFFC, s30;
	v18 =	vshll.u32 v10, $0x3;
	v16 =	vor.u32 v17, v16;
	v23 =	vand.u32 $0x1C00, v50  }
0x287: {  	v35 =	vmov s5;
	v37 =	vand.u32 $0x7C, v33;
	vm9 =	vlt.s32 v33, v4  }
0x288: {  	v24 =	vld.idx.msk [tilespmem:v24+s10+$0x0], $0xffff;
	v5 =	vadd.s32 v1, v5;
	v18 =	vand.u32 $0x1C00, v18;
	v38 =	vshll.u32 v35, $0x3  }
0x289: {  	v16 =	vadd.s32 v1, v16;
	v59 =	vand.u32 $0x7F, v35;
	v23 =	vor.u32 v51, v23  }
0x28a: {  	vm12 =	vlt.s32 v35, v4;
	v18 =	vor.u32 v52, v18;
	v21 =	vld.idx.msk [tilespmem:v49+s10+$0x0], $0xffff;
	v38 =	vand.u32 $0x1C00, v38  }
0x28b: {  	v23 =	vadd.s32 v1, v23;
	v6 =	vld.idx.msk [tilespmem:v7+s10+$0x0], $0xffff;
	v7 =	vand.u32 $0x7F, v22;
	v32 =	vand.u32 $0x7F, v53  }
0x28c: {  	v18 =	vadd.s32 v1, v18;
	v19 =	vld.idx.msk [tilespmem:v8+s10+$0x0], $0xffff;
	v8 =	vshll.u32 v22, $0x3;
	v22 =	vshll.u32 v53, $0x3  }
0x28d: {  	s31 =	sadd.s32 $0xFFFFFFFF, s30;
	s2 =	sadd.s32 $0xFFFFFFFE, s30;
	v8 =	vand.u32 $0xFFFFFC00, v8;
	v22 =	vand.u32 $0xFFFFFC00, v22;
	v56 =	vand.u32 $0x7F, v24  }
0x28e: {  	v8 =	vor.u32 v7, v8;
	v7 =	vmov s2;
	v61 =	vld.idx.msk [tilespmem:v16+s10+$0x0], $0xffff;
	v16 =	vmov s31  }
0x28f: {  	v20 =	vld.idx.msk [tilespmem:v20+s10+$0x0], $0xffff;
	v22 =	vor.u32 v32, v22;
	v8 =	vadd.s32 v2, v8;
	v55 =	vshll.u32 v7, $0x3  }
0x290: {  	v26 =	vld.idx.msk [tilespmem:v26+s10+$0x0], $0xffff;
	v62 =	vshll.u32 v21, $0x3;
	v41 =	vand.u32 $0x7D, v7;
	v21 =	vand.u32 $0x7F, v21  }
0x291: {  	v44 =	vand.u32 $0x7E, v16;
	v45 =	vshll.u32 v16, $0x3;
	v22 =	vadd.s32 v2, v22  }
0x292: {  	v17 =	vshll.u32 v6, $0x3;
	v6 =	vand.u32 $0x7F, v6;
	v29 =	vand.u32 $0xFFFFFC00, v62  }
0x293: {  	v13 =	vand.u32 $0x1C00, v45;
	v28 =	vshll.u32 v19, $0x3;
	v19 =	vand.u32 $0x7F, v19  }
0x294: {  	v54 =	vld.idx.msk [tilespmem:v5+s10+$0x0], $0xffff;
	v30 =	vand.u32 $0xFFFFFC00, v17;
	v17 =	vand.u32 $0x7F, v20;
	v20 =	vshll.u32 v20, $0x3  }
0x295: {  	v21 =	vor.u32 v21, v29;
	v48 =	vand.u32 $0x7F, v26;
	v26 =	vshll.u32 v26, $0x3  }
0x296: {  	v52 =	vor.u32 v44, v13;
	v28 =	vand.u32 $0xFFFFFC00, v28;
	v6 =	vor.u32 v6, v30  }
0x297: {  	v30 =	vand.u32 $0x1C00, v55;
	v20 =	vand.u32 $0xFFFFFC00, v20;
	v50 =	vand.u32 $0xFFFFFC00, v26  }
0x298: {  	v14 =	vld.idx.msk [tilespmem:v23+s10+$0x0], $0xffff;
	v21 =	vadd.s32 v2, v21;
	v19 =	vor.u32 v19, v28;
	v5 =	vadd.s32 v2, v6  }
0x299: {  	v6 =	vadd.s32 v1, v15;
	v15 =	vshll.u32 v33, $0x3;
	v39 =	vand.u32 $0x7F, v54  }
0x29a: {  	v28 =	vshll.u32 v54, $0x3;
	v30 =	vor.u32 v41, v30;
	v46 =	vand.u32 $0x7F, v61  }
0x29b: {  	v18 =	vld.idx.msk [tilespmem:v18+s10+$0x0], $0xffff;
	v49 =	vshll.u32 v61, $0x3;
	v25 =	vor.u32 v48, v50;
	v17 =	vor.u32 v17, v20  }
0x29c: {  	v15 =	vand.u32 $0x1C00, v15;
	v9 =	vadd.s32 v2, v19;
	v30 =	vadd.s32 v1, v30  }
0x29d: {  	v13 =	vand.u32 $0xFFFFFC00, v49;
	v53 =	vand.u32 $0x7F, v14;
	v14 =	vshll.u32 v14, $0x3  }
0x29e: {  	v25 =	vadd.s32 v2, v25;
	v17 =	vadd.s32 v2, v17;
	v57 =	vor.u32 v37, v15  }
0x29f: {  	v15 =	vmov s30;
	v37 =	vor.u32 v59, v38;
	v13 =	vor.u32 v46, v13  }
0x2a0: {  	v14 =	vand.u32 $0xFFFFFC00, v14;
	v55 =	vand.u32 $0x7F, v18;
	v18 =	vshll.u32 v18, $0x3  }
0x2a1: {  	v20 =	vld.idx.msk [tilespmem:v27+s10+$0x0], $0xffff;
	v19 =	vshll.u32 v15, $0x3;
	v63 =	vand.u32 $0x7F, v15;
	v47 =	vadd.s32 v1, v37  }
0x2a2: {  	v13 =	vadd.s32 v2, v13;
	v14 =	vor.u32 v53, v14;
	v19 =	vand.u32 $0x1C00, v19  }
0x2a3: {  	v40 =	vld.idx.msk [tilespmem:v6+s10+$0x0], $0xffff;
	v6 =	vand.u32 $0xFFFFFC00, v28;
	v28 =	vadd.s32 v1, v57;
	v19 =	vor.u32 v63, v19  }
0x2a4: {  	v6 =	vor.u32 v39, v6;
	v39 =	vand.u32 $0x1C00, v60;
	v51 =	vld.idx.msk [tilespmem:v30+s10+$0x0], $0xffff;
	v19 =	vadd.s32 v1, v19  }
0x2a5: {  	v11 =	vand.u32 $0xFFFFFC00, v18;
	v30 =	vadd.s32 v1, v52;
	v36 =	vor.u32 v58, v39  }
0x2a6: {  	v59 =	vand.u32 $0x7F, v20;
	v20 =	vshll.u32 v20, $0x3;
	v36 =	vadd.s32 v1, v36;
	v23 =	vld.idx.msk [tilespmem:v47+s10+$0x0], $0xffff  }
0x2a7: {  	v14 =	vadd.s32 v2, v14;
	v31 =	vor.u32 v55, v11;
	v20 =	vand.u32 $0xFFFFFC00, v20  }
0x2a8: {  	v6 =	vadd.s32 v2, v6;
	v20 =	vor.u32 v59, v20;
	v42 =	vshll.u32 v40, $0x3;
	v28 =	vld.idx.msk [tilespmem:v28+s10+$0x0], $0xffff  }
0x2a9: {  	v40 =	vand.u32 $0x7F, v40;
	v42 =	vand.u32 $0xFFFFFC00, v42;
	v18 =	vshll.u32 v51, $0x3;
	v19 =	vld.idx.msk [tilespmem:v19+s10+$0x0], $0xffff  }
0x2aa: {  	v30 =	vld.idx.msk [tilespmem:v30+s10+$0x0], $0xffff;
	v26 =	vand.u32 $0x7F, v51;
	v40 =	vor.u32 v40, v42;
	v60 =	vand.u32 $0xFFFFFC00, v18  }
0x2ab: {  	v18 =	vshll.u32 v24, $0x3;
	v39 =	vadd.s32 v2, v40;
	v54 =	vld.idx.msk [tilespmem:v36+s10+$0x0], $0xffff;
	v12 =	vshll.u32 v23, $0x3  }
0x2ac: {  	v23 =	vand.u32 $0x7F, v23;
	v18 =	vand.u32 $0xFFFFFC00, v18;
	[tilespmem:v8+s23+$0x0] =	vst.idx.add.f32.msk vm6, v3;
	v8 =	vadd.s32 v2, v20  }
0x2ad: {  	v62 =	vand.u32 $0xFFFFFC00, v12;
	[tilespmem:v22+s23+$0x0] =	vst.idx.add.f32.msk vm5, v3;
	v63 =	vor.u32 v56, v18;
	vm5 =	vlt.s32 v7, v4  }
0x2ae: {  	v57 =	vshll.u32 v28, $0x3;
	v28 =	vand.u32 $0x7F, v28;
	v18 =	vor.u32 v23, v62  }
0x2af: {  	v11 =	vand.u32 $0xFFFFFC00, v57;
	v20 =	vshll.u32 v19, $0x3;
	v7 =	vadd.s32 v2, v18  }
0x2b0: {  	p0 =	sne.s32 s29, $0xC7;
	v18 =	vand.u32 $0x7F, v19;
	v19 =	vor.u32 v26, v60;
	v10 =	vor.u32 v28, v11  }
.Ltmp3:
0x2b1: {  	v20 =	vand.u32 $0xFFFFFC00, v20;
	v58 =	vand.u32 $0x7F, v54;
	v11 =	vadd.s32 v2, v10;
	(pc) =	sbr.rel @p0 .LBB2_9-.Ltmp3, $4  }
0x2b2: {  	v27 =	vshll.u32 v54, $0x3;
	v10 =	vadd.s32 v2, v31;
	[tilespmem:v39+s23+$0x0] =	vst.idx.add.f32.msk vm0, v3;
	vm0 =	vlt.s32 v16, v4  }
0x2b3: {  	v18 =	vor.u32 v18, v20;
	v16 =	vadd.s32 v2, v63;
	v27 =	vand.u32 $0xFFFFFC00, v27;
	[tilespmem:v21+s23+$0x0] =	vst.idx.add.f32.msk vm2, v3  }
0x2b4: {  	v61 =	vor.u32 v58, v27;
	[tilespmem:v25+s23+$0x0] =	vst.idx.add.f32.msk vm4, v3;
	vm4 =	vlt.s32 v15, v4  }
0x2b5: {  	s29 =	sadd.s32 $0x14, s29;
	v15 =	vand.u32 $0x7F, v30;
	v12 =	vadd.s32 v2, v61;
	[tilespmem:v9+s23+$0x0] =	vst.idx.add.f32.msk vm3, v3;
	v9 =	vshll.u32 v30, $0x3  }
0x2b6: {  	_ =	sdelay $0x4  }
0x2b7: {  	[tilespmem:v5+s23+$0x0] =	vst.idx.add.f32.msk vm1, v3  }
0x2b8: {  	v5 =	vld [tilespmem:$0x1FFD0];
	_ =	sdelay $0x4  }
0x2b9: {  	vm1 =	vnez.u8 v5;
	_ =	sdelay $0x1  }
0x2ba: {  	[tilespmem:v13+s23+$0x0] =	vst.idx.add.f32.msk vm10, v3  }
0x2bb: {  	[tilespmem:v6+s23+$0x0] =	vst.idx.add.f32.msk vm7, v3  }
0x2bc: {  	[tilespmem:v16+s23+$0x0] =	vst.idx.add.f32.msk vm8, v3  }
0x2bd: {  	[tilespmem:v14+s23+$0x0] =	vst.idx.add.f32.msk vm14, v3  }
0x2be: {  	v4 =	vand.u32 $0xFFFFFC00, v9;
	[tilespmem:v17+s23+$0x0] =	vst.idx.add.f32.msk vm1, v3  }
0x2bf: {  	v4 =	vor.u32 v15, v4;
	v5 =	vadd.s32 v2, v19;
	[tilespmem:v11+s23+$0x0] =	vst.idx.add.f32.msk vm9, v3  }
0x2c0: {  	v4 =	vadd.s32 v2, v4;
	[tilespmem:v12+s23+$0x0] =	vst.idx.add.f32.msk vm11, v3  }
0x2c1: {  	v6 =	vadd.s32 v2, v18;
	[tilespmem:v8+s23+$0x0] =	vst.idx.add.f32.msk vm13, v3  }
0x2c2: {  	[tilespmem:v7+s23+$0x0] =	vst.idx.add.f32.msk vm12, v3  }
0x2c3: {  	[tilespmem:v10+s23+$0x0] =	vst.idx.add.f32.msk vm15, v3  }
0x2c4: {  	[tilespmem:v5+s23+$0x0] =	vst.idx.add.f32.msk vm5, v3  }
0x2c5: {  	[tilespmem:v4+s23+$0x0] =	vst.idx.add.f32.msk vm0, v3  }
0x2c6: {  	s0 =	sadd.s32 $0x1000, s28;
	[tilespmem:v6+s23+$0x0] =	vst.idx.add.f32.msk vm4, v3  }
0x2c7: {  	[hbm4b:s0+s3] =	stream.linear.scatter [tilespmem:s23], [sflag:$0x9], $0x4000, $0x38;
	[tilespmem:$0x10400] =	vst v63  }
0x2c8: {  	s2 =	smin.u32 s25, $0x16;
	_ =	swait.ge [sflag:s11], $0x4000  }
0x2c9: {  	s0 =	sshll.u32 s2, $0x4;
	s2 =	rddreg [dreg:$0x1a]  }
0x2ca: {  	s0 =	sadd.s32 s0, s2  }
0x2cb: {  	[sflag:s11] =	ssyncset.done $0x0;
	s2 =	sshll.u32 s0, $0x5  }
0x2cc: {  	[sflag:s11] =	ssyncadd.s32 $0xFFFFC000;
	s0 =	sshrl.u32 s0, $0x3;
	s2 =	sadd.s32 s4, s2  }
0x2cd: {  	[tilespmem:s8], [sflag:$0x2] =	stream.linear.gather [hbm4b:s2+s3], $0x1000, $0x38;
	[tilespmem:$0x10400] =	vst v63  }
0x2ce: {  	s5 =	simm.s32 $0x8080;
	s30 =	simm.s32 $0x0;
	s0 =	sadd.s32 s1, s0  }
0x2cf: {  	v5 =	vmov s30;
	[tilespmem:s5], [sflag:$0x2] =	stream.linear.gather [hbm4b:s0+s3], $0x10, $0x38;
	[tilespmem:$0x10400] =	vst v63  }
0x2d0: {  	s31 =	simm.s32 $0x1;
	v11 =	vimm.s32 $0x0;
	s30 =	simm.s32 $0x3;
	v7 =	vshll.u32 v5, $0x3;
	_ =	swait.ge [sflag:s13], $0x1000  }
0x2d1: {  	v8 =	vand.u32 $0x7C, v5;
	v14 =	vmov s30;
	s30 =	simm.s32 $0x6;
	v6 =	vmov s31;
	[sflag:s13] =	ssyncset.done $0x0  }
0x2d2: {  	v7 =	vand.u32 $0xC00, v7;
	s31 =	simm.s32 $0x4;
	v17 =	vshll.u32 v14, $0x3;
	v19 =	vmov s30;
	[sflag:s13] =	ssyncadd.s32 $0xFFFFF000  }
0x2d3: {  	v9 =	vshll.u32 v6, $0x3;
	v7 =	vor.u32 v8, v7;
	v15 =	vmov s31;
	_ =	swait.ge [sflag:s13], $0x10  }
0x2d4: {  	v16 =	vand.u32 $0x7D, v6;
	v21 =	vshll.u32 v19, $0x3;
	v17 =	vand.u32 $0xC00, v17;
	[sflag:s13] =	ssyncset.done $0x0  }
0x2d5: {  	v25 =	vand.u32 $0x7E, v19;
	v7 =	vadd.s32 v1, v7;
	v9 =	vand.u32 $0xC00, v9;
	[sflag:s13] =	ssyncadd.s32 $0xFFFFFFF0  }
0x2d6: {  	v20 =	vand.u32 $0x7C, v15;
	v23 =	vshll.u32 v15, $0x3;
	v21 =	vand.u32 $0x1C00, v21;
	s5 =	simm.s32 $0x2;
	v4 =	vld [tilespmem:$0x8180]  }
0x2d7: {  	v21 =	vor.u32 v25, v21;
	v9 =	vor.u32 v16, v9;
	v12 =	vmov s5;
	s5 =	simm.s32 $0xB  }
0x2d8: {  	v51 =	vadd.s32 v1, v9;
	v9 =	vand.u32 $0x1C00, v23;
	v10 =	vmov s5  }
0x2d9: {  	v20 =	vor.u32 v20, v9;
	v8 =	vshll.u32 v12, $0x3;
	s5 =	simm.s32 $0x5;
	v13 =	vshll.u32 v10, $0x3  }
0x2da: {  	v8 =	vand.u32 $0xC00, v8;
	v18 =	vmov s5;
	v13 =	vand.u32 $0x1C00, v13  }
0x2db: {  	v24 =	vand.u32 $0x7D, v18;
	vm0 =	vlt.s32 v10, v4;
	v10 =	vand.u32 $0x7F, v10  }
0x2dc: {  	vm2 =	vlt.s32 v14, v4;
	v14 =	vand.u32 $0x7F, v14;
	vm6 =	vlt.s32 v5, v4  }
0x2dd: {  	vm5 =	vlt.s32 v6, v4;
	vm3 =	vlt.s32 v18, v4;
	vm4 =	vlt.s32 v15, v4  }
0x2de: {  	v15 =	vadd.s32 v1, v21;
	vm1 =	vlt.s32 v19, v4;
	v11 =	vsel vm0, $0xFFFFFFFF, v11  }
0x2df: {  	s2 =	simm.s32 $0x8;
	v10 =	vor.u32 v10, v13;
	v13 =	vshll.u32 v18, $0x3;
	v17 =	vor.u32 v14, v17  }
0x2e0: {  	s31 =	simm.s32 $0x7;
	v14 =	vmov s2;
	vm0 =	vlt.s32 v12, v4;
	[tilespmem:$0x1FFC0] =	vst v11;
	v11 =	vand.u32 $0x7E, v12  }
0x2e1: {  	v5 =	vld.idx.msk [tilespmem:v7+s12+$0x0], $0xffff;
	v22 =	vand.u32 $0x1C00, v13;
	v13 =	vmov s31;
	v7 =	vand.u32 $0x7C, v14  }
0x2e2: {  	s5 =	simm.s32 $0xA;
	v49 =	vshll.u32 v14, $0x3;
	v17 =	vadd.s32 v1, v17;
	v50 =	vadd.s32 v1, v10  }
0x2e3: {  	v10 =	vmov s5;
	v12 =	vadd.s32 v1, v20;
	vm7 =	vlt.s32 v14, v4  }
0x2e4: {  	v22 =	vor.u32 v24, v22;
	v48 =	vshll.u32 v13, $0x3;
	v21 =	vand.u32 $0x1C00, v49  }
0x2e5: {  	s30 =	simm.s32 $0xE;
	s5 =	simm.s32 $0x9;
	v16 =	vor.u32 v11, v8;
	v52 =	vshll.u32 v10, $0x3;
	v53 =	vand.u32 $0x7E, v10  }
0x2e6: {  	v11 =	vmov s30;
	v31 =	vmov s5;
	vm10 =	vlt.s32 v13, v4  }
0x2e7: {  	s2 =	simm.s32 $0x11;
	vm14 =	vlt.s32 v10, v4;
	v6 =	vadd.s32 v1, v22;
	v18 =	vand.u32 $0x1C00, v48  }
0x2e8: {  	s30 =	simm.s32 $0xC;
	v21 =	vor.u32 v7, v21;
	v54 =	vshll.u32 v11, $0x3;
	v7 =	vmov s2  }
0x2e9: {  	s5 =	simm.s32 $0xF;
	v55 =	vand.u32 $0x7E, v11;
	v33 =	vmov s30;
	v25 =	vand.u32 $0x1C00, v52  }
0x2ea: {  	v58 =	vshll.u32 v31, $0x3;
	v35 =	vmov s5;
	v36 =	vand.u32 $0x7D, v31  }
0x2eb: {  	vm8 =	vlt.s32 v31, v4;
	vm13 =	vlt.s32 v11, v4;
	v8 =	vshll.u32 v5, $0x3  }
0x2ec: {  	v5 =	vand.u32 $0x7F, v5;
	v21 =	vadd.s32 v1, v21;
	v37 =	vand.u32 $0x7C, v33  }
0x2ed: {  	v38 =	vshll.u32 v35, $0x3;
	v61 =	vand.u32 $0x7F, v35;
	v45 =	vand.u32 $0x7D, v7  }
0x2ee: {  	s31 =	simm.s32 $0x10;
	v24 =	vld.idx.msk [tilespmem:v51+s12+$0x0], $0xffff;
	v23 =	vor.u32 v53, v25;
	vm9 =	vlt.s32 v33, v4;
	vm12 =	vlt.s32 v35, v4  }
0x2ef: {  	v26 =	vand.u32 $0xFFFFFC00, v8;
	v8 =	vmov s31;
	v38 =	vand.u32 $0x1C00, v38  }
0x2f0: {  	s31 =	simm.s32 $0xD;
	v23 =	vadd.s32 v1, v23;
	v19 =	vand.u32 $0x7C, v8;
	v27 =	vshll.u32 v8, $0x3  }
0x2f1: {  	v5 =	vor.u32 v5, v26;
	v34 =	vmov s31;
	v26 =	vand.u32 $0x1C00, v54  }
0x2f2: {  	v20 =	vor.u32 v61, v38;
	vm15 =	vlt.s32 v8, v4;
	v9 =	vadd.s32 v2, v5  }
0x2f3: {  	v15 =	vld.idx.msk [tilespmem:v15+s12+$0x0], $0xffff;
	v5 =	vand.u32 $0x7F, v13;
	v27 =	vand.u32 $0x1C00, v27;
	v56 =	vand.u32 $0x7F, v24  }
0x2f4: {  	s31 =	simm.s32 $0x12;
	v24 =	vshll.u32 v24, $0x3;
	v40 =	vshll.u32 v34, $0x3;
	v26 =	vor.u32 v55, v26  }
0x2f5: {  	v46 =	vmov s31;
	v20 =	vadd.s32 v1, v20;
	vm11 =	vlt.s32 v34, v4  }
0x2f6: {  	v22 =	vld.idx.msk [tilespmem:v50+s12+$0x0], $0xffff;
	v18 =	vor.u32 v5, v18;
	v19 =	vor.u32 v19, v27;
	v27 =	vand.u32 $0x1C00, v58  }
0x2f7: {  	v17 =	vld.idx.msk [tilespmem:v17+s12+$0x0], $0xffff;
	v62 =	vand.u32 $0x1C00, v40;
	v48 =	vand.u32 $0x7E, v46;
	v49 =	vshll.u32 v46, $0x3  }
0x2f8: {  	v12 =	vld.idx.msk [tilespmem:v12+s12+$0x0], $0xffff;
	v24 =	vand.u32 $0xFFFFFC00, v24;
	v26 =	vadd.s32 v1, v26;
	v29 =	vshll.u32 v15, $0x3  }
0x2f9: {  	v15 =	vand.u32 $0x7F, v15;
	v18 =	vadd.s32 v1, v18;
	v27 =	vor.u32 v36, v27  }
0x2fa: {  	v6 =	vld.idx.msk [tilespmem:v6+s12+$0x0], $0xffff;
	v19 =	vadd.s32 v1, v19;
	v13 =	vand.u32 $0x1C00, v49;
	v24 =	vor.u32 v56, v24  }
0x2fb: {  	v29 =	vand.u32 $0xFFFFFC00, v29;
	v27 =	vadd.s32 v1, v27;
	v52 =	vor.u32 v48, v13  }
0x2fc: {  	v24 =	vadd.s32 v2, v24;
	v30 =	vand.u32 $0x7F, v22;
	v22 =	vshll.u32 v22, $0x3  }
0x2fd: {  	v63 =	vshll.u32 v17, $0x3;
	v17 =	vand.u32 $0x7F, v17;
	v51 =	vand.u32 $0x7F, v12  }
0x2fe: {  	v14 =	vld.idx.msk [tilespmem:v23+s12+$0x0], $0xffff;
	v12 =	vshll.u32 v12, $0x3;
	v23 =	vadd.s32 v1, v52;
	v22 =	vand.u32 $0xFFFFFC00, v22  }
0x2ff: {  	v12 =	vand.u32 $0xFFFFFC00, v12;
	v28 =	vshll.u32 v6, $0x3;
	v6 =	vand.u32 $0x7F, v6  }
0x300: {  	v12 =	vor.u32 v51, v12;
	v22 =	vor.u32 v30, v22;
	v5 =	vand.u32 $0xFFFFFC00, v28  }
0x301: {  	v28 =	vand.u32 $0xFFFFFC00, v63;
	v32 =	vor.u32 v6, v5;
	v5 =	vor.u32 v15, v29  }
0x302: {  	v18 =	vld.idx.msk [tilespmem:v18+s12+$0x0], $0xffff;
	v6 =	vshll.u32 v7, $0x3;
	v15 =	vadd.s32 v1, v16;
	v17 =	vor.u32 v17, v28  }
0x303: {  	v19 =	vld.idx.msk [tilespmem:v19+s12+$0x0], $0xffff;
	v53 =	vand.u32 $0x7F, v14;
	v14 =	vshll.u32 v14, $0x3;
	v5 =	vadd.s32 v2, v5  }
0x304: {  	v16 =	vld.idx.msk [tilespmem:v21+s12+$0x0], $0xffff;
	v57 =	vand.u32 $0x1C00, v6;
	v6 =	vshll.u32 v33, $0x3;
	v32 =	vadd.s32 v2, v32  }
0x305: {  	v20 =	vld.idx.msk [tilespmem:v20+s12+$0x0], $0xffff;
	v14 =	vand.u32 $0xFFFFFC00, v14;
	v56 =	vadd.s32 v2, v17;
	v6 =	vand.u32 $0x1C00, v6  }
0x306: {  	v21 =	vor.u32 v45, v57;
	v14 =	vor.u32 v53, v14;
	v59 =	vor.u32 v37, v6  }
0x307: {  	v21 =	vadd.s32 v1, v21;
	v14 =	vadd.s32 v2, v14;
	v36 =	vadd.s32 v1, v59  }
0x308: {  	v50 =	vand.u32 $0x7F, v18;
	v18 =	vshll.u32 v18, $0x3;
	v55 =	vand.u32 $0x7F, v19  }
0x309: {  	s30 =	simm.s32 $0x13;
	v27 =	vld.idx.msk [tilespmem:v27+s12+$0x0], $0xffff;
	v17 =	vshll.u32 v19, $0x3;
	v39 =	vand.u32 $0x7F, v16;
	v16 =	vshll.u32 v16, $0x3  }
0x30a: {  	v59 =	vshll.u32 v20, $0x3;
	v60 =	vld.idx.msk [tilespmem:v15+s12+$0x0], $0xffff;
	v15 =	vmov s30;
	v16 =	vand.u32 $0xFFFFFC00, v16  }
0x30b: {  	v41 =	vshll.u32 v15, $0x3;
	v6 =	vor.u32 v39, v16;
	v16 =	vand.u32 $0x7D, v34  }
0x30c: {  	v47 =	vand.u32 $0x7F, v15;
	v41 =	vand.u32 $0x1C00, v41;
	v16 =	vor.u32 v16, v62  }
0x30d: {  	v19 =	vld.idx.msk [tilespmem:v26+s12+$0x0], $0xffff;
	v18 =	vand.u32 $0xFFFFFC00, v18;
	v25 =	vor.u32 v47, v41;
	v16 =	vadd.s32 v1, v16  }
0x30e: {  	v20 =	vand.u32 $0x7F, v20;
	v13 =	vor.u32 v50, v18;
	v18 =	vld.idx.msk [tilespmem:v21+s12+$0x0], $0xffff;
	v25 =	vadd.s32 v1, v25  }
0x30f: {  	v57 =	vand.u32 $0x7F, v27;
	v10 =	vand.u32 $0xFFFFFC00, v17;
	v54 =	vld.idx.msk [tilespmem:v36+s12+$0x0], $0xffff;
	v42 =	vshll.u32 v60, $0x3  }
0x310: {  	v10 =	vor.u32 v55, v10;
	v37 =	vand.u32 $0x7F, v60;
	v42 =	vand.u32 $0xFFFFFC00, v42  }
0x311: {  	v23 =	vld.idx.msk [tilespmem:v23+s12+$0x0], $0xffff;
	v13 =	vadd.s32 v2, v13;
	v10 =	vadd.s32 v2, v10;
	v37 =	vor.u32 v37, v42  }
0x312: {  	v6 =	vadd.s32 v2, v6;
	v61 =	vand.u32 $0x7F, v19;
	v37 =	vadd.s32 v2, v37;
	v16 =	vld.idx.msk [tilespmem:v16+s12+$0x0], $0xffff  }
0x313: {  	v60 =	vadd.s32 v2, v12;
	v17 =	vshll.u32 v18, $0x3;
	v63 =	vand.u32 $0x7F, v18;
	v25 =	vld.idx.msk [tilespmem:v25+s12+$0x0], $0xffff  }
0x314: {  	v58 =	vshll.u32 v54, $0x3;
	v28 =	vand.u32 $0x7F, v54;
	[tilespmem:v9+s26+$0x0] =	vst.idx.add.f32.msk vm6, v3;
	v9 =	vand.u32 $0xFFFFFC00, v59  }
0x315: {  	v62 =	vand.u32 $0xFFFFFC00, v17;
	v11 =	vand.u32 $0xFFFFFC00, v58;
	[tilespmem:v24+s26+$0x0] =	vst.idx.add.f32.msk vm5, v3;
	v9 =	vor.u32 v20, v9  }
0x316: {  	vm5 =	vlt.s32 v7, v4;
	v11 =	vor.u32 v28, v11;
	v7 =	vadd.s32 v2, v9  }
0x317: {  	v17 =	vshll.u32 v27, $0x3;
	v11 =	vadd.s32 v2, v11;
	[tilespmem:v37+s26+$0x0] =	vst.idx.add.f32.msk vm0, v3;
	vm0 =	vlt.s32 v46, v4  }
0x318: {  	v12 =	vand.u32 $0x7F, v16;
	v16 =	vshll.u32 v16, $0x3;
	[tilespmem:v56+s26+$0x0] =	vst.idx.add.f32.msk vm2, v3;
	v9 =	vand.u32 $0x7F, v25  }
0x319: {  	v16 =	vand.u32 $0xFFFFFC00, v16;
	[tilespmem:v60+s26+$0x0] =	vst.idx.add.f32.msk vm4, v3;
	vm4 =	vlt.s32 v15, v4;
	v15 =	vand.u32 $0x7F, v23  }
0x31a: {  	v12 =	vor.u32 v12, v16;
	v16 =	vshll.u32 v19, $0x3;
	v19 =	vand.u32 $0xFFFFFC00, v17  }
0x31b: {  	v17 =	vadd.s32 v2, v22;
	v8 =	vand.u32 $0xFFFFFC00, v16;
	v16 =	vshll.u32 v25, $0x3  }
0x31c: {  	v12 =	vadd.s32 v2, v12;
	v8 =	vor.u32 v61, v8;
	v16 =	vand.u32 $0xFFFFFC00, v16  }
0x31d: {  	v19 =	vor.u32 v57, v19;
	v8 =	vadd.s32 v2, v8;
	v18 =	vor.u32 v9, v16  }
0x31e: {  	s29 =	simm.s32 $0x27;
	[tilespmem:v32+s26+$0x0] =	vst.idx.add.f32.msk vm3, v3;
	v16 =	vadd.s32 v2, v19;
	v19 =	vor.u32 v63, v62;
	v9 =	vshll.u32 v23, $0x3  }
.LBB2_11:
0x31f: {  	s0 =	sadd.s32 $0xFFFFFFED, s29  }
0x320: {  	[tilespmem:v5+s26+$0x0] =	vst.idx.add.f32.msk vm1, v3;
	v20 =	vmov s0  }
0x321: {  	v5 =	vadd.s32 v2, v19;
	v19 =	vand.u32 $0xFFFFFC00, v9;
	[tilespmem:v13+s26+$0x0] =	vst.idx.add.f32.msk vm10, v3;
	v22 =	vshll.u32 v20, $0x3  }
0x322: {  	v13 =	vand.u32 $0x7C, v20;
	[tilespmem:v6+s26+$0x0] =	vst.idx.add.f32.msk vm7, v3;
	v6 =	vor.u32 v15, v19;
	v15 =	vand.u32 $0xC00, v22  }
0x323: {  	v13 =	vor.u32 v13, v15  }
0x324: {  	v48 =	vadd.s32 v1, v13;
	v13 =	vld [tilespmem:$0x1FFC0];
	_ =	sdelay $0x4  }
0x325: {  	s2 =	sadd.s32 $0xFFFFFFEE, s29;
	s5 =	sadd.s32 $0xFFFFFFEF, s29;
	vm1 =	vnez.u8 v13  }
0x326: {  	v18 =	vadd.s32 v2, v18;
	s30 =	smov.u32 s29;
	s31 =	sadd.s32 $0xFFFFFFF6, s29;
	v21 =	vmov s2;
	v9 =	vmov s5  }
0x327: {  	v31 =	vmov s31;
	s31 =	sadd.s32 $0xFFFFFFFA, s30;
	v19 =	vshll.u32 v21, $0x3;
	vm6 =	vlt.s32 v20, v4  }
0x328: {  	s2 =	sadd.s32 $0xFFFFFFF8, s29;
	v34 =	vmov s31;
	v56 =	vshll.u32 v31, $0x3;
	v36 =	vand.u32 $0x7D, v31  }
0x329: {  	[tilespmem:v16+s26+$0x0] =	vst.idx.add.f32.msk vm8, v3;
	v6 =	vadd.s32 v2, v6;
	v16 =	vmov s2;
	v58 =	vand.u32 $0x7D, v34  }
0x32a: {  	s2 =	sadd.s32 $0xFFFFFFF1, s30;
	v60 =	vshll.u32 v34, $0x3;
	vm8 =	vlt.s32 v31, v4;
	v15 =	vshll.u32 v9, $0x3;
	[tilespmem:v14+s26+$0x0] =	vst.idx.add.f32.msk vm14, v3  }
0x32b: {  	v23 =	vmov s2;
	v13 =	vimm.s32 $0x0;
	[tilespmem:v17+s26+$0x0] =	vst.idx.add.f32.msk vm1, v3;
	vm1 =	vlt.s32 v16, v4  }
0x32c: {  	s5 =	sadd.s32 $0xFFFFFFF0, s30;
	v14 =	vand.u32 $0x7F, v16;
	v15 =	vand.u32 $0xC00, v15;
	v13 =	vsel vm1, $0xFFFFFFFF, v13;
	[tilespmem:v11+s26+$0x0] =	vst.idx.add.f32.msk vm9, v3  }
0x32d: {  	v17 =	vand.u32 $0xC00, v19;
	v19 =	vand.u32 $0x7E, v9;
	v11 =	vmov s5;
	[tilespmem:$0x1FFC0] =	vst v13  }
0x32e: {  	s5 =	sadd.s32 $0xFFFFFFF2, s30;
	v15 =	vor.u32 v19, v15;
	v13 =	vshll.u32 v16, $0x3;
	[tilespmem:v12+s26+$0x0] =	vst.idx.add.f32.msk vm11, v3;
	v12 =	vand.u32 $0x7D, v21  }
0x32f: {  	vm2 =	vlt.s32 v11, v4;
	v16 =	vmov s5;
	s5 =	sadd.s32 $0xFFFFFFF3, s30;
	vm11 =	vlt.s32 v34, v4  }
0x330: {  	v13 =	vand.u32 $0x1C00, v13;
	[tilespmem:v8+s26+$0x0] =	vst.idx.add.f32.msk vm13, v3;
	v8 =	vshll.u32 v11, $0x3;
	v24 =	vmov s5  }
0x331: {  	vm3 =	vlt.s32 v16, v4;
	v12 =	vor.u32 v12, v17;
	[tilespmem:v7+s26+$0x0] =	vst.idx.add.f32.msk vm12, v3;
	v7 =	vand.u32 $0x7F, v11  }
0x332: {  	s2 =	sadd.s32 $0xFFFFFFFB, s30;
	v11 =	vor.u32 v14, v13;
	v13 =	vshll.u32 v16, $0x3;
	v14 =	vshll.u32 v24, $0x3  }
0x333: {  	v25 =	vand.u32 $0x7E, v24;
	v17 =	vadd.s32 v1, v12;
	v12 =	vmov s2  }
0x334: {  	vm1 =	vlt.s32 v24, v4;
	v24 =	vand.u32 $0x1C00, v56;
	[tilespmem:v10+s26+$0x0] =	vst.idx.add.f32.msk vm15, v3;
	v10 =	vand.u32 $0x7C, v23  }
0x335: {  	v27 =	vshll.u32 v12, $0x3;
	v29 =	vand.u32 $0x7E, v12;
	v24 =	vor.u32 v36, v24  }
0x336: {  	s5 =	sadd.s32 $0xFFFFFFF4, s30;
	vm13 =	vlt.s32 v12, v4;
	[tilespmem:v5+s26+$0x0] =	vst.idx.add.f32.msk vm5, v3;
	v5 =	vand.u32 $0xC00, v8;
	v8 =	vand.u32 $0x1C00, v13  }
0x337: {  	v13 =	vmov s5;
	vm5 =	vlt.s32 v21, v4;
	v27 =	vand.u32 $0x1C00, v27  }
0x338: {  	s5 =	sadd.s32 $0xFFFFFFF5, s30;
	v24 =	vadd.s32 v1, v24;
	[tilespmem:v6+s26+$0x0] =	vst.idx.add.f32.msk vm0, v3;
	v5 =	vor.u32 v7, v5;
	v6 =	vshll.u32 v23, $0x3  }
0x339: {  	v7 =	vand.u32 $0x1C00, v14;
	v14 =	vmov s5;
	vm0 =	vlt.s32 v9, v4  }
0x33a: {  	v27 =	vor.u32 v29, v27;
	vm10 =	vlt.s32 v13, v4;
	[tilespmem:v18+s26+$0x0] =	vst.idx.add.f32.msk vm4, v3;
	v18 =	vand.u32 $0x7D, v16  }
0x33b: {  	v7 =	vor.u32 v25, v7;
	vm4 =	vlt.s32 v23, v4;
	v20 =	vshll.u32 v14, $0x3  }
0x33c: {  	v49 =	vadd.s32 v1, v5;
	v6 =	vand.u32 $0x1C00, v6;
	vm7 =	vlt.s32 v14, v4  }
0x33d: {  	v27 =	vadd.s32 v1, v27;
	v8 =	vor.u32 v18, v8;
	v18 =	vshll.u32 v13, $0x3  }
0x33e: {  	s0 =	sadd.s32 $0xFFFFFFF7, s29;
	s5 =	sadd.s32 $0xFFFFFFFD, s30;
	v7 =	vadd.s32 v1, v7;
	v5 =	vand.u32 $0x1C00, v20;
	v20 =	vadd.s32 v1, v11  }
0x33f: {  	v11 =	vmov s0;
	v26 =	vor.u32 v10, v6;
	v10 =	vmov s5  }
0x340: {  	v53 =	vld.idx.msk [tilespmem:v17+s12+$0x0], $0xffff;
	v17 =	vand.u32 $0x7F, v13;
	v8 =	vadd.s32 v1, v8;
	v16 =	vand.u32 $0x1C00, v18  }
0x341: {  	s5 =	sadd.s32 $0xFFFFFFF9, s30;
	v18 =	vand.u32 $0x7C, v14;
	v50 =	vshll.u32 v11, $0x3;
	v51 =	vand.u32 $0x7E, v11  }
0x342: {  	v52 =	vand.u32 $0x7C, v10;
	v33 =	vmov s5;
	v26 =	vadd.s32 v1, v26  }
0x343: {  	vm14 =	vlt.s32 v11, v4;
	vm15 =	vlt.s32 v10, v4;
	v5 =	vor.u32 v18, v5  }
0x344: {  	v22 =	vld.idx.msk [tilespmem:v48+s12+$0x0], $0xffff;
	s5 =	sadd.s32 $0xFFFFFFFC, s30;
	v18 =	vshll.u32 v10, $0x3;
	v16 =	vor.u32 v17, v16;
	v23 =	vand.u32 $0x1C00, v50  }
0x345: {  	v35 =	vmov s5;
	v37 =	vand.u32 $0x7C, v33;
	vm9 =	vlt.s32 v33, v4  }
0x346: {  	v24 =	vld.idx.msk [tilespmem:v24+s12+$0x0], $0xffff;
	v5 =	vadd.s32 v1, v5;
	v18 =	vand.u32 $0x1C00, v18;
	v38 =	vshll.u32 v35, $0x3  }
0x347: {  	v16 =	vadd.s32 v1, v16;
	v59 =	vand.u32 $0x7F, v35;
	v23 =	vor.u32 v51, v23  }
0x348: {  	vm12 =	vlt.s32 v35, v4;
	v18 =	vor.u32 v52, v18;
	v21 =	vld.idx.msk [tilespmem:v49+s12+$0x0], $0xffff;
	v38 =	vand.u32 $0x1C00, v38  }
0x349: {  	v23 =	vadd.s32 v1, v23;
	v6 =	vld.idx.msk [tilespmem:v7+s12+$0x0], $0xffff;
	v7 =	vand.u32 $0x7F, v22;
	v32 =	vand.u32 $0x7F, v53  }
0x34a: {  	v18 =	vadd.s32 v1, v18;
	v19 =	vld.idx.msk [tilespmem:v8+s12+$0x0], $0xffff;
	v8 =	vshll.u32 v22, $0x3;
	v22 =	vshll.u32 v53, $0x3  }
0x34b: {  	s31 =	sadd.s32 $0xFFFFFFFF, s30;
	s2 =	sadd.s32 $0xFFFFFFFE, s30;
	v8 =	vand.u32 $0xFFFFFC00, v8;
	v22 =	vand.u32 $0xFFFFFC00, v22;
	v56 =	vand.u32 $0x7F, v24  }
0x34c: {  	v8 =	vor.u32 v7, v8;
	v7 =	vmov s2;
	v61 =	vld.idx.msk [tilespmem:v16+s12+$0x0], $0xffff;
	v16 =	vmov s31  }
0x34d: {  	v20 =	vld.idx.msk [tilespmem:v20+s12+$0x0], $0xffff;
	v22 =	vor.u32 v32, v22;
	v8 =	vadd.s32 v2, v8;
	v55 =	vshll.u32 v7, $0x3  }
0x34e: {  	v26 =	vld.idx.msk [tilespmem:v26+s12+$0x0], $0xffff;
	v62 =	vshll.u32 v21, $0x3;
	v41 =	vand.u32 $0x7D, v7;
	v21 =	vand.u32 $0x7F, v21  }
0x34f: {  	v44 =	vand.u32 $0x7E, v16;
	v45 =	vshll.u32 v16, $0x3;
	v22 =	vadd.s32 v2, v22  }
0x350: {  	v17 =	vshll.u32 v6, $0x3;
	v6 =	vand.u32 $0x7F, v6;
	v29 =	vand.u32 $0xFFFFFC00, v62  }
0x351: {  	v13 =	vand.u32 $0x1C00, v45;
	v28 =	vshll.u32 v19, $0x3;
	v19 =	vand.u32 $0x7F, v19  }
0x352: {  	v54 =	vld.idx.msk [tilespmem:v5+s12+$0x0], $0xffff;
	v30 =	vand.u32 $0xFFFFFC00, v17;
	v17 =	vand.u32 $0x7F, v20;
	v20 =	vshll.u32 v20, $0x3  }
0x353: {  	v21 =	vor.u32 v21, v29;
	v48 =	vand.u32 $0x7F, v26;
	v26 =	vshll.u32 v26, $0x3  }
0x354: {  	v52 =	vor.u32 v44, v13;
	v28 =	vand.u32 $0xFFFFFC00, v28;
	v6 =	vor.u32 v6, v30  }
0x355: {  	v30 =	vand.u32 $0x1C00, v55;
	v20 =	vand.u32 $0xFFFFFC00, v20;
	v50 =	vand.u32 $0xFFFFFC00, v26  }
0x356: {  	v14 =	vld.idx.msk [tilespmem:v23+s12+$0x0], $0xffff;
	v21 =	vadd.s32 v2, v21;
	v19 =	vor.u32 v19, v28;
	v5 =	vadd.s32 v2, v6  }
0x357: {  	v6 =	vadd.s32 v1, v15;
	v15 =	vshll.u32 v33, $0x3;
	v39 =	vand.u32 $0x7F, v54  }
0x358: {  	v28 =	vshll.u32 v54, $0x3;
	v30 =	vor.u32 v41, v30;
	v46 =	vand.u32 $0x7F, v61  }
0x359: {  	v18 =	vld.idx.msk [tilespmem:v18+s12+$0x0], $0xffff;
	v49 =	vshll.u32 v61, $0x3;
	v25 =	vor.u32 v48, v50;
	v17 =	vor.u32 v17, v20  }
0x35a: {  	v15 =	vand.u32 $0x1C00, v15;
	v9 =	vadd.s32 v2, v19;
	v30 =	vadd.s32 v1, v30  }
0x35b: {  	v13 =	vand.u32 $0xFFFFFC00, v49;
	v53 =	vand.u32 $0x7F, v14;
	v14 =	vshll.u32 v14, $0x3  }
0x35c: {  	v25 =	vadd.s32 v2, v25;
	v17 =	vadd.s32 v2, v17;
	v57 =	vor.u32 v37, v15  }
0x35d: {  	v15 =	vmov s30;
	v37 =	vor.u32 v59, v38;
	v13 =	vor.u32 v46, v13  }
0x35e: {  	v14 =	vand.u32 $0xFFFFFC00, v14;
	v55 =	vand.u32 $0x7F, v18;
	v18 =	vshll.u32 v18, $0x3  }
0x35f: {  	v20 =	vld.idx.msk [tilespmem:v27+s12+$0x0], $0xffff;
	v19 =	vshll.u32 v15, $0x3;
	v63 =	vand.u32 $0x7F, v15;
	v47 =	vadd.s32 v1, v37  }
0x360: {  	v13 =	vadd.s32 v2, v13;
	v14 =	vor.u32 v53, v14;
	v19 =	vand.u32 $0x1C00, v19  }
0x361: {  	v40 =	vld.idx.msk [tilespmem:v6+s12+$0x0], $0xffff;
	v6 =	vand.u32 $0xFFFFFC00, v28;
	v28 =	vadd.s32 v1, v57;
	v19 =	vor.u32 v63, v19  }
0x362: {  	v6 =	vor.u32 v39, v6;
	v39 =	vand.u32 $0x1C00, v60;
	v51 =	vld.idx.msk [tilespmem:v30+s12+$0x0], $0xffff;
	v19 =	vadd.s32 v1, v19  }
0x363: {  	v11 =	vand.u32 $0xFFFFFC00, v18;
	v30 =	vadd.s32 v1, v52;
	v36 =	vor.u32 v58, v39  }
0x364: {  	v59 =	vand.u32 $0x7F, v20;
	v20 =	vshll.u32 v20, $0x3;
	v36 =	vadd.s32 v1, v36;
	v23 =	vld.idx.msk [tilespmem:v47+s12+$0x0], $0xffff  }
0x365: {  	v14 =	vadd.s32 v2, v14;
	v31 =	vor.u32 v55, v11;
	v20 =	vand.u32 $0xFFFFFC00, v20  }
0x366: {  	v6 =	vadd.s32 v2, v6;
	v20 =	vor.u32 v59, v20;
	v42 =	vshll.u32 v40, $0x3;
	v28 =	vld.idx.msk [tilespmem:v28+s12+$0x0], $0xffff  }
0x367: {  	v40 =	vand.u32 $0x7F, v40;
	v42 =	vand.u32 $0xFFFFFC00, v42;
	v18 =	vshll.u32 v51, $0x3;
	v19 =	vld.idx.msk [tilespmem:v19+s12+$0x0], $0xffff  }
0x368: {  	v30 =	vld.idx.msk [tilespmem:v30+s12+$0x0], $0xffff;
	v26 =	vand.u32 $0x7F, v51;
	v40 =	vor.u32 v40, v42;
	v60 =	vand.u32 $0xFFFFFC00, v18  }
0x369: {  	v18 =	vshll.u32 v24, $0x3;
	v39 =	vadd.s32 v2, v40;
	v54 =	vld.idx.msk [tilespmem:v36+s12+$0x0], $0xffff;
	v12 =	vshll.u32 v23, $0x3  }
0x36a: {  	v23 =	vand.u32 $0x7F, v23;
	v18 =	vand.u32 $0xFFFFFC00, v18;
	[tilespmem:v8+s26+$0x0] =	vst.idx.add.f32.msk vm6, v3;
	v8 =	vadd.s32 v2, v20  }
0x36b: {  	v62 =	vand.u32 $0xFFFFFC00, v12;
	[tilespmem:v22+s26+$0x0] =	vst.idx.add.f32.msk vm5, v3;
	v63 =	vor.u32 v56, v18;
	vm5 =	vlt.s32 v7, v4  }
0x36c: {  	v57 =	vshll.u32 v28, $0x3;
	v28 =	vand.u32 $0x7F, v28;
	v18 =	vor.u32 v23, v62  }
0x36d: {  	v11 =	vand.u32 $0xFFFFFC00, v57;
	v20 =	vshll.u32 v19, $0x3;
	v7 =	vadd.s32 v2, v18  }
0x36e: {  	p0 =	sne.s32 s29, $0xC7;
	v18 =	vand.u32 $0x7F, v19;
	v19 =	vor.u32 v26, v60;
	v10 =	vor.u32 v28, v11  }
.Ltmp4:
0x36f: {  	v20 =	vand.u32 $0xFFFFFC00, v20;
	v58 =	vand.u32 $0x7F, v54;
	v11 =	vadd.s32 v2, v10;
	(pc) =	sbr.rel @p0 .LBB2_11-.Ltmp4, $4  }
0x370: {  	v27 =	vshll.u32 v54, $0x3;
	v10 =	vadd.s32 v2, v31;
	[tilespmem:v39+s26+$0x0] =	vst.idx.add.f32.msk vm0, v3;
	vm0 =	vlt.s32 v16, v4  }
0x371: {  	v18 =	vor.u32 v18, v20;
	v16 =	vadd.s32 v2, v63;
	v27 =	vand.u32 $0xFFFFFC00, v27;
	[tilespmem:v21+s26+$0x0] =	vst.idx.add.f32.msk vm2, v3  }
0x372: {  	v61 =	vor.u32 v58, v27;
	[tilespmem:v25+s26+$0x0] =	vst.idx.add.f32.msk vm4, v3;
	vm4 =	vlt.s32 v15, v4  }
0x373: {  	s29 =	sadd.s32 $0x14, s29;
	v15 =	vand.u32 $0x7F, v30;
	v12 =	vadd.s32 v2, v61;
	[tilespmem:v9+s26+$0x0] =	vst.idx.add.f32.msk vm3, v3;
	v9 =	vshll.u32 v30, $0x3  }
0x374: {  	_ =	sdelay $0x4  }
0x375: {  	[tilespmem:v5+s26+$0x0] =	vst.idx.add.f32.msk vm1, v3  }
0x376: {  	v5 =	vld [tilespmem:$0x1FFC0];
	_ =	sdelay $0x4  }
0x377: {  	vm1 =	vnez.u8 v5;
	_ =	sdelay $0x1  }
0x378: {  	[tilespmem:v13+s26+$0x0] =	vst.idx.add.f32.msk vm10, v3  }
0x379: {  	[tilespmem:v6+s26+$0x0] =	vst.idx.add.f32.msk vm7, v3  }
0x37a: {  	[tilespmem:v16+s26+$0x0] =	vst.idx.add.f32.msk vm8, v3  }
0x37b: {  	[tilespmem:v14+s26+$0x0] =	vst.idx.add.f32.msk vm14, v3  }
0x37c: {  	v4 =	vand.u32 $0xFFFFFC00, v9;
	[tilespmem:v17+s26+$0x0] =	vst.idx.add.f32.msk vm1, v3  }
0x37d: {  	v4 =	vor.u32 v15, v4;
	v5 =	vadd.s32 v2, v19;
	[tilespmem:v11+s26+$0x0] =	vst.idx.add.f32.msk vm9, v3  }
0x37e: {  	v4 =	vadd.s32 v2, v4;
	[tilespmem:v12+s26+$0x0] =	vst.idx.add.f32.msk vm11, v3  }
0x37f: {  	v6 =	vadd.s32 v2, v18;
	[tilespmem:v8+s26+$0x0] =	vst.idx.add.f32.msk vm13, v3  }
0x380: {  	[tilespmem:v7+s26+$0x0] =	vst.idx.add.f32.msk vm12, v3  }
0x381: {  	[tilespmem:v10+s26+$0x0] =	vst.idx.add.f32.msk vm15, v3  }
0x382: {  	[tilespmem:v5+s26+$0x0] =	vst.idx.add.f32.msk vm5, v3  }
0x383: {  	[tilespmem:v4+s26+$0x0] =	vst.idx.add.f32.msk vm0, v3  }
0x384: {  	s0 =	sadd.s32 $0x1800, s28;
	[tilespmem:v6+s26+$0x0] =	vst.idx.add.f32.msk vm4, v3  }
0x385: {  	[hbm4b:s0+s3] =	stream.linear.scatter [tilespmem:s26], [sflag:$0xA], $0x4000, $0x38;
	[tilespmem:$0x10400] =	vst v63  }
0x386: {  	s2 =	smin.u32 s25, $0x15;
	_ =	swait.ge [sflag:s7], $0x4000  }
0x387: {  	s0 =	sshll.u32 s2, $0x4;
	s2 =	rddreg [dreg:$0x1b]  }
0x388: {  	s0 =	sadd.s32 s0, s2  }
0x389: {  	[sflag:s7] =	ssyncset.done $0x0;
	s2 =	sshll.u32 s0, $0x5  }
0x38a: {  	[sflag:s7] =	ssyncadd.s32 $0xFFFFC000;
	s0 =	sshrl.u32 s0, $0x3;
	s2 =	sadd.s32 s4, s2  }
0x38b: {  	[tilespmem:s10], [sflag:$0x3] =	stream.linear.gather [hbm4b:s2+s3], $0x1000, $0x38;
	[tilespmem:$0x10400] =	vst v63  }
0x38c: {  	s5 =	simm.s32 $0x8100;
	s30 =	simm.s32 $0x0;
	s0 =	sadd.s32 s1, s0  }
0x38d: {  	v5 =	vmov s30;
	[tilespmem:s5], [sflag:$0x3] =	stream.linear.gather [hbm4b:s0+s3], $0x10, $0x38;
	[tilespmem:$0x10400] =	vst v63  }
0x38e: {  	s31 =	simm.s32 $0x1;
	v11 =	vimm.s32 $0x0;
	s30 =	simm.s32 $0x3;
	v7 =	vshll.u32 v5, $0x3;
	_ =	swait.ge [sflag:s15], $0x1000  }
0x38f: {  	v8 =	vand.u32 $0x7C, v5;
	v14 =	vmov s30;
	s30 =	simm.s32 $0x6;
	v6 =	vmov s31;
	[sflag:s15] =	ssyncset.done $0x0  }
0x390: {  	v7 =	vand.u32 $0xC00, v7;
	s31 =	simm.s32 $0x4;
	v17 =	vshll.u32 v14, $0x3;
	v19 =	vmov s30;
	[sflag:s15] =	ssyncadd.s32 $0xFFFFF000  }
0x391: {  	v9 =	vshll.u32 v6, $0x3;
	v7 =	vor.u32 v8, v7;
	v15 =	vmov s31;
	_ =	swait.ge [sflag:s15], $0x10  }
0x392: {  	v16 =	vand.u32 $0x7D, v6;
	v21 =	vshll.u32 v19, $0x3;
	v17 =	vand.u32 $0xC00, v17;
	[sflag:s15] =	ssyncset.done $0x0  }
0x393: {  	v25 =	vand.u32 $0x7E, v19;
	v7 =	vadd.s32 v1, v7;
	v9 =	vand.u32 $0xC00, v9;
	[sflag:s15] =	ssyncadd.s32 $0xFFFFFFF0  }
0x394: {  	v20 =	vand.u32 $0x7C, v15;
	v23 =	vshll.u32 v15, $0x3;
	v21 =	vand.u32 $0x1C00, v21;
	s5 =	simm.s32 $0x2;
	v4 =	vld [tilespmem:$0x8200]  }
0x395: {  	v21 =	vor.u32 v25, v21;
	v9 =	vor.u32 v16, v9;
	v12 =	vmov s5;
	s5 =	simm.s32 $0xB  }
0x396: {  	v51 =	vadd.s32 v1, v9;
	v9 =	vand.u32 $0x1C00, v23;
	v10 =	vmov s5  }
0x397: {  	v20 =	vor.u32 v20, v9;
	v8 =	vshll.u32 v12, $0x3;
	s5 =	simm.s32 $0x5;
	v13 =	vshll.u32 v10, $0x3  }
0x398: {  	v8 =	vand.u32 $0xC00, v8;
	v18 =	vmov s5;
	v13 =	vand.u32 $0x1C00, v13  }
0x399: {  	v24 =	vand.u32 $0x7D, v18;
	vm0 =	vlt.s32 v10, v4;
	v10 =	vand.u32 $0x7F, v10  }
0x39a: {  	vm2 =	vlt.s32 v14, v4;
	v14 =	vand.u32 $0x7F, v14;
	vm6 =	vlt.s32 v5, v4  }
0x39b: {  	vm5 =	vlt.s32 v6, v4;
	vm3 =	vlt.s32 v18, v4;
	vm4 =	vlt.s32 v15, v4  }
0x39c: {  	v15 =	vadd.s32 v1, v21;
	vm1 =	vlt.s32 v19, v4;
	v11 =	vsel vm0, $0xFFFFFFFF, v11  }
0x39d: {  	s2 =	simm.s32 $0x8;
	v10 =	vor.u32 v10, v13;
	v13 =	vshll.u32 v18, $0x3;
	v17 =	vor.u32 v14, v17  }
0x39e: {  	s31 =	simm.s32 $0x7;
	v14 =	vmov s2;
	vm0 =	vlt.s32 v12, v4;
	[tilespmem:$0x1FFB0] =	vst v11;
	v11 =	vand.u32 $0x7E, v12  }
0x39f: {  	v5 =	vld.idx.msk [tilespmem:v7+s14+$0x0], $0xffff;
	v22 =	vand.u32 $0x1C00, v13;
	v13 =	vmov s31;
	v7 =	vand.u32 $0x7C, v14  }
0x3a0: {  	s5 =	simm.s32 $0xA;
	v49 =	vshll.u32 v14, $0x3;
	v17 =	vadd.s32 v1, v17;
	v50 =	vadd.s32 v1, v10  }
0x3a1: {  	v10 =	vmov s5;
	v12 =	vadd.s32 v1, v20;
	vm7 =	vlt.s32 v14, v4  }
0x3a2: {  	v22 =	vor.u32 v24, v22;
	v48 =	vshll.u32 v13, $0x3;
	v21 =	vand.u32 $0x1C00, v49  }
0x3a3: {  	s30 =	simm.s32 $0xE;
	s5 =	simm.s32 $0x9;
	v16 =	vor.u32 v11, v8;
	v52 =	vshll.u32 v10, $0x3;
	v53 =	vand.u32 $0x7E, v10  }
0x3a4: {  	v11 =	vmov s30;
	v31 =	vmov s5;
	vm10 =	vlt.s32 v13, v4  }
0x3a5: {  	s2 =	simm.s32 $0x11;
	vm14 =	vlt.s32 v10, v4;
	v6 =	vadd.s32 v1, v22;
	v18 =	vand.u32 $0x1C00, v48  }
0x3a6: {  	s30 =	simm.s32 $0xC;
	v21 =	vor.u32 v7, v21;
	v54 =	vshll.u32 v11, $0x3;
	v7 =	vmov s2  }
0x3a7: {  	s5 =	simm.s32 $0xF;
	v55 =	vand.u32 $0x7E, v11;
	v33 =	vmov s30;
	v25 =	vand.u32 $0x1C00, v52  }
0x3a8: {  	v58 =	vshll.u32 v31, $0x3;
	v35 =	vmov s5;
	v36 =	vand.u32 $0x7D, v31  }
0x3a9: {  	vm8 =	vlt.s32 v31, v4;
	vm13 =	vlt.s32 v11, v4;
	v8 =	vshll.u32 v5, $0x3  }
0x3aa: {  	v5 =	vand.u32 $0x7F, v5;
	v21 =	vadd.s32 v1, v21;
	v37 =	vand.u32 $0x7C, v33  }
0x3ab: {  	v38 =	vshll.u32 v35, $0x3;
	v61 =	vand.u32 $0x7F, v35;
	v45 =	vand.u32 $0x7D, v7  }
0x3ac: {  	s31 =	simm.s32 $0x10;
	v24 =	vld.idx.msk [tilespmem:v51+s14+$0x0], $0xffff;
	v23 =	vor.u32 v53, v25;
	vm9 =	vlt.s32 v33, v4;
	vm12 =	vlt.s32 v35, v4  }
0x3ad: {  	v26 =	vand.u32 $0xFFFFFC00, v8;
	v8 =	vmov s31;
	v38 =	vand.u32 $0x1C00, v38  }
0x3ae: {  	s31 =	simm.s32 $0xD;
	v23 =	vadd.s32 v1, v23;
	v19 =	vand.u32 $0x7C, v8;
	v27 =	vshll.u32 v8, $0x3  }
0x3af: {  	v5 =	vor.u32 v5, v26;
	v34 =	vmov s31;
	v26 =	vand.u32 $0x1C00, v54  }
0x3b0: {  	v20 =	vor.u32 v61, v38;
	vm15 =	vlt.s32 v8, v4;
	v9 =	vadd.s32 v2, v5  }
0x3b1: {  	v15 =	vld.idx.msk [tilespmem:v15+s14+$0x0], $0xffff;
	v5 =	vand.u32 $0x7F, v13;
	v27 =	vand.u32 $0x1C00, v27;
	v56 =	vand.u32 $0x7F, v24  }
0x3b2: {  	s31 =	simm.s32 $0x12;
	v24 =	vshll.u32 v24, $0x3;
	v40 =	vshll.u32 v34, $0x3;
	v26 =	vor.u32 v55, v26  }
0x3b3: {  	v46 =	vmov s31;
	v20 =	vadd.s32 v1, v20;
	vm11 =	vlt.s32 v34, v4  }
0x3b4: {  	v22 =	vld.idx.msk [tilespmem:v50+s14+$0x0], $0xffff;
	v18 =	vor.u32 v5, v18;
	v19 =	vor.u32 v19, v27;
	v27 =	vand.u32 $0x1C00, v58  }
0x3b5: {  	v17 =	vld.idx.msk [tilespmem:v17+s14+$0x0], $0xffff;
	v62 =	vand.u32 $0x1C00, v40;
	v48 =	vand.u32 $0x7E, v46;
	v49 =	vshll.u32 v46, $0x3  }
0x3b6: {  	v12 =	vld.idx.msk [tilespmem:v12+s14+$0x0], $0xffff;
	v24 =	vand.u32 $0xFFFFFC00, v24;
	v26 =	vadd.s32 v1, v26;
	v29 =	vshll.u32 v15, $0x3  }
0x3b7: {  	v15 =	vand.u32 $0x7F, v15;
	v18 =	vadd.s32 v1, v18;
	v27 =	vor.u32 v36, v27  }
0x3b8: {  	v6 =	vld.idx.msk [tilespmem:v6+s14+$0x0], $0xffff;
	v19 =	vadd.s32 v1, v19;
	v13 =	vand.u32 $0x1C00, v49;
	v24 =	vor.u32 v56, v24  }
0x3b9: {  	v29 =	vand.u32 $0xFFFFFC00, v29;
	v27 =	vadd.s32 v1, v27;
	v52 =	vor.u32 v48, v13  }
0x3ba: {  	v24 =	vadd.s32 v2, v24;
	v30 =	vand.u32 $0x7F, v22;
	v22 =	vshll.u32 v22, $0x3  }
0x3bb: {  	v63 =	vshll.u32 v17, $0x3;
	v17 =	vand.u32 $0x7F, v17;
	v51 =	vand.u32 $0x7F, v12  }
0x3bc: {  	v14 =	vld.idx.msk [tilespmem:v23+s14+$0x0], $0xffff;
	v12 =	vshll.u32 v12, $0x3;
	v23 =	vadd.s32 v1, v52;
	v22 =	vand.u32 $0xFFFFFC00, v22  }
0x3bd: {  	v12 =	vand.u32 $0xFFFFFC00, v12;
	v28 =	vshll.u32 v6, $0x3;
	v6 =	vand.u32 $0x7F, v6  }
0x3be: {  	v12 =	vor.u32 v51, v12;
	v22 =	vor.u32 v30, v22;
	v5 =	vand.u32 $0xFFFFFC00, v28  }
0x3bf: {  	v28 =	vand.u32 $0xFFFFFC00, v63;
	v32 =	vor.u32 v6, v5;
	v5 =	vor.u32 v15, v29  }
0x3c0: {  	v18 =	vld.idx.msk [tilespmem:v18+s14+$0x0], $0xffff;
	v6 =	vshll.u32 v7, $0x3;
	v15 =	vadd.s32 v1, v16;
	v17 =	vor.u32 v17, v28  }
0x3c1: {  	v19 =	vld.idx.msk [tilespmem:v19+s14+$0x0], $0xffff;
	v53 =	vand.u32 $0x7F, v14;
	v14 =	vshll.u32 v14, $0x3;
	v5 =	vadd.s32 v2, v5  }
0x3c2: {  	v16 =	vld.idx.msk [tilespmem:v21+s14+$0x0], $0xffff;
	v57 =	vand.u32 $0x1C00, v6;
	v6 =	vshll.u32 v33, $0x3;
	v32 =	vadd.s32 v2, v32  }
0x3c3: {  	v20 =	vld.idx.msk [tilespmem:v20+s14+$0x0], $0xffff;
	v14 =	vand.u32 $0xFFFFFC00, v14;
	v56 =	vadd.s32 v2, v17;
	v6 =	vand.u32 $0x1C00, v6  }
0x3c4: {  	v21 =	vor.u32 v45, v57;
	v14 =	vor.u32 v53, v14;
	v59 =	vor.u32 v37, v6  }
0x3c5: {  	v21 =	vadd.s32 v1, v21;
	v14 =	vadd.s32 v2, v14;
	v36 =	vadd.s32 v1, v59  }
0x3c6: {  	v50 =	vand.u32 $0x7F, v18;
	v18 =	vshll.u32 v18, $0x3;
	v55 =	vand.u32 $0x7F, v19  }
0x3c7: {  	s30 =	simm.s32 $0x13;
	v27 =	vld.idx.msk [tilespmem:v27+s14+$0x0], $0xffff;
	v17 =	vshll.u32 v19, $0x3;
	v39 =	vand.u32 $0x7F, v16;
	v16 =	vshll.u32 v16, $0x3  }
0x3c8: {  	v59 =	vshll.u32 v20, $0x3;
	v60 =	vld.idx.msk [tilespmem:v15+s14+$0x0], $0xffff;
	v15 =	vmov s30;
	v16 =	vand.u32 $0xFFFFFC00, v16  }
0x3c9: {  	v41 =	vshll.u32 v15, $0x3;
	v6 =	vor.u32 v39, v16;
	v16 =	vand.u32 $0x7D, v34  }
0x3ca: {  	v47 =	vand.u32 $0x7F, v15;
	v41 =	vand.u32 $0x1C00, v41;
	v16 =	vor.u32 v16, v62  }
0x3cb: {  	v19 =	vld.idx.msk [tilespmem:v26+s14+$0x0], $0xffff;
	v18 =	vand.u32 $0xFFFFFC00, v18;
	v25 =	vor.u32 v47, v41;
	v16 =	vadd.s32 v1, v16  }
0x3cc: {  	v20 =	vand.u32 $0x7F, v20;
	v13 =	vor.u32 v50, v18;
	v18 =	vld.idx.msk [tilespmem:v21+s14+$0x0], $0xffff;
	v25 =	vadd.s32 v1, v25  }
0x3cd: {  	v57 =	vand.u32 $0x7F, v27;
	v10 =	vand.u32 $0xFFFFFC00, v17;
	v54 =	vld.idx.msk [tilespmem:v36+s14+$0x0], $0xffff;
	v42 =	vshll.u32 v60, $0x3  }
0x3ce: {  	v10 =	vor.u32 v55, v10;
	v37 =	vand.u32 $0x7F, v60;
	v42 =	vand.u32 $0xFFFFFC00, v42  }
0x3cf: {  	v23 =	vld.idx.msk [tilespmem:v23+s14+$0x0], $0xffff;
	v13 =	vadd.s32 v2, v13;
	v10 =	vadd.s32 v2, v10;
	v37 =	vor.u32 v37, v42  }
0x3d0: {  	v6 =	vadd.s32 v2, v6;
	v61 =	vand.u32 $0x7F, v19;
	v37 =	vadd.s32 v2, v37;
	v16 =	vld.idx.msk [tilespmem:v16+s14+$0x0], $0xffff  }
0x3d1: {  	v60 =	vadd.s32 v2, v12;
	v17 =	vshll.u32 v18, $0x3;
	v63 =	vand.u32 $0x7F, v18;
	v25 =	vld.idx.msk [tilespmem:v25+s14+$0x0], $0xffff  }
0x3d2: {  	v58 =	vshll.u32 v54, $0x3;
	v28 =	vand.u32 $0x7F, v54;
	[tilespmem:v9+s23+$0x0] =	vst.idx.add.f32.msk vm6, v3;
	v9 =	vand.u32 $0xFFFFFC00, v59  }
0x3d3: {  	v62 =	vand.u32 $0xFFFFFC00, v17;
	v11 =	vand.u32 $0xFFFFFC00, v58;
	[tilespmem:v24+s23+$0x0] =	vst.idx.add.f32.msk vm5, v3;
	v9 =	vor.u32 v20, v9  }
0x3d4: {  	vm5 =	vlt.s32 v7, v4;
	v11 =	vor.u32 v28, v11;
	v7 =	vadd.s32 v2, v9  }
0x3d5: {  	v17 =	vshll.u32 v27, $0x3;
	v11 =	vadd.s32 v2, v11;
	[tilespmem:v37+s23+$0x0] =	vst.idx.add.f32.msk vm0, v3;
	vm0 =	vlt.s32 v46, v4  }
0x3d6: {  	v12 =	vand.u32 $0x7F, v16;
	v16 =	vshll.u32 v16, $0x3;
	[tilespmem:v56+s23+$0x0] =	vst.idx.add.f32.msk vm2, v3;
	v9 =	vand.u32 $0x7F, v25  }
0x3d7: {  	v16 =	vand.u32 $0xFFFFFC00, v16;
	[tilespmem:v60+s23+$0x0] =	vst.idx.add.f32.msk vm4, v3;
	vm4 =	vlt.s32 v15, v4;
	v15 =	vand.u32 $0x7F, v23  }
0x3d8: {  	v12 =	vor.u32 v12, v16;
	v16 =	vshll.u32 v19, $0x3;
	v19 =	vand.u32 $0xFFFFFC00, v17  }
0x3d9: {  	v17 =	vadd.s32 v2, v22;
	v8 =	vand.u32 $0xFFFFFC00, v16;
	v16 =	vshll.u32 v25, $0x3  }
0x3da: {  	v12 =	vadd.s32 v2, v12;
	v8 =	vor.u32 v61, v8;
	v16 =	vand.u32 $0xFFFFFC00, v16  }
0x3db: {  	v19 =	vor.u32 v57, v19;
	v8 =	vadd.s32 v2, v8;
	v18 =	vor.u32 v9, v16  }
0x3dc: {  	s29 =	simm.s32 $0x27;
	[tilespmem:v32+s23+$0x0] =	vst.idx.add.f32.msk vm3, v3;
	v16 =	vadd.s32 v2, v19;
	v19 =	vor.u32 v63, v62;
	v9 =	vshll.u32 v23, $0x3  }
.LBB2_13:
0x3dd: {  	s0 =	sadd.s32 $0xFFFFFFED, s29  }
0x3de: {  	[tilespmem:v5+s23+$0x0] =	vst.idx.add.f32.msk vm1, v3;
	v20 =	vmov s0  }
0x3df: {  	v5 =	vadd.s32 v2, v19;
	v19 =	vand.u32 $0xFFFFFC00, v9;
	[tilespmem:v13+s23+$0x0] =	vst.idx.add.f32.msk vm10, v3;
	v22 =	vshll.u32 v20, $0x3  }
0x3e0: {  	v13 =	vand.u32 $0x7C, v20;
	[tilespmem:v6+s23+$0x0] =	vst.idx.add.f32.msk vm7, v3;
	v6 =	vor.u32 v15, v19;
	v15 =	vand.u32 $0xC00, v22  }
0x3e1: {  	v13 =	vor.u32 v13, v15  }
0x3e2: {  	v48 =	vadd.s32 v1, v13;
	v13 =	vld [tilespmem:$0x1FFB0];
	_ =	sdelay $0x4  }
0x3e3: {  	s2 =	sadd.s32 $0xFFFFFFEE, s29;
	s5 =	sadd.s32 $0xFFFFFFEF, s29;
	vm1 =	vnez.u8 v13  }
0x3e4: {  	v18 =	vadd.s32 v2, v18;
	s30 =	smov.u32 s29;
	s31 =	sadd.s32 $0xFFFFFFF6, s29;
	v21 =	vmov s2;
	v9 =	vmov s5  }
0x3e5: {  	v31 =	vmov s31;
	s31 =	sadd.s32 $0xFFFFFFFA, s30;
	v19 =	vshll.u32 v21, $0x3;
	vm6 =	vlt.s32 v20, v4  }
0x3e6: {  	s2 =	sadd.s32 $0xFFFFFFF8, s29;
	v34 =	vmov s31;
	v56 =	vshll.u32 v31, $0x3;
	v36 =	vand.u32 $0x7D, v31  }
0x3e7: {  	[tilespmem:v16+s23+$0x0] =	vst.idx.add.f32.msk vm8, v3;
	v6 =	vadd.s32 v2, v6;
	v16 =	vmov s2;
	v58 =	vand.u32 $0x7D, v34  }
0x3e8: {  	s2 =	sadd.s32 $0xFFFFFFF1, s30;
	v60 =	vshll.u32 v34, $0x3;
	vm8 =	vlt.s32 v31, v4;
	v15 =	vshll.u32 v9, $0x3;
	[tilespmem:v14+s23+$0x0] =	vst.idx.add.f32.msk vm14, v3  }
0x3e9: {  	v23 =	vmov s2;
	v13 =	vimm.s32 $0x0;
	[tilespmem:v17+s23+$0x0] =	vst.idx.add.f32.msk vm1, v3;
	vm1 =	vlt.s32 v16, v4  }
0x3ea: {  	s5 =	sadd.s32 $0xFFFFFFF0, s30;
	v14 =	vand.u32 $0x7F, v16;
	v15 =	vand.u32 $0xC00, v15;
	v13 =	vsel vm1, $0xFFFFFFFF, v13;
	[tilespmem:v11+s23+$0x0] =	vst.idx.add.f32.msk vm9, v3  }
0x3eb: {  	v17 =	vand.u32 $0xC00, v19;
	v19 =	vand.u32 $0x7E, v9;
	v11 =	vmov s5;
	[tilespmem:$0x1FFB0] =	vst v13  }
0x3ec: {  	s5 =	sadd.s32 $0xFFFFFFF2, s30;
	v15 =	vor.u32 v19, v15;
	v13 =	vshll.u32 v16, $0x3;
	[tilespmem:v12+s23+$0x0] =	vst.idx.add.f32.msk vm11, v3;
	v12 =	vand.u32 $0x7D, v21  }
0x3ed: {  	vm2 =	vlt.s32 v11, v4;
	v16 =	vmov s5;
	s5 =	sadd.s32 $0xFFFFFFF3, s30;
	vm11 =	vlt.s32 v34, v4  }
0x3ee: {  	v13 =	vand.u32 $0x1C00, v13;
	[tilespmem:v8+s23+$0x0] =	vst.idx.add.f32.msk vm13, v3;
	v8 =	vshll.u32 v11, $0x3;
	v24 =	vmov s5  }
0x3ef: {  	vm3 =	vlt.s32 v16, v4;
	v12 =	vor.u32 v12, v17;
	[tilespmem:v7+s23+$0x0] =	vst.idx.add.f32.msk vm12, v3;
	v7 =	vand.u32 $0x7F, v11  }
0x3f0: {  	s2 =	sadd.s32 $0xFFFFFFFB, s30;
	v11 =	vor.u32 v14, v13;
	v13 =	vshll.u32 v16, $0x3;
	v14 =	vshll.u32 v24, $0x3  }
0x3f1: {  	v25 =	vand.u32 $0x7E, v24;
	v17 =	vadd.s32 v1, v12;
	v12 =	vmov s2  }
0x3f2: {  	vm1 =	vlt.s32 v24, v4;
	v24 =	vand.u32 $0x1C00, v56;
	[tilespmem:v10+s23+$0x0] =	vst.idx.add.f32.msk vm15, v3;
	v10 =	vand.u32 $0x7C, v23  }
0x3f3: {  	v27 =	vshll.u32 v12, $0x3;
	v29 =	vand.u32 $0x7E, v12;
	v24 =	vor.u32 v36, v24  }
0x3f4: {  	s5 =	sadd.s32 $0xFFFFFFF4, s30;
	vm13 =	vlt.s32 v12, v4;
	[tilespmem:v5+s23+$0x0] =	vst.idx.add.f32.msk vm5, v3;
	v5 =	vand.u32 $0xC00, v8;
	v8 =	vand.u32 $0x1C00, v13  }
0x3f5: {  	v13 =	vmov s5;
	vm5 =	vlt.s32 v21, v4;
	v27 =	vand.u32 $0x1C00, v27  }
0x3f6: {  	s5 =	sadd.s32 $0xFFFFFFF5, s30;
	v24 =	vadd.s32 v1, v24;
	[tilespmem:v6+s23+$0x0] =	vst.idx.add.f32.msk vm0, v3;
	v5 =	vor.u32 v7, v5;
	v6 =	vshll.u32 v23, $0x3  }
0x3f7: {  	v7 =	vand.u32 $0x1C00, v14;
	v14 =	vmov s5;
	vm0 =	vlt.s32 v9, v4  }
0x3f8: {  	v27 =	vor.u32 v29, v27;
	vm10 =	vlt.s32 v13, v4;
	[tilespmem:v18+s23+$0x0] =	vst.idx.add.f32.msk vm4, v3;
	v18 =	vand.u32 $0x7D, v16  }
0x3f9: {  	v7 =	vor.u32 v25, v7;
	vm4 =	vlt.s32 v23, v4;
	v20 =	vshll.u32 v14, $0x3  }
0x3fa: {  	v49 =	vadd.s32 v1, v5;
	v6 =	vand.u32 $0x1C00, v6;
	vm7 =	vlt.s32 v14, v4  }
0x3fb: {  	v27 =	vadd.s32 v1, v27;
	v8 =	vor.u32 v18, v8;
	v18 =	vshll.u32 v13, $0x3  }
0x3fc: {  	s0 =	sadd.s32 $0xFFFFFFF7, s29;
	s5 =	sadd.s32 $0xFFFFFFFD, s30;
	v7 =	vadd.s32 v1, v7;
	v5 =	vand.u32 $0x1C00, v20;
	v20 =	vadd.s32 v1, v11  }
0x3fd: {  	v11 =	vmov s0;
	v26 =	vor.u32 v10, v6;
	v10 =	vmov s5  }
0x3fe: {  	v53 =	vld.idx.msk [tilespmem:v17+s14+$0x0], $0xffff;
	v17 =	vand.u32 $0x7F, v13;
	v8 =	vadd.s32 v1, v8;
	v16 =	vand.u32 $0x1C00, v18  }
0x3ff: {  	s5 =	sadd.s32 $0xFFFFFFF9, s30;
	v18 =	vand.u32 $0x7C, v14;
	v50 =	vshll.u32 v11, $0x3;
	v51 =	vand.u32 $0x7E, v11  }
0x400: {  	v52 =	vand.u32 $0x7C, v10;
	v33 =	vmov s5;
	v26 =	vadd.s32 v1, v26  }
0x401: {  	vm14 =	vlt.s32 v11, v4;
	vm15 =	vlt.s32 v10, v4;
	v5 =	vor.u32 v18, v5  }
0x402: {  	v22 =	vld.idx.msk [tilespmem:v48+s14+$0x0], $0xffff;
	s5 =	sadd.s32 $0xFFFFFFFC, s30;
	v18 =	vshll.u32 v10, $0x3;
	v16 =	vor.u32 v17, v16;
	v23 =	vand.u32 $0x1C00, v50  }
0x403: {  	v35 =	vmov s5;
	v37 =	vand.u32 $0x7C, v33;
	vm9 =	vlt.s32 v33, v4  }
0x404: {  	v24 =	vld.idx.msk [tilespmem:v24+s14+$0x0], $0xffff;
	v5 =	vadd.s32 v1, v5;
	v18 =	vand.u32 $0x1C00, v18;
	v38 =	vshll.u32 v35, $0x3  }
0x405: {  	v16 =	vadd.s32 v1, v16;
	v59 =	vand.u32 $0x7F, v35;
	v23 =	vor.u32 v51, v23  }
0x406: {  	vm12 =	vlt.s32 v35, v4;
	v18 =	vor.u32 v52, v18;
	v21 =	vld.idx.msk [tilespmem:v49+s14+$0x0], $0xffff;
	v38 =	vand.u32 $0x1C00, v38  }
0x407: {  	v23 =	vadd.s32 v1, v23;
	v6 =	vld.idx.msk [tilespmem:v7+s14+$0x0], $0xffff;
	v7 =	vand.u32 $0x7F, v22;
	v32 =	vand.u32 $0x7F, v53  }
0x408: {  	v18 =	vadd.s32 v1, v18;
	v19 =	vld.idx.msk [tilespmem:v8+s14+$0x0], $0xffff;
	v8 =	vshll.u32 v22, $0x3;
	v22 =	vshll.u32 v53, $0x3  }
0x409: {  	s31 =	sadd.s32 $0xFFFFFFFF, s30;
	s2 =	sadd.s32 $0xFFFFFFFE, s30;
	v8 =	vand.u32 $0xFFFFFC00, v8;
	v22 =	vand.u32 $0xFFFFFC00, v22;
	v56 =	vand.u32 $0x7F, v24  }
0x40a: {  	v8 =	vor.u32 v7, v8;
	v7 =	vmov s2;
	v61 =	vld.idx.msk [tilespmem:v16+s14+$0x0], $0xffff;
	v16 =	vmov s31  }
0x40b: {  	v20 =	vld.idx.msk [tilespmem:v20+s14+$0x0], $0xffff;
	v22 =	vor.u32 v32, v22;
	v8 =	vadd.s32 v2, v8;
	v55 =	vshll.u32 v7, $0x3  }
0x40c: {  	v26 =	vld.idx.msk [tilespmem:v26+s14+$0x0], $0xffff;
	v62 =	vshll.u32 v21, $0x3;
	v41 =	vand.u32 $0x7D, v7;
	v21 =	vand.u32 $0x7F, v21  }
0x40d: {  	v44 =	vand.u32 $0x7E, v16;
	v45 =	vshll.u32 v16, $0x3;
	v22 =	vadd.s32 v2, v22  }
0x40e: {  	v17 =	vshll.u32 v6, $0x3;
	v6 =	vand.u32 $0x7F, v6;
	v29 =	vand.u32 $0xFFFFFC00, v62  }
0x40f: {  	v13 =	vand.u32 $0x1C00, v45;
	v28 =	vshll.u32 v19, $0x3;
	v19 =	vand.u32 $0x7F, v19  }
0x410: {  	v54 =	vld.idx.msk [tilespmem:v5+s14+$0x0], $0xffff;
	v30 =	vand.u32 $0xFFFFFC00, v17;
	v17 =	vand.u32 $0x7F, v20;
	v20 =	vshll.u32 v20, $0x3  }
0x411: {  	v21 =	vor.u32 v21, v29;
	v48 =	vand.u32 $0x7F, v26;
	v26 =	vshll.u32 v26, $0x3  }
0x412: {  	v52 =	vor.u32 v44, v13;
	v28 =	vand.u32 $0xFFFFFC00, v28;
	v6 =	vor.u32 v6, v30  }
0x413: {  	v30 =	vand.u32 $0x1C00, v55;
	v20 =	vand.u32 $0xFFFFFC00, v20;
	v50 =	vand.u32 $0xFFFFFC00, v26  }
0x414: {  	v14 =	vld.idx.msk [tilespmem:v23+s14+$0x0], $0xffff;
	v21 =	vadd.s32 v2, v21;
	v19 =	vor.u32 v19, v28;
	v5 =	vadd.s32 v2, v6  }
0x415: {  	v6 =	vadd.s32 v1, v15;
	v15 =	vshll.u32 v33, $0x3;
	v39 =	vand.u32 $0x7F, v54  }
0x416: {  	v28 =	vshll.u32 v54, $0x3;
	v30 =	vor.u32 v41, v30;
	v46 =	vand.u32 $0x7F, v61  }
0x417: {  	v18 =	vld.idx.msk [tilespmem:v18+s14+$0x0], $0xffff;
	v49 =	vshll.u32 v61, $0x3;
	v25 =	vor.u32 v48, v50;
	v17 =	vor.u32 v17, v20  }
0x418: {  	v15 =	vand.u32 $0x1C00, v15;
	v9 =	vadd.s32 v2, v19;
	v30 =	vadd.s32 v1, v30  }
0x419: {  	v13 =	vand.u32 $0xFFFFFC00, v49;
	v53 =	vand.u32 $0x7F, v14;
	v14 =	vshll.u32 v14, $0x3  }
0x41a: {  	v25 =	vadd.s32 v2, v25;
	v17 =	vadd.s32 v2, v17;
	v57 =	vor.u32 v37, v15  }
0x41b: {  	v15 =	vmov s30;
	v37 =	vor.u32 v59, v38;
	v13 =	vor.u32 v46, v13  }
0x41c: {  	v14 =	vand.u32 $0xFFFFFC00, v14;
	v55 =	vand.u32 $0x7F, v18;
	v18 =	vshll.u32 v18, $0x3  }
0x41d: {  	v20 =	vld.idx.msk [tilespmem:v27+s14+$0x0], $0xffff;
	v19 =	vshll.u32 v15, $0x3;
	v63 =	vand.u32 $0x7F, v15;
	v47 =	vadd.s32 v1, v37  }
0x41e: {  	v13 =	vadd.s32 v2, v13;
	v14 =	vor.u32 v53, v14;
	v19 =	vand.u32 $0x1C00, v19  }
0x41f: {  	v40 =	vld.idx.msk [tilespmem:v6+s14+$0x0], $0xffff;
	v6 =	vand.u32 $0xFFFFFC00, v28;
	v28 =	vadd.s32 v1, v57;
	v19 =	vor.u32 v63, v19  }
0x420: {  	v6 =	vor.u32 v39, v6;
	v39 =	vand.u32 $0x1C00, v60;
	v51 =	vld.idx.msk [tilespmem:v30+s14+$0x0], $0xffff;
	v19 =	vadd.s32 v1, v19  }
0x421: {  	v11 =	vand.u32 $0xFFFFFC00, v18;
	v30 =	vadd.s32 v1, v52;
	v36 =	vor.u32 v58, v39  }
0x422: {  	v59 =	vand.u32 $0x7F, v20;
	v20 =	vshll.u32 v20, $0x3;
	v36 =	vadd.s32 v1, v36;
	v23 =	vld.idx.msk [tilespmem:v47+s14+$0x0], $0xffff  }
0x423: {  	v14 =	vadd.s32 v2, v14;
	v31 =	vor.u32 v55, v11;
	v20 =	vand.u32 $0xFFFFFC00, v20  }
0x424: {  	v6 =	vadd.s32 v2, v6;
	v20 =	vor.u32 v59, v20;
	v42 =	vshll.u32 v40, $0x3;
	v28 =	vld.idx.msk [tilespmem:v28+s14+$0x0], $0xffff  }
0x425: {  	v40 =	vand.u32 $0x7F, v40;
	v42 =	vand.u32 $0xFFFFFC00, v42;
	v18 =	vshll.u32 v51, $0x3;
	v19 =	vld.idx.msk [tilespmem:v19+s14+$0x0], $0xffff  }
0x426: {  	v30 =	vld.idx.msk [tilespmem:v30+s14+$0x0], $0xffff;
	v26 =	vand.u32 $0x7F, v51;
	v40 =	vor.u32 v40, v42;
	v60 =	vand.u32 $0xFFFFFC00, v18  }
0x427: {  	v18 =	vshll.u32 v24, $0x3;
	v39 =	vadd.s32 v2, v40;
	v54 =	vld.idx.msk [tilespmem:v36+s14+$0x0], $0xffff;
	v12 =	vshll.u32 v23, $0x3  }
0x428: {  	v23 =	vand.u32 $0x7F, v23;
	v18 =	vand.u32 $0xFFFFFC00, v18;
	[tilespmem:v8+s23+$0x0] =	vst.idx.add.f32.msk vm6, v3;
	v8 =	vadd.s32 v2, v20  }
0x429: {  	v62 =	vand.u32 $0xFFFFFC00, v12;
	[tilespmem:v22+s23+$0x0] =	vst.idx.add.f32.msk vm5, v3;
	v63 =	vor.u32 v56, v18;
	vm5 =	vlt.s32 v7, v4  }
0x42a: {  	v57 =	vshll.u32 v28, $0x3;
	v28 =	vand.u32 $0x7F, v28;
	v18 =	vor.u32 v23, v62  }
0x42b: {  	v11 =	vand.u32 $0xFFFFFC00, v57;
	v20 =	vshll.u32 v19, $0x3;
	v7 =	vadd.s32 v2, v18  }
0x42c: {  	p0 =	sne.s32 s29, $0xC7;
	v18 =	vand.u32 $0x7F, v19;
	v19 =	vor.u32 v26, v60;
	v10 =	vor.u32 v28, v11  }
.Ltmp5:
0x42d: {  	v20 =	vand.u32 $0xFFFFFC00, v20;
	v58 =	vand.u32 $0x7F, v54;
	v11 =	vadd.s32 v2, v10;
	(pc) =	sbr.rel @p0 .LBB2_13-.Ltmp5, $4  }
0x42e: {  	v27 =	vshll.u32 v54, $0x3;
	v10 =	vadd.s32 v2, v31;
	[tilespmem:v39+s23+$0x0] =	vst.idx.add.f32.msk vm0, v3;
	vm0 =	vlt.s32 v16, v4  }
0x42f: {  	v18 =	vor.u32 v18, v20;
	v16 =	vadd.s32 v2, v63;
	v27 =	vand.u32 $0xFFFFFC00, v27;
	[tilespmem:v21+s23+$0x0] =	vst.idx.add.f32.msk vm2, v3  }
0x430: {  	v61 =	vor.u32 v58, v27;
	[tilespmem:v25+s23+$0x0] =	vst.idx.add.f32.msk vm4, v3;
	vm4 =	vlt.s32 v15, v4  }
0x431: {  	s29 =	sadd.s32 $0x14, s29;
	v15 =	vand.u32 $0x7F, v30;
	v12 =	vadd.s32 v2, v61;
	[tilespmem:v9+s23+$0x0] =	vst.idx.add.f32.msk vm3, v3;
	v9 =	vshll.u32 v30, $0x3  }
0x432: {  	_ =	sdelay $0x4  }
0x433: {  	[tilespmem:v5+s23+$0x0] =	vst.idx.add.f32.msk vm1, v3  }
0x434: {  	v5 =	vld [tilespmem:$0x1FFB0];
	_ =	sdelay $0x4  }
0x435: {  	vm1 =	vnez.u8 v5;
	_ =	sdelay $0x1  }
0x436: {  	[tilespmem:v13+s23+$0x0] =	vst.idx.add.f32.msk vm10, v3  }
0x437: {  	[tilespmem:v6+s23+$0x0] =	vst.idx.add.f32.msk vm7, v3  }
0x438: {  	[tilespmem:v16+s23+$0x0] =	vst.idx.add.f32.msk vm8, v3  }
0x439: {  	[tilespmem:v14+s23+$0x0] =	vst.idx.add.f32.msk vm14, v3  }
0x43a: {  	v4 =	vand.u32 $0xFFFFFC00, v9;
	[tilespmem:v17+s23+$0x0] =	vst.idx.add.f32.msk vm1, v3  }
0x43b: {  	v4 =	vor.u32 v15, v4;
	v5 =	vadd.s32 v2, v19;
	[tilespmem:v11+s23+$0x0] =	vst.idx.add.f32.msk vm9, v3  }
0x43c: {  	v4 =	vadd.s32 v2, v4;
	[tilespmem:v12+s23+$0x0] =	vst.idx.add.f32.msk vm11, v3  }
0x43d: {  	v6 =	vadd.s32 v2, v18;
	[tilespmem:v8+s23+$0x0] =	vst.idx.add.f32.msk vm13, v3  }
0x43e: {  	[tilespmem:v7+s23+$0x0] =	vst.idx.add.f32.msk vm12, v3  }
0x43f: {  	[tilespmem:v10+s23+$0x0] =	vst.idx.add.f32.msk vm15, v3  }
0x440: {  	[tilespmem:v5+s23+$0x0] =	vst.idx.add.f32.msk vm5, v3  }
0x441: {  	[tilespmem:v4+s23+$0x0] =	vst.idx.add.f32.msk vm0, v3  }
0x442: {  	s0 =	sadd.s32 $0x2000, s28;
	[tilespmem:v6+s23+$0x0] =	vst.idx.add.f32.msk vm4, v3  }
0x443: {  	[hbm4b:s0+s3] =	stream.linear.scatter [tilespmem:s23], [sflag:$0x9], $0x4000, $0x38;
	[tilespmem:$0x10400] =	vst v63  }
0x444: {  	s2 =	smin.u32 s25, $0x14;
	_ =	swait.ge [sflag:s11], $0x4000  }
0x445: {  	s0 =	sshll.u32 s2, $0x4;
	s2 =	rddreg [dreg:$0x1c]  }
0x446: {  	s0 =	sadd.s32 s0, s2  }
0x447: {  	[sflag:s11] =	ssyncset.done $0x0;
	s2 =	sshll.u32 s0, $0x5  }
0x448: {  	[sflag:s11] =	ssyncadd.s32 $0xFFFFC000;
	s0 =	sshrl.u32 s0, $0x3;
	s2 =	sadd.s32 s4, s2  }
0x449: {  	[tilespmem:s12], [sflag:$0x4] =	stream.linear.gather [hbm4b:s2+s3], $0x1000, $0x38;
	[tilespmem:$0x10400] =	vst v63  }
0x44a: {  	s5 =	simm.s32 $0x8180;
	s30 =	simm.s32 $0x0;
	s0 =	sadd.s32 s1, s0  }
0x44b: {  	v5 =	vmov s30;
	[tilespmem:s5], [sflag:$0x4] =	stream.linear.gather [hbm4b:s0+s3], $0x10, $0x38;
	[tilespmem:$0x10400] =	vst v63  }
0x44c: {  	s31 =	simm.s32 $0x1;
	v11 =	vimm.s32 $0x0;
	s30 =	simm.s32 $0x3;
	v7 =	vshll.u32 v5, $0x3;
	_ =	swait.ge [sflag:s18], $0x1000  }
0x44d: {  	v8 =	vand.u32 $0x7C, v5;
	v14 =	vmov s30;
	s30 =	simm.s32 $0x6;
	v6 =	vmov s31;
	[sflag:s18] =	ssyncset.done $0x0  }
0x44e: {  	v7 =	vand.u32 $0xC00, v7;
	s31 =	simm.s32 $0x4;
	v17 =	vshll.u32 v14, $0x3;
	v19 =	vmov s30;
	[sflag:s18] =	ssyncadd.s32 $0xFFFFF000  }
0x44f: {  	v9 =	vshll.u32 v6, $0x3;
	v7 =	vor.u32 v8, v7;
	v15 =	vmov s31;
	_ =	swait.ge [sflag:s18], $0x10  }
0x450: {  	v16 =	vand.u32 $0x7D, v6;
	v21 =	vshll.u32 v19, $0x3;
	v17 =	vand.u32 $0xC00, v17;
	[sflag:s18] =	ssyncset.done $0x0  }
0x451: {  	v25 =	vand.u32 $0x7E, v19;
	v7 =	vadd.s32 v1, v7;
	v9 =	vand.u32 $0xC00, v9;
	[sflag:s18] =	ssyncadd.s32 $0xFFFFFFF0  }
0x452: {  	v20 =	vand.u32 $0x7C, v15;
	v23 =	vshll.u32 v15, $0x3;
	v21 =	vand.u32 $0x1C00, v21;
	s5 =	simm.s32 $0x2;
	v4 =	vld [tilespmem:$0x8280]  }
0x453: {  	v21 =	vor.u32 v25, v21;
	v9 =	vor.u32 v16, v9;
	v12 =	vmov s5;
	s5 =	simm.s32 $0xB  }
0x454: {  	v51 =	vadd.s32 v1, v9;
	v9 =	vand.u32 $0x1C00, v23;
	v10 =	vmov s5  }
0x455: {  	v20 =	vor.u32 v20, v9;
	v8 =	vshll.u32 v12, $0x3;
	s5 =	simm.s32 $0x5;
	v13 =	vshll.u32 v10, $0x3  }
0x456: {  	v8 =	vand.u32 $0xC00, v8;
	v18 =	vmov s5;
	v13 =	vand.u32 $0x1C00, v13  }
0x457: {  	v24 =	vand.u32 $0x7D, v18;
	vm0 =	vlt.s32 v10, v4;
	v10 =	vand.u32 $0x7F, v10  }
0x458: {  	vm2 =	vlt.s32 v14, v4;
	v14 =	vand.u32 $0x7F, v14;
	vm6 =	vlt.s32 v5, v4  }
0x459: {  	vm5 =	vlt.s32 v6, v4;
	vm3 =	vlt.s32 v18, v4;
	vm4 =	vlt.s32 v15, v4  }
0x45a: {  	v15 =	vadd.s32 v1, v21;
	vm1 =	vlt.s32 v19, v4;
	v11 =	vsel vm0, $0xFFFFFFFF, v11  }
0x45b: {  	s2 =	simm.s32 $0x8;
	v10 =	vor.u32 v10, v13;
	v13 =	vshll.u32 v18, $0x3;
	v17 =	vor.u32 v14, v17  }
0x45c: {  	s31 =	simm.s32 $0x7;
	v14 =	vmov s2;
	vm0 =	vlt.s32 v12, v4;
	[tilespmem:$0x1FFA0] =	vst v11;
	v11 =	vand.u32 $0x7E, v12  }
0x45d: {  	v5 =	vld.idx.msk [tilespmem:v7+s16+$0x0], $0xffff;
	v22 =	vand.u32 $0x1C00, v13;
	v13 =	vmov s31;
	v7 =	vand.u32 $0x7C, v14  }
0x45e: {  	s5 =	simm.s32 $0xA;
	v49 =	vshll.u32 v14, $0x3;
	v17 =	vadd.s32 v1, v17;
	v50 =	vadd.s32 v1, v10  }
0x45f: {  	v10 =	vmov s5;
	v12 =	vadd.s32 v1, v20;
	vm7 =	vlt.s32 v14, v4  }
0x460: {  	v22 =	vor.u32 v24, v22;
	v48 =	vshll.u32 v13, $0x3;
	v21 =	vand.u32 $0x1C00, v49  }
0x461: {  	s30 =	simm.s32 $0xE;
	s5 =	simm.s32 $0x9;
	v16 =	vor.u32 v11, v8;
	v52 =	vshll.u32 v10, $0x3;
	v53 =	vand.u32 $0x7E, v10  }
0x462: {  	v11 =	vmov s30;
	v31 =	vmov s5;
	vm10 =	vlt.s32 v13, v4  }
0x463: {  	s2 =	simm.s32 $0x11;
	vm14 =	vlt.s32 v10, v4;
	v6 =	vadd.s32 v1, v22;
	v18 =	vand.u32 $0x1C00, v48  }
0x464: {  	s30 =	simm.s32 $0xC;
	v21 =	vor.u32 v7, v21;
	v54 =	vshll.u32 v11, $0x3;
	v7 =	vmov s2  }
0x465: {  	s5 =	simm.s32 $0xF;
	v55 =	vand.u32 $0x7E, v11;
	v33 =	vmov s30;
	v25 =	vand.u32 $0x1C00, v52  }
0x466: {  	v58 =	vshll.u32 v31, $0x3;
	v35 =	vmov s5;
	v36 =	vand.u32 $0x7D, v31  }
0x467: {  	vm8 =	vlt.s32 v31, v4;
	vm13 =	vlt.s32 v11, v4;
	v8 =	vshll.u32 v5, $0x3  }
0x468: {  	v5 =	vand.u32 $0x7F, v5;
	v21 =	vadd.s32 v1, v21;
	v37 =	vand.u32 $0x7C, v33  }
0x469: {  	v38 =	vshll.u32 v35, $0x3;
	v61 =	vand.u32 $0x7F, v35;
	v45 =	vand.u32 $0x7D, v7  }
0x46a: {  	s31 =	simm.s32 $0x10;
	v24 =	vld.idx.msk [tilespmem:v51+s16+$0x0], $0xffff;
	v23 =	vor.u32 v53, v25;
	vm9 =	vlt.s32 v33, v4;
	vm12 =	vlt.s32 v35, v4  }
0x46b: {  	v26 =	vand.u32 $0xFFFFFC00, v8;
	v8 =	vmov s31;
	v38 =	vand.u32 $0x1C00, v38  }
0x46c: {  	s31 =	simm.s32 $0xD;
	v23 =	vadd.s32 v1, v23;
	v19 =	vand.u32 $0x7C, v8;
	v27 =	vshll.u32 v8, $0x3  }
0x46d: {  	v5 =	vor.u32 v5, v26;
	v34 =	vmov s31;
	v26 =	vand.u32 $0x1C00, v54  }
0x46e: {  	v20 =	vor.u32 v61, v38;
	vm15 =	vlt.s32 v8, v4;
	v9 =	vadd.s32 v2, v5  }
0x46f: {  	v15 =	vld.idx.msk [tilespmem:v15+s16+$0x0], $0xffff;
	v5 =	vand.u32 $0x7F, v13;
	v27 =	vand.u32 $0x1C00, v27;
	v56 =	vand.u32 $0x7F, v24  }
0x470: {  	s31 =	simm.s32 $0x12;
	v24 =	vshll.u32 v24, $0x3;
	v40 =	vshll.u32 v34, $0x3;
	v26 =	vor.u32 v55, v26  }
0x471: {  	v46 =	vmov s31;
	v20 =	vadd.s32 v1, v20;
	vm11 =	vlt.s32 v34, v4  }
0x472: {  	v22 =	vld.idx.msk [tilespmem:v50+s16+$0x0], $0xffff;
	v18 =	vor.u32 v5, v18;
	v19 =	vor.u32 v19, v27;
	v27 =	vand.u32 $0x1C00, v58  }
0x473: {  	v17 =	vld.idx.msk [tilespmem:v17+s16+$0x0], $0xffff;
	v62 =	vand.u32 $0x1C00, v40;
	v48 =	vand.u32 $0x7E, v46;
	v49 =	vshll.u32 v46, $0x3  }
0x474: {  	v12 =	vld.idx.msk [tilespmem:v12+s16+$0x0], $0xffff;
	v24 =	vand.u32 $0xFFFFFC00, v24;
	v26 =	vadd.s32 v1, v26;
	v29 =	vshll.u32 v15, $0x3  }
0x475: {  	v15 =	vand.u32 $0x7F, v15;
	v18 =	vadd.s32 v1, v18;
	v27 =	vor.u32 v36, v27  }
0x476: {  	v6 =	vld.idx.msk [tilespmem:v6+s16+$0x0], $0xffff;
	v19 =	vadd.s32 v1, v19;
	v13 =	vand.u32 $0x1C00, v49;
	v24 =	vor.u32 v56, v24  }
0x477: {  	v29 =	vand.u32 $0xFFFFFC00, v29;
	v27 =	vadd.s32 v1, v27;
	v52 =	vor.u32 v48, v13  }
0x478: {  	v24 =	vadd.s32 v2, v24;
	v30 =	vand.u32 $0x7F, v22;
	v22 =	vshll.u32 v22, $0x3  }
0x479: {  	v63 =	vshll.u32 v17, $0x3;
	v17 =	vand.u32 $0x7F, v17;
	v51 =	vand.u32 $0x7F, v12  }
0x47a: {  	v14 =	vld.idx.msk [tilespmem:v23+s16+$0x0], $0xffff;
	v12 =	vshll.u32 v12, $0x3;
	v23 =	vadd.s32 v1, v52;
	v22 =	vand.u32 $0xFFFFFC00, v22  }
0x47b: {  	v12 =	vand.u32 $0xFFFFFC00, v12;
	v28 =	vshll.u32 v6, $0x3;
	v6 =	vand.u32 $0x7F, v6  }
0x47c: {  	v12 =	vor.u32 v51, v12;
	v22 =	vor.u32 v30, v22;
	v5 =	vand.u32 $0xFFFFFC00, v28  }
0x47d: {  	v28 =	vand.u32 $0xFFFFFC00, v63;
	v32 =	vor.u32 v6, v5;
	v5 =	vor.u32 v15, v29  }
0x47e: {  	v18 =	vld.idx.msk [tilespmem:v18+s16+$0x0], $0xffff;
	v6 =	vshll.u32 v7, $0x3;
	v15 =	vadd.s32 v1, v16;
	v17 =	vor.u32 v17, v28  }
0x47f: {  	v19 =	vld.idx.msk [tilespmem:v19+s16+$0x0], $0xffff;
	v53 =	vand.u32 $0x7F, v14;
	v14 =	vshll.u32 v14, $0x3;
	v5 =	vadd.s32 v2, v5  }
0x480: {  	v16 =	vld.idx.msk [tilespmem:v21+s16+$0x0], $0xffff;
	v57 =	vand.u32 $0x1C00, v6;
	v6 =	vshll.u32 v33, $0x3;
	v32 =	vadd.s32 v2, v32  }
0x481: {  	v20 =	vld.idx.msk [tilespmem:v20+s16+$0x0], $0xffff;
	v14 =	vand.u32 $0xFFFFFC00, v14;
	v56 =	vadd.s32 v2, v17;
	v6 =	vand.u32 $0x1C00, v6  }
0x482: {  	v21 =	vor.u32 v45, v57;
	v14 =	vor.u32 v53, v14;
	v59 =	vor.u32 v37, v6  }
0x483: {  	v21 =	vadd.s32 v1, v21;
	v14 =	vadd.s32 v2, v14;
	v36 =	vadd.s32 v1, v59  }
0x484: {  	v50 =	vand.u32 $0x7F, v18;
	v18 =	vshll.u32 v18, $0x3;
	v55 =	vand.u32 $0x7F, v19  }
0x485: {  	s30 =	simm.s32 $0x13;
	v27 =	vld.idx.msk [tilespmem:v27+s16+$0x0], $0xffff;
	v17 =	vshll.u32 v19, $0x3;
	v39 =	vand.u32 $0x7F, v16;
	v16 =	vshll.u32 v16, $0x3  }
0x486: {  	v59 =	vshll.u32 v20, $0x3;
	v60 =	vld.idx.msk [tilespmem:v15+s16+$0x0], $0xffff;
	v15 =	vmov s30;
	v16 =	vand.u32 $0xFFFFFC00, v16  }
0x487: {  	v41 =	vshll.u32 v15, $0x3;
	v6 =	vor.u32 v39, v16;
	v16 =	vand.u32 $0x7D, v34  }
0x488: {  	v47 =	vand.u32 $0x7F, v15;
	v41 =	vand.u32 $0x1C00, v41;
	v16 =	vor.u32 v16, v62  }
0x489: {  	v19 =	vld.idx.msk [tilespmem:v26+s16+$0x0], $0xffff;
	v18 =	vand.u32 $0xFFFFFC00, v18;
	v25 =	vor.u32 v47, v41;
	v16 =	vadd.s32 v1, v16  }
0x48a: {  	v20 =	vand.u32 $0x7F, v20;
	v13 =	vor.u32 v50, v18;
	v18 =	vld.idx.msk [tilespmem:v21+s16+$0x0], $0xffff;
	v25 =	vadd.s32 v1, v25  }
0x48b: {  	v57 =	vand.u32 $0x7F, v27;
	v10 =	vand.u32 $0xFFFFFC00, v17;
	v54 =	vld.idx.msk [tilespmem:v36+s16+$0x0], $0xffff;
	v42 =	vshll.u32 v60, $0x3  }
0x48c: {  	v10 =	vor.u32 v55, v10;
	v37 =	vand.u32 $0x7F, v60;
	v42 =	vand.u32 $0xFFFFFC00, v42  }
0x48d: {  	v23 =	vld.idx.msk [tilespmem:v23+s16+$0x0], $0xffff;
	v13 =	vadd.s32 v2, v13;
	v10 =	vadd.s32 v2, v10;
	v37 =	vor.u32 v37, v42  }
0x48e: {  	v6 =	vadd.s32 v2, v6;
	v61 =	vand.u32 $0x7F, v19;
	v37 =	vadd.s32 v2, v37;
	v16 =	vld.idx.msk [tilespmem:v16+s16+$0x0], $0xffff  }
0x48f: {  	v60 =	vadd.s32 v2, v12;
	v17 =	vshll.u32 v18, $0x3;
	v63 =	vand.u32 $0x7F, v18;
	v25 =	vld.idx.msk [tilespmem:v25+s16+$0x0], $0xffff  }
0x490: {  	v58 =	vshll.u32 v54, $0x3;
	v28 =	vand.u32 $0x7F, v54;
	[tilespmem:v9+s26+$0x0] =	vst.idx.add.f32.msk vm6, v3;
	v9 =	vand.u32 $0xFFFFFC00, v59  }
0x491: {  	v62 =	vand.u32 $0xFFFFFC00, v17;
	v11 =	vand.u32 $0xFFFFFC00, v58;
	[tilespmem:v24+s26+$0x0] =	vst.idx.add.f32.msk vm5, v3;
	v9 =	vor.u32 v20, v9  }
0x492: {  	vm5 =	vlt.s32 v7, v4;
	v11 =	vor.u32 v28, v11;
	v7 =	vadd.s32 v2, v9  }
0x493: {  	v17 =	vshll.u32 v27, $0x3;
	v11 =	vadd.s32 v2, v11;
	[tilespmem:v37+s26+$0x0] =	vst.idx.add.f32.msk vm0, v3;
	vm0 =	vlt.s32 v46, v4  }
0x494: {  	v12 =	vand.u32 $0x7F, v16;
	v16 =	vshll.u32 v16, $0x3;
	[tilespmem:v56+s26+$0x0] =	vst.idx.add.f32.msk vm2, v3;
	v9 =	vand.u32 $0x7F, v25  }
0x495: {  	v16 =	vand.u32 $0xFFFFFC00, v16;
	[tilespmem:v60+s26+$0x0] =	vst.idx.add.f32.msk vm4, v3;
	vm4 =	vlt.s32 v15, v4;
	v15 =	vand.u32 $0x7F, v23  }
0x496: {  	v12 =	vor.u32 v12, v16;
	v16 =	vshll.u32 v19, $0x3;
	v19 =	vand.u32 $0xFFFFFC00, v17  }
0x497: {  	v17 =	vadd.s32 v2, v22;
	v8 =	vand.u32 $0xFFFFFC00, v16;
	v16 =	vshll.u32 v25, $0x3  }
0x498: {  	v12 =	vadd.s32 v2, v12;
	v8 =	vor.u32 v61, v8;
	v16 =	vand.u32 $0xFFFFFC00, v16  }
0x499: {  	v19 =	vor.u32 v57, v19;
	v8 =	vadd.s32 v2, v8;
	v18 =	vor.u32 v9, v16  }
0x49a: {  	s29 =	simm.s32 $0x27;
	[tilespmem:v32+s26+$0x0] =	vst.idx.add.f32.msk vm3, v3;
	v16 =	vadd.s32 v2, v19;
	v19 =	vor.u32 v63, v62;
	v9 =	vshll.u32 v23, $0x3  }
.LBB2_15:
0x49b: {  	s0 =	sadd.s32 $0xFFFFFFED, s29  }
0x49c: {  	[tilespmem:v5+s26+$0x0] =	vst.idx.add.f32.msk vm1, v3;
	v20 =	vmov s0  }
0x49d: {  	v5 =	vadd.s32 v2, v19;
	v19 =	vand.u32 $0xFFFFFC00, v9;
	[tilespmem:v13+s26+$0x0] =	vst.idx.add.f32.msk vm10, v3;
	v22 =	vshll.u32 v20, $0x3  }
0x49e: {  	v13 =	vand.u32 $0x7C, v20;
	[tilespmem:v6+s26+$0x0] =	vst.idx.add.f32.msk vm7, v3;
	v6 =	vor.u32 v15, v19;
	v15 =	vand.u32 $0xC00, v22  }
0x49f: {  	v13 =	vor.u32 v13, v15  }
0x4a0: {  	v48 =	vadd.s32 v1, v13;
	v13 =	vld [tilespmem:$0x1FFA0];
	_ =	sdelay $0x4  }
0x4a1: {  	s2 =	sadd.s32 $0xFFFFFFEE, s29;
	s5 =	sadd.s32 $0xFFFFFFEF, s29;
	vm1 =	vnez.u8 v13  }
0x4a2: {  	v18 =	vadd.s32 v2, v18;
	s30 =	smov.u32 s29;
	s31 =	sadd.s32 $0xFFFFFFF6, s29;
	v21 =	vmov s2;
	v9 =	vmov s5  }
0x4a3: {  	v31 =	vmov s31;
	s31 =	sadd.s32 $0xFFFFFFFA, s30;
	v19 =	vshll.u32 v21, $0x3;
	vm6 =	vlt.s32 v20, v4  }
0x4a4: {  	s2 =	sadd.s32 $0xFFFFFFF8, s29;
	v34 =	vmov s31;
	v56 =	vshll.u32 v31, $0x3;
	v36 =	vand.u32 $0x7D, v31  }
0x4a5: {  	[tilespmem:v16+s26+$0x0] =	vst.idx.add.f32.msk vm8, v3;
	v6 =	vadd.s32 v2, v6;
	v16 =	vmov s2;
	v58 =	vand.u32 $0x7D, v34  }
0x4a6: {  	s2 =	sadd.s32 $0xFFFFFFF1, s30;
	v60 =	vshll.u32 v34, $0x3;
	vm8 =	vlt.s32 v31, v4;
	v15 =	vshll.u32 v9, $0x3;
	[tilespmem:v14+s26+$0x0] =	vst.idx.add.f32.msk vm14, v3  }
0x4a7: {  	v23 =	vmov s2;
	v13 =	vimm.s32 $0x0;
	[tilespmem:v17+s26+$0x0] =	vst.idx.add.f32.msk vm1, v3;
	vm1 =	vlt.s32 v16, v4  }
0x4a8: {  	s5 =	sadd.s32 $0xFFFFFFF0, s30;
	v14 =	vand.u32 $0x7F, v16;
	v15 =	vand.u32 $0xC00, v15;
	v13 =	vsel vm1, $0xFFFFFFFF, v13;
	[tilespmem:v11+s26+$0x0] =	vst.idx.add.f32.msk vm9, v3  }
0x4a9: {  	v17 =	vand.u32 $0xC00, v19;
	v19 =	vand.u32 $0x7E, v9;
	v11 =	vmov s5;
	[tilespmem:$0x1FFA0] =	vst v13  }
0x4aa: {  	s5 =	sadd.s32 $0xFFFFFFF2, s30;
	v15 =	vor.u32 v19, v15;
	v13 =	vshll.u32 v16, $0x3;
	[tilespmem:v12+s26+$0x0] =	vst.idx.add.f32.msk vm11, v3;
	v12 =	vand.u32 $0x7D, v21  }
0x4ab: {  	vm2 =	vlt.s32 v11, v4;
	v16 =	vmov s5;
	s5 =	sadd.s32 $0xFFFFFFF3, s30;
	vm11 =	vlt.s32 v34, v4  }
0x4ac: {  	v13 =	vand.u32 $0x1C00, v13;
	[tilespmem:v8+s26+$0x0] =	vst.idx.add.f32.msk vm13, v3;
	v8 =	vshll.u32 v11, $0x3;
	v24 =	vmov s5  }
0x4ad: {  	vm3 =	vlt.s32 v16, v4;
	v12 =	vor.u32 v12, v17;
	[tilespmem:v7+s26+$0x0] =	vst.idx.add.f32.msk vm12, v3;
	v7 =	vand.u32 $0x7F, v11  }
0x4ae: {  	s2 =	sadd.s32 $0xFFFFFFFB, s30;
	v11 =	vor.u32 v14, v13;
	v13 =	vshll.u32 v16, $0x3;
	v14 =	vshll.u32 v24, $0x3  }
0x4af: {  	v25 =	vand.u32 $0x7E, v24;
	v17 =	vadd.s32 v1, v12;
	v12 =	vmov s2  }
0x4b0: {  	vm1 =	vlt.s32 v24, v4;
	v24 =	vand.u32 $0x1C00, v56;
	[tilespmem:v10+s26+$0x0] =	vst.idx.add.f32.msk vm15, v3;
	v10 =	vand.u32 $0x7C, v23  }
0x4b1: {  	v27 =	vshll.u32 v12, $0x3;
	v29 =	vand.u32 $0x7E, v12;
	v24 =	vor.u32 v36, v24  }
0x4b2: {  	s5 =	sadd.s32 $0xFFFFFFF4, s30;
	vm13 =	vlt.s32 v12, v4;
	[tilespmem:v5+s26+$0x0] =	vst.idx.add.f32.msk vm5, v3;
	v5 =	vand.u32 $0xC00, v8;
	v8 =	vand.u32 $0x1C00, v13  }
0x4b3: {  	v13 =	vmov s5;
	vm5 =	vlt.s32 v21, v4;
	v27 =	vand.u32 $0x1C00, v27  }
0x4b4: {  	s5 =	sadd.s32 $0xFFFFFFF5, s30;
	v24 =	vadd.s32 v1, v24;
	[tilespmem:v6+s26+$0x0] =	vst.idx.add.f32.msk vm0, v3;
	v5 =	vor.u32 v7, v5;
	v6 =	vshll.u32 v23, $0x3  }
0x4b5: {  	v7 =	vand.u32 $0x1C00, v14;
	v14 =	vmov s5;
	vm0 =	vlt.s32 v9, v4  }
0x4b6: {  	v27 =	vor.u32 v29, v27;
	vm10 =	vlt.s32 v13, v4;
	[tilespmem:v18+s26+$0x0] =	vst.idx.add.f32.msk vm4, v3;
	v18 =	vand.u32 $0x7D, v16  }
0x4b7: {  	v7 =	vor.u32 v25, v7;
	vm4 =	vlt.s32 v23, v4;
	v20 =	vshll.u32 v14, $0x3  }
0x4b8: {  	v49 =	vadd.s32 v1, v5;
	v6 =	vand.u32 $0x1C00, v6;
	vm7 =	vlt.s32 v14, v4  }
0x4b9: {  	v27 =	vadd.s32 v1, v27;
	v8 =	vor.u32 v18, v8;
	v18 =	vshll.u32 v13, $0x3  }
0x4ba: {  	s0 =	sadd.s32 $0xFFFFFFF7, s29;
	s5 =	sadd.s32 $0xFFFFFFFD, s30;
	v7 =	vadd.s32 v1, v7;
	v5 =	vand.u32 $0x1C00, v20;
	v20 =	vadd.s32 v1, v11  }
0x4bb: {  	v11 =	vmov s0;
	v26 =	vor.u32 v10, v6;
	v10 =	vmov s5  }
0x4bc: {  	v53 =	vld.idx.msk [tilespmem:v17+s16+$0x0], $0xffff;
	v17 =	vand.u32 $0x7F, v13;
	v8 =	vadd.s32 v1, v8;
	v16 =	vand.u32 $0x1C00, v18  }
0x4bd: {  	s5 =	sadd.s32 $0xFFFFFFF9, s30;
	v18 =	vand.u32 $0x7C, v14;
	v50 =	vshll.u32 v11, $0x3;
	v51 =	vand.u32 $0x7E, v11  }
0x4be: {  	v52 =	vand.u32 $0x7C, v10;
	v33 =	vmov s5;
	v26 =	vadd.s32 v1, v26  }
0x4bf: {  	vm14 =	vlt.s32 v11, v4;
	vm15 =	vlt.s32 v10, v4;
	v5 =	vor.u32 v18, v5  }
0x4c0: {  	v22 =	vld.idx.msk [tilespmem:v48+s16+$0x0], $0xffff;
	s5 =	sadd.s32 $0xFFFFFFFC, s30;
	v18 =	vshll.u32 v10, $0x3;
	v16 =	vor.u32 v17, v16;
	v23 =	vand.u32 $0x1C00, v50  }
0x4c1: {  	v35 =	vmov s5;
	v37 =	vand.u32 $0x7C, v33;
	vm9 =	vlt.s32 v33, v4  }
0x4c2: {  	v24 =	vld.idx.msk [tilespmem:v24+s16+$0x0], $0xffff;
	v5 =	vadd.s32 v1, v5;
	v18 =	vand.u32 $0x1C00, v18;
	v38 =	vshll.u32 v35, $0x3  }
0x4c3: {  	v16 =	vadd.s32 v1, v16;
	v59 =	vand.u32 $0x7F, v35;
	v23 =	vor.u32 v51, v23  }
0x4c4: {  	vm12 =	vlt.s32 v35, v4;
	v18 =	vor.u32 v52, v18;
	v21 =	vld.idx.msk [tilespmem:v49+s16+$0x0], $0xffff;
	v38 =	vand.u32 $0x1C00, v38  }
0x4c5: {  	v23 =	vadd.s32 v1, v23;
	v6 =	vld.idx.msk [tilespmem:v7+s16+$0x0], $0xffff;
	v7 =	vand.u32 $0x7F, v22;
	v32 =	vand.u32 $0x7F, v53  }
0x4c6: {  	v18 =	vadd.s32 v1, v18;
	v19 =	vld.idx.msk [tilespmem:v8+s16+$0x0], $0xffff;
	v8 =	vshll.u32 v22, $0x3;
	v22 =	vshll.u32 v53, $0x3  }
0x4c7: {  	s31 =	sadd.s32 $0xFFFFFFFF, s30;
	s2 =	sadd.s32 $0xFFFFFFFE, s30;
	v8 =	vand.u32 $0xFFFFFC00, v8;
	v22 =	vand.u32 $0xFFFFFC00, v22;
	v56 =	vand.u32 $0x7F, v24  }
0x4c8: {  	v8 =	vor.u32 v7, v8;
	v7 =	vmov s2;
	v61 =	vld.idx.msk [tilespmem:v16+s16+$0x0], $0xffff;
	v16 =	vmov s31  }
0x4c9: {  	v20 =	vld.idx.msk [tilespmem:v20+s16+$0x0], $0xffff;
	v22 =	vor.u32 v32, v22;
	v8 =	vadd.s32 v2, v8;
	v55 =	vshll.u32 v7, $0x3  }
0x4ca: {  	v26 =	vld.idx.msk [tilespmem:v26+s16+$0x0], $0xffff;
	v62 =	vshll.u32 v21, $0x3;
	v41 =	vand.u32 $0x7D, v7;
	v21 =	vand.u32 $0x7F, v21  }
0x4cb: {  	v44 =	vand.u32 $0x7E, v16;
	v45 =	vshll.u32 v16, $0x3;
	v22 =	vadd.s32 v2, v22  }
0x4cc: {  	v17 =	vshll.u32 v6, $0x3;
	v6 =	vand.u32 $0x7F, v6;
	v29 =	vand.u32 $0xFFFFFC00, v62  }
0x4cd: {  	v13 =	vand.u32 $0x1C00, v45;
	v28 =	vshll.u32 v19, $0x3;
	v19 =	vand.u32 $0x7F, v19  }
0x4ce: {  	v54 =	vld.idx.msk [tilespmem:v5+s16+$0x0], $0xffff;
	v30 =	vand.u32 $0xFFFFFC00, v17;
	v17 =	vand.u32 $0x7F, v20;
	v20 =	vshll.u32 v20, $0x3  }
0x4cf: {  	v21 =	vor.u32 v21, v29;
	v48 =	vand.u32 $0x7F, v26;
	v26 =	vshll.u32 v26, $0x3  }
0x4d0: {  	v52 =	vor.u32 v44, v13;
	v28 =	vand.u32 $0xFFFFFC00, v28;
	v6 =	vor.u32 v6, v30  }
0x4d1: {  	v30 =	vand.u32 $0x1C00, v55;
	v20 =	vand.u32 $0xFFFFFC00, v20;
	v50 =	vand.u32 $0xFFFFFC00, v26  }
0x4d2: {  	v14 =	vld.idx.msk [tilespmem:v23+s16+$0x0], $0xffff;
	v21 =	vadd.s32 v2, v21;
	v19 =	vor.u32 v19, v28;
	v5 =	vadd.s32 v2, v6  }
0x4d3: {  	v6 =	vadd.s32 v1, v15;
	v15 =	vshll.u32 v33, $0x3;
	v39 =	vand.u32 $0x7F, v54  }
0x4d4: {  	v28 =	vshll.u32 v54, $0x3;
	v30 =	vor.u32 v41, v30;
	v46 =	vand.u32 $0x7F, v61  }
0x4d5: {  	v18 =	vld.idx.msk [tilespmem:v18+s16+$0x0], $0xffff;
	v49 =	vshll.u32 v61, $0x3;
	v25 =	vor.u32 v48, v50;
	v17 =	vor.u32 v17, v20  }
0x4d6: {  	v15 =	vand.u32 $0x1C00, v15;
	v9 =	vadd.s32 v2, v19;
	v30 =	vadd.s32 v1, v30  }
0x4d7: {  	v13 =	vand.u32 $0xFFFFFC00, v49;
	v53 =	vand.u32 $0x7F, v14;
	v14 =	vshll.u32 v14, $0x3  }
0x4d8: {  	v25 =	vadd.s32 v2, v25;
	v17 =	vadd.s32 v2, v17;
	v57 =	vor.u32 v37, v15  }
0x4d9: {  	v15 =	vmov s30;
	v37 =	vor.u32 v59, v38;
	v13 =	vor.u32 v46, v13  }
0x4da: {  	v14 =	vand.u32 $0xFFFFFC00, v14;
	v55 =	vand.u32 $0x7F, v18;
	v18 =	vshll.u32 v18, $0x3  }
0x4db: {  	v20 =	vld.idx.msk [tilespmem:v27+s16+$0x0], $0xffff;
	v19 =	vshll.u32 v15, $0x3;
	v63 =	vand.u32 $0x7F, v15;
	v47 =	vadd.s32 v1, v37  }
0x4dc: {  	v13 =	vadd.s32 v2, v13;
	v14 =	vor.u32 v53, v14;
	v19 =	vand.u32 $0x1C00, v19  }
0x4dd: {  	v40 =	vld.idx.msk [tilespmem:v6+s16+$0x0], $0xffff;
	v6 =	vand.u32 $0xFFFFFC00, v28;
	v28 =	vadd.s32 v1, v57;
	v19 =	vor.u32 v63, v19  }
0x4de: {  	v6 =	vor.u32 v39, v6;
	v39 =	vand.u32 $0x1C00, v60;
	v51 =	vld.idx.msk [tilespmem:v30+s16+$0x0], $0xffff;
	v19 =	vadd.s32 v1, v19  }
0x4df: {  	v11 =	vand.u32 $0xFFFFFC00, v18;
	v30 =	vadd.s32 v1, v52;
	v36 =	vor.u32 v58, v39  }
0x4e0: {  	v59 =	vand.u32 $0x7F, v20;
	v20 =	vshll.u32 v20, $0x3;
	v36 =	vadd.s32 v1, v36;
	v23 =	vld.idx.msk [tilespmem:v47+s16+$0x0], $0xffff  }
0x4e1: {  	v14 =	vadd.s32 v2, v14;
	v31 =	vor.u32 v55, v11;
	v20 =	vand.u32 $0xFFFFFC00, v20  }
0x4e2: {  	v6 =	vadd.s32 v2, v6;
	v20 =	vor.u32 v59, v20;
	v42 =	vshll.u32 v40, $0x3;
	v28 =	vld.idx.msk [tilespmem:v28+s16+$0x0], $0xffff  }
0x4e3: {  	v40 =	vand.u32 $0x7F, v40;
	v42 =	vand.u32 $0xFFFFFC00, v42;
	v18 =	vshll.u32 v51, $0x3;
	v19 =	vld.idx.msk [tilespmem:v19+s16+$0x0], $0xffff  }
0x4e4: {  	v30 =	vld.idx.msk [tilespmem:v30+s16+$0x0], $0xffff;
	v26 =	vand.u32 $0x7F, v51;
	v40 =	vor.u32 v40, v42;
	v60 =	vand.u32 $0xFFFFFC00, v18  }
0x4e5: {  	v18 =	vshll.u32 v24, $0x3;
	v39 =	vadd.s32 v2, v40;
	v54 =	vld.idx.msk [tilespmem:v36+s16+$0x0], $0xffff;
	v12 =	vshll.u32 v23, $0x3  }
0x4e6: {  	v23 =	vand.u32 $0x7F, v23;
	v18 =	vand.u32 $0xFFFFFC00, v18;
	[tilespmem:v8+s26+$0x0] =	vst.idx.add.f32.msk vm6, v3;
	v8 =	vadd.s32 v2, v20  }
0x4e7: {  	v62 =	vand.u32 $0xFFFFFC00, v12;
	[tilespmem:v22+s26+$0x0] =	vst.idx.add.f32.msk vm5, v3;
	v63 =	vor.u32 v56, v18;
	vm5 =	vlt.s32 v7, v4  }
0x4e8: {  	v57 =	vshll.u32 v28, $0x3;
	v28 =	vand.u32 $0x7F, v28;
	v18 =	vor.u32 v23, v62  }
0x4e9: {  	v11 =	vand.u32 $0xFFFFFC00, v57;
	v20 =	vshll.u32 v19, $0x3;
	v7 =	vadd.s32 v2, v18  }
0x4ea: {  	p0 =	sne.s32 s29, $0xC7;
	v18 =	vand.u32 $0x7F, v19;
	v19 =	vor.u32 v26, v60;
	v10 =	vor.u32 v28, v11  }
.Ltmp6:
0x4eb: {  	v20 =	vand.u32 $0xFFFFFC00, v20;
	v58 =	vand.u32 $0x7F, v54;
	v11 =	vadd.s32 v2, v10;
	(pc) =	sbr.rel @p0 .LBB2_15-.Ltmp6, $4  }
0x4ec: {  	v27 =	vshll.u32 v54, $0x3;
	v10 =	vadd.s32 v2, v31;
	[tilespmem:v39+s26+$0x0] =	vst.idx.add.f32.msk vm0, v3;
	vm0 =	vlt.s32 v16, v4  }
0x4ed: {  	v18 =	vor.u32 v18, v20;
	v16 =	vadd.s32 v2, v63;
	v27 =	vand.u32 $0xFFFFFC00, v27;
	[tilespmem:v21+s26+$0x0] =	vst.idx.add.f32.msk vm2, v3  }
0x4ee: {  	v61 =	vor.u32 v58, v27;
	[tilespmem:v25+s26+$0x0] =	vst.idx.add.f32.msk vm4, v3;
	vm4 =	vlt.s32 v15, v4  }
0x4ef: {  	s29 =	sadd.s32 $0x14, s29;
	v15 =	vand.u32 $0x7F, v30;
	v12 =	vadd.s32 v2, v61;
	[tilespmem:v9+s26+$0x0] =	vst.idx.add.f32.msk vm3, v3;
	v9 =	vshll.u32 v30, $0x3  }
0x4f0: {  	_ =	sdelay $0x4  }
0x4f1: {  	[tilespmem:v5+s26+$0x0] =	vst.idx.add.f32.msk vm1, v3  }
0x4f2: {  	v5 =	vld [tilespmem:$0x1FFA0];
	_ =	sdelay $0x4  }
0x4f3: {  	vm1 =	vnez.u8 v5;
	_ =	sdelay $0x1  }
0x4f4: {  	[tilespmem:v13+s26+$0x0] =	vst.idx.add.f32.msk vm10, v3  }
0x4f5: {  	[tilespmem:v6+s26+$0x0] =	vst.idx.add.f32.msk vm7, v3  }
0x4f6: {  	[tilespmem:v16+s26+$0x0] =	vst.idx.add.f32.msk vm8, v3  }
0x4f7: {  	[tilespmem:v14+s26+$0x0] =	vst.idx.add.f32.msk vm14, v3  }
0x4f8: {  	v4 =	vand.u32 $0xFFFFFC00, v9;
	[tilespmem:v17+s26+$0x0] =	vst.idx.add.f32.msk vm1, v3  }
0x4f9: {  	v4 =	vor.u32 v15, v4;
	v5 =	vadd.s32 v2, v19;
	[tilespmem:v11+s26+$0x0] =	vst.idx.add.f32.msk vm9, v3  }
0x4fa: {  	v4 =	vadd.s32 v2, v4;
	[tilespmem:v12+s26+$0x0] =	vst.idx.add.f32.msk vm11, v3  }
0x4fb: {  	v6 =	vadd.s32 v2, v18;
	[tilespmem:v8+s26+$0x0] =	vst.idx.add.f32.msk vm13, v3  }
0x4fc: {  	[tilespmem:v7+s26+$0x0] =	vst.idx.add.f32.msk vm12, v3  }
0x4fd: {  	[tilespmem:v10+s26+$0x0] =	vst.idx.add.f32.msk vm15, v3  }
0x4fe: {  	[tilespmem:v5+s26+$0x0] =	vst.idx.add.f32.msk vm5, v3  }
0x4ff: {  	[tilespmem:v4+s26+$0x0] =	vst.idx.add.f32.msk vm0, v3  }
0x500: {  	s0 =	sadd.s32 $0x2800, s28;
	[tilespmem:v6+s26+$0x0] =	vst.idx.add.f32.msk vm4, v3  }
0x501: {  	[hbm4b:s0+s3] =	stream.linear.scatter [tilespmem:s26], [sflag:$0xA], $0x4000, $0x38;
	[tilespmem:$0x10400] =	vst v63  }
0x502: {  	s2 =	smin.u32 s25, $0x13;
	_ =	swait.ge [sflag:s7], $0x4000  }
0x503: {  	s0 =	sshll.u32 s2, $0x4;
	s2 =	rddreg [dreg:$0x1d]  }
0x504: {  	s0 =	sadd.s32 s0, s2  }
0x505: {  	[sflag:s7] =	ssyncset.done $0x0;
	s2 =	sshll.u32 s0, $0x5  }
0x506: {  	[sflag:s7] =	ssyncadd.s32 $0xFFFFC000;
	s0 =	sshrl.u32 s0, $0x3;
	s2 =	sadd.s32 s4, s2  }
0x507: {  	[tilespmem:s14], [sflag:$0x5] =	stream.linear.gather [hbm4b:s2+s3], $0x1000, $0x38;
	[tilespmem:$0x10400] =	vst v63  }
0x508: {  	s5 =	simm.s32 $0x8200;
	s30 =	simm.s32 $0x0;
	s0 =	sadd.s32 s1, s0  }
0x509: {  	v5 =	vmov s30;
	[tilespmem:s5], [sflag:$0x5] =	stream.linear.gather [hbm4b:s0+s3], $0x10, $0x38;
	[tilespmem:$0x10400] =	vst v63  }
0x50a: {  	s31 =	simm.s32 $0x1;
	v11 =	vimm.s32 $0x0;
	s30 =	simm.s32 $0x3;
	v7 =	vshll.u32 v5, $0x3;
	_ =	swait.ge [sflag:s6], $0x1000  }
0x50b: {  	v8 =	vand.u32 $0x7C, v5;
	v14 =	vmov s30;
	s30 =	simm.s32 $0x6;
	v6 =	vmov s31;
	[sflag:s6] =	ssyncset.done $0x0  }
0x50c: {  	v7 =	vand.u32 $0xC00, v7;
	s31 =	simm.s32 $0x4;
	v17 =	vshll.u32 v14, $0x3;
	v19 =	vmov s30;
	[sflag:s6] =	ssyncadd.s32 $0xFFFFF000  }
0x50d: {  	v9 =	vshll.u32 v6, $0x3;
	v7 =	vor.u32 v8, v7;
	v15 =	vmov s31;
	_ =	swait.ge [sflag:s6], $0x10  }
0x50e: {  	v16 =	vand.u32 $0x7D, v6;
	v21 =	vshll.u32 v19, $0x3;
	v17 =	vand.u32 $0xC00, v17;
	[sflag:s6] =	ssyncset.done $0x0  }
0x50f: {  	v25 =	vand.u32 $0x7E, v19;
	v7 =	vadd.s32 v1, v7;
	v9 =	vand.u32 $0xC00, v9;
	[sflag:s6] =	ssyncadd.s32 $0xFFFFFFF0  }
0x510: {  	v20 =	vand.u32 $0x7C, v15;
	v23 =	vshll.u32 v15, $0x3;
	v21 =	vand.u32 $0x1C00, v21;
	s5 =	simm.s32 $0x2;
	v4 =	vld [tilespmem:$0x8300]  }
0x511: {  	v21 =	vor.u32 v25, v21;
	v9 =	vor.u32 v16, v9;
	v12 =	vmov s5;
	s5 =	simm.s32 $0xB  }
0x512: {  	v51 =	vadd.s32 v1, v9;
	v9 =	vand.u32 $0x1C00, v23;
	v10 =	vmov s5  }
0x513: {  	v20 =	vor.u32 v20, v9;
	v8 =	vshll.u32 v12, $0x3;
	s5 =	simm.s32 $0x5;
	v13 =	vshll.u32 v10, $0x3  }
0x514: {  	v8 =	vand.u32 $0xC00, v8;
	v18 =	vmov s5;
	v13 =	vand.u32 $0x1C00, v13  }
0x515: {  	v24 =	vand.u32 $0x7D, v18;
	vm0 =	vlt.s32 v10, v4;
	v10 =	vand.u32 $0x7F, v10  }
0x516: {  	vm2 =	vlt.s32 v14, v4;
	v14 =	vand.u32 $0x7F, v14;
	vm6 =	vlt.s32 v5, v4  }
0x517: {  	vm5 =	vlt.s32 v6, v4;
	vm3 =	vlt.s32 v18, v4;
	vm4 =	vlt.s32 v15, v4  }
0x518: {  	v15 =	vadd.s32 v1, v21;
	vm1 =	vlt.s32 v19, v4;
	v11 =	vsel vm0, $0xFFFFFFFF, v11  }
0x519: {  	s2 =	simm.s32 $0x8;
	v10 =	vor.u32 v10, v13;
	v13 =	vshll.u32 v18, $0x3;
	v17 =	vor.u32 v14, v17  }
0x51a: {  	s31 =	simm.s32 $0x7;
	v14 =	vmov s2;
	vm0 =	vlt.s32 v12, v4;
	[tilespmem:$0x1FF90] =	vst v11;
	v11 =	vand.u32 $0x7E, v12  }
0x51b: {  	v5 =	vld.idx.msk [tilespmem:v7+s19+$0x0], $0xffff;
	v22 =	vand.u32 $0x1C00, v13;
	v13 =	vmov s31;
	v7 =	vand.u32 $0x7C, v14  }
0x51c: {  	s5 =	simm.s32 $0xA;
	v49 =	vshll.u32 v14, $0x3;
	v17 =	vadd.s32 v1, v17;
	v50 =	vadd.s32 v1, v10  }
0x51d: {  	v10 =	vmov s5;
	v12 =	vadd.s32 v1, v20;
	vm7 =	vlt.s32 v14, v4  }
0x51e: {  	v22 =	vor.u32 v24, v22;
	v48 =	vshll.u32 v13, $0x3;
	v21 =	vand.u32 $0x1C00, v49  }
0x51f: {  	s30 =	simm.s32 $0xE;
	s5 =	simm.s32 $0x9;
	v16 =	vor.u32 v11, v8;
	v52 =	vshll.u32 v10, $0x3;
	v53 =	vand.u32 $0x7E, v10  }
0x520: {  	v11 =	vmov s30;
	v31 =	vmov s5;
	vm10 =	vlt.s32 v13, v4  }
0x521: {  	s2 =	simm.s32 $0x11;
	vm14 =	vlt.s32 v10, v4;
	v6 =	vadd.s32 v1, v22;
	v18 =	vand.u32 $0x1C00, v48  }
0x522: {  	s30 =	simm.s32 $0xC;
	v21 =	vor.u32 v7, v21;
	v54 =	vshll.u32 v11, $0x3;
	v7 =	vmov s2  }
0x523: {  	s5 =	simm.s32 $0xF;
	v55 =	vand.u32 $0x7E, v11;
	v33 =	vmov s30;
	v25 =	vand.u32 $0x1C00, v52  }
0x524: {  	v58 =	vshll.u32 v31, $0x3;
	v35 =	vmov s5;
	v36 =	vand.u32 $0x7D, v31  }
0x525: {  	vm8 =	vlt.s32 v31, v4;
	vm13 =	vlt.s32 v11, v4;
	v8 =	vshll.u32 v5, $0x3  }
0x526: {  	v5 =	vand.u32 $0x7F, v5;
	v21 =	vadd.s32 v1, v21;
	v37 =	vand.u32 $0x7C, v33  }
0x527: {  	v38 =	vshll.u32 v35, $0x3;
	v61 =	vand.u32 $0x7F, v35;
	v45 =	vand.u32 $0x7D, v7  }
0x528: {  	s31 =	simm.s32 $0x10;
	v24 =	vld.idx.msk [tilespmem:v51+s19+$0x0], $0xffff;
	v23 =	vor.u32 v53, v25;
	vm9 =	vlt.s32 v33, v4;
	vm12 =	vlt.s32 v35, v4  }
0x529: {  	v26 =	vand.u32 $0xFFFFFC00, v8;
	v8 =	vmov s31;
	v38 =	vand.u32 $0x1C00, v38  }
0x52a: {  	s31 =	simm.s32 $0xD;
	v23 =	vadd.s32 v1, v23;
	v19 =	vand.u32 $0x7C, v8;
	v27 =	vshll.u32 v8, $0x3  }
0x52b: {  	v5 =	vor.u32 v5, v26;
	v34 =	vmov s31;
	v26 =	vand.u32 $0x1C00, v54  }
0x52c: {  	v20 =	vor.u32 v61, v38;
	vm15 =	vlt.s32 v8, v4;
	v9 =	vadd.s32 v2, v5  }
0x52d: {  	v15 =	vld.idx.msk [tilespmem:v15+s19+$0x0], $0xffff;
	v5 =	vand.u32 $0x7F, v13;
	v27 =	vand.u32 $0x1C00, v27;
	v56 =	vand.u32 $0x7F, v24  }
0x52e: {  	s31 =	simm.s32 $0x12;
	v24 =	vshll.u32 v24, $0x3;
	v40 =	vshll.u32 v34, $0x3;
	v26 =	vor.u32 v55, v26  }
0x52f: {  	v46 =	vmov s31;
	v20 =	vadd.s32 v1, v20;
	vm11 =	vlt.s32 v34, v4  }
0x530: {  	v22 =	vld.idx.msk [tilespmem:v50+s19+$0x0], $0xffff;
	v18 =	vor.u32 v5, v18;
	v19 =	vor.u32 v19, v27;
	v27 =	vand.u32 $0x1C00, v58  }
0x531: {  	v17 =	vld.idx.msk [tilespmem:v17+s19+$0x0], $0xffff;
	v62 =	vand.u32 $0x1C00, v40;
	v48 =	vand.u32 $0x7E, v46;
	v49 =	vshll.u32 v46, $0x3  }
0x532: {  	v12 =	vld.idx.msk [tilespmem:v12+s19+$0x0], $0xffff;
	v24 =	vand.u32 $0xFFFFFC00, v24;
	v26 =	vadd.s32 v1, v26;
	v29 =	vshll.u32 v15, $0x3  }
0x533: {  	v15 =	vand.u32 $0x7F, v15;
	v18 =	vadd.s32 v1, v18;
	v27 =	vor.u32 v36, v27  }
0x534: {  	v6 =	vld.idx.msk [tilespmem:v6+s19+$0x0], $0xffff;
	v19 =	vadd.s32 v1, v19;
	v13 =	vand.u32 $0x1C00, v49;
	v24 =	vor.u32 v56, v24  }
0x535: {  	v29 =	vand.u32 $0xFFFFFC00, v29;
	v27 =	vadd.s32 v1, v27;
	v52 =	vor.u32 v48, v13  }
0x536: {  	v24 =	vadd.s32 v2, v24;
	v30 =	vand.u32 $0x7F, v22;
	v22 =	vshll.u32 v22, $0x3  }
0x537: {  	v63 =	vshll.u32 v17, $0x3;
	v17 =	vand.u32 $0x7F, v17;
	v51 =	vand.u32 $0x7F, v12  }
0x538: {  	v14 =	vld.idx.msk [tilespmem:v23+s19+$0x0], $0xffff;
	v12 =	vshll.u32 v12, $0x3;
	v23 =	vadd.s32 v1, v52;
	v22 =	vand.u32 $0xFFFFFC00, v22  }
0x539: {  	v12 =	vand.u32 $0xFFFFFC00, v12;
	v28 =	vshll.u32 v6, $0x3;
	v6 =	vand.u32 $0x7F, v6  }
0x53a: {  	v12 =	vor.u32 v51, v12;
	v22 =	vor.u32 v30, v22;
	v5 =	vand.u32 $0xFFFFFC00, v28  }
0x53b: {  	v28 =	vand.u32 $0xFFFFFC00, v63;
	v32 =	vor.u32 v6, v5;
	v5 =	vor.u32 v15, v29  }
0x53c: {  	v18 =	vld.idx.msk [tilespmem:v18+s19+$0x0], $0xffff;
	v6 =	vshll.u32 v7, $0x3;
	v15 =	vadd.s32 v1, v16;
	v17 =	vor.u32 v17, v28  }
0x53d: {  	v19 =	vld.idx.msk [tilespmem:v19+s19+$0x0], $0xffff;
	v53 =	vand.u32 $0x7F, v14;
	v14 =	vshll.u32 v14, $0x3;
	v5 =	vadd.s32 v2, v5  }
0x53e: {  	v16 =	vld.idx.msk [tilespmem:v21+s19+$0x0], $0xffff;
	v57 =	vand.u32 $0x1C00, v6;
	v6 =	vshll.u32 v33, $0x3;
	v32 =	vadd.s32 v2, v32  }
0x53f: {  	v20 =	vld.idx.msk [tilespmem:v20+s19+$0x0], $0xffff;
	v14 =	vand.u32 $0xFFFFFC00, v14;
	v56 =	vadd.s32 v2, v17;
	v6 =	vand.u32 $0x1C00, v6  }
0x540: {  	v21 =	vor.u32 v45, v57;
	v14 =	vor.u32 v53, v14;
	v59 =	vor.u32 v37, v6  }
0x541: {  	v21 =	vadd.s32 v1, v21;
	v14 =	vadd.s32 v2, v14;
	v36 =	vadd.s32 v1, v59  }
0x542: {  	v50 =	vand.u32 $0x7F, v18;
	v18 =	vshll.u32 v18, $0x3;
	v55 =	vand.u32 $0x7F, v19  }
0x543: {  	s30 =	simm.s32 $0x13;
	v27 =	vld.idx.msk [tilespmem:v27+s19+$0x0], $0xffff;
	v17 =	vshll.u32 v19, $0x3;
	v39 =	vand.u32 $0x7F, v16;
	v16 =	vshll.u32 v16, $0x3  }
0x544: {  	v59 =	vshll.u32 v20, $0x3;
	v60 =	vld.idx.msk [tilespmem:v15+s19+$0x0], $0xffff;
	v15 =	vmov s30;
	v16 =	vand.u32 $0xFFFFFC00, v16  }
0x545: {  	v41 =	vshll.u32 v15, $0x3;
	v6 =	vor.u32 v39, v16;
	v16 =	vand.u32 $0x7D, v34  }
0x546: {  	v47 =	vand.u32 $0x7F, v15;
	v41 =	vand.u32 $0x1C00, v41;
	v16 =	vor.u32 v16, v62  }
0x547: {  	v19 =	vld.idx.msk [tilespmem:v26+s19+$0x0], $0xffff;
	v18 =	vand.u32 $0xFFFFFC00, v18;
	v25 =	vor.u32 v47, v41;
	v16 =	vadd.s32 v1, v16  }
0x548: {  	v20 =	vand.u32 $0x7F, v20;
	v13 =	vor.u32 v50, v18;
	v18 =	vld.idx.msk [tilespmem:v21+s19+$0x0], $0xffff;
	v25 =	vadd.s32 v1, v25  }
0x549: {  	v57 =	vand.u32 $0x7F, v27;
	v10 =	vand.u32 $0xFFFFFC00, v17;
	v54 =	vld.idx.msk [tilespmem:v36+s19+$0x0], $0xffff;
	v42 =	vshll.u32 v60, $0x3  }
0x54a: {  	v10 =	vor.u32 v55, v10;
	v37 =	vand.u32 $0x7F, v60;
	v42 =	vand.u32 $0xFFFFFC00, v42  }
0x54b: {  	v23 =	vld.idx.msk [tilespmem:v23+s19+$0x0], $0xffff;
	v13 =	vadd.s32 v2, v13;
	v10 =	vadd.s32 v2, v10;
	v37 =	vor.u32 v37, v42  }
0x54c: {  	v6 =	vadd.s32 v2, v6;
	v61 =	vand.u32 $0x7F, v19;
	v37 =	vadd.s32 v2, v37;
	v16 =	vld.idx.msk [tilespmem:v16+s19+$0x0], $0xffff  }
0x54d: {  	v60 =	vadd.s32 v2, v12;
	v17 =	vshll.u32 v18, $0x3;
	v63 =	vand.u32 $0x7F, v18;
	v25 =	vld.idx.msk [tilespmem:v25+s19+$0x0], $0xffff  }
0x54e: {  	v58 =	vshll.u32 v54, $0x3;
	v28 =	vand.u32 $0x7F, v54;
	[tilespmem:v9+s23+$0x0] =	vst.idx.add.f32.msk vm6, v3;
	v9 =	vand.u32 $0xFFFFFC00, v59  }
0x54f: {  	v62 =	vand.u32 $0xFFFFFC00, v17;
	v11 =	vand.u32 $0xFFFFFC00, v58;
	[tilespmem:v24+s23+$0x0] =	vst.idx.add.f32.msk vm5, v3;
	v9 =	vor.u32 v20, v9  }
0x550: {  	vm5 =	vlt.s32 v7, v4;
	v11 =	vor.u32 v28, v11;
	v7 =	vadd.s32 v2, v9  }
0x551: {  	v17 =	vshll.u32 v27, $0x3;
	v11 =	vadd.s32 v2, v11;
	[tilespmem:v37+s23+$0x0] =	vst.idx.add.f32.msk vm0, v3;
	vm0 =	vlt.s32 v46, v4  }
0x552: {  	v12 =	vand.u32 $0x7F, v16;
	v16 =	vshll.u32 v16, $0x3;
	[tilespmem:v56+s23+$0x0] =	vst.idx.add.f32.msk vm2, v3;
	v9 =	vand.u32 $0x7F, v25  }
0x553: {  	v16 =	vand.u32 $0xFFFFFC00, v16;
	[tilespmem:v60+s23+$0x0] =	vst.idx.add.f32.msk vm4, v3;
	vm4 =	vlt.s32 v15, v4;
	v15 =	vand.u32 $0x7F, v23  }
0x554: {  	v12 =	vor.u32 v12, v16;
	v16 =	vshll.u32 v19, $0x3;
	v19 =	vand.u32 $0xFFFFFC00, v17  }
0x555: {  	v17 =	vadd.s32 v2, v22;
	v8 =	vand.u32 $0xFFFFFC00, v16;
	v16 =	vshll.u32 v25, $0x3  }
0x556: {  	v12 =	vadd.s32 v2, v12;
	v8 =	vor.u32 v61, v8;
	v16 =	vand.u32 $0xFFFFFC00, v16  }
0x557: {  	v19 =	vor.u32 v57, v19;
	v8 =	vadd.s32 v2, v8;
	v18 =	vor.u32 v9, v16  }
0x558: {  	s29 =	simm.s32 $0x27;
	[tilespmem:v32+s23+$0x0] =	vst.idx.add.f32.msk vm3, v3;
	v16 =	vadd.s32 v2, v19;
	v19 =	vor.u32 v63, v62;
	v9 =	vshll.u32 v23, $0x3  }
.LBB2_17:
0x559: {  	s0 =	sadd.s32 $0xFFFFFFED, s29  }
0x55a: {  	[tilespmem:v5+s23+$0x0] =	vst.idx.add.f32.msk vm1, v3;
	v20 =	vmov s0  }
0x55b: {  	v5 =	vadd.s32 v2, v19;
	v19 =	vand.u32 $0xFFFFFC00, v9;
	[tilespmem:v13+s23+$0x0] =	vst.idx.add.f32.msk vm10, v3;
	v22 =	vshll.u32 v20, $0x3  }
0x55c: {  	v13 =	vand.u32 $0x7C, v20;
	[tilespmem:v6+s23+$0x0] =	vst.idx.add.f32.msk vm7, v3;
	v6 =	vor.u32 v15, v19;
	v15 =	vand.u32 $0xC00, v22  }
0x55d: {  	v13 =	vor.u32 v13, v15  }
0x55e: {  	v48 =	vadd.s32 v1, v13;
	v13 =	vld [tilespmem:$0x1FF90];
	_ =	sdelay $0x4  }
0x55f: {  	s2 =	sadd.s32 $0xFFFFFFEE, s29;
	s5 =	sadd.s32 $0xFFFFFFEF, s29;
	vm1 =	vnez.u8 v13  }
0x560: {  	v18 =	vadd.s32 v2, v18;
	s30 =	smov.u32 s29;
	s31 =	sadd.s32 $0xFFFFFFF6, s29;
	v21 =	vmov s2;
	v9 =	vmov s5  }
0x561: {  	v31 =	vmov s31;
	s31 =	sadd.s32 $0xFFFFFFFA, s30;
	v19 =	vshll.u32 v21, $0x3;
	vm6 =	vlt.s32 v20, v4  }
0x562: {  	s2 =	sadd.s32 $0xFFFFFFF8, s29;
	v34 =	vmov s31;
	v56 =	vshll.u32 v31, $0x3;
	v36 =	vand.u32 $0x7D, v31  }
0x563: {  	[tilespmem:v16+s23+$0x0] =	vst.idx.add.f32.msk vm8, v3;
	v6 =	vadd.s32 v2, v6;
	v16 =	vmov s2;
	v58 =	vand.u32 $0x7D, v34  }
0x564: {  	s2 =	sadd.s32 $0xFFFFFFF1, s30;
	v60 =	vshll.u32 v34, $0x3;
	vm8 =	vlt.s32 v31, v4;
	v15 =	vshll.u32 v9, $0x3;
	[tilespmem:v14+s23+$0x0] =	vst.idx.add.f32.msk vm14, v3  }
0x565: {  	v23 =	vmov s2;
	v13 =	vimm.s32 $0x0;
	[tilespmem:v17+s23+$0x0] =	vst.idx.add.f32.msk vm1, v3;
	vm1 =	vlt.s32 v16, v4  }
0x566: {  	s5 =	sadd.s32 $0xFFFFFFF0, s30;
	v14 =	vand.u32 $0x7F, v16;
	v15 =	vand.u32 $0xC00, v15;
	v13 =	vsel vm1, $0xFFFFFFFF, v13;
	[tilespmem:v11+s23+$0x0] =	vst.idx.add.f32.msk vm9, v3  }
0x567: {  	v17 =	vand.u32 $0xC00, v19;
	v19 =	vand.u32 $0x7E, v9;
	v11 =	vmov s5;
	[tilespmem:$0x1FF90] =	vst v13  }
0x568: {  	s5 =	sadd.s32 $0xFFFFFFF2, s30;
	v15 =	vor.u32 v19, v15;
	v13 =	vshll.u32 v16, $0x3;
	[tilespmem:v12+s23+$0x0] =	vst.idx.add.f32.msk vm11, v3;
	v12 =	vand.u32 $0x7D, v21  }
0x569: {  	vm2 =	vlt.s32 v11, v4;
	v16 =	vmov s5;
	s5 =	sadd.s32 $0xFFFFFFF3, s30;
	vm11 =	vlt.s32 v34, v4  }
0x56a: {  	v13 =	vand.u32 $0x1C00, v13;
	[tilespmem:v8+s23+$0x0] =	vst.idx.add.f32.msk vm13, v3;
	v8 =	vshll.u32 v11, $0x3;
	v24 =	vmov s5  }
0x56b: {  	vm3 =	vlt.s32 v16, v4;
	v12 =	vor.u32 v12, v17;
	[tilespmem:v7+s23+$0x0] =	vst.idx.add.f32.msk vm12, v3;
	v7 =	vand.u32 $0x7F, v11  }
0x56c: {  	s2 =	sadd.s32 $0xFFFFFFFB, s30;
	v11 =	vor.u32 v14, v13;
	v13 =	vshll.u32 v16, $0x3;
	v14 =	vshll.u32 v24, $0x3  }
0x56d: {  	v25 =	vand.u32 $0x7E, v24;
	v17 =	vadd.s32 v1, v12;
	v12 =	vmov s2  }
0x56e: {  	vm1 =	vlt.s32 v24, v4;
	v24 =	vand.u32 $0x1C00, v56;
	[tilespmem:v10+s23+$0x0] =	vst.idx.add.f32.msk vm15, v3;
	v10 =	vand.u32 $0x7C, v23  }
0x56f: {  	v27 =	vshll.u32 v12, $0x3;
	v29 =	vand.u32 $0x7E, v12;
	v24 =	vor.u32 v36, v24  }
0x570: {  	s5 =	sadd.s32 $0xFFFFFFF4, s30;
	vm13 =	vlt.s32 v12, v4;
	[tilespmem:v5+s23+$0x0] =	vst.idx.add.f32.msk vm5, v3;
	v5 =	vand.u32 $0xC00, v8;
	v8 =	vand.u32 $0x1C00, v13  }
0x571: {  	v13 =	vmov s5;
	vm5 =	vlt.s32 v21, v4;
	v27 =	vand.u32 $0x1C00, v27  }
0x572: {  	s5 =	sadd.s32 $0xFFFFFFF5, s30;
	v24 =	vadd.s32 v1, v24;
	[tilespmem:v6+s23+$0x0] =	vst.idx.add.f32.msk vm0, v3;
	v5 =	vor.u32 v7, v5;
	v6 =	vshll.u32 v23, $0x3  }
0x573: {  	v7 =	vand.u32 $0x1C00, v14;
	v14 =	vmov s5;
	vm0 =	vlt.s32 v9, v4  }
0x574: {  	v27 =	vor.u32 v29, v27;
	vm10 =	vlt.s32 v13, v4;
	[tilespmem:v18+s23+$0x0] =	vst.idx.add.f32.msk vm4, v3;
	v18 =	vand.u32 $0x7D, v16  }
0x575: {  	v7 =	vor.u32 v25, v7;
	vm4 =	vlt.s32 v23, v4;
	v20 =	vshll.u32 v14, $0x3  }
0x576: {  	v49 =	vadd.s32 v1, v5;
	v6 =	vand.u32 $0x1C00, v6;
	vm7 =	vlt.s32 v14, v4  }
0x577: {  	v27 =	vadd.s32 v1, v27;
	v8 =	vor.u32 v18, v8;
	v18 =	vshll.u32 v13, $0x3  }
0x578: {  	s0 =	sadd.s32 $0xFFFFFFF7, s29;
	s5 =	sadd.s32 $0xFFFFFFFD, s30;
	v7 =	vadd.s32 v1, v7;
	v5 =	vand.u32 $0x1C00, v20;
	v20 =	vadd.s32 v1, v11  }
0x579: {  	v11 =	vmov s0;
	v26 =	vor.u32 v10, v6;
	v10 =	vmov s5  }
0x57a: {  	v53 =	vld.idx.msk [tilespmem:v17+s19+$0x0], $0xffff;
	v17 =	vand.u32 $0x7F, v13;
	v8 =	vadd.s32 v1, v8;
	v16 =	vand.u32 $0x1C00, v18  }
0x57b: {  	s5 =	sadd.s32 $0xFFFFFFF9, s30;
	v18 =	vand.u32 $0x7C, v14;
	v50 =	vshll.u32 v11, $0x3;
	v51 =	vand.u32 $0x7E, v11  }
0x57c: {  	v52 =	vand.u32 $0x7C, v10;
	v33 =	vmov s5;
	v26 =	vadd.s32 v1, v26  }
0x57d: {  	vm14 =	vlt.s32 v11, v4;
	vm15 =	vlt.s32 v10, v4;
	v5 =	vor.u32 v18, v5  }
0x57e: {  	v22 =	vld.idx.msk [tilespmem:v48+s19+$0x0], $0xffff;
	s5 =	sadd.s32 $0xFFFFFFFC, s30;
	v18 =	vshll.u32 v10, $0x3;
	v16 =	vor.u32 v17, v16;
	v23 =	vand.u32 $0x1C00, v50  }
0x57f: {  	v35 =	vmov s5;
	v37 =	vand.u32 $0x7C, v33;
	vm9 =	vlt.s32 v33, v4  }
0x580: {  	v24 =	vld.idx.msk [tilespmem:v24+s19+$0x0], $0xffff;
	v5 =	vadd.s32 v1, v5;
	v18 =	vand.u32 $0x1C00, v18;
	v38 =	vshll.u32 v35, $0x3  }
0x581: {  	v16 =	vadd.s32 v1, v16;
	v59 =	vand.u32 $0x7F, v35;
	v23 =	vor.u32 v51, v23  }
0x582: {  	vm12 =	vlt.s32 v35, v4;
	v18 =	vor.u32 v52, v18;
	v21 =	vld.idx.msk [tilespmem:v49+s19+$0x0], $0xffff;
	v38 =	vand.u32 $0x1C00, v38  }
0x583: {  	v23 =	vadd.s32 v1, v23;
	v6 =	vld.idx.msk [tilespmem:v7+s19+$0x0], $0xffff;
	v7 =	vand.u32 $0x7F, v22;
	v32 =	vand.u32 $0x7F, v53  }
0x584: {  	v18 =	vadd.s32 v1, v18;
	v19 =	vld.idx.msk [tilespmem:v8+s19+$0x0], $0xffff;
	v8 =	vshll.u32 v22, $0x3;
	v22 =	vshll.u32 v53, $0x3  }
0x585: {  	s31 =	sadd.s32 $0xFFFFFFFF, s30;
	s2 =	sadd.s32 $0xFFFFFFFE, s30;
	v8 =	vand.u32 $0xFFFFFC00, v8;
	v22 =	vand.u32 $0xFFFFFC00, v22;
	v56 =	vand.u32 $0x7F, v24  }
0x586: {  	v8 =	vor.u32 v7, v8;
	v7 =	vmov s2;
	v61 =	vld.idx.msk [tilespmem:v16+s19+$0x0], $0xffff;
	v16 =	vmov s31  }
0x587: {  	v20 =	vld.idx.msk [tilespmem:v20+s19+$0x0], $0xffff;
	v22 =	vor.u32 v32, v22;
	v8 =	vadd.s32 v2, v8;
	v55 =	vshll.u32 v7, $0x3  }
0x588: {  	v26 =	vld.idx.msk [tilespmem:v26+s19+$0x0], $0xffff;
	v62 =	vshll.u32 v21, $0x3;
	v41 =	vand.u32 $0x7D, v7;
	v21 =	vand.u32 $0x7F, v21  }
0x589: {  	v44 =	vand.u32 $0x7E, v16;
	v45 =	vshll.u32 v16, $0x3;
	v22 =	vadd.s32 v2, v22  }
0x58a: {  	v17 =	vshll.u32 v6, $0x3;
	v6 =	vand.u32 $0x7F, v6;
	v29 =	vand.u32 $0xFFFFFC00, v62  }
0x58b: {  	v13 =	vand.u32 $0x1C00, v45;
	v28 =	vshll.u32 v19, $0x3;
	v19 =	vand.u32 $0x7F, v19  }
0x58c: {  	v54 =	vld.idx.msk [tilespmem:v5+s19+$0x0], $0xffff;
	v30 =	vand.u32 $0xFFFFFC00, v17;
	v17 =	vand.u32 $0x7F, v20;
	v20 =	vshll.u32 v20, $0x3  }
0x58d: {  	v21 =	vor.u32 v21, v29;
	v48 =	vand.u32 $0x7F, v26;
	v26 =	vshll.u32 v26, $0x3  }
0x58e: {  	v52 =	vor.u32 v44, v13;
	v28 =	vand.u32 $0xFFFFFC00, v28;
	v6 =	vor.u32 v6, v30  }
0x58f: {  	v30 =	vand.u32 $0x1C00, v55;
	v20 =	vand.u32 $0xFFFFFC00, v20;
	v50 =	vand.u32 $0xFFFFFC00, v26  }
0x590: {  	v14 =	vld.idx.msk [tilespmem:v23+s19+$0x0], $0xffff;
	v21 =	vadd.s32 v2, v21;
	v19 =	vor.u32 v19, v28;
	v5 =	vadd.s32 v2, v6  }
0x591: {  	v6 =	vadd.s32 v1, v15;
	v15 =	vshll.u32 v33, $0x3;
	v39 =	vand.u32 $0x7F, v54  }
0x592: {  	v28 =	vshll.u32 v54, $0x3;
	v30 =	vor.u32 v41, v30;
	v46 =	vand.u32 $0x7F, v61  }
0x593: {  	v18 =	vld.idx.msk [tilespmem:v18+s19+$0x0], $0xffff;
	v49 =	vshll.u32 v61, $0x3;
	v25 =	vor.u32 v48, v50;
	v17 =	vor.u32 v17, v20  }
0x594: {  	v15 =	vand.u32 $0x1C00, v15;
	v9 =	vadd.s32 v2, v19;
	v30 =	vadd.s32 v1, v30  }
0x595: {  	v13 =	vand.u32 $0xFFFFFC00, v49;
	v53 =	vand.u32 $0x7F, v14;
	v14 =	vshll.u32 v14, $0x3  }
0x596: {  	v25 =	vadd.s32 v2, v25;
	v17 =	vadd.s32 v2, v17;
	v57 =	vor.u32 v37, v15  }
0x597: {  	v15 =	vmov s30;
	v37 =	vor.u32 v59, v38;
	v13 =	vor.u32 v46, v13  }
0x598: {  	v14 =	vand.u32 $0xFFFFFC00, v14;
	v55 =	vand.u32 $0x7F, v18;
	v18 =	vshll.u32 v18, $0x3  }
0x599: {  	v20 =	vld.idx.msk [tilespmem:v27+s19+$0x0], $0xffff;
	v19 =	vshll.u32 v15, $0x3;
	v63 =	vand.u32 $0x7F, v15;
	v47 =	vadd.s32 v1, v37  }
0x59a: {  	v13 =	vadd.s32 v2, v13;
	v14 =	vor.u32 v53, v14;
	v19 =	vand.u32 $0x1C00, v19  }
0x59b: {  	v40 =	vld.idx.msk [tilespmem:v6+s19+$0x0], $0xffff;
	v6 =	vand.u32 $0xFFFFFC00, v28;
	v28 =	vadd.s32 v1, v57;
	v19 =	vor.u32 v63, v19  }
0x59c: {  	v6 =	vor.u32 v39, v6;
	v39 =	vand.u32 $0x1C00, v60;
	v51 =	vld.idx.msk [tilespmem:v30+s19+$0x0], $0xffff;
	v19 =	vadd.s32 v1, v19  }
0x59d: {  	v11 =	vand.u32 $0xFFFFFC00, v18;
	v30 =	vadd.s32 v1, v52;
	v36 =	vor.u32 v58, v39  }
0x59e: {  	v59 =	vand.u32 $0x7F, v20;
	v20 =	vshll.u32 v20, $0x3;
	v36 =	vadd.s32 v1, v36;
	v23 =	vld.idx.msk [tilespmem:v47+s19+$0x0], $0xffff  }
0x59f: {  	v14 =	vadd.s32 v2, v14;
	v31 =	vor.u32 v55, v11;
	v20 =	vand.u32 $0xFFFFFC00, v20  }
0x5a0: {  	v6 =	vadd.s32 v2, v6;
	v20 =	vor.u32 v59, v20;
	v42 =	vshll.u32 v40, $0x3;
	v28 =	vld.idx.msk [tilespmem:v28+s19+$0x0], $0xffff  }
0x5a1: {  	v40 =	vand.u32 $0x7F, v40;
	v42 =	vand.u32 $0xFFFFFC00, v42;
	v18 =	vshll.u32 v51, $0x3;
	v19 =	vld.idx.msk [tilespmem:v19+s19+$0x0], $0xffff  }
0x5a2: {  	v30 =	vld.idx.msk [tilespmem:v30+s19+$0x0], $0xffff;
	v26 =	vand.u32 $0x7F, v51;
	v40 =	vor.u32 v40, v42;
	v60 =	vand.u32 $0xFFFFFC00, v18  }
0x5a3: {  	v18 =	vshll.u32 v24, $0x3;
	v39 =	vadd.s32 v2, v40;
	v54 =	vld.idx.msk [tilespmem:v36+s19+$0x0], $0xffff;
	v12 =	vshll.u32 v23, $0x3  }
0x5a4: {  	v23 =	vand.u32 $0x7F, v23;
	v18 =	vand.u32 $0xFFFFFC00, v18;
	[tilespmem:v8+s23+$0x0] =	vst.idx.add.f32.msk vm6, v3;
	v8 =	vadd.s32 v2, v20  }
0x5a5: {  	v62 =	vand.u32 $0xFFFFFC00, v12;
	[tilespmem:v22+s23+$0x0] =	vst.idx.add.f32.msk vm5, v3;
	v63 =	vor.u32 v56, v18;
	vm5 =	vlt.s32 v7, v4  }
0x5a6: {  	v57 =	vshll.u32 v28, $0x3;
	v28 =	vand.u32 $0x7F, v28;
	v18 =	vor.u32 v23, v62  }
0x5a7: {  	v11 =	vand.u32 $0xFFFFFC00, v57;
	v20 =	vshll.u32 v19, $0x3;
	v7 =	vadd.s32 v2, v18  }
0x5a8: {  	p0 =	sne.s32 s29, $0xC7;
	v18 =	vand.u32 $0x7F, v19;
	v19 =	vor.u32 v26, v60;
	v10 =	vor.u32 v28, v11  }
.Ltmp7:
0x5a9: {  	v20 =	vand.u32 $0xFFFFFC00, v20;
	v58 =	vand.u32 $0x7F, v54;
	v11 =	vadd.s32 v2, v10;
	(pc) =	sbr.rel @p0 .LBB2_17-.Ltmp7, $4  }
0x5aa: {  	v27 =	vshll.u32 v54, $0x3;
	v10 =	vadd.s32 v2, v31;
	[tilespmem:v39+s23+$0x0] =	vst.idx.add.f32.msk vm0, v3;
	vm0 =	vlt.s32 v16, v4  }
0x5ab: {  	v18 =	vor.u32 v18, v20;
	v16 =	vadd.s32 v2, v63;
	v27 =	vand.u32 $0xFFFFFC00, v27;
	[tilespmem:v21+s23+$0x0] =	vst.idx.add.f32.msk vm2, v3  }
0x5ac: {  	v61 =	vor.u32 v58, v27;
	[tilespmem:v25+s23+$0x0] =	vst.idx.add.f32.msk vm4, v3;
	vm4 =	vlt.s32 v15, v4  }
0x5ad: {  	s29 =	sadd.s32 $0x14, s29;
	v15 =	vand.u32 $0x7F, v30;
	v12 =	vadd.s32 v2, v61;
	[tilespmem:v9+s23+$0x0] =	vst.idx.add.f32.msk vm3, v3;
	v9 =	vshll.u32 v30, $0x3  }
0x5ae: {  	_ =	sdelay $0x4  }
0x5af: {  	[tilespmem:v5+s23+$0x0] =	vst.idx.add.f32.msk vm1, v3  }
0x5b0: {  	v5 =	vld [tilespmem:$0x1FF90];
	_ =	sdelay $0x4  }
0x5b1: {  	vm1 =	vnez.u8 v5;
	_ =	sdelay $0x1  }
0x5b2: {  	[tilespmem:v13+s23+$0x0] =	vst.idx.add.f32.msk vm10, v3  }
0x5b3: {  	[tilespmem:v6+s23+$0x0] =	vst.idx.add.f32.msk vm7, v3  }
0x5b4: {  	[tilespmem:v16+s23+$0x0] =	vst.idx.add.f32.msk vm8, v3  }
0x5b5: {  	[tilespmem:v14+s23+$0x0] =	vst.idx.add.f32.msk vm14, v3  }
0x5b6: {  	v4 =	vand.u32 $0xFFFFFC00, v9;
	[tilespmem:v17+s23+$0x0] =	vst.idx.add.f32.msk vm1, v3  }
0x5b7: {  	v4 =	vor.u32 v15, v4;
	v5 =	vadd.s32 v2, v19;
	[tilespmem:v11+s23+$0x0] =	vst.idx.add.f32.msk vm9, v3  }
0x5b8: {  	v4 =	vadd.s32 v2, v4;
	[tilespmem:v12+s23+$0x0] =	vst.idx.add.f32.msk vm11, v3  }
0x5b9: {  	v6 =	vadd.s32 v2, v18;
	[tilespmem:v8+s23+$0x0] =	vst.idx.add.f32.msk vm13, v3  }
0x5ba: {  	[tilespmem:v7+s23+$0x0] =	vst.idx.add.f32.msk vm12, v3  }
0x5bb: {  	[tilespmem:v10+s23+$0x0] =	vst.idx.add.f32.msk vm15, v3  }
0x5bc: {  	[tilespmem:v5+s23+$0x0] =	vst.idx.add.f32.msk vm5, v3  }
0x5bd: {  	[tilespmem:v4+s23+$0x0] =	vst.idx.add.f32.msk vm0, v3  }
0x5be: {  	s0 =	sadd.s32 $0x3000, s28;
	[tilespmem:v6+s23+$0x0] =	vst.idx.add.f32.msk vm4, v3  }
0x5bf: {  	[hbm4b:s0+s3] =	stream.linear.scatter [tilespmem:s23], [sflag:$0x9], $0x4000, $0x38;
	[tilespmem:$0x10400] =	vst v63  }
0x5c0: {  	s25 =	smin.u32 s25, $0x12;
	_ =	swait.ge [sflag:s11], $0x4000  }
0x5c1: {  	s0 =	sshll.u32 s25, $0x4;
	s2 =	rddreg [dreg:$0x1e]  }
0x5c2: {  	s29 =	simm.s32 $0x8280;
	s0 =	sadd.s32 s0, s2  }
0x5c3: {  	s5 =	simm.s32 $0x2;
	[sflag:s11] =	ssyncset.done $0x0;
	s2 =	sshll.u32 s0, $0x5  }
0x5c4: {  	[sflag:s11] =	ssyncadd.s32 $0xFFFFC000;
	s0 =	sshrl.u32 s0, $0x3;
	s2 =	sadd.s32 s4, s2  }
0x5c5: {  	[tilespmem:s16], [sflag:$0x6] =	stream.linear.gather [hbm4b:s2+s3], $0x1000, $0x38;
	[tilespmem:$0x10400] =	vst v63  }
0x5c6: {  	s30 =	simm.s32 $0x0;
	v12 =	vmov s5;
	s5 =	simm.s32 $0xB;
	s0 =	sadd.s32 s1, s0  }
0x5c7: {  	[tilespmem:s29], [sflag:$0x6] =	stream.linear.gather [hbm4b:s0+s3], $0x10, $0x38;
	[tilespmem:$0x10400] =	vst v63  }
0x5c8: {  	v10 =	vmov s5;
	v5 =	vmov s30;
	_ =	swait.ge [sflag:s17], $0x1000  }
0x5c9: {  	v11 =	vimm.s32 $0x0;
	v13 =	vshll.u32 v10, $0x3;
	s30 =	simm.s32 $0x5;
	v7 =	vshll.u32 v5, $0x3;
	[sflag:s17] =	ssyncset.done $0x0  }
0x5ca: {  	s31 =	simm.s32 $0x1;
	v8 =	vand.u32 $0x7C, v5;
	v13 =	vand.u32 $0x1C00, v13;
	v18 =	vmov s30;
	[sflag:s17] =	ssyncadd.s32 $0xFFFFF000  }
0x5cb: {  	v6 =	vmov s31;
	v7 =	vand.u32 $0xC00, v7;
	v24 =	vand.u32 $0x7D, v18;
	_ =	swait.ge [sflag:s17], $0x10  }
0x5cc: {  	s31 =	simm.s32 $0x6;
	v9 =	vshll.u32 v6, $0x3;
	v7 =	vor.u32 v8, v7;
	v8 =	vshll.u32 v12, $0x3;
	[sflag:s17] =	ssyncset.done $0x0  }
0x5cd: {  	s25 =	simm.s32 $0x3;
	v16 =	vand.u32 $0x7D, v6;
	v19 =	vmov s31;
	v7 =	vadd.s32 v1, v7;
	[sflag:s17] =	ssyncadd.s32 $0xFFFFFFF0  }
0x5ce: {  	v8 =	vand.u32 $0xC00, v8;
	v9 =	vand.u32 $0xC00, v9;
	v14 =	vmov s25;
	v4 =	vld [tilespmem:$0x8380]  }
0x5cf: {  	v21 =	vshll.u32 v19, $0x3;
	v25 =	vand.u32 $0x7E, v19;
	v17 =	vshll.u32 v14, $0x3;
	s29 =	simm.s32 $0x4  }
0x5d0: {  	v21 =	vand.u32 $0x1C00, v21;
	v9 =	vor.u32 v16, v9;
	v15 =	vmov s29  }
0x5d1: {  	v17 =	vand.u32 $0xC00, v17;
	v21 =	vor.u32 v25, v21;
	v23 =	vshll.u32 v15, $0x3  }
0x5d2: {  	v51 =	vadd.s32 v1, v9;
	v20 =	vand.u32 $0x7C, v15;
	v9 =	vand.u32 $0x1C00, v23  }
0x5d3: {  	v20 =	vor.u32 v20, v9;
	vm0 =	vlt.s32 v10, v4;
	v10 =	vand.u32 $0x7F, v10  }
0x5d4: {  	vm2 =	vlt.s32 v14, v4;
	v14 =	vand.u32 $0x7F, v14;
	vm6 =	vlt.s32 v5, v4  }
0x5d5: {  	vm5 =	vlt.s32 v6, v4;
	vm3 =	vlt.s32 v18, v4;
	vm4 =	vlt.s32 v15, v4  }
0x5d6: {  	v15 =	vadd.s32 v1, v21;
	vm1 =	vlt.s32 v19, v4;
	v11 =	vsel vm0, $0xFFFFFFFF, v11  }
0x5d7: {  	s5 =	simm.s32 $0x8;
	v10 =	vor.u32 v10, v13;
	v13 =	vshll.u32 v18, $0x3;
	v17 =	vor.u32 v14, v17  }
0x5d8: {  	s2 =	simm.s32 $0x7;
	v14 =	vmov s5;
	vm0 =	vlt.s32 v12, v4;
	[tilespmem:$0x1FF80] =	vst v11;
	v11 =	vand.u32 $0x7E, v12  }
0x5d9: {  	v5 =	vld.idx.msk [tilespmem:v7+s20+$0x0], $0xffff;
	v22 =	vand.u32 $0x1C00, v13;
	v13 =	vmov s2;
	v7 =	vand.u32 $0x7C, v14  }
0x5da: {  	s25 =	simm.s32 $0xA;
	s5 =	simm.s32 $0xC;
	v49 =	vshll.u32 v14, $0x3;
	v17 =	vadd.s32 v1, v17;
	v50 =	vadd.s32 v1, v10  }
0x5db: {  	v10 =	vmov s25;
	v33 =	vmov s5;
	v12 =	vadd.s32 v1, v20  }
0x5dc: {  	vm7 =	vlt.s32 v14, v4;
	v22 =	vor.u32 v24, v22;
	v48 =	vshll.u32 v13, $0x3  }
0x5dd: {  	s29 =	simm.s32 $0xE;
	s2 =	simm.s32 $0x9;
	v21 =	vand.u32 $0x1C00, v49;
	v16 =	vor.u32 v11, v8;
	v52 =	vshll.u32 v10, $0x3  }
0x5de: {  	s25 =	simm.s32 $0xD;
	v53 =	vand.u32 $0x7E, v10;
	v11 =	vmov s29;
	v31 =	vmov s2  }
0x5df: {  	v34 =	vmov s25;
	v37 =	vand.u32 $0x7C, v33;
	vm10 =	vlt.s32 v13, v4  }
0x5e0: {  	vm9 =	vlt.s32 v33, v4;
	vm14 =	vlt.s32 v10, v4;
	v6 =	vadd.s32 v1, v22  }
0x5e1: {  	s31 =	simm.s32 $0x11;
	v18 =	vand.u32 $0x1C00, v48;
	v21 =	vor.u32 v7, v21;
	v54 =	vshll.u32 v11, $0x3  }
0x5e2: {  	s29 =	simm.s32 $0xF;
	v7 =	vmov s31;
	v55 =	vand.u32 $0x7E, v11;
	v25 =	vand.u32 $0x1C00, v52  }
0x5e3: {  	v58 =	vshll.u32 v31, $0x3;
	v35 =	vmov s29;
	v36 =	vand.u32 $0x7D, v31  }
0x5e4: {  	v40 =	vshll.u32 v34, $0x3;
	vm8 =	vlt.s32 v31, v4;
	vm11 =	vlt.s32 v34, v4  }
0x5e5: {  	vm13 =	vlt.s32 v11, v4;
	v8 =	vshll.u32 v5, $0x3;
	v5 =	vand.u32 $0x7F, v5  }
0x5e6: {  	s31 =	simm.s32 $0x12;
	v21 =	vadd.s32 v1, v21;
	v38 =	vshll.u32 v35, $0x3;
	v61 =	vand.u32 $0x7F, v35  }
0x5e7: {  	v62 =	vand.u32 $0x1C00, v40;
	v45 =	vand.u32 $0x7D, v7;
	v46 =	vmov s31  }
0x5e8: {  	s30 =	simm.s32 $0x10;
	v24 =	vld.idx.msk [tilespmem:v51+s20+$0x0], $0xffff;
	v23 =	vor.u32 v53, v25;
	vm12 =	vlt.s32 v35, v4;
	v26 =	vand.u32 $0xFFFFFC00, v8  }
0x5e9: {  	v8 =	vmov s30;
	v38 =	vand.u32 $0x1C00, v38;
	v23 =	vadd.s32 v1, v23  }
0x5ea: {  	v48 =	vand.u32 $0x7E, v46;
	v49 =	vshll.u32 v46, $0x3;
	v19 =	vand.u32 $0x7C, v8  }
0x5eb: {  	v27 =	vshll.u32 v8, $0x3;
	v5 =	vor.u32 v5, v26;
	v26 =	vand.u32 $0x1C00, v54  }
0x5ec: {  	v15 =	vld.idx.msk [tilespmem:v15+s20+$0x0], $0xffff;
	v20 =	vor.u32 v61, v38;
	vm15 =	vlt.s32 v8, v4;
	v9 =	vadd.s32 v2, v5  }
0x5ed: {  	v5 =	vand.u32 $0x7F, v13;
	v27 =	vand.u32 $0x1C00, v27;
	v56 =	vand.u32 $0x7F, v24  }
0x5ee: {  	v24 =	vshll.u32 v24, $0x3;
	v26 =	vor.u32 v55, v26;
	v13 =	vand.u32 $0x1C00, v49  }
0x5ef: {  	v22 =	vld.idx.msk [tilespmem:v50+s20+$0x0], $0xffff;
	v20 =	vadd.s32 v1, v20;
	v18 =	vor.u32 v5, v18;
	v19 =	vor.u32 v19, v27  }
0x5f0: {  	v17 =	vld.idx.msk [tilespmem:v17+s20+$0x0], $0xffff;
	v27 =	vand.u32 $0x1C00, v58;
	v24 =	vand.u32 $0xFFFFFC00, v24;
	v26 =	vadd.s32 v1, v26  }
0x5f1: {  	v12 =	vld.idx.msk [tilespmem:v12+s20+$0x0], $0xffff;
	v52 =	vor.u32 v48, v13;
	v29 =	vshll.u32 v15, $0x3;
	v15 =	vand.u32 $0x7F, v15  }
0x5f2: {  	v6 =	vld.idx.msk [tilespmem:v6+s20+$0x0], $0xffff;
	v18 =	vadd.s32 v1, v18;
	v27 =	vor.u32 v36, v27;
	v19 =	vadd.s32 v1, v19  }
0x5f3: {  	v24 =	vor.u32 v56, v24;
	v29 =	vand.u32 $0xFFFFFC00, v29;
	v27 =	vadd.s32 v1, v27  }
0x5f4: {  	v14 =	vld.idx.msk [tilespmem:v23+s20+$0x0], $0xffff;
	v24 =	vadd.s32 v2, v24;
	v23 =	vadd.s32 v1, v52;
	v30 =	vand.u32 $0x7F, v22  }
0x5f5: {  	v22 =	vshll.u32 v22, $0x3;
	v63 =	vshll.u32 v17, $0x3;
	v17 =	vand.u32 $0x7F, v17  }
0x5f6: {  	v51 =	vand.u32 $0x7F, v12;
	v12 =	vshll.u32 v12, $0x3;
	v22 =	vand.u32 $0xFFFFFC00, v22  }
0x5f7: {  	v12 =	vand.u32 $0xFFFFFC00, v12;
	v28 =	vshll.u32 v6, $0x3;
	v6 =	vand.u32 $0x7F, v6  }
0x5f8: {  	v12 =	vor.u32 v51, v12;
	v22 =	vor.u32 v30, v22;
	v5 =	vand.u32 $0xFFFFFC00, v28  }
0x5f9: {  	v28 =	vand.u32 $0xFFFFFC00, v63;
	v32 =	vor.u32 v6, v5;
	v5 =	vor.u32 v15, v29  }
0x5fa: {  	v18 =	vld.idx.msk [tilespmem:v18+s20+$0x0], $0xffff;
	v6 =	vshll.u32 v7, $0x3;
	v15 =	vadd.s32 v1, v16;
	v17 =	vor.u32 v17, v28  }
0x5fb: {  	v19 =	vld.idx.msk [tilespmem:v19+s20+$0x0], $0xffff;
	v53 =	vand.u32 $0x7F, v14;
	v14 =	vshll.u32 v14, $0x3;
	v5 =	vadd.s32 v2, v5  }
0x5fc: {  	v16 =	vld.idx.msk [tilespmem:v21+s20+$0x0], $0xffff;
	v57 =	vand.u32 $0x1C00, v6;
	v6 =	vshll.u32 v33, $0x3;
	v32 =	vadd.s32 v2, v32  }
0x5fd: {  	v20 =	vld.idx.msk [tilespmem:v20+s20+$0x0], $0xffff;
	v14 =	vand.u32 $0xFFFFFC00, v14;
	v56 =	vadd.s32 v2, v17;
	v6 =	vand.u32 $0x1C00, v6  }
0x5fe: {  	v21 =	vor.u32 v45, v57;
	v14 =	vor.u32 v53, v14;
	v59 =	vor.u32 v37, v6  }
0x5ff: {  	v21 =	vadd.s32 v1, v21;
	v14 =	vadd.s32 v2, v14;
	v36 =	vadd.s32 v1, v59  }
0x600: {  	v50 =	vand.u32 $0x7F, v18;
	v18 =	vshll.u32 v18, $0x3;
	v55 =	vand.u32 $0x7F, v19  }
0x601: {  	s30 =	simm.s32 $0x13;
	v27 =	vld.idx.msk [tilespmem:v27+s20+$0x0], $0xffff;
	v17 =	vshll.u32 v19, $0x3;
	v39 =	vand.u32 $0x7F, v16;
	v16 =	vshll.u32 v16, $0x3  }
0x602: {  	v59 =	vshll.u32 v20, $0x3;
	v60 =	vld.idx.msk [tilespmem:v15+s20+$0x0], $0xffff;
	v15 =	vmov s30;
	v16 =	vand.u32 $0xFFFFFC00, v16  }
0x603: {  	v41 =	vshll.u32 v15, $0x3;
	v6 =	vor.u32 v39, v16;
	v16 =	vand.u32 $0x7D, v34  }
0x604: {  	v47 =	vand.u32 $0x7F, v15;
	v41 =	vand.u32 $0x1C00, v41;
	v16 =	vor.u32 v16, v62  }
0x605: {  	v19 =	vld.idx.msk [tilespmem:v26+s20+$0x0], $0xffff;
	v18 =	vand.u32 $0xFFFFFC00, v18;
	v25 =	vor.u32 v47, v41;
	v16 =	vadd.s32 v1, v16  }
0x606: {  	v20 =	vand.u32 $0x7F, v20;
	v13 =	vor.u32 v50, v18;
	v18 =	vld.idx.msk [tilespmem:v21+s20+$0x0], $0xffff;
	v25 =	vadd.s32 v1, v25  }
0x607: {  	v57 =	vand.u32 $0x7F, v27;
	v10 =	vand.u32 $0xFFFFFC00, v17;
	v54 =	vld.idx.msk [tilespmem:v36+s20+$0x0], $0xffff;
	v42 =	vshll.u32 v60, $0x3  }
0x608: {  	v10 =	vor.u32 v55, v10;
	v37 =	vand.u32 $0x7F, v60;
	v42 =	vand.u32 $0xFFFFFC00, v42  }
0x609: {  	v23 =	vld.idx.msk [tilespmem:v23+s20+$0x0], $0xffff;
	v13 =	vadd.s32 v2, v13;
	v10 =	vadd.s32 v2, v10;
	v37 =	vor.u32 v37, v42  }
0x60a: {  	v6 =	vadd.s32 v2, v6;
	v61 =	vand.u32 $0x7F, v19;
	v37 =	vadd.s32 v2, v37;
	v16 =	vld.idx.msk [tilespmem:v16+s20+$0x0], $0xffff  }
0x60b: {  	v60 =	vadd.s32 v2, v12;
	v17 =	vshll.u32 v18, $0x3;
	v63 =	vand.u32 $0x7F, v18;
	v25 =	vld.idx.msk [tilespmem:v25+s20+$0x0], $0xffff  }
0x60c: {  	v58 =	vshll.u32 v54, $0x3;
	v28 =	vand.u32 $0x7F, v54;
	[tilespmem:v9+s26+$0x0] =	vst.idx.add.f32.msk vm6, v3;
	v9 =	vand.u32 $0xFFFFFC00, v59  }
0x60d: {  	v62 =	vand.u32 $0xFFFFFC00, v17;
	v11 =	vand.u32 $0xFFFFFC00, v58;
	[tilespmem:v24+s26+$0x0] =	vst.idx.add.f32.msk vm5, v3;
	v9 =	vor.u32 v20, v9  }
0x60e: {  	vm5 =	vlt.s32 v7, v4;
	v11 =	vor.u32 v28, v11;
	v7 =	vadd.s32 v2, v9  }
0x60f: {  	v17 =	vshll.u32 v27, $0x3;
	v11 =	vadd.s32 v2, v11;
	[tilespmem:v37+s26+$0x0] =	vst.idx.add.f32.msk vm0, v3;
	vm0 =	vlt.s32 v46, v4  }
0x610: {  	v12 =	vand.u32 $0x7F, v16;
	v16 =	vshll.u32 v16, $0x3;
	[tilespmem:v56+s26+$0x0] =	vst.idx.add.f32.msk vm2, v3;
	v9 =	vand.u32 $0x7F, v25  }
0x611: {  	v16 =	vand.u32 $0xFFFFFC00, v16;
	[tilespmem:v60+s26+$0x0] =	vst.idx.add.f32.msk vm4, v3;
	vm4 =	vlt.s32 v15, v4;
	v15 =	vand.u32 $0x7F, v23  }
0x612: {  	v12 =	vor.u32 v12, v16;
	v16 =	vshll.u32 v19, $0x3;
	v19 =	vand.u32 $0xFFFFFC00, v17  }
0x613: {  	v17 =	vadd.s32 v2, v22;
	v8 =	vand.u32 $0xFFFFFC00, v16;
	v16 =	vshll.u32 v25, $0x3  }
0x614: {  	v12 =	vadd.s32 v2, v12;
	v8 =	vor.u32 v61, v8;
	v16 =	vand.u32 $0xFFFFFC00, v16  }
0x615: {  	v19 =	vor.u32 v57, v19;
	v8 =	vadd.s32 v2, v8;
	v18 =	vor.u32 v9, v16  }
0x616: {  	s25 =	simm.s32 $0x27;
	[tilespmem:v32+s26+$0x0] =	vst.idx.add.f32.msk vm3, v3;
	v16 =	vadd.s32 v2, v19;
	v19 =	vor.u32 v63, v62;
	v9 =	vshll.u32 v23, $0x3  }
.LBB2_19:
0x617: {  	s0 =	sadd.s32 $0xFFFFFFED, s25  }
0x618: {  	[tilespmem:v5+s26+$0x0] =	vst.idx.add.f32.msk vm1, v3;
	v20 =	vmov s0  }
0x619: {  	v5 =	vadd.s32 v2, v19;
	v19 =	vand.u32 $0xFFFFFC00, v9;
	[tilespmem:v13+s26+$0x0] =	vst.idx.add.f32.msk vm10, v3;
	v22 =	vshll.u32 v20, $0x3  }
0x61a: {  	v13 =	vand.u32 $0x7C, v20;
	[tilespmem:v6+s26+$0x0] =	vst.idx.add.f32.msk vm7, v3;
	v6 =	vor.u32 v15, v19;
	v15 =	vand.u32 $0xC00, v22  }
0x61b: {  	v13 =	vor.u32 v13, v15  }
0x61c: {  	v48 =	vadd.s32 v1, v13;
	v13 =	vld [tilespmem:$0x1FF80];
	_ =	sdelay $0x2  }
0x61d: {  	s2 =	sadd.s32 $0xFFFFFFEE, s25;
	s5 =	sadd.s32 $0xFFFFFFEF, s25;
	v18 =	vadd.s32 v2, v18;
	s30 =	sadd.s32 $0xFFFFFFF6, s25  }
0x61e: {  	s29 =	smov.u32 s25;
	v21 =	vmov s2;
	v9 =	vmov s5;
	v31 =	vmov s30  }
0x61f: {  	s30 =	sadd.s32 $0xFFFFFFFC, s29;
	v19 =	vshll.u32 v21, $0x3;
	vm6 =	vlt.s32 v20, v4;
	vm1 =	vnez.u8 v13  }
0x620: {  	s31 =	sadd.s32 $0xFFFFFFF8, s25;
	v56 =	vshll.u32 v31, $0x3;
	v35 =	vmov s30;
	v36 =	vand.u32 $0x7D, v31  }
0x621: {  	[tilespmem:v16+s26+$0x0] =	vst.idx.add.f32.msk vm8, v3;
	v6 =	vadd.s32 v2, v6;
	v16 =	vmov s31;
	s31 =	sadd.s32 $0xFFFFFFF1, s29;
	v38 =	vshll.u32 v35, $0x3  }
0x622: {  	v59 =	vand.u32 $0x7F, v35;
	vm8 =	vlt.s32 v31, v4;
	v23 =	vmov s31;
	s31 =	sadd.s32 $0xFFFFFFF3, s29  }
0x623: {  	v15 =	vshll.u32 v9, $0x3;
	[tilespmem:v14+s26+$0x0] =	vst.idx.add.f32.msk vm14, v3;
	v14 =	vand.u32 $0x7F, v16;
	v24 =	vmov s31  }
0x624: {  	v38 =	vand.u32 $0x1C00, v38;
	v15 =	vand.u32 $0xC00, v15;
	v25 =	vand.u32 $0x7E, v24  }
0x625: {  	s5 =	sadd.s32 $0xFFFFFFF0, s29;
	v13 =	vimm.s32 $0x0;
	[tilespmem:v17+s26+$0x0] =	vst.idx.add.f32.msk vm1, v3;
	vm1 =	vlt.s32 v16, v4;
	v17 =	vand.u32 $0xC00, v19  }
0x626: {  	v19 =	vand.u32 $0x7E, v9;
	v13 =	vsel vm1, $0xFFFFFFFF, v13;
	[tilespmem:v11+s26+$0x0] =	vst.idx.add.f32.msk vm9, v3;
	v11 =	vmov s5  }
0x627: {  	s5 =	sadd.s32 $0xFFFFFFF2, s29;
	v15 =	vor.u32 v19, v15;
	vm1 =	vlt.s32 v24, v4;
	[tilespmem:$0x1FF80] =	vst v13;
	v13 =	vshll.u32 v16, $0x3  }
0x628: {  	[tilespmem:v12+s26+$0x0] =	vst.idx.add.f32.msk vm11, v3;
	v12 =	vand.u32 $0x7D, v21;
	vm2 =	vlt.s32 v11, v4;
	v16 =	vmov s5  }
0x629: {  	v13 =	vand.u32 $0x1C00, v13;
	[tilespmem:v8+s26+$0x0] =	vst.idx.add.f32.msk vm13, v3;
	v8 =	vshll.u32 v11, $0x3;
	vm3 =	vlt.s32 v16, v4  }
0x62a: {  	v12 =	vor.u32 v12, v17;
	[tilespmem:v7+s26+$0x0] =	vst.idx.add.f32.msk vm12, v3;
	v7 =	vand.u32 $0x7F, v11;
	v11 =	vor.u32 v14, v13  }
0x62b: {  	s2 =	sadd.s32 $0xFFFFFFFB, s29;
	v13 =	vshll.u32 v16, $0x3;
	v14 =	vshll.u32 v24, $0x3;
	v17 =	vadd.s32 v1, v12  }
0x62c: {  	v12 =	vmov s2;
	v24 =	vand.u32 $0x1C00, v56;
	vm12 =	vlt.s32 v35, v4  }
0x62d: {  	s2 =	sadd.s32 $0xFFFFFFF9, s29;
	[tilespmem:v10+s26+$0x0] =	vst.idx.add.f32.msk vm15, v3;
	v10 =	vand.u32 $0x7C, v23;
	v27 =	vshll.u32 v12, $0x3;
	v29 =	vand.u32 $0x7E, v12  }
0x62e: {  	s5 =	sadd.s32 $0xFFFFFFF4, s29;
	v33 =	vmov s2;
	v24 =	vor.u32 v36, v24;
	vm13 =	vlt.s32 v12, v4  }
0x62f: {  	[tilespmem:v5+s26+$0x0] =	vst.idx.add.f32.msk vm5, v3;
	v5 =	vand.u32 $0xC00, v8;
	v8 =	vand.u32 $0x1C00, v13;
	v13 =	vmov s5  }
0x630: {  	vm5 =	vlt.s32 v21, v4;
	v37 =	vand.u32 $0x7C, v33;
	v27 =	vand.u32 $0x1C00, v27  }
0x631: {  	s31 =	sadd.s32 $0xFFFFFFF5, s29;
	v24 =	vadd.s32 v1, v24;
	vm9 =	vlt.s32 v33, v4;
	v5 =	vor.u32 v7, v5  }
0x632: {  	[tilespmem:v6+s26+$0x0] =	vst.idx.add.f32.msk vm0, v3;
	v6 =	vshll.u32 v23, $0x3;
	v7 =	vand.u32 $0x1C00, v14;
	v14 =	vmov s31  }
0x633: {  	vm0 =	vlt.s32 v9, v4;
	v27 =	vor.u32 v29, v27;
	vm10 =	vlt.s32 v13, v4  }
0x634: {  	[tilespmem:v18+s26+$0x0] =	vst.idx.add.f32.msk vm4, v3;
	v18 =	vand.u32 $0x7D, v16;
	v7 =	vor.u32 v25, v7;
	vm4 =	vlt.s32 v23, v4  }
0x635: {  	v20 =	vshll.u32 v14, $0x3;
	v49 =	vadd.s32 v1, v5;
	v6 =	vand.u32 $0x1C00, v6  }
0x636: {  	vm7 =	vlt.s32 v14, v4;
	v27 =	vadd.s32 v1, v27;
	v8 =	vor.u32 v18, v8  }
0x637: {  	s0 =	sadd.s32 $0xFFFFFFF7, s25;
	v18 =	vshll.u32 v13, $0x3;
	v7 =	vadd.s32 v1, v7;
	v5 =	vand.u32 $0x1C00, v20  }
0x638: {  	s5 =	sadd.s32 $0xFFFFFFFD, s29;
	v20 =	vadd.s32 v1, v11;
	v11 =	vmov s0;
	v26 =	vor.u32 v10, v6  }
0x639: {  	v10 =	vmov s5;
	v53 =	vld.idx.msk [tilespmem:v17+s20+$0x0], $0xffff;
	v17 =	vand.u32 $0x7F, v13;
	v8 =	vadd.s32 v1, v8  }
0x63a: {  	s5 =	sadd.s32 $0xFFFFFFFA, s29;
	v16 =	vand.u32 $0x1C00, v18;
	v18 =	vand.u32 $0x7C, v14;
	v50 =	vshll.u32 v11, $0x3  }
0x63b: {  	v51 =	vand.u32 $0x7E, v11;
	v52 =	vand.u32 $0x7C, v10;
	v34 =	vmov s5  }
0x63c: {  	v22 =	vld.idx.msk [tilespmem:v48+s20+$0x0], $0xffff;
	v26 =	vadd.s32 v1, v26;
	vm14 =	vlt.s32 v11, v4;
	vm15 =	vlt.s32 v10, v4  }
0x63d: {  	v5 =	vor.u32 v18, v5;
	v18 =	vshll.u32 v10, $0x3;
	v16 =	vor.u32 v17, v16  }
0x63e: {  	v23 =	vand.u32 $0x1C00, v50;
	v58 =	vand.u32 $0x7D, v34;
	v60 =	vshll.u32 v34, $0x3;
	v24 =	vld.idx.msk [tilespmem:v24+s20+$0x0], $0xffff  }
0x63f: {  	vm11 =	vlt.s32 v34, v4;
	v5 =	vadd.s32 v1, v5;
	v18 =	vand.u32 $0x1C00, v18  }
0x640: {  	v16 =	vadd.s32 v1, v16;
	v23 =	vor.u32 v51, v23;
	v18 =	vor.u32 v52, v18;
	v21 =	vld.idx.msk [tilespmem:v49+s20+$0x0], $0xffff  }
0x641: {  	v23 =	vadd.s32 v1, v23;
	v6 =	vld.idx.msk [tilespmem:v7+s20+$0x0], $0xffff;
	v7 =	vand.u32 $0x7F, v22;
	v32 =	vand.u32 $0x7F, v53  }
0x642: {  	v18 =	vadd.s32 v1, v18;
	v19 =	vld.idx.msk [tilespmem:v8+s20+$0x0], $0xffff;
	v8 =	vshll.u32 v22, $0x3;
	v22 =	vshll.u32 v53, $0x3  }
0x643: {  	s31 =	sadd.s32 $0xFFFFFFFE, s29;
	v8 =	vand.u32 $0xFFFFFC00, v8;
	v22 =	vand.u32 $0xFFFFFC00, v22;
	v56 =	vand.u32 $0x7F, v24  }
0x644: {  	v20 =	vld.idx.msk [tilespmem:v20+s20+$0x0], $0xffff;
	v8 =	vor.u32 v7, v8;
	v7 =	vmov s31;
	v22 =	vor.u32 v32, v22  }
0x645: {  	v26 =	vld.idx.msk [tilespmem:v26+s20+$0x0], $0xffff;
	s31 =	sadd.s32 $0xFFFFFFFF, s29;
	v8 =	vadd.s32 v2, v8;
	v55 =	vshll.u32 v7, $0x3;
	v62 =	vshll.u32 v21, $0x3  }
0x646: {  	v61 =	vld.idx.msk [tilespmem:v16+s20+$0x0], $0xffff;
	v41 =	vand.u32 $0x7D, v7;
	v16 =	vmov s31;
	v21 =	vand.u32 $0x7F, v21  }
0x647: {  	v22 =	vadd.s32 v2, v22;
	v17 =	vshll.u32 v6, $0x3;
	v6 =	vand.u32 $0x7F, v6  }
0x648: {  	v44 =	vand.u32 $0x7E, v16;
	v45 =	vshll.u32 v16, $0x3;
	v29 =	vand.u32 $0xFFFFFC00, v62  }
0x649: {  	v28 =	vshll.u32 v19, $0x3;
	v19 =	vand.u32 $0x7F, v19;
	v30 =	vand.u32 $0xFFFFFC00, v17  }
0x64a: {  	v54 =	vld.idx.msk [tilespmem:v5+s20+$0x0], $0xffff;
	v17 =	vand.u32 $0x7F, v20;
	v20 =	vshll.u32 v20, $0x3;
	v21 =	vor.u32 v21, v29  }
0x64b: {  	v13 =	vand.u32 $0x1C00, v45;
	v48 =	vand.u32 $0x7F, v26;
	v26 =	vshll.u32 v26, $0x3  }
0x64c: {  	v28 =	vand.u32 $0xFFFFFC00, v28;
	v6 =	vor.u32 v6, v30;
	v30 =	vand.u32 $0x1C00, v55  }
0x64d: {  	v20 =	vand.u32 $0xFFFFFC00, v20;
	v50 =	vand.u32 $0xFFFFFC00, v26;
	v52 =	vor.u32 v44, v13  }
0x64e: {  	v14 =	vld.idx.msk [tilespmem:v23+s20+$0x0], $0xffff;
	v21 =	vadd.s32 v2, v21;
	v19 =	vor.u32 v19, v28;
	v5 =	vadd.s32 v2, v6  }
0x64f: {  	v6 =	vadd.s32 v1, v15;
	v15 =	vshll.u32 v33, $0x3;
	v39 =	vand.u32 $0x7F, v54  }
0x650: {  	v28 =	vshll.u32 v54, $0x3;
	v30 =	vor.u32 v41, v30;
	v46 =	vand.u32 $0x7F, v61  }
0x651: {  	v18 =	vld.idx.msk [tilespmem:v18+s20+$0x0], $0xffff;
	v49 =	vshll.u32 v61, $0x3;
	v25 =	vor.u32 v48, v50;
	v17 =	vor.u32 v17, v20  }
0x652: {  	v15 =	vand.u32 $0x1C00, v15;
	v9 =	vadd.s32 v2, v19;
	v30 =	vadd.s32 v1, v30  }
0x653: {  	v13 =	vand.u32 $0xFFFFFC00, v49;
	v53 =	vand.u32 $0x7F, v14;
	v14 =	vshll.u32 v14, $0x3  }
0x654: {  	v25 =	vadd.s32 v2, v25;
	v17 =	vadd.s32 v2, v17;
	v57 =	vor.u32 v37, v15  }
0x655: {  	v15 =	vmov s29;
	v37 =	vor.u32 v59, v38;
	v13 =	vor.u32 v46, v13  }
0x656: {  	v14 =	vand.u32 $0xFFFFFC00, v14;
	v55 =	vand.u32 $0x7F, v18;
	v18 =	vshll.u32 v18, $0x3  }
0x657: {  	v20 =	vld.idx.msk [tilespmem:v27+s20+$0x0], $0xffff;
	v19 =	vshll.u32 v15, $0x3;
	v63 =	vand.u32 $0x7F, v15;
	v47 =	vadd.s32 v1, v37  }
0x658: {  	v13 =	vadd.s32 v2, v13;
	v14 =	vor.u32 v53, v14;
	v19 =	vand.u32 $0x1C00, v19  }
0x659: {  	v40 =	vld.idx.msk [tilespmem:v6+s20+$0x0], $0xffff;
	v6 =	vand.u32 $0xFFFFFC00, v28;
	v28 =	vadd.s32 v1, v57;
	v19 =	vor.u32 v63, v19  }
0x65a: {  	v6 =	vor.u32 v39, v6;
	v39 =	vand.u32 $0x1C00, v60;
	v51 =	vld.idx.msk [tilespmem:v30+s20+$0x0], $0xffff;
	v19 =	vadd.s32 v1, v19  }
0x65b: {  	v11 =	vand.u32 $0xFFFFFC00, v18;
	v30 =	vadd.s32 v1, v52;
	v36 =	vor.u32 v58, v39  }
0x65c: {  	v59 =	vand.u32 $0x7F, v20;
	v20 =	vshll.u32 v20, $0x3;
	v36 =	vadd.s32 v1, v36;
	v23 =	vld.idx.msk [tilespmem:v47+s20+$0x0], $0xffff  }
0x65d: {  	v14 =	vadd.s32 v2, v14;
	v31 =	vor.u32 v55, v11;
	v20 =	vand.u32 $0xFFFFFC00, v20  }
0x65e: {  	v6 =	vadd.s32 v2, v6;
	v20 =	vor.u32 v59, v20;
	v42 =	vshll.u32 v40, $0x3;
	v28 =	vld.idx.msk [tilespmem:v28+s20+$0x0], $0xffff  }
0x65f: {  	v40 =	vand.u32 $0x7F, v40;
	v42 =	vand.u32 $0xFFFFFC00, v42;
	v18 =	vshll.u32 v51, $0x3;
	v19 =	vld.idx.msk [tilespmem:v19+s20+$0x0], $0xffff  }
0x660: {  	v30 =	vld.idx.msk [tilespmem:v30+s20+$0x0], $0xffff;
	v26 =	vand.u32 $0x7F, v51;
	v40 =	vor.u32 v40, v42;
	v60 =	vand.u32 $0xFFFFFC00, v18  }
0x661: {  	v18 =	vshll.u32 v24, $0x3;
	v39 =	vadd.s32 v2, v40;
	v54 =	vld.idx.msk [tilespmem:v36+s20+$0x0], $0xffff;
	v12 =	vshll.u32 v23, $0x3  }
0x662: {  	v23 =	vand.u32 $0x7F, v23;
	v18 =	vand.u32 $0xFFFFFC00, v18;
	[tilespmem:v8+s26+$0x0] =	vst.idx.add.f32.msk vm6, v3;
	v8 =	vadd.s32 v2, v20  }
0x663: {  	v62 =	vand.u32 $0xFFFFFC00, v12;
	[tilespmem:v22+s26+$0x0] =	vst.idx.add.f32.msk vm5, v3;
	v63 =	vor.u32 v56, v18;
	vm5 =	vlt.s32 v7, v4  }
0x664: {  	v57 =	vshll.u32 v28, $0x3;
	v28 =	vand.u32 $0x7F, v28;
	v18 =	vor.u32 v23, v62  }
0x665: {  	v11 =	vand.u32 $0xFFFFFC00, v57;
	v20 =	vshll.u32 v19, $0x3;
	v7 =	vadd.s32 v2, v18  }
0x666: {  	p0 =	sne.s32 s25, $0xC7;
	v18 =	vand.u32 $0x7F, v19;
	v19 =	vor.u32 v26, v60;
	v10 =	vor.u32 v28, v11  }
.Ltmp8:
0x667: {  	v20 =	vand.u32 $0xFFFFFC00, v20;
	v58 =	vand.u32 $0x7F, v54;
	v11 =	vadd.s32 v2, v10;
	(pc) =	sbr.rel @p0 .LBB2_19-.Ltmp8, $4  }
0x668: {  	v27 =	vshll.u32 v54, $0x3;
	v10 =	vadd.s32 v2, v31;
	[tilespmem:v39+s26+$0x0] =	vst.idx.add.f32.msk vm0, v3;
	vm0 =	vlt.s32 v16, v4  }
0x669: {  	v18 =	vor.u32 v18, v20;
	v16 =	vadd.s32 v2, v63;
	v27 =	vand.u32 $0xFFFFFC00, v27;
	[tilespmem:v21+s26+$0x0] =	vst.idx.add.f32.msk vm2, v3  }
0x66a: {  	v61 =	vor.u32 v58, v27;
	[tilespmem:v25+s26+$0x0] =	vst.idx.add.f32.msk vm4, v3;
	vm4 =	vlt.s32 v15, v4  }
0x66b: {  	s25 =	sadd.s32 $0x14, s25;
	v15 =	vand.u32 $0x7F, v30;
	v12 =	vadd.s32 v2, v61;
	[tilespmem:v9+s26+$0x0] =	vst.idx.add.f32.msk vm3, v3;
	v9 =	vshll.u32 v30, $0x3  }
0x66c: {  	_ =	sdelay $0x4  }
0x66d: {  	[tilespmem:v5+s26+$0x0] =	vst.idx.add.f32.msk vm1, v3  }
0x66e: {  	v5 =	vld [tilespmem:$0x1FF80];
	_ =	sdelay $0x1  }
0x66f: {  	[tilespmem:v13+s26+$0x0] =	vst.idx.add.f32.msk vm10, v3  }
0x670: {  	[tilespmem:v6+s26+$0x0] =	vst.idx.add.f32.msk vm7, v3  }
0x671: {  	[tilespmem:v16+s26+$0x0] =	vst.idx.add.f32.msk vm8, v3  }
0x672: {  	[tilespmem:v14+s26+$0x0] =	vst.idx.add.f32.msk vm14, v3;
	vm14 =	vnez.u8 v5;
	_ =	sdelay $0x5  }
0x673: {  	v4 =	vand.u32 $0xFFFFFC00, v9;
	[tilespmem:v17+s26+$0x0] =	vst.idx.add.f32.msk vm14, v3  }
0x674: {  	v4 =	vor.u32 v15, v4;
	v5 =	vadd.s32 v2, v19;
	[tilespmem:v11+s26+$0x0] =	vst.idx.add.f32.msk vm9, v3  }
0x675: {  	v4 =	vadd.s32 v2, v4;
	[tilespmem:v12+s26+$0x0] =	vst.idx.add.f32.msk vm11, v3  }
0x676: {  	v63 =	vadd.s32 v2, v18;
	s21 =	sadd.s32 $0x1, s21;
	[tilespmem:v8+s26+$0x0] =	vst.idx.add.f32.msk vm13, v3  }
0x677: {  	p0 =	sne.s32 s21, $0x4;
	[tilespmem:v7+s26+$0x0] =	vst.idx.add.f32.msk vm12, v3  }
.Ltmp9:
0x678: {  	[tilespmem:v10+s26+$0x0] =	vst.idx.add.f32.msk vm15, v3;
	(pc) =	sbr.rel @p0 .LBB2_4-.Ltmp9, $4  }
0x679: {  	[tilespmem:v5+s26+$0x0] =	vst.idx.add.f32.msk vm5, v3  }
0x67a: {  	[tilespmem:v4+s26+$0x0] =	vst.idx.add.f32.msk vm0, v3  }
0x67b: {  	s0 =	sadd.s32 $0x3800, s28;
	[tilespmem:v63+s26+$0x0] =	vst.idx.add.f32.msk vm4, v3  }
0x67c: {  	[hbm4b:s0+s3] =	stream.linear.scatter [tilespmem:s26], [sflag:$0xA], $0x4000, $0x38;
	[tilespmem:$0x10400] =	vst v63  }
0x67d: {  	_ =	swait.ge [sflag:s7], $0x4000  }
0x67e: {  	[sflag:s7] =	ssyncset.done $0x0  }
0x67f: {  	[sflag:s7] =	ssyncadd.s32 $0xFFFFC000  }
0x680: {  	_ =	swait.ge [sflag:s11], $0x4000  }
0x681: {  	[sflag:s11] =	ssyncset.done $0x0  }
0x682: {  	[sflag:s11] =	ssyncadd.s32 $0xFFFFC000  }
0x683: {  	_ =	swait.ge [sflag:s22], $0x1000  }
0x684: {  	[sflag:s22] =	ssyncset.done $0x0  }
0x685: {  	[sflag:s22] =	ssyncadd.s32 $0xFFFFF000  }
0x686: {  	_ =	swait.ge [sflag:s22], $0x10  }
0x687: {  	[sflag:s22] =	ssyncset.done $0x0  }
0x688: {  	[sflag:s22] =	ssyncadd.s32 $0xFFFFFFF0  }
0x689: {  	_ =	swait.ge [sflag:s24], $0x1000  }
0x68a: {  	[sflag:s24] =	ssyncset.done $0x0  }
0x68b: {  	[sflag:s24] =	ssyncadd.s32 $0xFFFFF000  }
0x68c: {  	_ =	swait.ge [sflag:s24], $0x10  }
0x68d: {  	[sflag:s24] =	ssyncset.done $0x0  }
0x68e: {  	[sflag:s24] =	ssyncadd.s32 $0xFFFFFFF0  }
0x68f: {  	_ =	swait.ge [sflag:s9], $0x1000  }
0x690: {  	[sflag:s9] =	ssyncset.done $0x0  }
0x691: {  	[sflag:s9] =	ssyncadd.s32 $0xFFFFF000  }
0x692: {  	_ =	swait.ge [sflag:s9], $0x10  }
0x693: {  	[sflag:s9] =	ssyncset.done $0x0  }
0x694: {  	[sflag:s9] =	ssyncadd.s32 $0xFFFFFFF0  }
0x695: {  	_ =	swait.ge [sflag:s13], $0x1000  }
0x696: {  	[sflag:s13] =	ssyncset.done $0x0  }
0x697: {  	[sflag:s13] =	ssyncadd.s32 $0xFFFFF000  }
0x698: {  	_ =	swait.ge [sflag:s13], $0x10  }
0x699: {  	[sflag:s13] =	ssyncset.done $0x0  }
0x69a: {  	[sflag:s13] =	ssyncadd.s32 $0xFFFFFFF0  }
0x69b: {  	_ =	swait.ge [sflag:s15], $0x1000  }
0x69c: {  	[sflag:s15] =	ssyncset.done $0x0  }
0x69d: {  	[sflag:s15] =	ssyncadd.s32 $0xFFFFF000  }
0x69e: {  	_ =	swait.ge [sflag:s15], $0x10  }
0x69f: {  	[sflag:s15] =	ssyncset.done $0x0  }
0x6a0: {  	[sflag:s15] =	ssyncadd.s32 $0xFFFFFFF0  }
0x6a1: {  	_ =	swait.ge [sflag:s18], $0x1000  }
0x6a2: {  	[sflag:s18] =	ssyncset.done $0x0  }
0x6a3: {  	[sflag:s18] =	ssyncadd.s32 $0xFFFFF000  }
0x6a4: {  	_ =	swait.ge [sflag:s18], $0x10  }
0x6a5: {  	s2 =	rddreg [dreg:$0x1f]  }
0x6a6: {  	s0 =	rddreg [dreg:$0x18];
	s2 =	sadd.s32 $0x1, s2  }
0x6a7: {  	p0 =	sne.s32 s2, s0  }
.Ltmp10:
0x6a8: {  	_ = 	snop;
	(pc) =	sbr.rel @p0 .LBB2_1-.Ltmp10, $3  }
0x6a9: {  	_ =	sdelay $0x1  }
0x6aa: {  	[sflag:s18] =	ssyncset.done $0x0  }
0x6ab: {  	[sflag:s18] =	ssyncadd.s32 $0xFFFFFFF0  }
0x6ac: {  	_ =	sfence.sel $0x180000  }
0x6ad: {  	[bflag:$0x0] =	sbarrier.arrive $0xFFFF  }
0x6ae: {  	_ =	strace $0x90000047  }
0x6af: {  	s0 =	stileid.u32;
	[bflag:$0x2] =	sbarrier.arrive $0xFFFF  }
0x6b0: {  	p0 =	sne.s32 s0, $0x0;
	s0 =	rddreg [dreg:$0x2]  }
0x6b1: {  	s0 =	sadd.s32 @!p0 $0x100000, s0  }
0x6b2: {  	[sflag:s0] =	ssyncadd.tile.s32 @!p0 $0x1;
	_ =	shalt  }
.Lfunc_end2:
_tile_overlayer_lowered:
.L_overlay_start_2:
0x6b3: {  	(tag) =	ssettag $0x2  }
0x6b4: {  	s0 =	rddreg [dreg:$0x0];
	s2 =	stileid.u32  }
0x6b5: {  	s1 =	rddreg [dreg:$0x1];
	p0 =	sne.s32 s2, $0x0  }
0x6b6: {  	s3 =	rddreg [dreg:$0x2];
	[bflag:$0x3] =	sbarrier.arrive $0xFFFF;
	s2 =	simm.s32 @!p0 $0x1C0B  }
0x6b7: {  	[timem:s3], [sflag:s2] =	dma.local @!p0 [hbm:s0], s1  }
0x6b8: {  	s0 =	simm.s32 @!p0 $0xB  }
0x6b9: {  	_ =	swait.ge @!p0 [sflag:s0], s1  }
0x6ba: {  	s1 =	ssub.s32 @!p0 $0x0, s1;
	[sflag:s0] =	ssyncset.done @!p0 $0x0  }
0x6bb: {  	[sflag:s0] =	ssyncadd.s32 @!p0 s1  }
0x6bc: {  	[bflag:$0x3] =	sbarrier.arrive $0xFFFF  }
0x6bd: {  	_ =	shalt  }

</sc_bundles>
